<compile_context>
chip_gen: v7x
topology: tpu7x:2x2x1
jax: 0.10.2.dev20260603
libtpu: 0.0.44.dev20260713+nightly
codegen_flags: <defaults>
</compile_context>

<pallas_src>
import functools

import jax
import jax.numpy as jnp
from jax import lax
from jax.experimental import pallas as pl
from jax.experimental.pallas import tpu as pltpu
from jax.experimental.pallas import tpu_sc as plsc

B = 16384
C = 1000
FILL = 1.0 / (C - 1)

NC = 2
NS = 16
NW = NC * NS
CPW = B // NW
CB = 128
NJ = CPW // CB
HA = 496
HB = C - HA
L = 16


@functools.partial(
    pl.kernel,
    mesh=plsc.VectorSubcoreMesh(core_axis_name="c", subcore_axis_name="s"),
    out_type=jax.ShapeDtypeStruct((C, B), jnp.float32),
    scratch_types=[
        pltpu.VMEM((HA, CB), jnp.float32),
        pltpu.VMEM((HB, CB), jnp.float32),
        pltpu.VMEM((CPW,), jnp.int32),
        pltpu.SemaphoreType.DMA,
        pltpu.SemaphoreType.DMA,
    ],
)
def _virtual_teacher(y_hbm, out_hbm, buf_a, buf_b, yv, sem_a, sem_b):
    wid = lax.axis_index("s") * NC + lax.axis_index("c")
    base = wid * CPW

    y_copy = pltpu.async_copy(y_hbm.at[pl.ds(base, CPW)], yv, sem_b)

    fill_vec = jnp.full((L,), FILL, dtype=jnp.float32)
    iota = lax.iota(jnp.int32, L)

    def fill_a(r, carry):
        for k in range(CB // L):
            buf_a[r, pl.ds(k * L, L)] = fill_vec
        return carry

    def fill_b(r, carry):
        for k in range(CB // L):
            buf_b[r, pl.ds(k * L, L)] = fill_vec
        return carry

    def scan_range(buf, b0, r0, rlen, j, value):
        nrows = buf.shape[0]

        def group(g, carry):
            ys = yv[pl.ds(j * CB + g * L, L)]
            cstart = pl.multiple_of(g * L, L)
            rows_v = jnp.clip(ys - b0, 0, nrows - 1)
            hits_v = (ys - r0).astype(jnp.uint32) < rlen
            lanes_v = jnp.where(hits_v, iota, -1)
            for jj in range(L):
                old = buf[rows_v[jj], pl.ds(cstart, L)]
                buf[rows_v[jj], pl.ds(cstart, L)] = jnp.where(
                    iota == lanes_v[jj], value, old
                )
            return carry

        lax.fori_loop(0, CB // L, group, 0)

    def scan_pass(buf, h0, hrows, j, value):
        scan_range(buf, h0, h0, hrows, j, value)

    def fire(buf, h0, j, sem):
        return pltpu.async_copy(
            buf,
            out_hbm.at[pl.ds(h0, buf.shape[0]), pl.ds(base + j * CB, CB)],
            sem,
        )

    def drain(buf, h0, sem):
        pltpu.make_async_copy(
            buf, out_hbm.at[pl.ds(h0, buf.shape[0]), pl.ds(base, CB)], sem
        ).wait()

    lax.fori_loop(0, HA, fill_a, 0)
    y_copy.wait()
    scan_pass(buf_a, 0, HA, 0, 0.0)
    fire(buf_a, 0, 0, sem_a)
    lax.fori_loop(0, HB, fill_b, 0)
    scan_pass(buf_b, HA, HB, 0, 0.0)
    fire(buf_b, HA, 0, sem_b)

    def chunk_body(j, carry):
        drain(buf_a, 0, sem_a)
        scan_pass(buf_a, 0, HA, j - 1, FILL)
        scan_pass(buf_a, 0, HA, j, 0.0)
        fire(buf_a, 0, j, sem_a)
        drain(buf_b, HA, sem_b)
        scan_pass(buf_b, HA, HB, j - 1, FILL)
        scan_pass(buf_b, HA, HB, j, 0.0)
        fire(buf_b, HA, j, sem_b)
        return carry

    lax.fori_loop(1, NJ, chunk_body, 0)

    drain(buf_a, 0, sem_a)
    drain(buf_b, HA, sem_b)


def kernel(x, y):
    del x
    return _virtual_teacher(y.astype(jnp.int32)).T

# --- scband reference (transcript-rebuilt; emitter-appended) ---
"""Pipeline reference for scband-virtual-teacher-15444702396542 (READ-ONLY COPY).

The authoritative reference and input builder live on the scoring server;
editing this copy changes nothing except your own understanding.
"""

import jax, jax.numpy as jnp
import numpy as np

NUM_CLASSES = 1000

def setup_inputs(seed: int = 0) -> dict:
    key = jax.random.key(seed)
    kx, ky = jax.random.split(key)
    x = jax.random.normal(kx, (16384, 128), dtype=jnp.float32)
    y = jax.random.randint(ky, (16384,), 0, NUM_CLASSES).astype(jnp.int64)
    return {"x": x, "y": y}

def reference(x, y):
    # config == 'not-true-forgetting'
    B = x.shape[0]
    output = jnp.full((B, NUM_CLASSES), 1.0 / (NUM_CLASSES - 1), dtype=jnp.float32)
    # tf.tensor_scatter_nd_update with indices (range(B), y), updates zeros -> scatter-overwrite
    output = output.at[jnp.arange(B), y].set(jnp.zeros((B,), dtype=jnp.float32))
    return output

if __name__ == "__main__":
    import jax
    _d = setup_inputs()
    print(jax.jit(kernel)(*tuple(_d.values())))

</pallas_src>

<mosaic_0001>
#map = affine_map<(d0, d1) -> (0)>
#map1 = affine_map<(d0, d1) -> (0, 0)>
module attributes {stable_mosaic.version = 14 : i64} {
  func.func @_virtual_teacher(%arg0: i32, %arg1: i32, %arg2: memref<16384xi32, #tpu.memory_space<hbm>>, %arg3: memref<1000x16384xf32, #tpu.memory_space<hbm>>, %arg4: memref<496x128xf32, #tpu.memory_space<vmem>>, %arg5: memref<504x128xf32, #tpu.memory_space<vmem>>, %arg6: memref<512xi32, #tpu.memory_space<vmem>>, %arg7: memref<!tpu.dma_semaphore, #tpu.memory_space<semaphore_mem>>, %arg8: memref<!tpu.dma_semaphore, #tpu.memory_space<semaphore_mem>>) attributes {dimension_semantics = [#tpu.dimension_semantics<core_parallel>, #tpu.dimension_semantics<subcore_parallel>], iteration_bounds = array<i64: 2, 16>, scalar_prefetch = 0 : i64, scratch_operands = 5 : i64, tpu.core_type = #tpu.core_type<sc_vector_subcore>, window_params = [{transform_indices = #map}, {transform_indices = #map1}]} {
    %mul3A = arith.constant 2 : i32
    %mul3A_0 = arith.muli %arg1, %mul3A : i32
    %add3A = arith.addi %mul3A_0, %arg0 : i32
    %mul3A_1 = arith.constant 512 : i32
    %mul3A_2 = arith.muli %add3A, %mul3A_1 : i32
    %dma_start3A = tpu.memref_slice %arg2[%mul3A_2] : memref<16384xi32, #tpu.memory_space<hbm>> -> memref<512xi32, #tpu.memory_space<hbm>>
    %dma_start3A_3 = tpu.memref_slice %arg2[%mul3A_2] : memref<16384xi32, #tpu.memory_space<hbm>> -> memref<512xi32, #tpu.memory_space<hbm>>
    tpu.enqueue_dma source(%dma_start3A_3 : memref<512xi32, #tpu.memory_space<hbm>>) target(%arg6 : memref<512xi32, #tpu.memory_space<vmem>>) target_semaphore(%arg8 : memref<!tpu.dma_semaphore, #tpu.memory_space<semaphore_mem>>)
    %broadcast_in_dim3A = arith.constant 0.00100100099 : f32
    %broadcast_in_dim3A_4 = vector.broadcast %broadcast_in_dim3A : f32 to vector<16xf32>
    %iota3A = tpu.iota {dimensions = array<i32: 0>} : vector<16xi32>
    %scan3A = arith.constant 0 : i32
    %scan3A_5 = arith.constant 0 : i32
    %scan3A_6 = arith.constant 496 : i32
    %scan3A_7 = arith.addi %scan3A_5, %scan3A_6 : i32
    %scan3A_8 = arith.constant 1 : i32
    scf.for %scan3A_55 = %scan3A_5 to %scan3A_7 step %scan3A_8  : i32 {
      %swap3A = arith.index_cast %scan3A_55 : i32 to index
      %swap3A_56 = arith.constant 0 : index
      %swap3A_57 = tpu.vector_load %arg4[%swap3A, %swap3A_56] {strides = array<i32>} : memref<496x128xf32, #tpu.memory_space<vmem>>, vector<1x16xf32>,
      %swap3A_58 = vector.shape_cast %swap3A_57 : vector<1x16xf32> to vector<16xf32>
      %swap3A_59 = vector.shape_cast %broadcast_in_dim3A_4 : vector<16xf32> to vector<1x16xf32>
      tpu.vector_store %arg4[%swap3A, %swap3A_56], %swap3A_59 {strides = array<i32>} : memref<496x128xf32, #tpu.memory_space<vmem>>, vector<1x16xf32>,
      %swap3A_60 = arith.index_cast %scan3A_55 : i32 to index
      %swap3A_61 = arith.constant 16 : index
      %swap3A_62 = tpu.vector_load %arg4[%swap3A_60, %swap3A_61] {strides = array<i32>} : memref<496x128xf32, #tpu.memory_space<vmem>>, vector<1x16xf32>,
      %swap3A_63 = vector.shape_cast %swap3A_62 : vector<1x16xf32> to vector<16xf32>
      %swap3A_64 = vector.shape_cast %broadcast_in_dim3A_4 : vector<16xf32> to vector<1x16xf32>
      tpu.vector_store %arg4[%swap3A_60, %swap3A_61], %swap3A_64 {strides = array<i32>} : memref<496x128xf32, #tpu.memory_space<vmem>>, vector<1x16xf32>,
      %swap3A_65 = arith.index_cast %scan3A_55 : i32 to index
      %swap3A_66 = arith.constant 32 : index
      %swap3A_67 = tpu.vector_load %arg4[%swap3A_65, %swap3A_66] {strides = array<i32>} : memref<496x128xf32, #tpu.memory_space<vmem>>, vector<1x16xf32>,
      %swap3A_68 = vector.shape_cast %swap3A_67 : vector<1x16xf32> to vector<16xf32>
      %swap3A_69 = vector.shape_cast %broadcast_in_dim3A_4 : vector<16xf32> to vector<1x16xf32>
      tpu.vector_store %arg4[%swap3A_65, %swap3A_66], %swap3A_69 {strides = array<i32>} : memref<496x128xf32, #tpu.memory_space<vmem>>, vector<1x16xf32>,
      %swap3A_70 = arith.index_cast %scan3A_55 : i32 to index
      %swap3A_71 = arith.constant 48 : index
      %swap3A_72 = tpu.vector_load %arg4[%swap3A_70, %swap3A_71] {strides = array<i32>} : memref<496x128xf32, #tpu.memory_space<vmem>>, vector<1x16xf32>,
      %swap3A_73 = vector.shape_cast %swap3A_72 : vector<1x16xf32> to vector<16xf32>
      %swap3A_74 = vector.shape_cast %broadcast_in_dim3A_4 : vector<16xf32> to vector<1x16xf32>
      tpu.vector_store %arg4[%swap3A_70, %swap3A_71], %swap3A_74 {strides = array<i32>} : memref<496x128xf32, #tpu.memory_space<vmem>>, vector<1x16xf32>,
      %swap3A_75 = arith.index_cast %scan3A_55 : i32 to index
      %swap3A_76 = arith.constant 64 : index
      %swap3A_77 = tpu.vector_load %arg4[%swap3A_75, %swap3A_76] {strides = array<i32>} : memref<496x128xf32, #tpu.memory_space<vmem>>, vector<1x16xf32>,
      %swap3A_78 = vector.shape_cast %swap3A_77 : vector<1x16xf32> to vector<16xf32>
      %swap3A_79 = vector.shape_cast %broadcast_in_dim3A_4 : vector<16xf32> to vector<1x16xf32>
      tpu.vector_store %arg4[%swap3A_75, %swap3A_76], %swap3A_79 {strides = array<i32>} : memref<496x128xf32, #tpu.memory_space<vmem>>, vector<1x16xf32>,
      %swap3A_80 = arith.index_cast %scan3A_55 : i32 to index
      %swap3A_81 = arith.constant 80 : index
      %swap3A_82 = tpu.vector_load %arg4[%swap3A_80, %swap3A_81] {strides = array<i32>} : memref<496x128xf32, #tpu.memory_space<vmem>>, vector<1x16xf32>,
      %swap3A_83 = vector.shape_cast %swap3A_82 : vector<1x16xf32> to vector<16xf32>
      %swap3A_84 = vector.shape_cast %broadcast_in_dim3A_4 : vector<16xf32> to vector<1x16xf32>
      tpu.vector_store %arg4[%swap3A_80, %swap3A_81], %swap3A_84 {strides = array<i32>} : memref<496x128xf32, #tpu.memory_space<vmem>>, vector<1x16xf32>,
      %swap3A_85 = arith.index_cast %scan3A_55 : i32 to index
      %swap3A_86 = arith.constant 96 : index
      %swap3A_87 = tpu.vector_load %arg4[%swap3A_85, %swap3A_86] {strides = array<i32>} : memref<496x128xf32, #tpu.memory_space<vmem>>, vector<1x16xf32>,
      %swap3A_88 = vector.shape_cast %swap3A_87 : vector<1x16xf32> to vector<16xf32>
      %swap3A_89 = vector.shape_cast %broadcast_in_dim3A_4 : vector<16xf32> to vector<1x16xf32>
      tpu.vector_store %arg4[%swap3A_85, %swap3A_86], %swap3A_89 {strides = array<i32>} : memref<496x128xf32, #tpu.memory_space<vmem>>, vector<1x16xf32>,
      %swap3A_90 = arith.index_cast %scan3A_55 : i32 to index
      %swap3A_91 = arith.constant 112 : index
      %swap3A_92 = tpu.vector_load %arg4[%swap3A_90, %swap3A_91] {strides = array<i32>} : memref<496x128xf32, #tpu.memory_space<vmem>>, vector<1x16xf32>,
      %swap3A_93 = vector.shape_cast %swap3A_92 : vector<1x16xf32> to vector<16xf32>
      %swap3A_94 = vector.shape_cast %broadcast_in_dim3A_4 : vector<16xf32> to vector<1x16xf32>
      tpu.vector_store %arg4[%swap3A_90, %swap3A_91], %swap3A_94 {strides = array<i32>} : memref<496x128xf32, #tpu.memory_space<vmem>>, vector<1x16xf32>,
    }
    %scan3A_9 = arith.constant 496 : i32
    %dma_wait3A = tpu.memref_slice %arg2[%mul3A_2] : memref<16384xi32, #tpu.memory_space<hbm>> -> memref<512xi32, #tpu.memory_space<hbm>>
    %dma_wait3A_10 = tpu.memref_slice %arg2[%mul3A_2] : memref<16384xi32, #tpu.memory_space<hbm>> -> memref<512xi32, #tpu.memory_space<hbm>>
    tpu.wait_dma2 semaphore(%arg8 : memref<!tpu.dma_semaphore, #tpu.memory_space<semaphore_mem>>) src(%dma_wait3A_10 : memref<512xi32, #tpu.memory_space<hbm>>) dst(%arg6 : memref<512xi32, #tpu.memory_space<vmem>>)
    %scan3A_11 = arith.constant 0 : i32
    %scan3A_12 = arith.constant 0 : i32
    %scan3A_13 = arith.constant 8 : i32
    %scan3A_14 = arith.addi %scan3A_12, %scan3A_13 : i32
    %scan3A_15 = arith.constant 1 : i32
    scf.for %scan3A_55 = %scan3A_12 to %scan3A_14 step %scan3A_15  : i32 {
      %mul3A_56 = arith.constant 16 : i32
      %mul3A_57 = arith.muli %scan3A_55, %mul3A_56 : i32
      %add3A_58 = arith.constant 0 : i32
      %add3A_59 = arith.addi %add3A_58, %mul3A_57 : i32
      %get3A = arith.index_cast %add3A_59 : i32 to index
      %get3A_60 = tpu.vector_load %arg6[%get3A] {strides = array<i32>} : memref<512xi32, #tpu.memory_space<vmem>>, vector<16xi32>,
      %get3A_61 = vector.shape_cast %get3A_60 : vector<16xi32> to vector<16xi32>
      %mul3A_62 = arith.constant 16 : i32
      %mul3A_63 = arith.muli %scan3A_55, %mul3A_62 : i32
      %multiple_of3A = tpu.assume_multiple %mul3A_63, 16 : i32
      %sub3A = arith.constant 0 : i32
      %sub3A_64 = vector.broadcast %sub3A : i32 to vector<16xi32>
      %sub3A_65 = arith.subi %get3A_61, %sub3A_64 : vector<16xi32>
      %jit3A = arith.constant 0 : i32
      %jit3A_66 = arith.constant 495 : i32
      %max3A = vector.broadcast %jit3A : i32 to vector<16xi32>
      %max3A_67 = arith.maxsi %max3A, %sub3A_65 : vector<16xi32>
      %min3A = vector.broadcast %jit3A_66 : i32 to vector<16xi32>
      %min3A_68 = arith.minsi %min3A, %max3A_67 : vector<16xi32>
      %sub3A_69 = arith.constant 0 : i32
      %sub3A_70 = vector.broadcast %sub3A_69 : i32 to vector<16xi32>
      %sub3A_71 = arith.subi %get3A_61, %sub3A_70 : vector<16xi32>
      %lt3A = arith.constant 496 : i32
      %lt3A_72 = vector.broadcast %lt3A : i32 to vector<16xi32>
      %lt3A_73 = arith.cmpi ult, %sub3A_71, %lt3A_72 : vector<16xi32>
      %jit3A_74 = arith.constant -1 : i32
      %broadcast_in_dim3A_75 = vector.broadcast %jit3A_74 : i32 to vector<16xi32>
      %select_n3A = arith.select %lt3A_73, %iota3A, %broadcast_in_dim3A_75 : vector<16xi1>, vector<16xi32>
      %slice3A = vector.extract_strided_slice %min3A_68 {offsets = [0], sizes = [1], strides = [1]} : vector<16xi32> to vector<1xi32>
      %squeeze3A = vector.extract %slice3A[0] : i32 from vector<1xi32>
      %get3A_76 = arith.index_cast %squeeze3A : i32 to index
      %get3A_77 = arith.index_cast %multiple_of3A : i32 to index
      %get3A_78 = tpu.vector_load %arg4[%get3A_76, %get3A_77] {strides = array<i32>} : memref<496x128xf32, #tpu.memory_space<vmem>>, vector<1x16xf32>,
      %get3A_79 = vector.shape_cast %get3A_78 : vector<1x16xf32> to vector<16xf32>
      %slice3A_80 = vector.extract_strided_slice %select_n3A {offsets = [0], sizes = [1], strides = [1]} : vector<16xi32> to vector<1xi32>
      %squeeze3A_81 = vector.extract %slice3A_80[0] : i32 from vector<1xi32>
      %eq3A = vector.broadcast %squeeze3A_81 : i32 to vector<16xi32>
      %eq3A_82 = arith.cmpi eq, %iota3A, %eq3A : vector<16xi32>
      %jit3A_83 = arith.constant 0.000000e+00 : f32
      %broadcast_in_dim3A_84 = vector.broadcast %jit3A_83 : f32 to vector<16xf32>
      %select_n3A_85 = arith.select %eq3A_82, %broadcast_in_dim3A_84, %get3A_79 : vector<16xi1>, vector<16xf32>
      %slice3A_86 = vector.extract_strided_slice %min3A_68 {offsets = [0], sizes = [1], strides = [1]} : vector<16xi32> to vector<1xi32>
      %squeeze3A_87 = vector.extract %slice3A_86[0] : i32 from vector<1xi32>
      %swap3A = arith.index_cast %squeeze3A_87 : i32 to index
      %swap3A_88 = arith.index_cast %multiple_of3A : i32 to index
      %swap3A_89 = tpu.vector_load %arg4[%swap3A, %swap3A_88] {strides = array<i32>} : memref<496x128xf32, #tpu.memory_space<vmem>>, vector<1x16xf32>,
      %swap3A_90 = vector.shape_cast %swap3A_89 : vector<1x16xf32> to vector<16xf32>
      %swap3A_91 = vector.shape_cast %select_n3A_85 : vector<16xf32> to vector<1x16xf32>
      tpu.vector_store %arg4[%swap3A, %swap3A_88], %swap3A_91 {strides = array<i32>} : memref<496x128xf32, #tpu.memory_space<vmem>>, vector<1x16xf32>,
      %slice3A_92 = vector.extract_strided_slice %min3A_68 {offsets = [1], sizes = [1], strides = [1]} : vector<16xi32> to vector<1xi32>
      %squeeze3A_93 = vector.extract %slice3A_92[0] : i32 from vector<1xi32>
      %get3A_94 = arith.index_cast %squeeze3A_93 : i32 to index
      %get3A_95 = arith.index_cast %multiple_of3A : i32 to index
      %get3A_96 = tpu.vector_load %arg4[%get3A_94, %get3A_95] {strides = array<i32>} : memref<496x128xf32, #tpu.memory_space<vmem>>, vector<1x16xf32>,
      %get3A_97 = vector.shape_cast %get3A_96 : vector<1x16xf32> to vector<16xf32>
      %slice3A_98 = vector.extract_strided_slice %select_n3A {offsets = [1], sizes = [1], strides = [1]} : vector<16xi32> to vector<1xi32>
      %squeeze3A_99 = vector.extract %slice3A_98[0] : i32 from vector<1xi32>
      %eq3A_100 = vector.broadcast %squeeze3A_99 : i32 to vector<16xi32>
      %eq3A_101 = arith.cmpi eq, %iota3A, %eq3A_100 : vector<16xi32>
      %jit3A_102 = arith.constant 0.000000e+00 : f32
      %broadcast_in_dim3A_103 = vector.broadcast %jit3A_102 : f32 to vector<16xf32>
      %select_n3A_104 = arith.select %eq3A_101, %broadcast_in_dim3A_103, %get3A_97 : vector<16xi1>, vector<16xf32>
      %slice3A_105 = vector.extract_strided_slice %min3A_68 {offsets = [1], sizes = [1], strides = [1]} : vector<16xi32> to vector<1xi32>
      %squeeze3A_106 = vector.extract %slice3A_105[0] : i32 from vector<1xi32>
      %swap3A_107 = arith.index_cast %squeeze3A_106 : i32 to index
      %swap3A_108 = arith.index_cast %multiple_of3A : i32 to index
      %swap3A_109 = tpu.vector_load %arg4[%swap3A_107, %swap3A_108] {strides = array<i32>} : memref<496x128xf32, #tpu.memory_space<vmem>>, vector<1x16xf32>,
      %swap3A_110 = vector.shape_cast %swap3A_109 : vector<1x16xf32> to vector<16xf32>
      %swap3A_111 = vector.shape_cast %select_n3A_104 : vector<16xf32> to vector<1x16xf32>
      tpu.vector_store %arg4[%swap3A_107, %swap3A_108], %swap3A_111 {strides = array<i32>} : memref<496x128xf32, #tpu.memory_space<vmem>>, vector<1x16xf32>,
      %slice3A_112 = vector.extract_strided_slice %min3A_68 {offsets = [2], sizes = [1], strides = [1]} : vector<16xi32> to vector<1xi32>
      %squeeze3A_113 = vector.extract %slice3A_112[0] : i32 from vector<1xi32>
      %get3A_114 = arith.index_cast %squeeze3A_113 : i32 to index
      %get3A_115 = arith.index_cast %multiple_of3A : i32 to index
      %get3A_116 = tpu.vector_load %arg4[%get3A_114, %get3A_115] {strides = array<i32>} : memref<496x128xf32, #tpu.memory_space<vmem>>, vector<1x16xf32>,
      %get3A_117 = vector.shape_cast %get3A_116 : vector<1x16xf32> to vector<16xf32>
      %slice3A_118 = vector.extract_strided_slice %select_n3A {offsets = [2], sizes = [1], strides = [1]} : vector<16xi32> to vector<1xi32>
      %squeeze3A_119 = vector.extract %slice3A_118[0] : i32 from vector<1xi32>
      %eq3A_120 = vector.broadcast %squeeze3A_119 : i32 to vector<16xi32>
      %eq3A_121 = arith.cmpi eq, %iota3A, %eq3A_120 : vector<16xi32>
      %jit3A_122 = arith.constant 0.000000e+00 : f32
      %broadcast_in_dim3A_123 = vector.broadcast %jit3A_122 : f32 to vector<16xf32>
      %select_n3A_124 = arith.select %eq3A_121, %broadcast_in_dim3A_123, %get3A_117 : vector<16xi1>, vector<16xf32>
      %slice3A_125 = vector.extract_strided_slice %min3A_68 {offsets = [2], sizes = [1], strides = [1]} : vector<16xi32> to vector<1xi32>
      %squeeze3A_126 = vector.extract %slice3A_125[0] : i32 from vector<1xi32>
      %swap3A_127 = arith.index_cast %squeeze3A_126 : i32 to index
      %swap3A_128 = arith.index_cast %multiple_of3A : i32 to index
      %swap3A_129 = tpu.vector_load %arg4[%swap3A_127, %swap3A_128] {strides = array<i32>} : memref<496x128xf32, #tpu.memory_space<vmem>>, vector<1x16xf32>,
      %swap3A_130 = vector.shape_cast %swap3A_129 : vector<1x16xf32> to vector<16xf32>
      %swap3A_131 = vector.shape_cast %select_n3A_124 : vector<16xf32> to vector<1x16xf32>
      tpu.vector_store %arg4[%swap3A_127, %swap3A_128], %swap3A_131 {strides = array<i32>} : memref<496x128xf32, #tpu.memory_space<vmem>>, vector<1x16xf32>,
      %slice3A_132 = vector.extract_strided_slice %min3A_68 {offsets = [3], sizes = [1], strides = [1]} : vector<16xi32> to vector<1xi32>
      %squeeze3A_133 = vector.extract %slice3A_132[0] : i32 from vector<1xi32>
      %get3A_134 = arith.index_cast %squeeze3A_133 : i32 to index
      %get3A_135 = arith.index_cast %multiple_of3A : i32 to index
      %get3A_136 = tpu.vector_load %arg4[%get3A_134, %get3A_135] {strides = array<i32>} : memref<496x128xf32, #tpu.memory_space<vmem>>, vector<1x16xf32>,
      %get3A_137 = vector.shape_cast %get3A_136 : vector<1x16xf32> to vector<16xf32>
      %slice3A_138 = vector.extract_strided_slice %select_n3A {offsets = [3], sizes = [1], strides = [1]} : vector<16xi32> to vector<1xi32>
      %squeeze3A_139 = vector.extract %slice3A_138[0] : i32 from vector<1xi32>
      %eq3A_140 = vector.broadcast %squeeze3A_139 : i32 to vector<16xi32>
      %eq3A_141 = arith.cmpi eq, %iota3A, %eq3A_140 : vector<16xi32>
      %jit3A_142 = arith.constant 0.000000e+00 : f32
      %broadcast_in_dim3A_143 = vector.broadcast %jit3A_142 : f32 to vector<16xf32>
      %select_n3A_144 = arith.select %eq3A_141, %broadcast_in_dim3A_143, %get3A_137 : vector<16xi1>, vector<16xf32>
      %slice3A_145 = vector.extract_strided_slice %min3A_68 {offsets = [3], sizes = [1], strides = [1]} : vector<16xi32> to vector<1xi32>
      %squeeze3A_146 = vector.extract %slice3A_145[0] : i32 from vector<1xi32>
      %swap3A_147 = arith.index_cast %squeeze3A_146 : i32 to index
      %swap3A_148 = arith.index_cast %multiple_of3A : i32 to index
      %swap3A_149 = tpu.vector_load %arg4[%swap3A_147, %swap3A_148] {strides = array<i32>} : memref<496x128xf32, #tpu.memory_space<vmem>>, vector<1x16xf32>,
      %swap3A_150 = vector.shape_cast %swap3A_149 : vector<1x16xf32> to vector<16xf32>
      %swap3A_151 = vector.shape_cast %select_n3A_144 : vector<16xf32> to vector<1x16xf32>
      tpu.vector_store %arg4[%swap3A_147, %swap3A_148], %swap3A_151 {strides = array<i32>} : memref<496x128xf32, #tpu.memory_space<vmem>>, vector<1x16xf32>,
      %slice3A_152 = vector.extract_strided_slice %min3A_68 {offsets = [4], sizes = [1], strides = [1]} : vector<16xi32> to vector<1xi32>
      %squeeze3A_153 = vector.extract %slice3A_152[0] : i32 from vector<1xi32>
      %get3A_154 = arith.index_cast %squeeze3A_153 : i32 to index
      %get3A_155 = arith.index_cast %multiple_of3A : i32 to index
      %get3A_156 = tpu.vector_load %arg4[%get3A_154, %get3A_155] {strides = array<i32>} : memref<496x128xf32, #tpu.memory_space<vmem>>, vector<1x16xf32>,
      %get3A_157 = vector.shape_cast %get3A_156 : vector<1x16xf32> to vector<16xf32>
      %slice3A_158 = vector.extract_strided_slice %select_n3A {offsets = [4], sizes = [1], strides = [1]} : vector<16xi32> to vector<1xi32>
      %squeeze3A_159 = vector.extract %slice3A_158[0] : i32 from vector<1xi32>
      %eq3A_160 = vector.broadcast %squeeze3A_159 : i32 to vector<16xi32>
      %eq3A_161 = arith.cmpi eq, %iota3A, %eq3A_160 : vector<16xi32>
      %jit3A_162 = arith.constant 0.000000e+00 : f32
      %broadcast_in_dim3A_163 = vector.broadcast %jit3A_162 : f32 to vector<16xf32>
      %select_n3A_164 = arith.select %eq3A_161, %broadcast_in_dim3A_163, %get3A_157 : vector<16xi1>, vector<16xf32>
      %slice3A_165 = vector.extract_strided_slice %min3A_68 {offsets = [4], sizes = [1], strides = [1]} : vector<16xi32> to vector<1xi32>
      %squeeze3A_166 = vector.extract %slice3A_165[0] : i32 from vector<1xi32>
      %swap3A_167 = arith.index_cast %squeeze3A_166 : i32 to index
      %swap3A_168 = arith.index_cast %multiple_of3A : i32 to index
      %swap3A_169 = tpu.vector_load %arg4[%swap3A_167, %swap3A_168] {strides = array<i32>} : memref<496x128xf32, #tpu.memory_space<vmem>>, vector<1x16xf32>,
      %swap3A_170 = vector.shape_cast %swap3A_169 : vector<1x16xf32> to vector<16xf32>
      %swap3A_171 = vector.shape_cast %select_n3A_164 : vector<16xf32> to vector<1x16xf32>
      tpu.vector_store %arg4[%swap3A_167, %swap3A_168], %swap3A_171 {strides = array<i32>} : memref<496x128xf32, #tpu.memory_space<vmem>>, vector<1x16xf32>,
      %slice3A_172 = vector.extract_strided_slice %min3A_68 {offsets = [5], sizes = [1], strides = [1]} : vector<16xi32> to vector<1xi32>
      %squeeze3A_173 = vector.extract %slice3A_172[0] : i32 from vector<1xi32>
      %get3A_174 = arith.index_cast %squeeze3A_173 : i32 to index
      %get3A_175 = arith.index_cast %multiple_of3A : i32 to index
      %get3A_176 = tpu.vector_load %arg4[%get3A_174, %get3A_175] {strides = array<i32>} : memref<496x128xf32, #tpu.memory_space<vmem>>, vector<1x16xf32>,
      %get3A_177 = vector.shape_cast %get3A_176 : vector<1x16xf32> to vector<16xf32>
      %slice3A_178 = vector.extract_strided_slice %select_n3A {offsets = [5], sizes = [1], strides = [1]} : vector<16xi32> to vector<1xi32>
      %squeeze3A_179 = vector.extract %slice3A_178[0] : i32 from vector<1xi32>
      %eq3A_180 = vector.broadcast %squeeze3A_179 : i32 to vector<16xi32>
      %eq3A_181 = arith.cmpi eq, %iota3A, %eq3A_180 : vector<16xi32>
      %jit3A_182 = arith.constant 0.000000e+00 : f32
      %broadcast_in_dim3A_183 = vector.broadcast %jit3A_182 : f32 to vector<16xf32>
      %select_n3A_184 = arith.select %eq3A_181, %broadcast_in_dim3A_183, %get3A_177 : vector<16xi1>, vector<16xf32>
      %slice3A_185 = vector.extract_strided_slice %min3A_68 {offsets = [5], sizes = [1], strides = [1]} : vector<16xi32> to vector<1xi32>
      %squeeze3A_186 = vector.extract %slice3A_185[0] : i32 from vector<1xi32>
      %swap3A_187 = arith.index_cast %squeeze3A_186 : i32 to index
      %swap3A_188 = arith.index_cast %multiple_of3A : i32 to index
      %swap3A_189 = tpu.vector_load %arg4[%swap3A_187, %swap3A_188] {strides = array<i32>} : memref<496x128xf32, #tpu.memory_space<vmem>>, vector<1x16xf32>,
      %swap3A_190 = vector.shape_cast %swap3A_189 : vector<1x16xf32> to vector<16xf32>
      %swap3A_191 = vector.shape_cast %select_n3A_184 : vector<16xf32> to vector<1x16xf32>
      tpu.vector_store %arg4[%swap3A_187, %swap3A_188], %swap3A_191 {strides = array<i32>} : memref<496x128xf32, #tpu.memory_space<vmem>>, vector<1x16xf32>,
      %slice3A_192 = vector.extract_strided_slice %min3A_68 {offsets = [6], sizes = [1], strides = [1]} : vector<16xi32> to vector<1xi32>
      %squeeze3A_193 = vector.extract %slice3A_192[0] : i32 from vector<1xi32>
      %get3A_194 = arith.index_cast %squeeze3A_193 : i32 to index
      %get3A_195 = arith.index_cast %multiple_of3A : i32 to index
      %get3A_196 = tpu.vector_load %arg4[%get3A_194, %get3A_195] {strides = array<i32>} : memref<496x128xf32, #tpu.memory_space<vmem>>, vector<1x16xf32>,
      %get3A_197 = vector.shape_cast %get3A_196 : vector<1x16xf32> to vector<16xf32>
      %slice3A_198 = vector.extract_strided_slice %select_n3A {offsets = [6], sizes = [1], strides = [1]} : vector<16xi32> to vector<1xi32>
      %squeeze3A_199 = vector.extract %slice3A_198[0] : i32 from vector<1xi32>
      %eq3A_200 = vector.broadcast %squeeze3A_199 : i32 to vector<16xi32>
      %eq3A_201 = arith.cmpi eq, %iota3A, %eq3A_200 : vector<16xi32>
      %jit3A_202 = arith.constant 0.000000e+00 : f32
      %broadcast_in_dim3A_203 = vector.broadcast %jit3A_202 : f32 to vector<16xf32>
      %select_n3A_204 = arith.select %eq3A_201, %broadcast_in_dim3A_203, %get3A_197 : vector<16xi1>, vector<16xf32>
      %slice3A_205 = vector.extract_strided_slice %min3A_68 {offsets = [6], sizes = [1], strides = [1]} : vector<16xi32> to vector<1xi32>
      %squeeze3A_206 = vector.extract %slice3A_205[0] : i32 from vector<1xi32>
      %swap3A_207 = arith.index_cast %squeeze3A_206 : i32 to index
      %swap3A_208 = arith.index_cast %multiple_of3A : i32 to index
      %swap3A_209 = tpu.vector_load %arg4[%swap3A_207, %swap3A_208] {strides = array<i32>} : memref<496x128xf32, #tpu.memory_space<vmem>>, vector<1x16xf32>,
      %swap3A_210 = vector.shape_cast %swap3A_209 : vector<1x16xf32> to vector<16xf32>
      %swap3A_211 = vector.shape_cast %select_n3A_204 : vector<16xf32> to vector<1x16xf32>
      tpu.vector_store %arg4[%swap3A_207, %swap3A_208], %swap3A_211 {strides = array<i32>} : memref<496x128xf32, #tpu.memory_space<vmem>>, vector<1x16xf32>,
      %slice3A_212 = vector.extract_strided_slice %min3A_68 {offsets = [7], sizes = [1], strides = [1]} : vector<16xi32> to vector<1xi32>
      %squeeze3A_213 = vector.extract %slice3A_212[0] : i32 from vector<1xi32>
      %get3A_214 = arith.index_cast %squeeze3A_213 : i32 to index
      %get3A_215 = arith.index_cast %multiple_of3A : i32 to index
      %get3A_216 = tpu.vector_load %arg4[%get3A_214, %get3A_215] {strides = array<i32>} : memref<496x128xf32, #tpu.memory_space<vmem>>, vector<1x16xf32>,
      %get3A_217 = vector.shape_cast %get3A_216 : vector<1x16xf32> to vector<16xf32>
      %slice3A_218 = vector.extract_strided_slice %select_n3A {offsets = [7], sizes = [1], strides = [1]} : vector<16xi32> to vector<1xi32>
      %squeeze3A_219 = vector.extract %slice3A_218[0] : i32 from vector<1xi32>
      %eq3A_220 = vector.broadcast %squeeze3A_219 : i32 to vector<16xi32>
      %eq3A_221 = arith.cmpi eq, %iota3A, %eq3A_220 : vector<16xi32>
      %jit3A_222 = arith.constant 0.000000e+00 : f32
      %broadcast_in_dim3A_223 = vector.broadcast %jit3A_222 : f32 to vector<16xf32>
      %select_n3A_224 = arith.select %eq3A_221, %broadcast_in_dim3A_223, %get3A_217 : vector<16xi1>, vector<16xf32>
      %slice3A_225 = vector.extract_strided_slice %min3A_68 {offsets = [7], sizes = [1], strides = [1]} : vector<16xi32> to vector<1xi32>
      %squeeze3A_226 = vector.extract %slice3A_225[0] : i32 from vector<1xi32>
      %swap3A_227 = arith.index_cast %squeeze3A_226 : i32 to index
      %swap3A_228 = arith.index_cast %multiple_of3A : i32 to index
      %swap3A_229 = tpu.vector_load %arg4[%swap3A_227, %swap3A_228] {strides = array<i32>} : memref<496x128xf32, #tpu.memory_space<vmem>>, vector<1x16xf32>,
      %swap3A_230 = vector.shape_cast %swap3A_229 : vector<1x16xf32> to vector<16xf32>
      %swap3A_231 = vector.shape_cast %select_n3A_224 : vector<16xf32> to vector<1x16xf32>
      tpu.vector_store %arg4[%swap3A_227, %swap3A_228], %swap3A_231 {strides = array<i32>} : memref<496x128xf32, #tpu.memory_space<vmem>>, vector<1x16xf32>,
      %slice3A_232 = vector.extract_strided_slice %min3A_68 {offsets = [8], sizes = [1], strides = [1]} : vector<16xi32> to vector<1xi32>
      %squeeze3A_233 = vector.extract %slice3A_232[0] : i32 from vector<1xi32>
      %get3A_234 = arith.index_cast %squeeze3A_233 : i32 to index
      %get3A_235 = arith.index_cast %multiple_of3A : i32 to index
      %get3A_236 = tpu.vector_load %arg4[%get3A_234, %get3A_235] {strides = array<i32>} : memref<496x128xf32, #tpu.memory_space<vmem>>, vector<1x16xf32>,
      %get3A_237 = vector.shape_cast %get3A_236 : vector<1x16xf32> to vector<16xf32>
      %slice3A_238 = vector.extract_strided_slice %select_n3A {offsets = [8], sizes = [1], strides = [1]} : vector<16xi32> to vector<1xi32>
      %squeeze3A_239 = vector.extract %slice3A_238[0] : i32 from vector<1xi32>
      %eq3A_240 = vector.broadcast %squeeze3A_239 : i32 to vector<16xi32>
      %eq3A_241 = arith.cmpi eq, %iota3A, %eq3A_240 : vector<16xi32>
      %jit3A_242 = arith.constant 0.000000e+00 : f32
      %broadcast_in_dim3A_243 = vector.broadcast %jit3A_242 : f32 to vector<16xf32>
      %select_n3A_244 = arith.select %eq3A_241, %broadcast_in_dim3A_243, %get3A_237 : vector<16xi1>, vector<16xf32>
      %slice3A_245 = vector.extract_strided_slice %min3A_68 {offsets = [8], sizes = [1], strides = [1]} : vector<16xi32> to vector<1xi32>
      %squeeze3A_246 = vector.extract %slice3A_245[0] : i32 from vector<1xi32>
      %swap3A_247 = arith.index_cast %squeeze3A_246 : i32 to index
      %swap3A_248 = arith.index_cast %multiple_of3A : i32 to index
      %swap3A_249 = tpu.vector_load %arg4[%swap3A_247, %swap3A_248] {strides = array<i32>} : memref<496x128xf32, #tpu.memory_space<vmem>>, vector<1x16xf32>,
      %swap3A_250 = vector.shape_cast %swap3A_249 : vector<1x16xf32> to vector<16xf32>
      %swap3A_251 = vector.shape_cast %select_n3A_244 : vector<16xf32> to vector<1x16xf32>
      tpu.vector_store %arg4[%swap3A_247, %swap3A_248], %swap3A_251 {strides = array<i32>} : memref<496x128xf32, #tpu.memory_space<vmem>>, vector<1x16xf32>,
      %slice3A_252 = vector.extract_strided_slice %min3A_68 {offsets = [9], sizes = [1], strides = [1]} : vector<16xi32> to vector<1xi32>
      %squeeze3A_253 = vector.extract %slice3A_252[0] : i32 from vector<1xi32>
      %get3A_254 = arith.index_cast %squeeze3A_253 : i32 to index
      %get3A_255 = arith.index_cast %multiple_of3A : i32 to index
      %get3A_256 = tpu.vector_load %arg4[%get3A_254, %get3A_255] {strides = array<i32>} : memref<496x128xf32, #tpu.memory_space<vmem>>, vector<1x16xf32>,
      %get3A_257 = vector.shape_cast %get3A_256 : vector<1x16xf32> to vector<16xf32>
      %slice3A_258 = vector.extract_strided_slice %select_n3A {offsets = [9], sizes = [1], strides = [1]} : vector<16xi32> to vector<1xi32>
      %squeeze3A_259 = vector.extract %slice3A_258[0] : i32 from vector<1xi32>
      %eq3A_260 = vector.broadcast %squeeze3A_259 : i32 to vector<16xi32>
      %eq3A_261 = arith.cmpi eq, %iota3A, %eq3A_260 : vector<16xi32>
      %jit3A_262 = arith.constant 0.000000e+00 : f32
      %broadcast_in_dim3A_263 = vector.broadcast %jit3A_262 : f32 to vector<16xf32>
      %select_n3A_264 = arith.select %eq3A_261, %broadcast_in_dim3A_263, %get3A_257 : vector<16xi1>, vector<16xf32>
      %slice3A_265 = vector.extract_strided_slice %min3A_68 {offsets = [9], sizes = [1], strides = [1]} : vector<16xi32> to vector<1xi32>
      %squeeze3A_266 = vector.extract %slice3A_265[0] : i32 from vector<1xi32>
      %swap3A_267 = arith.index_cast %squeeze3A_266 : i32 to index
      %swap3A_268 = arith.index_cast %multiple_of3A : i32 to index
      %swap3A_269 = tpu.vector_load %arg4[%swap3A_267, %swap3A_268] {strides = array<i32>} : memref<496x128xf32, #tpu.memory_space<vmem>>, vector<1x16xf32>,
      %swap3A_270 = vector.shape_cast %swap3A_269 : vector<1x16xf32> to vector<16xf32>
      %swap3A_271 = vector.shape_cast %select_n3A_264 : vector<16xf32> to vector<1x16xf32>
      tpu.vector_store %arg4[%swap3A_267, %swap3A_268], %swap3A_271 {strides = array<i32>} : memref<496x128xf32, #tpu.memory_space<vmem>>, vector<1x16xf32>,
      %slice3A_272 = vector.extract_strided_slice %min3A_68 {offsets = [10], sizes = [1], strides = [1]} : vector<16xi32> to vector<1xi32>
      %squeeze3A_273 = vector.extract %slice3A_272[0] : i32 from vector<1xi32>
      %get3A_274 = arith.index_cast %squeeze3A_273 : i32 to index
      %get3A_275 = arith.index_cast %multiple_of3A : i32 to index
      %get3A_276 = tpu.vector_load %arg4[%get3A_274, %get3A_275] {strides = array<i32>} : memref<496x128xf32, #tpu.memory_space<vmem>>, vector<1x16xf32>,
      %get3A_277 = vector.shape_cast %get3A_276 : vector<1x16xf32> to vector<16xf32>
      %slice3A_278 = vector.extract_strided_slice %select_n3A {offsets = [10], sizes = [1], strides = [1]} : vector<16xi32> to vector<1xi32>
      %squeeze3A_279 = vector.extract %slice3A_278[0] : i32 from vector<1xi32>
      %eq3A_280 = vector.broadcast %squeeze3A_279 : i32 to vector<16xi32>
      %eq3A_281 = arith.cmpi eq, %iota3A, %eq3A_280 : vector<16xi32>
      %jit3A_282 = arith.constant 0.000000e+00 : f32
      %broadcast_in_dim3A_283 = vector.broadcast %jit3A_282 : f32 to vector<16xf32>
      %select_n3A_284 = arith.select %eq3A_281, %broadcast_in_dim3A_283, %get3A_277 : vector<16xi1>, vector<16xf32>
      %slice3A_285 = vector.extract_strided_slice %min3A_68 {offsets = [10], sizes = [1], strides = [1]} : vector<16xi32> to vector<1xi32>
      %squeeze3A_286 = vector.extract %slice3A_285[0] : i32 from vector<1xi32>
      %swap3A_287 = arith.index_cast %squeeze3A_286 : i32 to index
      %swap3A_288 = arith.index_cast %multiple_of3A : i32 to index
      %swap3A_289 = tpu.vector_load %arg4[%swap3A_287, %swap3A_288] {strides = array<i32>} : memref<496x128xf32, #tpu.memory_space<vmem>>, vector<1x16xf32>,
      %swap3A_290 = vector.shape_cast %swap3A_289 : vector<1x16xf32> to vector<16xf32>
      %swap3A_291 = vector.shape_cast %select_n3A_284 : vector<16xf32> to vector<1x16xf32>
      tpu.vector_store %arg4[%swap3A_287, %swap3A_288], %swap3A_291 {strides = array<i32>} : memref<496x128xf32, #tpu.memory_space<vmem>>, vector<1x16xf32>,
      %slice3A_292 = vector.extract_strided_slice %min3A_68 {offsets = [11], sizes = [1], strides = [1]} : vector<16xi32> to vector<1xi32>
      %squeeze3A_293 = vector.extract %slice3A_292[0] : i32 from vector<1xi32>
      %get3A_294 = arith.index_cast %squeeze3A_293 : i32 to index
      %get3A_295 = arith.index_cast %multiple_of3A : i32 to index
      %get3A_296 = tpu.vector_load %arg4[%get3A_294, %get3A_295] {strides = array<i32>} : memref<496x128xf32, #tpu.memory_space<vmem>>, vector<1x16xf32>,
      %get3A_297 = vector.shape_cast %get3A_296 : vector<1x16xf32> to vector<16xf32>
      %slice3A_298 = vector.extract_strided_slice %select_n3A {offsets = [11], sizes = [1], strides = [1]} : vector<16xi32> to vector<1xi32>
      %squeeze3A_299 = vector.extract %slice3A_298[0] : i32 from vector<1xi32>
      %eq3A_300 = vector.broadcast %squeeze3A_299 : i32 to vector<16xi32>
      %eq3A_301 = arith.cmpi eq, %iota3A, %eq3A_300 : vector<16xi32>
      %jit3A_302 = arith.constant 0.000000e+00 : f32
      %broadcast_in_dim3A_303 = vector.broadcast %jit3A_302 : f32 to vector<16xf32>
      %select_n3A_304 = arith.select %eq3A_301, %broadcast_in_dim3A_303, %get3A_297 : vector<16xi1>, vector<16xf32>
      %slice3A_305 = vector.extract_strided_slice %min3A_68 {offsets = [11], sizes = [1], strides = [1]} : vector<16xi32> to vector<1xi32>
      %squeeze3A_306 = vector.extract %slice3A_305[0] : i32 from vector<1xi32>
      %swap3A_307 = arith.index_cast %squeeze3A_306 : i32 to index
      %swap3A_308 = arith.index_cast %multiple_of3A : i32 to index
      %swap3A_309 = tpu.vector_load %arg4[%swap3A_307, %swap3A_308] {strides = array<i32>} : memref<496x128xf32, #tpu.memory_space<vmem>>, vector<1x16xf32>,
      %swap3A_310 = vector.shape_cast %swap3A_309 : vector<1x16xf32> to vector<16xf32>
      %swap3A_311 = vector.shape_cast %select_n3A_304 : vector<16xf32> to vector<1x16xf32>
      tpu.vector_store %arg4[%swap3A_307, %swap3A_308], %swap3A_311 {strides = array<i32>} : memref<496x128xf32, #tpu.memory_space<vmem>>, vector<1x16xf32>,
      %slice3A_312 = vector.extract_strided_slice %min3A_68 {offsets = [12], sizes = [1], strides = [1]} : vector<16xi32> to vector<1xi32>
      %squeeze3A_313 = vector.extract %slice3A_312[0] : i32 from vector<1xi32>
      %get3A_314 = arith.index_cast %squeeze3A_313 : i32 to index
      %get3A_315 = arith.index_cast %multiple_of3A : i32 to index
      %get3A_316 = tpu.vector_load %arg4[%get3A_314, %get3A_315] {strides = array<i32>} : memref<496x128xf32, #tpu.memory_space<vmem>>, vector<1x16xf32>,
      %get3A_317 = vector.shape_cast %get3A_316 : vector<1x16xf32> to vector<16xf32>
      %slice3A_318 = vector.extract_strided_slice %select_n3A {offsets = [12], sizes = [1], strides = [1]} : vector<16xi32> to vector<1xi32>
      %squeeze3A_319 = vector.extract %slice3A_318[0] : i32 from vector<1xi32>
      %eq3A_320 = vector.broadcast %squeeze3A_319 : i32 to vector<16xi32>
      %eq3A_321 = arith.cmpi eq, %iota3A, %eq3A_320 : vector<16xi32>
      %jit3A_322 = arith.constant 0.000000e+00 : f32
      %broadcast_in_dim3A_323 = vector.broadcast %jit3A_322 : f32 to vector<16xf32>
      %select_n3A_324 = arith.select %eq3A_321, %broadcast_in_dim3A_323, %get3A_317 : vector<16xi1>, vector<16xf32>
      %slice3A_325 = vector.extract_strided_slice %min3A_68 {offsets = [12], sizes = [1], strides = [1]} : vector<16xi32> to vector<1xi32>
      %squeeze3A_326 = vector.extract %slice3A_325[0] : i32 from vector<1xi32>
      %swap3A_327 = arith.index_cast %squeeze3A_326 : i32 to index
      %swap3A_328 = arith.index_cast %multiple_of3A : i32 to index
      %swap3A_329 = tpu.vector_load %arg4[%swap3A_327, %swap3A_328] {strides = array<i32>} : memref<496x128xf32, #tpu.memory_space<vmem>>, vector<1x16xf32>,
      %swap3A_330 = vector.shape_cast %swap3A_329 : vector<1x16xf32> to vector<16xf32>
      %swap3A_331 = vector.shape_cast %select_n3A_324 : vector<16xf32> to vector<1x16xf32>
      tpu.vector_store %arg4[%swap3A_327, %swap3A_328], %swap3A_331 {strides = array<i32>} : memref<496x128xf32, #tpu.memory_space<vmem>>, vector<1x16xf32>,
      %slice3A_332 = vector.extract_strided_slice %min3A_68 {offsets = [13], sizes = [1], strides = [1]} : vector<16xi32> to vector<1xi32>
      %squeeze3A_333 = vector.extract %slice3A_332[0] : i32 from vector<1xi32>
      %get3A_334 = arith.index_cast %squeeze3A_333 : i32 to index
      %get3A_335 = arith.index_cast %multiple_of3A : i32 to index
      %get3A_336 = tpu.vector_load %arg4[%get3A_334, %get3A_335] {strides = array<i32>} : memref<496x128xf32, #tpu.memory_space<vmem>>, vector<1x16xf32>,
      %get3A_337 = vector.shape_cast %get3A_336 : vector<1x16xf32> to vector<16xf32>
      %slice3A_338 = vector.extract_strided_slice %select_n3A {offsets = [13], sizes = [1], strides = [1]} : vector<16xi32> to vector<1xi32>
      %squeeze3A_339 = vector.extract %slice3A_338[0] : i32 from vector<1xi32>
      %eq3A_340 = vector.broadcast %squeeze3A_339 : i32 to vector<16xi32>
      %eq3A_341 = arith.cmpi eq, %iota3A, %eq3A_340 : vector<16xi32>
      %jit3A_342 = arith.constant 0.000000e+00 : f32
      %broadcast_in_dim3A_343 = vector.broadcast %jit3A_342 : f32 to vector<16xf32>
      %select_n3A_344 = arith.select %eq3A_341, %broadcast_in_dim3A_343, %get3A_337 : vector<16xi1>, vector<16xf32>
      %slice3A_345 = vector.extract_strided_slice %min3A_68 {offsets = [13], sizes = [1], strides = [1]} : vector<16xi32> to vector<1xi32>
      %squeeze3A_346 = vector.extract %slice3A_345[0] : i32 from vector<1xi32>
      %swap3A_347 = arith.index_cast %squeeze3A_346 : i32 to index
      %swap3A_348 = arith.index_cast %multiple_of3A : i32 to index
      %swap3A_349 = tpu.vector_load %arg4[%swap3A_347, %swap3A_348] {strides = array<i32>} : memref<496x128xf32, #tpu.memory_space<vmem>>, vector<1x16xf32>,
      %swap3A_350 = vector.shape_cast %swap3A_349 : vector<1x16xf32> to vector<16xf32>
      %swap3A_351 = vector.shape_cast %select_n3A_344 : vector<16xf32> to vector<1x16xf32>
      tpu.vector_store %arg4[%swap3A_347, %swap3A_348], %swap3A_351 {strides = array<i32>} : memref<496x128xf32, #tpu.memory_space<vmem>>, vector<1x16xf32>,
      %slice3A_352 = vector.extract_strided_slice %min3A_68 {offsets = [14], sizes = [1], strides = [1]} : vector<16xi32> to vector<1xi32>
      %squeeze3A_353 = vector.extract %slice3A_352[0] : i32 from vector<1xi32>
      %get3A_354 = arith.index_cast %squeeze3A_353 : i32 to index
      %get3A_355 = arith.index_cast %multiple_of3A : i32 to index
      %get3A_356 = tpu.vector_load %arg4[%get3A_354, %get3A_355] {strides = array<i32>} : memref<496x128xf32, #tpu.memory_space<vmem>>, vector<1x16xf32>,
      %get3A_357 = vector.shape_cast %get3A_356 : vector<1x16xf32> to vector<16xf32>
      %slice3A_358 = vector.extract_strided_slice %select_n3A {offsets = [14], sizes = [1], strides = [1]} : vector<16xi32> to vector<1xi32>
      %squeeze3A_359 = vector.extract %slice3A_358[0] : i32 from vector<1xi32>
      %eq3A_360 = vector.broadcast %squeeze3A_359 : i32 to vector<16xi32>
      %eq3A_361 = arith.cmpi eq, %iota3A, %eq3A_360 : vector<16xi32>
      %jit3A_362 = arith.constant 0.000000e+00 : f32
      %broadcast_in_dim3A_363 = vector.broadcast %jit3A_362 : f32 to vector<16xf32>
      %select_n3A_364 = arith.select %eq3A_361, %broadcast_in_dim3A_363, %get3A_357 : vector<16xi1>, vector<16xf32>
      %slice3A_365 = vector.extract_strided_slice %min3A_68 {offsets = [14], sizes = [1], strides = [1]} : vector<16xi32> to vector<1xi32>
      %squeeze3A_366 = vector.extract %slice3A_365[0] : i32 from vector<1xi32>
      %swap3A_367 = arith.index_cast %squeeze3A_366 : i32 to index
      %swap3A_368 = arith.index_cast %multiple_of3A : i32 to index
      %swap3A_369 = tpu.vector_load %arg4[%swap3A_367, %swap3A_368] {strides = array<i32>} : memref<496x128xf32, #tpu.memory_space<vmem>>, vector<1x16xf32>,
      %swap3A_370 = vector.shape_cast %swap3A_369 : vector<1x16xf32> to vector<16xf32>
      %swap3A_371 = vector.shape_cast %select_n3A_364 : vector<16xf32> to vector<1x16xf32>
      tpu.vector_store %arg4[%swap3A_367, %swap3A_368], %swap3A_371 {strides = array<i32>} : memref<496x128xf32, #tpu.memory_space<vmem>>, vector<1x16xf32>,
      %slice3A_372 = vector.extract_strided_slice %min3A_68 {offsets = [15], sizes = [1], strides = [1]} : vector<16xi32> to vector<1xi32>
      %squeeze3A_373 = vector.extract %slice3A_372[0] : i32 from vector<1xi32>
      %get3A_374 = arith.index_cast %squeeze3A_373 : i32 to index
      %get3A_375 = arith.index_cast %multiple_of3A : i32 to index
      %get3A_376 = tpu.vector_load %arg4[%get3A_374, %get3A_375] {strides = array<i32>} : memref<496x128xf32, #tpu.memory_space<vmem>>, vector<1x16xf32>,
      %get3A_377 = vector.shape_cast %get3A_376 : vector<1x16xf32> to vector<16xf32>
      %slice3A_378 = vector.extract_strided_slice %select_n3A {offsets = [15], sizes = [1], strides = [1]} : vector<16xi32> to vector<1xi32>
      %squeeze3A_379 = vector.extract %slice3A_378[0] : i32 from vector<1xi32>
      %eq3A_380 = vector.broadcast %squeeze3A_379 : i32 to vector<16xi32>
      %eq3A_381 = arith.cmpi eq, %iota3A, %eq3A_380 : vector<16xi32>
      %jit3A_382 = arith.constant 0.000000e+00 : f32
      %broadcast_in_dim3A_383 = vector.broadcast %jit3A_382 : f32 to vector<16xf32>
      %select_n3A_384 = arith.select %eq3A_381, %broadcast_in_dim3A_383, %get3A_377 : vector<16xi1>, vector<16xf32>
      %slice3A_385 = vector.extract_strided_slice %min3A_68 {offsets = [15], sizes = [1], strides = [1]} : vector<16xi32> to vector<1xi32>
      %squeeze3A_386 = vector.extract %slice3A_385[0] : i32 from vector<1xi32>
      %swap3A_387 = arith.index_cast %squeeze3A_386 : i32 to index
      %swap3A_388 = arith.index_cast %multiple_of3A : i32 to index
      %swap3A_389 = tpu.vector_load %arg4[%swap3A_387, %swap3A_388] {strides = array<i32>} : memref<496x128xf32, #tpu.memory_space<vmem>>, vector<1x16xf32>,
      %swap3A_390 = vector.shape_cast %swap3A_389 : vector<1x16xf32> to vector<16xf32>
      %swap3A_391 = vector.shape_cast %select_n3A_384 : vector<16xf32> to vector<1x16xf32>
      tpu.vector_store %arg4[%swap3A_387, %swap3A_388], %swap3A_391 {strides = array<i32>} : memref<496x128xf32, #tpu.memory_space<vmem>>, vector<1x16xf32>,
    }
    %scan3A_16 = arith.constant 8 : i32
    %add3A_17 = arith.constant 0 : i32
    %add3A_18 = arith.addi %mul3A_2, %add3A_17 : i32
    %dma_start3A_19 = arith.constant 0 : i32
    %dma_start3A_20 = tpu.memref_slice %arg3[%dma_start3A_19, %add3A_18] : memref<1000x16384xf32, #tpu.memory_space<hbm>> -> memref<496x128xf32, #tpu.memory_space<hbm>>
    %dma_start3A_21 = arith.constant 0 : i32
    %dma_start3A_22 = tpu.memref_slice %arg3[%dma_start3A_21, %add3A_18] : memref<1000x16384xf32, #tpu.memory_space<hbm>> -> memref<496x128xf32, #tpu.memory_space<hbm>>
    tpu.enqueue_dma source(%arg4 : memref<496x128xf32, #tpu.memory_space<vmem>>) target(%dma_start3A_22 : memref<496x128xf32, #tpu.memory_space<hbm>>) target_semaphore(%arg7 : memref<!tpu.dma_semaphore, #tpu.memory_space<semaphore_mem>>)
    %scan3A_23 = arith.constant 0 : i32
    %scan3A_24 = arith.constant 0 : i32
    %scan3A_25 = arith.constant 504 : i32
    %scan3A_26 = arith.addi %scan3A_24, %scan3A_25 : i32
    %scan3A_27 = arith.constant 1 : i32
    scf.for %scan3A_55 = %scan3A_24 to %scan3A_26 step %scan3A_27  : i32 {
      %swap3A = arith.index_cast %scan3A_55 : i32 to index
      %swap3A_56 = arith.constant 0 : index
      %swap3A_57 = tpu.vector_load %arg5[%swap3A, %swap3A_56] {strides = array<i32>} : memref<504x128xf32, #tpu.memory_space<vmem>>, vector<1x16xf32>,
      %swap3A_58 = vector.shape_cast %swap3A_57 : vector<1x16xf32> to vector<16xf32>
      %swap3A_59 = vector.shape_cast %broadcast_in_dim3A_4 : vector<16xf32> to vector<1x16xf32>
      tpu.vector_store %arg5[%swap3A, %swap3A_56], %swap3A_59 {strides = array<i32>} : memref<504x128xf32, #tpu.memory_space<vmem>>, vector<1x16xf32>,
      %swap3A_60 = arith.index_cast %scan3A_55 : i32 to index
      %swap3A_61 = arith.constant 16 : index
      %swap3A_62 = tpu.vector_load %arg5[%swap3A_60, %swap3A_61] {strides = array<i32>} : memref<504x128xf32, #tpu.memory_space<vmem>>, vector<1x16xf32>,
      %swap3A_63 = vector.shape_cast %swap3A_62 : vector<1x16xf32> to vector<16xf32>
      %swap3A_64 = vector.shape_cast %broadcast_in_dim3A_4 : vector<16xf32> to vector<1x16xf32>
      tpu.vector_store %arg5[%swap3A_60, %swap3A_61], %swap3A_64 {strides = array<i32>} : memref<504x128xf32, #tpu.memory_space<vmem>>, vector<1x16xf32>,
      %swap3A_65 = arith.index_cast %scan3A_55 : i32 to index
      %swap3A_66 = arith.constant 32 : index
      %swap3A_67 = tpu.vector_load %arg5[%swap3A_65, %swap3A_66] {strides = array<i32>} : memref<504x128xf32, #tpu.memory_space<vmem>>, vector<1x16xf32>,
      %swap3A_68 = vector.shape_cast %swap3A_67 : vector<1x16xf32> to vector<16xf32>
      %swap3A_69 = vector.shape_cast %broadcast_in_dim3A_4 : vector<16xf32> to vector<1x16xf32>
      tpu.vector_store %arg5[%swap3A_65, %swap3A_66], %swap3A_69 {strides = array<i32>} : memref<504x128xf32, #tpu.memory_space<vmem>>, vector<1x16xf32>,
      %swap3A_70 = arith.index_cast %scan3A_55 : i32 to index
      %swap3A_71 = arith.constant 48 : index
      %swap3A_72 = tpu.vector_load %arg5[%swap3A_70, %swap3A_71] {strides = array<i32>} : memref<504x128xf32, #tpu.memory_space<vmem>>, vector<1x16xf32>,
      %swap3A_73 = vector.shape_cast %swap3A_72 : vector<1x16xf32> to vector<16xf32>
      %swap3A_74 = vector.shape_cast %broadcast_in_dim3A_4 : vector<16xf32> to vector<1x16xf32>
      tpu.vector_store %arg5[%swap3A_70, %swap3A_71], %swap3A_74 {strides = array<i32>} : memref<504x128xf32, #tpu.memory_space<vmem>>, vector<1x16xf32>,
      %swap3A_75 = arith.index_cast %scan3A_55 : i32 to index
      %swap3A_76 = arith.constant 64 : index
      %swap3A_77 = tpu.vector_load %arg5[%swap3A_75, %swap3A_76] {strides = array<i32>} : memref<504x128xf32, #tpu.memory_space<vmem>>, vector<1x16xf32>,
      %swap3A_78 = vector.shape_cast %swap3A_77 : vector<1x16xf32> to vector<16xf32>
      %swap3A_79 = vector.shape_cast %broadcast_in_dim3A_4 : vector<16xf32> to vector<1x16xf32>
      tpu.vector_store %arg5[%swap3A_75, %swap3A_76], %swap3A_79 {strides = array<i32>} : memref<504x128xf32, #tpu.memory_space<vmem>>, vector<1x16xf32>,
      %swap3A_80 = arith.index_cast %scan3A_55 : i32 to index
      %swap3A_81 = arith.constant 80 : index
      %swap3A_82 = tpu.vector_load %arg5[%swap3A_80, %swap3A_81] {strides = array<i32>} : memref<504x128xf32, #tpu.memory_space<vmem>>, vector<1x16xf32>,
      %swap3A_83 = vector.shape_cast %swap3A_82 : vector<1x16xf32> to vector<16xf32>
      %swap3A_84 = vector.shape_cast %broadcast_in_dim3A_4 : vector<16xf32> to vector<1x16xf32>
      tpu.vector_store %arg5[%swap3A_80, %swap3A_81], %swap3A_84 {strides = array<i32>} : memref<504x128xf32, #tpu.memory_space<vmem>>, vector<1x16xf32>,
      %swap3A_85 = arith.index_cast %scan3A_55 : i32 to index
      %swap3A_86 = arith.constant 96 : index
      %swap3A_87 = tpu.vector_load %arg5[%swap3A_85, %swap3A_86] {strides = array<i32>} : memref<504x128xf32, #tpu.memory_space<vmem>>, vector<1x16xf32>,
      %swap3A_88 = vector.shape_cast %swap3A_87 : vector<1x16xf32> to vector<16xf32>
      %swap3A_89 = vector.shape_cast %broadcast_in_dim3A_4 : vector<16xf32> to vector<1x16xf32>
      tpu.vector_store %arg5[%swap3A_85, %swap3A_86], %swap3A_89 {strides = array<i32>} : memref<504x128xf32, #tpu.memory_space<vmem>>, vector<1x16xf32>,
      %swap3A_90 = arith.index_cast %scan3A_55 : i32 to index
      %swap3A_91 = arith.constant 112 : index
      %swap3A_92 = tpu.vector_load %arg5[%swap3A_90, %swap3A_91] {strides = array<i32>} : memref<504x128xf32, #tpu.memory_space<vmem>>, vector<1x16xf32>,
      %swap3A_93 = vector.shape_cast %swap3A_92 : vector<1x16xf32> to vector<16xf32>
      %swap3A_94 = vector.shape_cast %broadcast_in_dim3A_4 : vector<16xf32> to vector<1x16xf32>
      tpu.vector_store %arg5[%swap3A_90, %swap3A_91], %swap3A_94 {strides = array<i32>} : memref<504x128xf32, #tpu.memory_space<vmem>>, vector<1x16xf32>,
    }
    %scan3A_28 = arith.constant 504 : i32
    %scan3A_29 = arith.constant 0 : i32
    %scan3A_30 = arith.constant 0 : i32
    %scan3A_31 = arith.constant 8 : i32
    %scan3A_32 = arith.addi %scan3A_30, %scan3A_31 : i32
    %scan3A_33 = arith.constant 1 : i32
    scf.for %scan3A_55 = %scan3A_30 to %scan3A_32 step %scan3A_33  : i32 {
      %mul3A_56 = arith.constant 16 : i32
      %mul3A_57 = arith.muli %scan3A_55, %mul3A_56 : i32
      %add3A_58 = arith.constant 0 : i32
      %add3A_59 = arith.addi %add3A_58, %mul3A_57 : i32
      %get3A = arith.index_cast %add3A_59 : i32 to index
      %get3A_60 = tpu.vector_load %arg6[%get3A] {strides = array<i32>} : memref<512xi32, #tpu.memory_space<vmem>>, vector<16xi32>,
      %get3A_61 = vector.shape_cast %get3A_60 : vector<16xi32> to vector<16xi32>
      %mul3A_62 = arith.constant 16 : i32
      %mul3A_63 = arith.muli %scan3A_55, %mul3A_62 : i32
      %multiple_of3A = tpu.assume_multiple %mul3A_63, 16 : i32
      %sub3A = arith.constant 496 : i32
      %sub3A_64 = vector.broadcast %sub3A : i32 to vector<16xi32>
      %sub3A_65 = arith.subi %get3A_61, %sub3A_64 : vector<16xi32>
      %jit3A = arith.constant 0 : i32
      %jit3A_66 = arith.constant 503 : i32
      %max3A = vector.broadcast %jit3A : i32 to vector<16xi32>
      %max3A_67 = arith.maxsi %max3A, %sub3A_65 : vector<16xi32>
      %min3A = vector.broadcast %jit3A_66 : i32 to vector<16xi32>
      %min3A_68 = arith.minsi %min3A, %max3A_67 : vector<16xi32>
      %sub3A_69 = arith.constant 496 : i32
      %sub3A_70 = vector.broadcast %sub3A_69 : i32 to vector<16xi32>
      %sub3A_71 = arith.subi %get3A_61, %sub3A_70 : vector<16xi32>
      %lt3A = arith.constant 504 : i32
      %lt3A_72 = vector.broadcast %lt3A : i32 to vector<16xi32>
      %lt3A_73 = arith.cmpi ult, %sub3A_71, %lt3A_72 : vector<16xi32>
      %jit3A_74 = arith.constant -1 : i32
      %broadcast_in_dim3A_75 = vector.broadcast %jit3A_74 : i32 to vector<16xi32>
      %select_n3A = arith.select %lt3A_73, %iota3A, %broadcast_in_dim3A_75 : vector<16xi1>, vector<16xi32>
      %slice3A = vector.extract_strided_slice %min3A_68 {offsets = [0], sizes = [1], strides = [1]} : vector<16xi32> to vector<1xi32>
      %squeeze3A = vector.extract %slice3A[0] : i32 from vector<1xi32>
      %get3A_76 = arith.index_cast %squeeze3A : i32 to index
      %get3A_77 = arith.index_cast %multiple_of3A : i32 to index
      %get3A_78 = tpu.vector_load %arg5[%get3A_76, %get3A_77] {strides = array<i32>} : memref<504x128xf32, #tpu.memory_space<vmem>>, vector<1x16xf32>,
      %get3A_79 = vector.shape_cast %get3A_78 : vector<1x16xf32> to vector<16xf32>
      %slice3A_80 = vector.extract_strided_slice %select_n3A {offsets = [0], sizes = [1], strides = [1]} : vector<16xi32> to vector<1xi32>
      %squeeze3A_81 = vector.extract %slice3A_80[0] : i32 from vector<1xi32>
      %eq3A = vector.broadcast %squeeze3A_81 : i32 to vector<16xi32>
      %eq3A_82 = arith.cmpi eq, %iota3A, %eq3A : vector<16xi32>
      %jit3A_83 = arith.constant 0.000000e+00 : f32
      %broadcast_in_dim3A_84 = vector.broadcast %jit3A_83 : f32 to vector<16xf32>
      %select_n3A_85 = arith.select %eq3A_82, %broadcast_in_dim3A_84, %get3A_79 : vector<16xi1>, vector<16xf32>
      %slice3A_86 = vector.extract_strided_slice %min3A_68 {offsets = [0], sizes = [1], strides = [1]} : vector<16xi32> to vector<1xi32>
      %squeeze3A_87 = vector.extract %slice3A_86[0] : i32 from vector<1xi32>
      %swap3A = arith.index_cast %squeeze3A_87 : i32 to index
      %swap3A_88 = arith.index_cast %multiple_of3A : i32 to index
      %swap3A_89 = tpu.vector_load %arg5[%swap3A, %swap3A_88] {strides = array<i32>} : memref<504x128xf32, #tpu.memory_space<vmem>>, vector<1x16xf32>,
      %swap3A_90 = vector.shape_cast %swap3A_89 : vector<1x16xf32> to vector<16xf32>
      %swap3A_91 = vector.shape_cast %select_n3A_85 : vector<16xf32> to vector<1x16xf32>
      tpu.vector_store %arg5[%swap3A, %swap3A_88], %swap3A_91 {strides = array<i32>} : memref<504x128xf32, #tpu.memory_space<vmem>>, vector<1x16xf32>,
      %slice3A_92 = vector.extract_strided_slice %min3A_68 {offsets = [1], sizes = [1], strides = [1]} : vector<16xi32> to vector<1xi32>
      %squeeze3A_93 = vector.extract %slice3A_92[0] : i32 from vector<1xi32>
      %get3A_94 = arith.index_cast %squeeze3A_93 : i32 to index
      %get3A_95 = arith.index_cast %multiple_of3A : i32 to index
      %get3A_96 = tpu.vector_load %arg5[%get3A_94, %get3A_95] {strides = array<i32>} : memref<504x128xf32, #tpu.memory_space<vmem>>, vector<1x16xf32>,
      %get3A_97 = vector.shape_cast %get3A_96 : vector<1x16xf32> to vector<16xf32>
      %slice3A_98 = vector.extract_strided_slice %select_n3A {offsets = [1], sizes = [1], strides = [1]} : vector<16xi32> to vector<1xi32>
      %squeeze3A_99 = vector.extract %slice3A_98[0] : i32 from vector<1xi32>
      %eq3A_100 = vector.broadcast %squeeze3A_99 : i32 to vector<16xi32>
      %eq3A_101 = arith.cmpi eq, %iota3A, %eq3A_100 : vector<16xi32>
      %jit3A_102 = arith.constant 0.000000e+00 : f32
      %broadcast_in_dim3A_103 = vector.broadcast %jit3A_102 : f32 to vector<16xf32>
      %select_n3A_104 = arith.select %eq3A_101, %broadcast_in_dim3A_103, %get3A_97 : vector<16xi1>, vector<16xf32>
      %slice3A_105 = vector.extract_strided_slice %min3A_68 {offsets = [1], sizes = [1], strides = [1]} : vector<16xi32> to vector<1xi32>
      %squeeze3A_106 = vector.extract %slice3A_105[0] : i32 from vector<1xi32>
      %swap3A_107 = arith.index_cast %squeeze3A_106 : i32 to index
      %swap3A_108 = arith.index_cast %multiple_of3A : i32 to index
      %swap3A_109 = tpu.vector_load %arg5[%swap3A_107, %swap3A_108] {strides = array<i32>} : memref<504x128xf32, #tpu.memory_space<vmem>>, vector<1x16xf32>,
      %swap3A_110 = vector.shape_cast %swap3A_109 : vector<1x16xf32> to vector<16xf32>
      %swap3A_111 = vector.shape_cast %select_n3A_104 : vector<16xf32> to vector<1x16xf32>
      tpu.vector_store %arg5[%swap3A_107, %swap3A_108], %swap3A_111 {strides = array<i32>} : memref<504x128xf32, #tpu.memory_space<vmem>>, vector<1x16xf32>,
      %slice3A_112 = vector.extract_strided_slice %min3A_68 {offsets = [2], sizes = [1], strides = [1]} : vector<16xi32> to vector<1xi32>
      %squeeze3A_113 = vector.extract %slice3A_112[0] : i32 from vector<1xi32>
      %get3A_114 = arith.index_cast %squeeze3A_113 : i32 to index
      %get3A_115 = arith.index_cast %multiple_of3A : i32 to index
      %get3A_116 = tpu.vector_load %arg5[%get3A_114, %get3A_115] {strides = array<i32>} : memref<504x128xf32, #tpu.memory_space<vmem>>, vector<1x16xf32>,
      %get3A_117 = vector.shape_cast %get3A_116 : vector<1x16xf32> to vector<16xf32>
      %slice3A_118 = vector.extract_strided_slice %select_n3A {offsets = [2], sizes = [1], strides = [1]} : vector<16xi32> to vector<1xi32>
      %squeeze3A_119 = vector.extract %slice3A_118[0] : i32 from vector<1xi32>
      %eq3A_120 = vector.broadcast %squeeze3A_119 : i32 to vector<16xi32>
      %eq3A_121 = arith.cmpi eq, %iota3A, %eq3A_120 : vector<16xi32>
      %jit3A_122 = arith.constant 0.000000e+00 : f32
      %broadcast_in_dim3A_123 = vector.broadcast %jit3A_122 : f32 to vector<16xf32>
      %select_n3A_124 = arith.select %eq3A_121, %broadcast_in_dim3A_123, %get3A_117 : vector<16xi1>, vector<16xf32>
      %slice3A_125 = vector.extract_strided_slice %min3A_68 {offsets = [2], sizes = [1], strides = [1]} : vector<16xi32> to vector<1xi32>
      %squeeze3A_126 = vector.extract %slice3A_125[0] : i32 from vector<1xi32>
      %swap3A_127 = arith.index_cast %squeeze3A_126 : i32 to index
      %swap3A_128 = arith.index_cast %multiple_of3A : i32 to index
      %swap3A_129 = tpu.vector_load %arg5[%swap3A_127, %swap3A_128] {strides = array<i32>} : memref<504x128xf32, #tpu.memory_space<vmem>>, vector<1x16xf32>,
      %swap3A_130 = vector.shape_cast %swap3A_129 : vector<1x16xf32> to vector<16xf32>
      %swap3A_131 = vector.shape_cast %select_n3A_124 : vector<16xf32> to vector<1x16xf32>
      tpu.vector_store %arg5[%swap3A_127, %swap3A_128], %swap3A_131 {strides = array<i32>} : memref<504x128xf32, #tpu.memory_space<vmem>>, vector<1x16xf32>,
      %slice3A_132 = vector.extract_strided_slice %min3A_68 {offsets = [3], sizes = [1], strides = [1]} : vector<16xi32> to vector<1xi32>
      %squeeze3A_133 = vector.extract %slice3A_132[0] : i32 from vector<1xi32>
      %get3A_134 = arith.index_cast %squeeze3A_133 : i32 to index
      %get3A_135 = arith.index_cast %multiple_of3A : i32 to index
      %get3A_136 = tpu.vector_load %arg5[%get3A_134, %get3A_135] {strides = array<i32>} : memref<504x128xf32, #tpu.memory_space<vmem>>, vector<1x16xf32>,
      %get3A_137 = vector.shape_cast %get3A_136 : vector<1x16xf32> to vector<16xf32>
      %slice3A_138 = vector.extract_strided_slice %select_n3A {offsets = [3], sizes = [1], strides = [1]} : vector<16xi32> to vector<1xi32>
      %squeeze3A_139 = vector.extract %slice3A_138[0] : i32 from vector<1xi32>
      %eq3A_140 = vector.broadcast %squeeze3A_139 : i32 to vector<16xi32>
      %eq3A_141 = arith.cmpi eq, %iota3A, %eq3A_140 : vector<16xi32>
      %jit3A_142 = arith.constant 0.000000e+00 : f32
      %broadcast_in_dim3A_143 = vector.broadcast %jit3A_142 : f32 to vector<16xf32>
      %select_n3A_144 = arith.select %eq3A_141, %broadcast_in_dim3A_143, %get3A_137 : vector<16xi1>, vector<16xf32>
      %slice3A_145 = vector.extract_strided_slice %min3A_68 {offsets = [3], sizes = [1], strides = [1]} : vector<16xi32> to vector<1xi32>
      %squeeze3A_146 = vector.extract %slice3A_145[0] : i32 from vector<1xi32>
      %swap3A_147 = arith.index_cast %squeeze3A_146 : i32 to index
      %swap3A_148 = arith.index_cast %multiple_of3A : i32 to index
      %swap3A_149 = tpu.vector_load %arg5[%swap3A_147, %swap3A_148] {strides = array<i32>} : memref<504x128xf32, #tpu.memory_space<vmem>>, vector<1x16xf32>,
      %swap3A_150 = vector.shape_cast %swap3A_149 : vector<1x16xf32> to vector<16xf32>
      %swap3A_151 = vector.shape_cast %select_n3A_144 : vector<16xf32> to vector<1x16xf32>
      tpu.vector_store %arg5[%swap3A_147, %swap3A_148], %swap3A_151 {strides = array<i32>} : memref<504x128xf32, #tpu.memory_space<vmem>>, vector<1x16xf32>,
      %slice3A_152 = vector.extract_strided_slice %min3A_68 {offsets = [4], sizes = [1], strides = [1]} : vector<16xi32> to vector<1xi32>
      %squeeze3A_153 = vector.extract %slice3A_152[0] : i32 from vector<1xi32>
      %get3A_154 = arith.index_cast %squeeze3A_153 : i32 to index
      %get3A_155 = arith.index_cast %multiple_of3A : i32 to index
      %get3A_156 = tpu.vector_load %arg5[%get3A_154, %get3A_155] {strides = array<i32>} : memref<504x128xf32, #tpu.memory_space<vmem>>, vector<1x16xf32>,
      %get3A_157 = vector.shape_cast %get3A_156 : vector<1x16xf32> to vector<16xf32>
      %slice3A_158 = vector.extract_strided_slice %select_n3A {offsets = [4], sizes = [1], strides = [1]} : vector<16xi32> to vector<1xi32>
      %squeeze3A_159 = vector.extract %slice3A_158[0] : i32 from vector<1xi32>
      %eq3A_160 = vector.broadcast %squeeze3A_159 : i32 to vector<16xi32>
      %eq3A_161 = arith.cmpi eq, %iota3A, %eq3A_160 : vector<16xi32>
      %jit3A_162 = arith.constant 0.000000e+00 : f32
      %broadcast_in_dim3A_163 = vector.broadcast %jit3A_162 : f32 to vector<16xf32>
      %select_n3A_164 = arith.select %eq3A_161, %broadcast_in_dim3A_163, %get3A_157 : vector<16xi1>, vector<16xf32>
      %slice3A_165 = vector.extract_strided_slice %min3A_68 {offsets = [4], sizes = [1], strides = [1]} : vector<16xi32> to vector<1xi32>
      %squeeze3A_166 = vector.extract %slice3A_165[0] : i32 from vector<1xi32>
      %swap3A_167 = arith.index_cast %squeeze3A_166 : i32 to index
      %swap3A_168 = arith.index_cast %multiple_of3A : i32 to index
      %swap3A_169 = tpu.vector_load %arg5[%swap3A_167, %swap3A_168] {strides = array<i32>} : memref<504x128xf32, #tpu.memory_space<vmem>>, vector<1x16xf32>,
      %swap3A_170 = vector.shape_cast %swap3A_169 : vector<1x16xf32> to vector<16xf32>
      %swap3A_171 = vector.shape_cast %select_n3A_164 : vector<16xf32> to vector<1x16xf32>
      tpu.vector_store %arg5[%swap3A_167, %swap3A_168], %swap3A_171 {strides = array<i32>} : memref<504x128xf32, #tpu.memory_space<vmem>>, vector<1x16xf32>,
      %slice3A_172 = vector.extract_strided_slice %min3A_68 {offsets = [5], sizes = [1], strides = [1]} : vector<16xi32> to vector<1xi32>
      %squeeze3A_173 = vector.extract %slice3A_172[0] : i32 from vector<1xi32>
      %get3A_174 = arith.index_cast %squeeze3A_173 : i32 to index
      %get3A_175 = arith.index_cast %multiple_of3A : i32 to index
      %get3A_176 = tpu.vector_load %arg5[%get3A_174, %get3A_175] {strides = array<i32>} : memref<504x128xf32, #tpu.memory_space<vmem>>, vector<1x16xf32>,
      %get3A_177 = vector.shape_cast %get3A_176 : vector<1x16xf32> to vector<16xf32>
      %slice3A_178 = vector.extract_strided_slice %select_n3A {offsets = [5], sizes = [1], strides = [1]} : vector<16xi32> to vector<1xi32>
      %squeeze3A_179 = vector.extract %slice3A_178[0] : i32 from vector<1xi32>
      %eq3A_180 = vector.broadcast %squeeze3A_179 : i32 to vector<16xi32>
      %eq3A_181 = arith.cmpi eq, %iota3A, %eq3A_180 : vector<16xi32>
      %jit3A_182 = arith.constant 0.000000e+00 : f32
      %broadcast_in_dim3A_183 = vector.broadcast %jit3A_182 : f32 to vector<16xf32>
      %select_n3A_184 = arith.select %eq3A_181, %broadcast_in_dim3A_183, %get3A_177 : vector<16xi1>, vector<16xf32>
      %slice3A_185 = vector.extract_strided_slice %min3A_68 {offsets = [5], sizes = [1], strides = [1]} : vector<16xi32> to vector<1xi32>
      %squeeze3A_186 = vector.extract %slice3A_185[0] : i32 from vector<1xi32>
      %swap3A_187 = arith.index_cast %squeeze3A_186 : i32 to index
      %swap3A_188 = arith.index_cast %multiple_of3A : i32 to index
      %swap3A_189 = tpu.vector_load %arg5[%swap3A_187, %swap3A_188] {strides = array<i32>} : memref<504x128xf32, #tpu.memory_space<vmem>>, vector<1x16xf32>,
      %swap3A_190 = vector.shape_cast %swap3A_189 : vector<1x16xf32> to vector<16xf32>
      %swap3A_191 = vector.shape_cast %select_n3A_184 : vector<16xf32> to vector<1x16xf32>
      tpu.vector_store %arg5[%swap3A_187, %swap3A_188], %swap3A_191 {strides = array<i32>} : memref<504x128xf32, #tpu.memory_space<vmem>>, vector<1x16xf32>,
      %slice3A_192 = vector.extract_strided_slice %min3A_68 {offsets = [6], sizes = [1], strides = [1]} : vector<16xi32> to vector<1xi32>
      %squeeze3A_193 = vector.extract %slice3A_192[0] : i32 from vector<1xi32>
      %get3A_194 = arith.index_cast %squeeze3A_193 : i32 to index
      %get3A_195 = arith.index_cast %multiple_of3A : i32 to index
      %get3A_196 = tpu.vector_load %arg5[%get3A_194, %get3A_195] {strides = array<i32>} : memref<504x128xf32, #tpu.memory_space<vmem>>, vector<1x16xf32>,
      %get3A_197 = vector.shape_cast %get3A_196 : vector<1x16xf32> to vector<16xf32>
      %slice3A_198 = vector.extract_strided_slice %select_n3A {offsets = [6], sizes = [1], strides = [1]} : vector<16xi32> to vector<1xi32>
      %squeeze3A_199 = vector.extract %slice3A_198[0] : i32 from vector<1xi32>
      %eq3A_200 = vector.broadcast %squeeze3A_199 : i32 to vector<16xi32>
      %eq3A_201 = arith.cmpi eq, %iota3A, %eq3A_200 : vector<16xi32>
      %jit3A_202 = arith.constant 0.000000e+00 : f32
      %broadcast_in_dim3A_203 = vector.broadcast %jit3A_202 : f32 to vector<16xf32>
      %select_n3A_204 = arith.select %eq3A_201, %broadcast_in_dim3A_203, %get3A_197 : vector<16xi1>, vector<16xf32>
      %slice3A_205 = vector.extract_strided_slice %min3A_68 {offsets = [6], sizes = [1], strides = [1]} : vector<16xi32> to vector<1xi32>
      %squeeze3A_206 = vector.extract %slice3A_205[0] : i32 from vector<1xi32>
      %swap3A_207 = arith.index_cast %squeeze3A_206 : i32 to index
      %swap3A_208 = arith.index_cast %multiple_of3A : i32 to index
      %swap3A_209 = tpu.vector_load %arg5[%swap3A_207, %swap3A_208] {strides = array<i32>} : memref<504x128xf32, #tpu.memory_space<vmem>>, vector<1x16xf32>,
      %swap3A_210 = vector.shape_cast %swap3A_209 : vector<1x16xf32> to vector<16xf32>
      %swap3A_211 = vector.shape_cast %select_n3A_204 : vector<16xf32> to vector<1x16xf32>
      tpu.vector_store %arg5[%swap3A_207, %swap3A_208], %swap3A_211 {strides = array<i32>} : memref<504x128xf32, #tpu.memory_space<vmem>>, vector<1x16xf32>,
      %slice3A_212 = vector.extract_strided_slice %min3A_68 {offsets = [7], sizes = [1], strides = [1]} : vector<16xi32> to vector<1xi32>
      %squeeze3A_213 = vector.extract %slice3A_212[0] : i32 from vector<1xi32>
      %get3A_214 = arith.index_cast %squeeze3A_213 : i32 to index
      %get3A_215 = arith.index_cast %multiple_of3A : i32 to index
      %get3A_216 = tpu.vector_load %arg5[%get3A_214, %get3A_215] {strides = array<i32>} : memref<504x128xf32, #tpu.memory_space<vmem>>, vector<1x16xf32>,
      %get3A_217 = vector.shape_cast %get3A_216 : vector<1x16xf32> to vector<16xf32>
      %slice3A_218 = vector.extract_strided_slice %select_n3A {offsets = [7], sizes = [1], strides = [1]} : vector<16xi32> to vector<1xi32>
      %squeeze3A_219 = vector.extract %slice3A_218[0] : i32 from vector<1xi32>
      %eq3A_220 = vector.broadcast %squeeze3A_219 : i32 to vector<16xi32>
      %eq3A_221 = arith.cmpi eq, %iota3A, %eq3A_220 : vector<16xi32>
      %jit3A_222 = arith.constant 0.000000e+00 : f32
      %broadcast_in_dim3A_223 = vector.broadcast %jit3A_222 : f32 to vector<16xf32>
      %select_n3A_224 = arith.select %eq3A_221, %broadcast_in_dim3A_223, %get3A_217 : vector<16xi1>, vector<16xf32>
      %slice3A_225 = vector.extract_strided_slice %min3A_68 {offsets = [7], sizes = [1], strides = [1]} : vector<16xi32> to vector<1xi32>
      %squeeze3A_226 = vector.extract %slice3A_225[0] : i32 from vector<1xi32>
      %swap3A_227 = arith.index_cast %squeeze3A_226 : i32 to index
      %swap3A_228 = arith.index_cast %multiple_of3A : i32 to index
      %swap3A_229 = tpu.vector_load %arg5[%swap3A_227, %swap3A_228] {strides = array<i32>} : memref<504x128xf32, #tpu.memory_space<vmem>>, vector<1x16xf32>,
      %swap3A_230 = vector.shape_cast %swap3A_229 : vector<1x16xf32> to vector<16xf32>
      %swap3A_231 = vector.shape_cast %select_n3A_224 : vector<16xf32> to vector<1x16xf32>
      tpu.vector_store %arg5[%swap3A_227, %swap3A_228], %swap3A_231 {strides = array<i32>} : memref<504x128xf32, #tpu.memory_space<vmem>>, vector<1x16xf32>,
      %slice3A_232 = vector.extract_strided_slice %min3A_68 {offsets = [8], sizes = [1], strides = [1]} : vector<16xi32> to vector<1xi32>
      %squeeze3A_233 = vector.extract %slice3A_232[0] : i32 from vector<1xi32>
      %get3A_234 = arith.index_cast %squeeze3A_233 : i32 to index
      %get3A_235 = arith.index_cast %multiple_of3A : i32 to index
      %get3A_236 = tpu.vector_load %arg5[%get3A_234, %get3A_235] {strides = array<i32>} : memref<504x128xf32, #tpu.memory_space<vmem>>, vector<1x16xf32>,
      %get3A_237 = vector.shape_cast %get3A_236 : vector<1x16xf32> to vector<16xf32>
      %slice3A_238 = vector.extract_strided_slice %select_n3A {offsets = [8], sizes = [1], strides = [1]} : vector<16xi32> to vector<1xi32>
      %squeeze3A_239 = vector.extract %slice3A_238[0] : i32 from vector<1xi32>
      %eq3A_240 = vector.broadcast %squeeze3A_239 : i32 to vector<16xi32>
      %eq3A_241 = arith.cmpi eq, %iota3A, %eq3A_240 : vector<16xi32>
      %jit3A_242 = arith.constant 0.000000e+00 : f32
      %broadcast_in_dim3A_243 = vector.broadcast %jit3A_242 : f32 to vector<16xf32>
      %select_n3A_244 = arith.select %eq3A_241, %broadcast_in_dim3A_243, %get3A_237 : vector<16xi1>, vector<16xf32>
      %slice3A_245 = vector.extract_strided_slice %min3A_68 {offsets = [8], sizes = [1], strides = [1]} : vector<16xi32> to vector<1xi32>
      %squeeze3A_246 = vector.extract %slice3A_245[0] : i32 from vector<1xi32>
      %swap3A_247 = arith.index_cast %squeeze3A_246 : i32 to index
      %swap3A_248 = arith.index_cast %multiple_of3A : i32 to index
      %swap3A_249 = tpu.vector_load %arg5[%swap3A_247, %swap3A_248] {strides = array<i32>} : memref<504x128xf32, #tpu.memory_space<vmem>>, vector<1x16xf32>,
      %swap3A_250 = vector.shape_cast %swap3A_249 : vector<1x16xf32> to vector<16xf32>
      %swap3A_251 = vector.shape_cast %select_n3A_244 : vector<16xf32> to vector<1x16xf32>
      tpu.vector_store %arg5[%swap3A_247, %swap3A_248], %swap3A_251 {strides = array<i32>} : memref<504x128xf32, #tpu.memory_space<vmem>>, vector<1x16xf32>,
      %slice3A_252 = vector.extract_strided_slice %min3A_68 {offsets = [9], sizes = [1], strides = [1]} : vector<16xi32> to vector<1xi32>
      %squeeze3A_253 = vector.extract %slice3A_252[0] : i32 from vector<1xi32>
      %get3A_254 = arith.index_cast %squeeze3A_253 : i32 to index
      %get3A_255 = arith.index_cast %multiple_of3A : i32 to index
      %get3A_256 = tpu.vector_load %arg5[%get3A_254, %get3A_255] {strides = array<i32>} : memref<504x128xf32, #tpu.memory_space<vmem>>, vector<1x16xf32>,
      %get3A_257 = vector.shape_cast %get3A_256 : vector<1x16xf32> to vector<16xf32>
      %slice3A_258 = vector.extract_strided_slice %select_n3A {offsets = [9], sizes = [1], strides = [1]} : vector<16xi32> to vector<1xi32>
      %squeeze3A_259 = vector.extract %slice3A_258[0] : i32 from vector<1xi32>
      %eq3A_260 = vector.broadcast %squeeze3A_259 : i32 to vector<16xi32>
      %eq3A_261 = arith.cmpi eq, %iota3A, %eq3A_260 : vector<16xi32>
      %jit3A_262 = arith.constant 0.000000e+00 : f32
      %broadcast_in_dim3A_263 = vector.broadcast %jit3A_262 : f32 to vector<16xf32>
      %select_n3A_264 = arith.select %eq3A_261, %broadcast_in_dim3A_263, %get3A_257 : vector<16xi1>, vector<16xf32>
      %slice3A_265 = vector.extract_strided_slice %min3A_68 {offsets = [9], sizes = [1], strides = [1]} : vector<16xi32> to vector<1xi32>
      %squeeze3A_266 = vector.extract %slice3A_265[0] : i32 from vector<1xi32>
      %swap3A_267 = arith.index_cast %squeeze3A_266 : i32 to index
      %swap3A_268 = arith.index_cast %multiple_of3A : i32 to index
      %swap3A_269 = tpu.vector_load %arg5[%swap3A_267, %swap3A_268] {strides = array<i32>} : memref<504x128xf32, #tpu.memory_space<vmem>>, vector<1x16xf32>,
      %swap3A_270 = vector.shape_cast %swap3A_269 : vector<1x16xf32> to vector<16xf32>
      %swap3A_271 = vector.shape_cast %select_n3A_264 : vector<16xf32> to vector<1x16xf32>
      tpu.vector_store %arg5[%swap3A_267, %swap3A_268], %swap3A_271 {strides = array<i32>} : memref<504x128xf32, #tpu.memory_space<vmem>>, vector<1x16xf32>,
      %slice3A_272 = vector.extract_strided_slice %min3A_68 {offsets = [10], sizes = [1], strides = [1]} : vector<16xi32> to vector<1xi32>
      %squeeze3A_273 = vector.extract %slice3A_272[0] : i32 from vector<1xi32>
      %get3A_274 = arith.index_cast %squeeze3A_273 : i32 to index
      %get3A_275 = arith.index_cast %multiple_of3A : i32 to index
      %get3A_276 = tpu.vector_load %arg5[%get3A_274, %get3A_275] {strides = array<i32>} : memref<504x128xf32, #tpu.memory_space<vmem>>, vector<1x16xf32>,
      %get3A_277 = vector.shape_cast %get3A_276 : vector<1x16xf32> to vector<16xf32>
      %slice3A_278 = vector.extract_strided_slice %select_n3A {offsets = [10], sizes = [1], strides = [1]} : vector<16xi32> to vector<1xi32>
      %squeeze3A_279 = vector.extract %slice3A_278[0] : i32 from vector<1xi32>
      %eq3A_280 = vector.broadcast %squeeze3A_279 : i32 to vector<16xi32>
      %eq3A_281 = arith.cmpi eq, %iota3A, %eq3A_280 : vector<16xi32>
      %jit3A_282 = arith.constant 0.000000e+00 : f32
      %broadcast_in_dim3A_283 = vector.broadcast %jit3A_282 : f32 to vector<16xf32>
      %select_n3A_284 = arith.select %eq3A_281, %broadcast_in_dim3A_283, %get3A_277 : vector<16xi1>, vector<16xf32>
      %slice3A_285 = vector.extract_strided_slice %min3A_68 {offsets = [10], sizes = [1], strides = [1]} : vector<16xi32> to vector<1xi32>
      %squeeze3A_286 = vector.extract %slice3A_285[0] : i32 from vector<1xi32>
      %swap3A_287 = arith.index_cast %squeeze3A_286 : i32 to index
      %swap3A_288 = arith.index_cast %multiple_of3A : i32 to index
      %swap3A_289 = tpu.vector_load %arg5[%swap3A_287, %swap3A_288] {strides = array<i32>} : memref<504x128xf32, #tpu.memory_space<vmem>>, vector<1x16xf32>,
      %swap3A_290 = vector.shape_cast %swap3A_289 : vector<1x16xf32> to vector<16xf32>
      %swap3A_291 = vector.shape_cast %select_n3A_284 : vector<16xf32> to vector<1x16xf32>
      tpu.vector_store %arg5[%swap3A_287, %swap3A_288], %swap3A_291 {strides = array<i32>} : memref<504x128xf32, #tpu.memory_space<vmem>>, vector<1x16xf32>,
      %slice3A_292 = vector.extract_strided_slice %min3A_68 {offsets = [11], sizes = [1], strides = [1]} : vector<16xi32> to vector<1xi32>
      %squeeze3A_293 = vector.extract %slice3A_292[0] : i32 from vector<1xi32>
      %get3A_294 = arith.index_cast %squeeze3A_293 : i32 to index
      %get3A_295 = arith.index_cast %multiple_of3A : i32 to index
      %get3A_296 = tpu.vector_load %arg5[%get3A_294, %get3A_295] {strides = array<i32>} : memref<504x128xf32, #tpu.memory_space<vmem>>, vector<1x16xf32>,
      %get3A_297 = vector.shape_cast %get3A_296 : vector<1x16xf32> to vector<16xf32>
      %slice3A_298 = vector.extract_strided_slice %select_n3A {offsets = [11], sizes = [1], strides = [1]} : vector<16xi32> to vector<1xi32>
      %squeeze3A_299 = vector.extract %slice3A_298[0] : i32 from vector<1xi32>
      %eq3A_300 = vector.broadcast %squeeze3A_299 : i32 to vector<16xi32>
      %eq3A_301 = arith.cmpi eq, %iota3A, %eq3A_300 : vector<16xi32>
      %jit3A_302 = arith.constant 0.000000e+00 : f32
      %broadcast_in_dim3A_303 = vector.broadcast %jit3A_302 : f32 to vector<16xf32>
      %select_n3A_304 = arith.select %eq3A_301, %broadcast_in_dim3A_303, %get3A_297 : vector<16xi1>, vector<16xf32>
      %slice3A_305 = vector.extract_strided_slice %min3A_68 {offsets = [11], sizes = [1], strides = [1]} : vector<16xi32> to vector<1xi32>
      %squeeze3A_306 = vector.extract %slice3A_305[0] : i32 from vector<1xi32>
      %swap3A_307 = arith.index_cast %squeeze3A_306 : i32 to index
      %swap3A_308 = arith.index_cast %multiple_of3A : i32 to index
      %swap3A_309 = tpu.vector_load %arg5[%swap3A_307, %swap3A_308] {strides = array<i32>} : memref<504x128xf32, #tpu.memory_space<vmem>>, vector<1x16xf32>,
      %swap3A_310 = vector.shape_cast %swap3A_309 : vector<1x16xf32> to vector<16xf32>
      %swap3A_311 = vector.shape_cast %select_n3A_304 : vector<16xf32> to vector<1x16xf32>
      tpu.vector_store %arg5[%swap3A_307, %swap3A_308], %swap3A_311 {strides = array<i32>} : memref<504x128xf32, #tpu.memory_space<vmem>>, vector<1x16xf32>,
      %slice3A_312 = vector.extract_strided_slice %min3A_68 {offsets = [12], sizes = [1], strides = [1]} : vector<16xi32> to vector<1xi32>
      %squeeze3A_313 = vector.extract %slice3A_312[0] : i32 from vector<1xi32>
      %get3A_314 = arith.index_cast %squeeze3A_313 : i32 to index
      %get3A_315 = arith.index_cast %multiple_of3A : i32 to index
      %get3A_316 = tpu.vector_load %arg5[%get3A_314, %get3A_315] {strides = array<i32>} : memref<504x128xf32, #tpu.memory_space<vmem>>, vector<1x16xf32>,
      %get3A_317 = vector.shape_cast %get3A_316 : vector<1x16xf32> to vector<16xf32>
      %slice3A_318 = vector.extract_strided_slice %select_n3A {offsets = [12], sizes = [1], strides = [1]} : vector<16xi32> to vector<1xi32>
      %squeeze3A_319 = vector.extract %slice3A_318[0] : i32 from vector<1xi32>
      %eq3A_320 = vector.broadcast %squeeze3A_319 : i32 to vector<16xi32>
      %eq3A_321 = arith.cmpi eq, %iota3A, %eq3A_320 : vector<16xi32>
      %jit3A_322 = arith.constant 0.000000e+00 : f32
      %broadcast_in_dim3A_323 = vector.broadcast %jit3A_322 : f32 to vector<16xf32>
      %select_n3A_324 = arith.select %eq3A_321, %broadcast_in_dim3A_323, %get3A_317 : vector<16xi1>, vector<16xf32>
      %slice3A_325 = vector.extract_strided_slice %min3A_68 {offsets = [12], sizes = [1], strides = [1]} : vector<16xi32> to vector<1xi32>
      %squeeze3A_326 = vector.extract %slice3A_325[0] : i32 from vector<1xi32>
      %swap3A_327 = arith.index_cast %squeeze3A_326 : i32 to index
      %swap3A_328 = arith.index_cast %multiple_of3A : i32 to index
      %swap3A_329 = tpu.vector_load %arg5[%swap3A_327, %swap3A_328] {strides = array<i32>} : memref<504x128xf32, #tpu.memory_space<vmem>>, vector<1x16xf32>,
      %swap3A_330 = vector.shape_cast %swap3A_329 : vector<1x16xf32> to vector<16xf32>
      %swap3A_331 = vector.shape_cast %select_n3A_324 : vector<16xf32> to vector<1x16xf32>
      tpu.vector_store %arg5[%swap3A_327, %swap3A_328], %swap3A_331 {strides = array<i32>} : memref<504x128xf32, #tpu.memory_space<vmem>>, vector<1x16xf32>,
      %slice3A_332 = vector.extract_strided_slice %min3A_68 {offsets = [13], sizes = [1], strides = [1]} : vector<16xi32> to vector<1xi32>
      %squeeze3A_333 = vector.extract %slice3A_332[0] : i32 from vector<1xi32>
      %get3A_334 = arith.index_cast %squeeze3A_333 : i32 to index
      %get3A_335 = arith.index_cast %multiple_of3A : i32 to index
      %get3A_336 = tpu.vector_load %arg5[%get3A_334, %get3A_335] {strides = array<i32>} : memref<504x128xf32, #tpu.memory_space<vmem>>, vector<1x16xf32>,
      %get3A_337 = vector.shape_cast %get3A_336 : vector<1x16xf32> to vector<16xf32>
      %slice3A_338 = vector.extract_strided_slice %select_n3A {offsets = [13], sizes = [1], strides = [1]} : vector<16xi32> to vector<1xi32>
      %squeeze3A_339 = vector.extract %slice3A_338[0] : i32 from vector<1xi32>
      %eq3A_340 = vector.broadcast %squeeze3A_339 : i32 to vector<16xi32>
      %eq3A_341 = arith.cmpi eq, %iota3A, %eq3A_340 : vector<16xi32>
      %jit3A_342 = arith.constant 0.000000e+00 : f32
      %broadcast_in_dim3A_343 = vector.broadcast %jit3A_342 : f32 to vector<16xf32>
      %select_n3A_344 = arith.select %eq3A_341, %broadcast_in_dim3A_343, %get3A_337 : vector<16xi1>, vector<16xf32>
      %slice3A_345 = vector.extract_strided_slice %min3A_68 {offsets = [13], sizes = [1], strides = [1]} : vector<16xi32> to vector<1xi32>
      %squeeze3A_346 = vector.extract %slice3A_345[0] : i32 from vector<1xi32>
      %swap3A_347 = arith.index_cast %squeeze3A_346 : i32 to index
      %swap3A_348 = arith.index_cast %multiple_of3A : i32 to index
      %swap3A_349 = tpu.vector_load %arg5[%swap3A_347, %swap3A_348] {strides = array<i32>} : memref<504x128xf32, #tpu.memory_space<vmem>>, vector<1x16xf32>,
      %swap3A_350 = vector.shape_cast %swap3A_349 : vector<1x16xf32> to vector<16xf32>
      %swap3A_351 = vector.shape_cast %select_n3A_344 : vector<16xf32> to vector<1x16xf32>
      tpu.vector_store %arg5[%swap3A_347, %swap3A_348], %swap3A_351 {strides = array<i32>} : memref<504x128xf32, #tpu.memory_space<vmem>>, vector<1x16xf32>,
      %slice3A_352 = vector.extract_strided_slice %min3A_68 {offsets = [14], sizes = [1], strides = [1]} : vector<16xi32> to vector<1xi32>
      %squeeze3A_353 = vector.extract %slice3A_352[0] : i32 from vector<1xi32>
      %get3A_354 = arith.index_cast %squeeze3A_353 : i32 to index
      %get3A_355 = arith.index_cast %multiple_of3A : i32 to index
      %get3A_356 = tpu.vector_load %arg5[%get3A_354, %get3A_355] {strides = array<i32>} : memref<504x128xf32, #tpu.memory_space<vmem>>, vector<1x16xf32>,
      %get3A_357 = vector.shape_cast %get3A_356 : vector<1x16xf32> to vector<16xf32>
      %slice3A_358 = vector.extract_strided_slice %select_n3A {offsets = [14], sizes = [1], strides = [1]} : vector<16xi32> to vector<1xi32>
      %squeeze3A_359 = vector.extract %slice3A_358[0] : i32 from vector<1xi32>
      %eq3A_360 = vector.broadcast %squeeze3A_359 : i32 to vector<16xi32>
      %eq3A_361 = arith.cmpi eq, %iota3A, %eq3A_360 : vector<16xi32>
      %jit3A_362 = arith.constant 0.000000e+00 : f32
      %broadcast_in_dim3A_363 = vector.broadcast %jit3A_362 : f32 to vector<16xf32>
      %select_n3A_364 = arith.select %eq3A_361, %broadcast_in_dim3A_363, %get3A_357 : vector<16xi1>, vector<16xf32>
      %slice3A_365 = vector.extract_strided_slice %min3A_68 {offsets = [14], sizes = [1], strides = [1]} : vector<16xi32> to vector<1xi32>
      %squeeze3A_366 = vector.extract %slice3A_365[0] : i32 from vector<1xi32>
      %swap3A_367 = arith.index_cast %squeeze3A_366 : i32 to index
      %swap3A_368 = arith.index_cast %multiple_of3A : i32 to index
      %swap3A_369 = tpu.vector_load %arg5[%swap3A_367, %swap3A_368] {strides = array<i32>} : memref<504x128xf32, #tpu.memory_space<vmem>>, vector<1x16xf32>,
      %swap3A_370 = vector.shape_cast %swap3A_369 : vector<1x16xf32> to vector<16xf32>
      %swap3A_371 = vector.shape_cast %select_n3A_364 : vector<16xf32> to vector<1x16xf32>
      tpu.vector_store %arg5[%swap3A_367, %swap3A_368], %swap3A_371 {strides = array<i32>} : memref<504x128xf32, #tpu.memory_space<vmem>>, vector<1x16xf32>,
      %slice3A_372 = vector.extract_strided_slice %min3A_68 {offsets = [15], sizes = [1], strides = [1]} : vector<16xi32> to vector<1xi32>
      %squeeze3A_373 = vector.extract %slice3A_372[0] : i32 from vector<1xi32>
      %get3A_374 = arith.index_cast %squeeze3A_373 : i32 to index
      %get3A_375 = arith.index_cast %multiple_of3A : i32 to index
      %get3A_376 = tpu.vector_load %arg5[%get3A_374, %get3A_375] {strides = array<i32>} : memref<504x128xf32, #tpu.memory_space<vmem>>, vector<1x16xf32>,
      %get3A_377 = vector.shape_cast %get3A_376 : vector<1x16xf32> to vector<16xf32>
      %slice3A_378 = vector.extract_strided_slice %select_n3A {offsets = [15], sizes = [1], strides = [1]} : vector<16xi32> to vector<1xi32>
      %squeeze3A_379 = vector.extract %slice3A_378[0] : i32 from vector<1xi32>
      %eq3A_380 = vector.broadcast %squeeze3A_379 : i32 to vector<16xi32>
      %eq3A_381 = arith.cmpi eq, %iota3A, %eq3A_380 : vector<16xi32>
      %jit3A_382 = arith.constant 0.000000e+00 : f32
      %broadcast_in_dim3A_383 = vector.broadcast %jit3A_382 : f32 to vector<16xf32>
      %select_n3A_384 = arith.select %eq3A_381, %broadcast_in_dim3A_383, %get3A_377 : vector<16xi1>, vector<16xf32>
      %slice3A_385 = vector.extract_strided_slice %min3A_68 {offsets = [15], sizes = [1], strides = [1]} : vector<16xi32> to vector<1xi32>
      %squeeze3A_386 = vector.extract %slice3A_385[0] : i32 from vector<1xi32>
      %swap3A_387 = arith.index_cast %squeeze3A_386 : i32 to index
      %swap3A_388 = arith.index_cast %multiple_of3A : i32 to index
      %swap3A_389 = tpu.vector_load %arg5[%swap3A_387, %swap3A_388] {strides = array<i32>} : memref<504x128xf32, #tpu.memory_space<vmem>>, vector<1x16xf32>,
      %swap3A_390 = vector.shape_cast %swap3A_389 : vector<1x16xf32> to vector<16xf32>
      %swap3A_391 = vector.shape_cast %select_n3A_384 : vector<16xf32> to vector<1x16xf32>
      tpu.vector_store %arg5[%swap3A_387, %swap3A_388], %swap3A_391 {strides = array<i32>} : memref<504x128xf32, #tpu.memory_space<vmem>>, vector<1x16xf32>,
    }
    %scan3A_34 = arith.constant 8 : i32
    %add3A_35 = arith.constant 0 : i32
    %add3A_36 = arith.addi %mul3A_2, %add3A_35 : i32
    %dma_start3A_37 = arith.constant 496 : i32
    %dma_start3A_38 = tpu.memref_slice %arg3[%dma_start3A_37, %add3A_36] : memref<1000x16384xf32, #tpu.memory_space<hbm>> -> memref<504x128xf32, #tpu.memory_space<hbm>>
    %dma_start3A_39 = arith.constant 496 : i32
    %dma_start3A_40 = tpu.memref_slice %arg3[%dma_start3A_39, %add3A_36] : memref<1000x16384xf32, #tpu.memory_space<hbm>> -> memref<504x128xf32, #tpu.memory_space<hbm>>
    tpu.enqueue_dma source(%arg5 : memref<504x128xf32, #tpu.memory_space<vmem>>) target(%dma_start3A_40 : memref<504x128xf32, #tpu.memory_space<hbm>>) target_semaphore(%arg8 : memref<!tpu.dma_semaphore, #tpu.memory_space<semaphore_mem>>)
    %scan3A_41 = arith.constant 0 : i32
    %scan3A_42 = arith.constant 1 : i32
    %scan3A_43 = arith.constant 3 : i32
    %scan3A_44 = arith.addi %scan3A_42, %scan3A_43 : i32
    %scan3A_45 = arith.constant 1 : i32
    scf.for %scan3A_55 = %scan3A_42 to %scan3A_44 step %scan3A_45  : i32 {
      %dma_wait3A_56 = arith.constant 0 : i32
      %dma_wait3A_57 = tpu.memref_slice %arg3[%dma_wait3A_56, %mul3A_2] : memref<1000x16384xf32, #tpu.memory_space<hbm>> -> memref<496x128xf32, #tpu.memory_space<hbm>>
      %dma_wait3A_58 = arith.constant 0 : i32
      %dma_wait3A_59 = tpu.memref_slice %arg3[%dma_wait3A_58, %mul3A_2] : memref<1000x16384xf32, #tpu.memory_space<hbm>> -> memref<496x128xf32, #tpu.memory_space<hbm>>
      tpu.wait_dma2 semaphore(%arg7 : memref<!tpu.dma_semaphore, #tpu.memory_space<semaphore_mem>>) src(%arg4 : memref<496x128xf32, #tpu.memory_space<vmem>>) dst(%dma_wait3A_59 : memref<496x128xf32, #tpu.memory_space<hbm>>)
      %sub3A = arith.constant 1 : i32
      %sub3A_60 = arith.subi %scan3A_55, %sub3A : i32
      %scan3A_61 = arith.constant 0 : i32
      %scan3A_62 = arith.constant 0 : i32
      %scan3A_63 = arith.constant 8 : i32
      %scan3A_64 = arith.addi %scan3A_62, %scan3A_63 : i32
      %scan3A_65 = arith.constant 1 : i32
      scf.for %scan3A_105 = %scan3A_62 to %scan3A_64 step %scan3A_65  : i32 {
        %mul3A_106 = arith.constant 128 : i32
        %mul3A_107 = arith.muli %sub3A_60, %mul3A_106 : i32
        %mul3A_108 = arith.constant 16 : i32
        %mul3A_109 = arith.muli %scan3A_105, %mul3A_108 : i32
        %add3A_110 = arith.addi %mul3A_107, %mul3A_109 : i32
        %get3A = arith.index_cast %add3A_110 : i32 to index
        %get3A_111 = tpu.vector_load %arg6[%get3A] {strides = array<i32>} : memref<512xi32, #tpu.memory_space<vmem>>, vector<16xi32>,
        %get3A_112 = vector.shape_cast %get3A_111 : vector<16xi32> to vector<16xi32>
        %mul3A_113 = arith.constant 16 : i32
        %mul3A_114 = arith.muli %scan3A_105, %mul3A_113 : i32
        %multiple_of3A = tpu.assume_multiple %mul3A_114, 16 : i32
        %sub3A_115 = arith.constant 0 : i32
        %sub3A_116 = vector.broadcast %sub3A_115 : i32 to vector<16xi32>
        %sub3A_117 = arith.subi %get3A_112, %sub3A_116 : vector<16xi32>
        %jit3A = arith.constant 0 : i32
        %jit3A_118 = arith.constant 495 : i32
        %max3A = vector.broadcast %jit3A : i32 to vector<16xi32>
        %max3A_119 = arith.maxsi %max3A, %sub3A_117 : vector<16xi32>
        %min3A = vector.broadcast %jit3A_118 : i32 to vector<16xi32>
        %min3A_120 = arith.minsi %min3A, %max3A_119 : vector<16xi32>
        %sub3A_121 = arith.constant 0 : i32
        %sub3A_122 = vector.broadcast %sub3A_121 : i32 to vector<16xi32>
        %sub3A_123 = arith.subi %get3A_112, %sub3A_122 : vector<16xi32>
        %lt3A = arith.constant 496 : i32
        %lt3A_124 = vector.broadcast %lt3A : i32 to vector<16xi32>
        %lt3A_125 = arith.cmpi ult, %sub3A_123, %lt3A_124 : vector<16xi32>
        %jit3A_126 = arith.constant -1 : i32
        %broadcast_in_dim3A_127 = vector.broadcast %jit3A_126 : i32 to vector<16xi32>
        %select_n3A = arith.select %lt3A_125, %iota3A, %broadcast_in_dim3A_127 : vector<16xi1>, vector<16xi32>
        %slice3A = vector.extract_strided_slice %min3A_120 {offsets = [0], sizes = [1], strides = [1]} : vector<16xi32> to vector<1xi32>
        %squeeze3A = vector.extract %slice3A[0] : i32 from vector<1xi32>
        %get3A_128 = arith.index_cast %squeeze3A : i32 to index
        %get3A_129 = arith.index_cast %multiple_of3A : i32 to index
        %get3A_130 = tpu.vector_load %arg4[%get3A_128, %get3A_129] {strides = array<i32>} : memref<496x128xf32, #tpu.memory_space<vmem>>, vector<1x16xf32>,
        %get3A_131 = vector.shape_cast %get3A_130 : vector<1x16xf32> to vector<16xf32>
        %slice3A_132 = vector.extract_strided_slice %select_n3A {offsets = [0], sizes = [1], strides = [1]} : vector<16xi32> to vector<1xi32>
        %squeeze3A_133 = vector.extract %slice3A_132[0] : i32 from vector<1xi32>
        %eq3A = vector.broadcast %squeeze3A_133 : i32 to vector<16xi32>
        %eq3A_134 = arith.cmpi eq, %iota3A, %eq3A : vector<16xi32>
        %jit3A_135 = arith.constant 0.00100100099 : f32
        %broadcast_in_dim3A_136 = vector.broadcast %jit3A_135 : f32 to vector<16xf32>
        %select_n3A_137 = arith.select %eq3A_134, %broadcast_in_dim3A_136, %get3A_131 : vector<16xi1>, vector<16xf32>
        %slice3A_138 = vector.extract_strided_slice %min3A_120 {offsets = [0], sizes = [1], strides = [1]} : vector<16xi32> to vector<1xi32>
        %squeeze3A_139 = vector.extract %slice3A_138[0] : i32 from vector<1xi32>
        %swap3A = arith.index_cast %squeeze3A_139 : i32 to index
        %swap3A_140 = arith.index_cast %multiple_of3A : i32 to index
        %swap3A_141 = tpu.vector_load %arg4[%swap3A, %swap3A_140] {strides = array<i32>} : memref<496x128xf32, #tpu.memory_space<vmem>>, vector<1x16xf32>,
        %swap3A_142 = vector.shape_cast %swap3A_141 : vector<1x16xf32> to vector<16xf32>
        %swap3A_143 = vector.shape_cast %select_n3A_137 : vector<16xf32> to vector<1x16xf32>
        tpu.vector_store %arg4[%swap3A, %swap3A_140], %swap3A_143 {strides = array<i32>} : memref<496x128xf32, #tpu.memory_space<vmem>>, vector<1x16xf32>,
        %slice3A_144 = vector.extract_strided_slice %min3A_120 {offsets = [1], sizes = [1], strides = [1]} : vector<16xi32> to vector<1xi32>
        %squeeze3A_145 = vector.extract %slice3A_144[0] : i32 from vector<1xi32>
        %get3A_146 = arith.index_cast %squeeze3A_145 : i32 to index
        %get3A_147 = arith.index_cast %multiple_of3A : i32 to index
        %get3A_148 = tpu.vector_load %arg4[%get3A_146, %get3A_147] {strides = array<i32>} : memref<496x128xf32, #tpu.memory_space<vmem>>, vector<1x16xf32>,
        %get3A_149 = vector.shape_cast %get3A_148 : vector<1x16xf32> to vector<16xf32>
        %slice3A_150 = vector.extract_strided_slice %select_n3A {offsets = [1], sizes = [1], strides = [1]} : vector<16xi32> to vector<1xi32>
        %squeeze3A_151 = vector.extract %slice3A_150[0] : i32 from vector<1xi32>
        %eq3A_152 = vector.broadcast %squeeze3A_151 : i32 to vector<16xi32>
        %eq3A_153 = arith.cmpi eq, %iota3A, %eq3A_152 : vector<16xi32>
        %jit3A_154 = arith.constant 0.00100100099 : f32
        %broadcast_in_dim3A_155 = vector.broadcast %jit3A_154 : f32 to vector<16xf32>
        %select_n3A_156 = arith.select %eq3A_153, %broadcast_in_dim3A_155, %get3A_149 : vector<16xi1>, vector<16xf32>
        %slice3A_157 = vector.extract_strided_slice %min3A_120 {offsets = [1], sizes = [1], strides = [1]} : vector<16xi32> to vector<1xi32>
        %squeeze3A_158 = vector.extract %slice3A_157[0] : i32 from vector<1xi32>
        %swap3A_159 = arith.index_cast %squeeze3A_158 : i32 to index
        %swap3A_160 = arith.index_cast %multiple_of3A : i32 to index
        %swap3A_161 = tpu.vector_load %arg4[%swap3A_159, %swap3A_160] {strides = array<i32>} : memref<496x128xf32, #tpu.memory_space<vmem>>, vector<1x16xf32>,
        %swap3A_162 = vector.shape_cast %swap3A_161 : vector<1x16xf32> to vector<16xf32>
        %swap3A_163 = vector.shape_cast %select_n3A_156 : vector<16xf32> to vector<1x16xf32>
        tpu.vector_store %arg4[%swap3A_159, %swap3A_160], %swap3A_163 {strides = array<i32>} : memref<496x128xf32, #tpu.memory_space<vmem>>, vector<1x16xf32>,
        %slice3A_164 = vector.extract_strided_slice %min3A_120 {offsets = [2], sizes = [1], strides = [1]} : vector<16xi32> to vector<1xi32>
        %squeeze3A_165 = vector.extract %slice3A_164[0] : i32 from vector<1xi32>
        %get3A_166 = arith.index_cast %squeeze3A_165 : i32 to index
        %get3A_167 = arith.index_cast %multiple_of3A : i32 to index
        %get3A_168 = tpu.vector_load %arg4[%get3A_166, %get3A_167] {strides = array<i32>} : memref<496x128xf32, #tpu.memory_space<vmem>>, vector<1x16xf32>,
        %get3A_169 = vector.shape_cast %get3A_168 : vector<1x16xf32> to vector<16xf32>
        %slice3A_170 = vector.extract_strided_slice %select_n3A {offsets = [2], sizes = [1], strides = [1]} : vector<16xi32> to vector<1xi32>
        %squeeze3A_171 = vector.extract %slice3A_170[0] : i32 from vector<1xi32>
        %eq3A_172 = vector.broadcast %squeeze3A_171 : i32 to vector<16xi32>
        %eq3A_173 = arith.cmpi eq, %iota3A, %eq3A_172 : vector<16xi32>
        %jit3A_174 = arith.constant 0.00100100099 : f32
        %broadcast_in_dim3A_175 = vector.broadcast %jit3A_174 : f32 to vector<16xf32>
        %select_n3A_176 = arith.select %eq3A_173, %broadcast_in_dim3A_175, %get3A_169 : vector<16xi1>, vector<16xf32>
        %slice3A_177 = vector.extract_strided_slice %min3A_120 {offsets = [2], sizes = [1], strides = [1]} : vector<16xi32> to vector<1xi32>
        %squeeze3A_178 = vector.extract %slice3A_177[0] : i32 from vector<1xi32>
        %swap3A_179 = arith.index_cast %squeeze3A_178 : i32 to index
        %swap3A_180 = arith.index_cast %multiple_of3A : i32 to index
        %swap3A_181 = tpu.vector_load %arg4[%swap3A_179, %swap3A_180] {strides = array<i32>} : memref<496x128xf32, #tpu.memory_space<vmem>>, vector<1x16xf32>,
        %swap3A_182 = vector.shape_cast %swap3A_181 : vector<1x16xf32> to vector<16xf32>
        %swap3A_183 = vector.shape_cast %select_n3A_176 : vector<16xf32> to vector<1x16xf32>
        tpu.vector_store %arg4[%swap3A_179, %swap3A_180], %swap3A_183 {strides = array<i32>} : memref<496x128xf32, #tpu.memory_space<vmem>>, vector<1x16xf32>,
        %slice3A_184 = vector.extract_strided_slice %min3A_120 {offsets = [3], sizes = [1], strides = [1]} : vector<16xi32> to vector<1xi32>
        %squeeze3A_185 = vector.extract %slice3A_184[0] : i32 from vector<1xi32>
        %get3A_186 = arith.index_cast %squeeze3A_185 : i32 to index
        %get3A_187 = arith.index_cast %multiple_of3A : i32 to index
        %get3A_188 = tpu.vector_load %arg4[%get3A_186, %get3A_187] {strides = array<i32>} : memref<496x128xf32, #tpu.memory_space<vmem>>, vector<1x16xf32>,
        %get3A_189 = vector.shape_cast %get3A_188 : vector<1x16xf32> to vector<16xf32>
        %slice3A_190 = vector.extract_strided_slice %select_n3A {offsets = [3], sizes = [1], strides = [1]} : vector<16xi32> to vector<1xi32>
        %squeeze3A_191 = vector.extract %slice3A_190[0] : i32 from vector<1xi32>
        %eq3A_192 = vector.broadcast %squeeze3A_191 : i32 to vector<16xi32>
        %eq3A_193 = arith.cmpi eq, %iota3A, %eq3A_192 : vector<16xi32>
        %jit3A_194 = arith.constant 0.00100100099 : f32
        %broadcast_in_dim3A_195 = vector.broadcast %jit3A_194 : f32 to vector<16xf32>
        %select_n3A_196 = arith.select %eq3A_193, %broadcast_in_dim3A_195, %get3A_189 : vector<16xi1>, vector<16xf32>
        %slice3A_197 = vector.extract_strided_slice %min3A_120 {offsets = [3], sizes = [1], strides = [1]} : vector<16xi32> to vector<1xi32>
        %squeeze3A_198 = vector.extract %slice3A_197[0] : i32 from vector<1xi32>
        %swap3A_199 = arith.index_cast %squeeze3A_198 : i32 to index
        %swap3A_200 = arith.index_cast %multiple_of3A : i32 to index
        %swap3A_201 = tpu.vector_load %arg4[%swap3A_199, %swap3A_200] {strides = array<i32>} : memref<496x128xf32, #tpu.memory_space<vmem>>, vector<1x16xf32>,
        %swap3A_202 = vector.shape_cast %swap3A_201 : vector<1x16xf32> to vector<16xf32>
        %swap3A_203 = vector.shape_cast %select_n3A_196 : vector<16xf32> to vector<1x16xf32>
        tpu.vector_store %arg4[%swap3A_199, %swap3A_200], %swap3A_203 {strides = array<i32>} : memref<496x128xf32, #tpu.memory_space<vmem>>, vector<1x16xf32>,
        %slice3A_204 = vector.extract_strided_slice %min3A_120 {offsets = [4], sizes = [1], strides = [1]} : vector<16xi32> to vector<1xi32>
        %squeeze3A_205 = vector.extract %slice3A_204[0] : i32 from vector<1xi32>
        %get3A_206 = arith.index_cast %squeeze3A_205 : i32 to index
        %get3A_207 = arith.index_cast %multiple_of3A : i32 to index
        %get3A_208 = tpu.vector_load %arg4[%get3A_206, %get3A_207] {strides = array<i32>} : memref<496x128xf32, #tpu.memory_space<vmem>>, vector<1x16xf32>,
        %get3A_209 = vector.shape_cast %get3A_208 : vector<1x16xf32> to vector<16xf32>
        %slice3A_210 = vector.extract_strided_slice %select_n3A {offsets = [4], sizes = [1], strides = [1]} : vector<16xi32> to vector<1xi32>
        %squeeze3A_211 = vector.extract %slice3A_210[0] : i32 from vector<1xi32>
        %eq3A_212 = vector.broadcast %squeeze3A_211 : i32 to vector<16xi32>
        %eq3A_213 = arith.cmpi eq, %iota3A, %eq3A_212 : vector<16xi32>
        %jit3A_214 = arith.constant 0.00100100099 : f32
        %broadcast_in_dim3A_215 = vector.broadcast %jit3A_214 : f32 to vector<16xf32>
        %select_n3A_216 = arith.select %eq3A_213, %broadcast_in_dim3A_215, %get3A_209 : vector<16xi1>, vector<16xf32>
        %slice3A_217 = vector.extract_strided_slice %min3A_120 {offsets = [4], sizes = [1], strides = [1]} : vector<16xi32> to vector<1xi32>
        %squeeze3A_218 = vector.extract %slice3A_217[0] : i32 from vector<1xi32>
        %swap3A_219 = arith.index_cast %squeeze3A_218 : i32 to index
        %swap3A_220 = arith.index_cast %multiple_of3A : i32 to index
        %swap3A_221 = tpu.vector_load %arg4[%swap3A_219, %swap3A_220] {strides = array<i32>} : memref<496x128xf32, #tpu.memory_space<vmem>>, vector<1x16xf32>,
        %swap3A_222 = vector.shape_cast %swap3A_221 : vector<1x16xf32> to vector<16xf32>
        %swap3A_223 = vector.shape_cast %select_n3A_216 : vector<16xf32> to vector<1x16xf32>
        tpu.vector_store %arg4[%swap3A_219, %swap3A_220], %swap3A_223 {strides = array<i32>} : memref<496x128xf32, #tpu.memory_space<vmem>>, vector<1x16xf32>,
        %slice3A_224 = vector.extract_strided_slice %min3A_120 {offsets = [5], sizes = [1], strides = [1]} : vector<16xi32> to vector<1xi32>
        %squeeze3A_225 = vector.extract %slice3A_224[0] : i32 from vector<1xi32>
        %get3A_226 = arith.index_cast %squeeze3A_225 : i32 to index
        %get3A_227 = arith.index_cast %multiple_of3A : i32 to index
        %get3A_228 = tpu.vector_load %arg4[%get3A_226, %get3A_227] {strides = array<i32>} : memref<496x128xf32, #tpu.memory_space<vmem>>, vector<1x16xf32>,
        %get3A_229 = vector.shape_cast %get3A_228 : vector<1x16xf32> to vector<16xf32>
        %slice3A_230 = vector.extract_strided_slice %select_n3A {offsets = [5], sizes = [1], strides = [1]} : vector<16xi32> to vector<1xi32>
        %squeeze3A_231 = vector.extract %slice3A_230[0] : i32 from vector<1xi32>
        %eq3A_232 = vector.broadcast %squeeze3A_231 : i32 to vector<16xi32>
        %eq3A_233 = arith.cmpi eq, %iota3A, %eq3A_232 : vector<16xi32>
        %jit3A_234 = arith.constant 0.00100100099 : f32
        %broadcast_in_dim3A_235 = vector.broadcast %jit3A_234 : f32 to vector<16xf32>
        %select_n3A_236 = arith.select %eq3A_233, %broadcast_in_dim3A_235, %get3A_229 : vector<16xi1>, vector<16xf32>
        %slice3A_237 = vector.extract_strided_slice %min3A_120 {offsets = [5], sizes = [1], strides = [1]} : vector<16xi32> to vector<1xi32>
        %squeeze3A_238 = vector.extract %slice3A_237[0] : i32 from vector<1xi32>
        %swap3A_239 = arith.index_cast %squeeze3A_238 : i32 to index
        %swap3A_240 = arith.index_cast %multiple_of3A : i32 to index
        %swap3A_241 = tpu.vector_load %arg4[%swap3A_239, %swap3A_240] {strides = array<i32>} : memref<496x128xf32, #tpu.memory_space<vmem>>, vector<1x16xf32>,
        %swap3A_242 = vector.shape_cast %swap3A_241 : vector<1x16xf32> to vector<16xf32>
        %swap3A_243 = vector.shape_cast %select_n3A_236 : vector<16xf32> to vector<1x16xf32>
        tpu.vector_store %arg4[%swap3A_239, %swap3A_240], %swap3A_243 {strides = array<i32>} : memref<496x128xf32, #tpu.memory_space<vmem>>, vector<1x16xf32>,
        %slice3A_244 = vector.extract_strided_slice %min3A_120 {offsets = [6], sizes = [1], strides = [1]} : vector<16xi32> to vector<1xi32>
        %squeeze3A_245 = vector.extract %slice3A_244[0] : i32 from vector<1xi32>
        %get3A_246 = arith.index_cast %squeeze3A_245 : i32 to index
        %get3A_247 = arith.index_cast %multiple_of3A : i32 to index
        %get3A_248 = tpu.vector_load %arg4[%get3A_246, %get3A_247] {strides = array<i32>} : memref<496x128xf32, #tpu.memory_space<vmem>>, vector<1x16xf32>,
        %get3A_249 = vector.shape_cast %get3A_248 : vector<1x16xf32> to vector<16xf32>
        %slice3A_250 = vector.extract_strided_slice %select_n3A {offsets = [6], sizes = [1], strides = [1]} : vector<16xi32> to vector<1xi32>
        %squeeze3A_251 = vector.extract %slice3A_250[0] : i32 from vector<1xi32>
        %eq3A_252 = vector.broadcast %squeeze3A_251 : i32 to vector<16xi32>
        %eq3A_253 = arith.cmpi eq, %iota3A, %eq3A_252 : vector<16xi32>
        %jit3A_254 = arith.constant 0.00100100099 : f32
        %broadcast_in_dim3A_255 = vector.broadcast %jit3A_254 : f32 to vector<16xf32>
        %select_n3A_256 = arith.select %eq3A_253, %broadcast_in_dim3A_255, %get3A_249 : vector<16xi1>, vector<16xf32>
        %slice3A_257 = vector.extract_strided_slice %min3A_120 {offsets = [6], sizes = [1], strides = [1]} : vector<16xi32> to vector<1xi32>
        %squeeze3A_258 = vector.extract %slice3A_257[0] : i32 from vector<1xi32>
        %swap3A_259 = arith.index_cast %squeeze3A_258 : i32 to index
        %swap3A_260 = arith.index_cast %multiple_of3A : i32 to index
        %swap3A_261 = tpu.vector_load %arg4[%swap3A_259, %swap3A_260] {strides = array<i32>} : memref<496x128xf32, #tpu.memory_space<vmem>>, vector<1x16xf32>,
        %swap3A_262 = vector.shape_cast %swap3A_261 : vector<1x16xf32> to vector<16xf32>
        %swap3A_263 = vector.shape_cast %select_n3A_256 : vector<16xf32> to vector<1x16xf32>
        tpu.vector_store %arg4[%swap3A_259, %swap3A_260], %swap3A_263 {strides = array<i32>} : memref<496x128xf32, #tpu.memory_space<vmem>>, vector<1x16xf32>,
        %slice3A_264 = vector.extract_strided_slice %min3A_120 {offsets = [7], sizes = [1], strides = [1]} : vector<16xi32> to vector<1xi32>
        %squeeze3A_265 = vector.extract %slice3A_264[0] : i32 from vector<1xi32>
        %get3A_266 = arith.index_cast %squeeze3A_265 : i32 to index
        %get3A_267 = arith.index_cast %multiple_of3A : i32 to index
        %get3A_268 = tpu.vector_load %arg4[%get3A_266, %get3A_267] {strides = array<i32>} : memref<496x128xf32, #tpu.memory_space<vmem>>, vector<1x16xf32>,
        %get3A_269 = vector.shape_cast %get3A_268 : vector<1x16xf32> to vector<16xf32>
        %slice3A_270 = vector.extract_strided_slice %select_n3A {offsets = [7], sizes = [1], strides = [1]} : vector<16xi32> to vector<1xi32>
        %squeeze3A_271 = vector.extract %slice3A_270[0] : i32 from vector<1xi32>
        %eq3A_272 = vector.broadcast %squeeze3A_271 : i32 to vector<16xi32>
        %eq3A_273 = arith.cmpi eq, %iota3A, %eq3A_272 : vector<16xi32>
        %jit3A_274 = arith.constant 0.00100100099 : f32
        %broadcast_in_dim3A_275 = vector.broadcast %jit3A_274 : f32 to vector<16xf32>
        %select_n3A_276 = arith.select %eq3A_273, %broadcast_in_dim3A_275, %get3A_269 : vector<16xi1>, vector<16xf32>
        %slice3A_277 = vector.extract_strided_slice %min3A_120 {offsets = [7], sizes = [1], strides = [1]} : vector<16xi32> to vector<1xi32>
        %squeeze3A_278 = vector.extract %slice3A_277[0] : i32 from vector<1xi32>
        %swap3A_279 = arith.index_cast %squeeze3A_278 : i32 to index
        %swap3A_280 = arith.index_cast %multiple_of3A : i32 to index
        %swap3A_281 = tpu.vector_load %arg4[%swap3A_279, %swap3A_280] {strides = array<i32>} : memref<496x128xf32, #tpu.memory_space<vmem>>, vector<1x16xf32>,
        %swap3A_282 = vector.shape_cast %swap3A_281 : vector<1x16xf32> to vector<16xf32>
        %swap3A_283 = vector.shape_cast %select_n3A_276 : vector<16xf32> to vector<1x16xf32>
        tpu.vector_store %arg4[%swap3A_279, %swap3A_280], %swap3A_283 {strides = array<i32>} : memref<496x128xf32, #tpu.memory_space<vmem>>, vector<1x16xf32>,
        %slice3A_284 = vector.extract_strided_slice %min3A_120 {offsets = [8], sizes = [1], strides = [1]} : vector<16xi32> to vector<1xi32>
        %squeeze3A_285 = vector.extract %slice3A_284[0] : i32 from vector<1xi32>
        %get3A_286 = arith.index_cast %squeeze3A_285 : i32 to index
        %get3A_287 = arith.index_cast %multiple_of3A : i32 to index
        %get3A_288 = tpu.vector_load %arg4[%get3A_286, %get3A_287] {strides = array<i32>} : memref<496x128xf32, #tpu.memory_space<vmem>>, vector<1x16xf32>,
        %get3A_289 = vector.shape_cast %get3A_288 : vector<1x16xf32> to vector<16xf32>
        %slice3A_290 = vector.extract_strided_slice %select_n3A {offsets = [8], sizes = [1], strides = [1]} : vector<16xi32> to vector<1xi32>
        %squeeze3A_291 = vector.extract %slice3A_290[0] : i32 from vector<1xi32>
        %eq3A_292 = vector.broadcast %squeeze3A_291 : i32 to vector<16xi32>
        %eq3A_293 = arith.cmpi eq, %iota3A, %eq3A_292 : vector<16xi32>
        %jit3A_294 = arith.constant 0.00100100099 : f32
        %broadcast_in_dim3A_295 = vector.broadcast %jit3A_294 : f32 to vector<16xf32>
        %select_n3A_296 = arith.select %eq3A_293, %broadcast_in_dim3A_295, %get3A_289 : vector<16xi1>, vector<16xf32>
        %slice3A_297 = vector.extract_strided_slice %min3A_120 {offsets = [8], sizes = [1], strides = [1]} : vector<16xi32> to vector<1xi32>
        %squeeze3A_298 = vector.extract %slice3A_297[0] : i32 from vector<1xi32>
        %swap3A_299 = arith.index_cast %squeeze3A_298 : i32 to index
        %swap3A_300 = arith.index_cast %multiple_of3A : i32 to index
        %swap3A_301 = tpu.vector_load %arg4[%swap3A_299, %swap3A_300] {strides = array<i32>} : memref<496x128xf32, #tpu.memory_space<vmem>>, vector<1x16xf32>,
        %swap3A_302 = vector.shape_cast %swap3A_301 : vector<1x16xf32> to vector<16xf32>
        %swap3A_303 = vector.shape_cast %select_n3A_296 : vector<16xf32> to vector<1x16xf32>
        tpu.vector_store %arg4[%swap3A_299, %swap3A_300], %swap3A_303 {strides = array<i32>} : memref<496x128xf32, #tpu.memory_space<vmem>>, vector<1x16xf32>,
        %slice3A_304 = vector.extract_strided_slice %min3A_120 {offsets = [9], sizes = [1], strides = [1]} : vector<16xi32> to vector<1xi32>
        %squeeze3A_305 = vector.extract %slice3A_304[0] : i32 from vector<1xi32>
        %get3A_306 = arith.index_cast %squeeze3A_305 : i32 to index
        %get3A_307 = arith.index_cast %multiple_of3A : i32 to index
        %get3A_308 = tpu.vector_load %arg4[%get3A_306, %get3A_307] {strides = array<i32>} : memref<496x128xf32, #tpu.memory_space<vmem>>, vector<1x16xf32>,
        %get3A_309 = vector.shape_cast %get3A_308 : vector<1x16xf32> to vector<16xf32>
        %slice3A_310 = vector.extract_strided_slice %select_n3A {offsets = [9], sizes = [1], strides = [1]} : vector<16xi32> to vector<1xi32>
        %squeeze3A_311 = vector.extract %slice3A_310[0] : i32 from vector<1xi32>
        %eq3A_312 = vector.broadcast %squeeze3A_311 : i32 to vector<16xi32>
        %eq3A_313 = arith.cmpi eq, %iota3A, %eq3A_312 : vector<16xi32>
        %jit3A_314 = arith.constant 0.00100100099 : f32
        %broadcast_in_dim3A_315 = vector.broadcast %jit3A_314 : f32 to vector<16xf32>
        %select_n3A_316 = arith.select %eq3A_313, %broadcast_in_dim3A_315, %get3A_309 : vector<16xi1>, vector<16xf32>
        %slice3A_317 = vector.extract_strided_slice %min3A_120 {offsets = [9], sizes = [1], strides = [1]} : vector<16xi32> to vector<1xi32>
        %squeeze3A_318 = vector.extract %slice3A_317[0] : i32 from vector<1xi32>
        %swap3A_319 = arith.index_cast %squeeze3A_318 : i32 to index
        %swap3A_320 = arith.index_cast %multiple_of3A : i32 to index
        %swap3A_321 = tpu.vector_load %arg4[%swap3A_319, %swap3A_320] {strides = array<i32>} : memref<496x128xf32, #tpu.memory_space<vmem>>, vector<1x16xf32>,
        %swap3A_322 = vector.shape_cast %swap3A_321 : vector<1x16xf32> to vector<16xf32>
        %swap3A_323 = vector.shape_cast %select_n3A_316 : vector<16xf32> to vector<1x16xf32>
        tpu.vector_store %arg4[%swap3A_319, %swap3A_320], %swap3A_323 {strides = array<i32>} : memref<496x128xf32, #tpu.memory_space<vmem>>, vector<1x16xf32>,
        %slice3A_324 = vector.extract_strided_slice %min3A_120 {offsets = [10], sizes = [1], strides = [1]} : vector<16xi32> to vector<1xi32>
        %squeeze3A_325 = vector.extract %slice3A_324[0] : i32 from vector<1xi32>
        %get3A_326 = arith.index_cast %squeeze3A_325 : i32 to index
        %get3A_327 = arith.index_cast %multiple_of3A : i32 to index
        %get3A_328 = tpu.vector_load %arg4[%get3A_326, %get3A_327] {strides = array<i32>} : memref<496x128xf32, #tpu.memory_space<vmem>>, vector<1x16xf32>,
        %get3A_329 = vector.shape_cast %get3A_328 : vector<1x16xf32> to vector<16xf32>
        %slice3A_330 = vector.extract_strided_slice %select_n3A {offsets = [10], sizes = [1], strides = [1]} : vector<16xi32> to vector<1xi32>
        %squeeze3A_331 = vector.extract %slice3A_330[0] : i32 from vector<1xi32>
        %eq3A_332 = vector.broadcast %squeeze3A_331 : i32 to vector<16xi32>
        %eq3A_333 = arith.cmpi eq, %iota3A, %eq3A_332 : vector<16xi32>
        %jit3A_334 = arith.constant 0.00100100099 : f32
        %broadcast_in_dim3A_335 = vector.broadcast %jit3A_334 : f32 to vector<16xf32>
        %select_n3A_336 = arith.select %eq3A_333, %broadcast_in_dim3A_335, %get3A_329 : vector<16xi1>, vector<16xf32>
        %slice3A_337 = vector.extract_strided_slice %min3A_120 {offsets = [10], sizes = [1], strides = [1]} : vector<16xi32> to vector<1xi32>
        %squeeze3A_338 = vector.extract %slice3A_337[0] : i32 from vector<1xi32>
        %swap3A_339 = arith.index_cast %squeeze3A_338 : i32 to index
        %swap3A_340 = arith.index_cast %multiple_of3A : i32 to index
        %swap3A_341 = tpu.vector_load %arg4[%swap3A_339, %swap3A_340] {strides = array<i32>} : memref<496x128xf32, #tpu.memory_space<vmem>>, vector<1x16xf32>,
        %swap3A_342 = vector.shape_cast %swap3A_341 : vector<1x16xf32> to vector<16xf32>
        %swap3A_343 = vector.shape_cast %select_n3A_336 : vector<16xf32> to vector<1x16xf32>
        tpu.vector_store %arg4[%swap3A_339, %swap3A_340], %swap3A_343 {strides = array<i32>} : memref<496x128xf32, #tpu.memory_space<vmem>>, vector<1x16xf32>,
        %slice3A_344 = vector.extract_strided_slice %min3A_120 {offsets = [11], sizes = [1], strides = [1]} : vector<16xi32> to vector<1xi32>
        %squeeze3A_345 = vector.extract %slice3A_344[0] : i32 from vector<1xi32>
        %get3A_346 = arith.index_cast %squeeze3A_345 : i32 to index
        %get3A_347 = arith.index_cast %multiple_of3A : i32 to index
        %get3A_348 = tpu.vector_load %arg4[%get3A_346, %get3A_347] {strides = array<i32>} : memref<496x128xf32, #tpu.memory_space<vmem>>, vector<1x16xf32>,
        %get3A_349 = vector.shape_cast %get3A_348 : vector<1x16xf32> to vector<16xf32>
        %slice3A_350 = vector.extract_strided_slice %select_n3A {offsets = [11], sizes = [1], strides = [1]} : vector<16xi32> to vector<1xi32>
        %squeeze3A_351 = vector.extract %slice3A_350[0] : i32 from vector<1xi32>
        %eq3A_352 = vector.broadcast %squeeze3A_351 : i32 to vector<16xi32>
        %eq3A_353 = arith.cmpi eq, %iota3A, %eq3A_352 : vector<16xi32>
        %jit3A_354 = arith.constant 0.00100100099 : f32
        %broadcast_in_dim3A_355 = vector.broadcast %jit3A_354 : f32 to vector<16xf32>
        %select_n3A_356 = arith.select %eq3A_353, %broadcast_in_dim3A_355, %get3A_349 : vector<16xi1>, vector<16xf32>
        %slice3A_357 = vector.extract_strided_slice %min3A_120 {offsets = [11], sizes = [1], strides = [1]} : vector<16xi32> to vector<1xi32>
        %squeeze3A_358 = vector.extract %slice3A_357[0] : i32 from vector<1xi32>
        %swap3A_359 = arith.index_cast %squeeze3A_358 : i32 to index
        %swap3A_360 = arith.index_cast %multiple_of3A : i32 to index
        %swap3A_361 = tpu.vector_load %arg4[%swap3A_359, %swap3A_360] {strides = array<i32>} : memref<496x128xf32, #tpu.memory_space<vmem>>, vector<1x16xf32>,
        %swap3A_362 = vector.shape_cast %swap3A_361 : vector<1x16xf32> to vector<16xf32>
        %swap3A_363 = vector.shape_cast %select_n3A_356 : vector<16xf32> to vector<1x16xf32>
        tpu.vector_store %arg4[%swap3A_359, %swap3A_360], %swap3A_363 {strides = array<i32>} : memref<496x128xf32, #tpu.memory_space<vmem>>, vector<1x16xf32>,
        %slice3A_364 = vector.extract_strided_slice %min3A_120 {offsets = [12], sizes = [1], strides = [1]} : vector<16xi32> to vector<1xi32>
        %squeeze3A_365 = vector.extract %slice3A_364[0] : i32 from vector<1xi32>
        %get3A_366 = arith.index_cast %squeeze3A_365 : i32 to index
        %get3A_367 = arith.index_cast %multiple_of3A : i32 to index
        %get3A_368 = tpu.vector_load %arg4[%get3A_366, %get3A_367] {strides = array<i32>} : memref<496x128xf32, #tpu.memory_space<vmem>>, vector<1x16xf32>,
        %get3A_369 = vector.shape_cast %get3A_368 : vector<1x16xf32> to vector<16xf32>
        %slice3A_370 = vector.extract_strided_slice %select_n3A {offsets = [12], sizes = [1], strides = [1]} : vector<16xi32> to vector<1xi32>
        %squeeze3A_371 = vector.extract %slice3A_370[0] : i32 from vector<1xi32>
        %eq3A_372 = vector.broadcast %squeeze3A_371 : i32 to vector<16xi32>
        %eq3A_373 = arith.cmpi eq, %iota3A, %eq3A_372 : vector<16xi32>
        %jit3A_374 = arith.constant 0.00100100099 : f32
        %broadcast_in_dim3A_375 = vector.broadcast %jit3A_374 : f32 to vector<16xf32>
        %select_n3A_376 = arith.select %eq3A_373, %broadcast_in_dim3A_375, %get3A_369 : vector<16xi1>, vector<16xf32>
        %slice3A_377 = vector.extract_strided_slice %min3A_120 {offsets = [12], sizes = [1], strides = [1]} : vector<16xi32> to vector<1xi32>
        %squeeze3A_378 = vector.extract %slice3A_377[0] : i32 from vector<1xi32>
        %swap3A_379 = arith.index_cast %squeeze3A_378 : i32 to index
        %swap3A_380 = arith.index_cast %multiple_of3A : i32 to index
        %swap3A_381 = tpu.vector_load %arg4[%swap3A_379, %swap3A_380] {strides = array<i32>} : memref<496x128xf32, #tpu.memory_space<vmem>>, vector<1x16xf32>,
        %swap3A_382 = vector.shape_cast %swap3A_381 : vector<1x16xf32> to vector<16xf32>
        %swap3A_383 = vector.shape_cast %select_n3A_376 : vector<16xf32> to vector<1x16xf32>
        tpu.vector_store %arg4[%swap3A_379, %swap3A_380], %swap3A_383 {strides = array<i32>} : memref<496x128xf32, #tpu.memory_space<vmem>>, vector<1x16xf32>,
        %slice3A_384 = vector.extract_strided_slice %min3A_120 {offsets = [13], sizes = [1], strides = [1]} : vector<16xi32> to vector<1xi32>
        %squeeze3A_385 = vector.extract %slice3A_384[0] : i32 from vector<1xi32>
        %get3A_386 = arith.index_cast %squeeze3A_385 : i32 to index
        %get3A_387 = arith.index_cast %multiple_of3A : i32 to index
        %get3A_388 = tpu.vector_load %arg4[%get3A_386, %get3A_387] {strides = array<i32>} : memref<496x128xf32, #tpu.memory_space<vmem>>, vector<1x16xf32>,
        %get3A_389 = vector.shape_cast %get3A_388 : vector<1x16xf32> to vector<16xf32>
        %slice3A_390 = vector.extract_strided_slice %select_n3A {offsets = [13], sizes = [1], strides = [1]} : vector<16xi32> to vector<1xi32>
        %squeeze3A_391 = vector.extract %slice3A_390[0] : i32 from vector<1xi32>
        %eq3A_392 = vector.broadcast %squeeze3A_391 : i32 to vector<16xi32>
        %eq3A_393 = arith.cmpi eq, %iota3A, %eq3A_392 : vector<16xi32>
        %jit3A_394 = arith.constant 0.00100100099 : f32
        %broadcast_in_dim3A_395 = vector.broadcast %jit3A_394 : f32 to vector<16xf32>
        %select_n3A_396 = arith.select %eq3A_393, %broadcast_in_dim3A_395, %get3A_389 : vector<16xi1>, vector<16xf32>
        %slice3A_397 = vector.extract_strided_slice %min3A_120 {offsets = [13], sizes = [1], strides = [1]} : vector<16xi32> to vector<1xi32>
        %squeeze3A_398 = vector.extract %slice3A_397[0] : i32 from vector<1xi32>
        %swap3A_399 = arith.index_cast %squeeze3A_398 : i32 to index
        %swap3A_400 = arith.index_cast %multiple_of3A : i32 to index
        %swap3A_401 = tpu.vector_load %arg4[%swap3A_399, %swap3A_400] {strides = array<i32>} : memref<496x128xf32, #tpu.memory_space<vmem>>, vector<1x16xf32>,
        %swap3A_402 = vector.shape_cast %swap3A_401 : vector<1x16xf32> to vector<16xf32>
        %swap3A_403 = vector.shape_cast %select_n3A_396 : vector<16xf32> to vector<1x16xf32>
        tpu.vector_store %arg4[%swap3A_399, %swap3A_400], %swap3A_403 {strides = array<i32>} : memref<496x128xf32, #tpu.memory_space<vmem>>, vector<1x16xf32>,
        %slice3A_404 = vector.extract_strided_slice %min3A_120 {offsets = [14], sizes = [1], strides = [1]} : vector<16xi32> to vector<1xi32>
        %squeeze3A_405 = vector.extract %slice3A_404[0] : i32 from vector<1xi32>
        %get3A_406 = arith.index_cast %squeeze3A_405 : i32 to index
        %get3A_407 = arith.index_cast %multiple_of3A : i32 to index
        %get3A_408 = tpu.vector_load %arg4[%get3A_406, %get3A_407] {strides = array<i32>} : memref<496x128xf32, #tpu.memory_space<vmem>>, vector<1x16xf32>,
        %get3A_409 = vector.shape_cast %get3A_408 : vector<1x16xf32> to vector<16xf32>
        %slice3A_410 = vector.extract_strided_slice %select_n3A {offsets = [14], sizes = [1], strides = [1]} : vector<16xi32> to vector<1xi32>
        %squeeze3A_411 = vector.extract %slice3A_410[0] : i32 from vector<1xi32>
        %eq3A_412 = vector.broadcast %squeeze3A_411 : i32 to vector<16xi32>
        %eq3A_413 = arith.cmpi eq, %iota3A, %eq3A_412 : vector<16xi32>
        %jit3A_414 = arith.constant 0.00100100099 : f32
        %broadcast_in_dim3A_415 = vector.broadcast %jit3A_414 : f32 to vector<16xf32>
        %select_n3A_416 = arith.select %eq3A_413, %broadcast_in_dim3A_415, %get3A_409 : vector<16xi1>, vector<16xf32>
        %slice3A_417 = vector.extract_strided_slice %min3A_120 {offsets = [14], sizes = [1], strides = [1]} : vector<16xi32> to vector<1xi32>
        %squeeze3A_418 = vector.extract %slice3A_417[0] : i32 from vector<1xi32>
        %swap3A_419 = arith.index_cast %squeeze3A_418 : i32 to index
        %swap3A_420 = arith.index_cast %multiple_of3A : i32 to index
        %swap3A_421 = tpu.vector_load %arg4[%swap3A_419, %swap3A_420] {strides = array<i32>} : memref<496x128xf32, #tpu.memory_space<vmem>>, vector<1x16xf32>,
        %swap3A_422 = vector.shape_cast %swap3A_421 : vector<1x16xf32> to vector<16xf32>
        %swap3A_423 = vector.shape_cast %select_n3A_416 : vector<16xf32> to vector<1x16xf32>
        tpu.vector_store %arg4[%swap3A_419, %swap3A_420], %swap3A_423 {strides = array<i32>} : memref<496x128xf32, #tpu.memory_space<vmem>>, vector<1x16xf32>,
        %slice3A_424 = vector.extract_strided_slice %min3A_120 {offsets = [15], sizes = [1], strides = [1]} : vector<16xi32> to vector<1xi32>
        %squeeze3A_425 = vector.extract %slice3A_424[0] : i32 from vector<1xi32>
        %get3A_426 = arith.index_cast %squeeze3A_425 : i32 to index
        %get3A_427 = arith.index_cast %multiple_of3A : i32 to index
        %get3A_428 = tpu.vector_load %arg4[%get3A_426, %get3A_427] {strides = array<i32>} : memref<496x128xf32, #tpu.memory_space<vmem>>, vector<1x16xf32>,
        %get3A_429 = vector.shape_cast %get3A_428 : vector<1x16xf32> to vector<16xf32>
        %slice3A_430 = vector.extract_strided_slice %select_n3A {offsets = [15], sizes = [1], strides = [1]} : vector<16xi32> to vector<1xi32>
        %squeeze3A_431 = vector.extract %slice3A_430[0] : i32 from vector<1xi32>
        %eq3A_432 = vector.broadcast %squeeze3A_431 : i32 to vector<16xi32>
        %eq3A_433 = arith.cmpi eq, %iota3A, %eq3A_432 : vector<16xi32>
        %jit3A_434 = arith.constant 0.00100100099 : f32
        %broadcast_in_dim3A_435 = vector.broadcast %jit3A_434 : f32 to vector<16xf32>
        %select_n3A_436 = arith.select %eq3A_433, %broadcast_in_dim3A_435, %get3A_429 : vector<16xi1>, vector<16xf32>
        %slice3A_437 = vector.extract_strided_slice %min3A_120 {offsets = [15], sizes = [1], strides = [1]} : vector<16xi32> to vector<1xi32>
        %squeeze3A_438 = vector.extract %slice3A_437[0] : i32 from vector<1xi32>
        %swap3A_439 = arith.index_cast %squeeze3A_438 : i32 to index
        %swap3A_440 = arith.index_cast %multiple_of3A : i32 to index
        %swap3A_441 = tpu.vector_load %arg4[%swap3A_439, %swap3A_440] {strides = array<i32>} : memref<496x128xf32, #tpu.memory_space<vmem>>, vector<1x16xf32>,
        %swap3A_442 = vector.shape_cast %swap3A_441 : vector<1x16xf32> to vector<16xf32>
        %swap3A_443 = vector.shape_cast %select_n3A_436 : vector<16xf32> to vector<1x16xf32>
        tpu.vector_store %arg4[%swap3A_439, %swap3A_440], %swap3A_443 {strides = array<i32>} : memref<496x128xf32, #tpu.memory_space<vmem>>, vector<1x16xf32>,
      }
      %scan3A_66 = arith.constant 8 : i32
      %scan3A_67 = arith.constant 0 : i32
      %scan3A_68 = arith.constant 0 : i32
      %scan3A_69 = arith.constant 8 : i32
      %scan3A_70 = arith.addi %scan3A_68, %scan3A_69 : i32
      %scan3A_71 = arith.constant 1 : i32
      scf.for %scan3A_105 = %scan3A_68 to %scan3A_70 step %scan3A_71  : i32 {
        %mul3A_106 = arith.constant 128 : i32
        %mul3A_107 = arith.muli %scan3A_55, %mul3A_106 : i32
        %mul3A_108 = arith.constant 16 : i32
        %mul3A_109 = arith.muli %scan3A_105, %mul3A_108 : i32
        %add3A_110 = arith.addi %mul3A_107, %mul3A_109 : i32
        %get3A = arith.index_cast %add3A_110 : i32 to index
        %get3A_111 = tpu.vector_load %arg6[%get3A] {strides = array<i32>} : memref<512xi32, #tpu.memory_space<vmem>>, vector<16xi32>,
        %get3A_112 = vector.shape_cast %get3A_111 : vector<16xi32> to vector<16xi32>
        %mul3A_113 = arith.constant 16 : i32
        %mul3A_114 = arith.muli %scan3A_105, %mul3A_113 : i32
        %multiple_of3A = tpu.assume_multiple %mul3A_114, 16 : i32
        %sub3A_115 = arith.constant 0 : i32
        %sub3A_116 = vector.broadcast %sub3A_115 : i32 to vector<16xi32>
        %sub3A_117 = arith.subi %get3A_112, %sub3A_116 : vector<16xi32>
        %jit3A = arith.constant 0 : i32
        %jit3A_118 = arith.constant 495 : i32
        %max3A = vector.broadcast %jit3A : i32 to vector<16xi32>
        %max3A_119 = arith.maxsi %max3A, %sub3A_117 : vector<16xi32>
        %min3A = vector.broadcast %jit3A_118 : i32 to vector<16xi32>
        %min3A_120 = arith.minsi %min3A, %max3A_119 : vector<16xi32>
        %sub3A_121 = arith.constant 0 : i32
        %sub3A_122 = vector.broadcast %sub3A_121 : i32 to vector<16xi32>
        %sub3A_123 = arith.subi %get3A_112, %sub3A_122 : vector<16xi32>
        %lt3A = arith.constant 496 : i32
        %lt3A_124 = vector.broadcast %lt3A : i32 to vector<16xi32>
        %lt3A_125 = arith.cmpi ult, %sub3A_123, %lt3A_124 : vector<16xi32>
        %jit3A_126 = arith.constant -1 : i32
        %broadcast_in_dim3A_127 = vector.broadcast %jit3A_126 : i32 to vector<16xi32>
        %select_n3A = arith.select %lt3A_125, %iota3A, %broadcast_in_dim3A_127 : vector<16xi1>, vector<16xi32>
        %slice3A = vector.extract_strided_slice %min3A_120 {offsets = [0], sizes = [1], strides = [1]} : vector<16xi32> to vector<1xi32>
        %squeeze3A = vector.extract %slice3A[0] : i32 from vector<1xi32>
        %get3A_128 = arith.index_cast %squeeze3A : i32 to index
        %get3A_129 = arith.index_cast %multiple_of3A : i32 to index
        %get3A_130 = tpu.vector_load %arg4[%get3A_128, %get3A_129] {strides = array<i32>} : memref<496x128xf32, #tpu.memory_space<vmem>>, vector<1x16xf32>,
        %get3A_131 = vector.shape_cast %get3A_130 : vector<1x16xf32> to vector<16xf32>
        %slice3A_132 = vector.extract_strided_slice %select_n3A {offsets = [0], sizes = [1], strides = [1]} : vector<16xi32> to vector<1xi32>
        %squeeze3A_133 = vector.extract %slice3A_132[0] : i32 from vector<1xi32>
        %eq3A = vector.broadcast %squeeze3A_133 : i32 to vector<16xi32>
        %eq3A_134 = arith.cmpi eq, %iota3A, %eq3A : vector<16xi32>
        %jit3A_135 = arith.constant 0.000000e+00 : f32
        %broadcast_in_dim3A_136 = vector.broadcast %jit3A_135 : f32 to vector<16xf32>
        %select_n3A_137 = arith.select %eq3A_134, %broadcast_in_dim3A_136, %get3A_131 : vector<16xi1>, vector<16xf32>
        %slice3A_138 = vector.extract_strided_slice %min3A_120 {offsets = [0], sizes = [1], strides = [1]} : vector<16xi32> to vector<1xi32>
        %squeeze3A_139 = vector.extract %slice3A_138[0] : i32 from vector<1xi32>
        %swap3A = arith.index_cast %squeeze3A_139 : i32 to index
        %swap3A_140 = arith.index_cast %multiple_of3A : i32 to index
        %swap3A_141 = tpu.vector_load %arg4[%swap3A, %swap3A_140] {strides = array<i32>} : memref<496x128xf32, #tpu.memory_space<vmem>>, vector<1x16xf32>,
        %swap3A_142 = vector.shape_cast %swap3A_141 : vector<1x16xf32> to vector<16xf32>
        %swap3A_143 = vector.shape_cast %select_n3A_137 : vector<16xf32> to vector<1x16xf32>
        tpu.vector_store %arg4[%swap3A, %swap3A_140], %swap3A_143 {strides = array<i32>} : memref<496x128xf32, #tpu.memory_space<vmem>>, vector<1x16xf32>,
        %slice3A_144 = vector.extract_strided_slice %min3A_120 {offsets = [1], sizes = [1], strides = [1]} : vector<16xi32> to vector<1xi32>
        %squeeze3A_145 = vector.extract %slice3A_144[0] : i32 from vector<1xi32>
        %get3A_146 = arith.index_cast %squeeze3A_145 : i32 to index
        %get3A_147 = arith.index_cast %multiple_of3A : i32 to index
        %get3A_148 = tpu.vector_load %arg4[%get3A_146, %get3A_147] {strides = array<i32>} : memref<496x128xf32, #tpu.memory_space<vmem>>, vector<1x16xf32>,
        %get3A_149 = vector.shape_cast %get3A_148 : vector<1x16xf32> to vector<16xf32>
        %slice3A_150 = vector.extract_strided_slice %select_n3A {offsets = [1], sizes = [1], strides = [1]} : vector<16xi32> to vector<1xi32>
        %squeeze3A_151 = vector.extract %slice3A_150[0] : i32 from vector<1xi32>
        %eq3A_152 = vector.broadcast %squeeze3A_151 : i32 to vector<16xi32>
        %eq3A_153 = arith.cmpi eq, %iota3A, %eq3A_152 : vector<16xi32>
        %jit3A_154 = arith.constant 0.000000e+00 : f32
        %broadcast_in_dim3A_155 = vector.broadcast %jit3A_154 : f32 to vector<16xf32>
        %select_n3A_156 = arith.select %eq3A_153, %broadcast_in_dim3A_155, %get3A_149 : vector<16xi1>, vector<16xf32>
        %slice3A_157 = vector.extract_strided_slice %min3A_120 {offsets = [1], sizes = [1], strides = [1]} : vector<16xi32> to vector<1xi32>
        %squeeze3A_158 = vector.extract %slice3A_157[0] : i32 from vector<1xi32>
        %swap3A_159 = arith.index_cast %squeeze3A_158 : i32 to index
        %swap3A_160 = arith.index_cast %multiple_of3A : i32 to index
        %swap3A_161 = tpu.vector_load %arg4[%swap3A_159, %swap3A_160] {strides = array<i32>} : memref<496x128xf32, #tpu.memory_space<vmem>>, vector<1x16xf32>,
        %swap3A_162 = vector.shape_cast %swap3A_161 : vector<1x16xf32> to vector<16xf32>
        %swap3A_163 = vector.shape_cast %select_n3A_156 : vector<16xf32> to vector<1x16xf32>
        tpu.vector_store %arg4[%swap3A_159, %swap3A_160], %swap3A_163 {strides = array<i32>} : memref<496x128xf32, #tpu.memory_space<vmem>>, vector<1x16xf32>,
        %slice3A_164 = vector.extract_strided_slice %min3A_120 {offsets = [2], sizes = [1], strides = [1]} : vector<16xi32> to vector<1xi32>
        %squeeze3A_165 = vector.extract %slice3A_164[0] : i32 from vector<1xi32>
        %get3A_166 = arith.index_cast %squeeze3A_165 : i32 to index
        %get3A_167 = arith.index_cast %multiple_of3A : i32 to index
        %get3A_168 = tpu.vector_load %arg4[%get3A_166, %get3A_167] {strides = array<i32>} : memref<496x128xf32, #tpu.memory_space<vmem>>, vector<1x16xf32>,
        %get3A_169 = vector.shape_cast %get3A_168 : vector<1x16xf32> to vector<16xf32>
        %slice3A_170 = vector.extract_strided_slice %select_n3A {offsets = [2], sizes = [1], strides = [1]} : vector<16xi32> to vector<1xi32>
        %squeeze3A_171 = vector.extract %slice3A_170[0] : i32 from vector<1xi32>
        %eq3A_172 = vector.broadcast %squeeze3A_171 : i32 to vector<16xi32>
        %eq3A_173 = arith.cmpi eq, %iota3A, %eq3A_172 : vector<16xi32>
        %jit3A_174 = arith.constant 0.000000e+00 : f32
        %broadcast_in_dim3A_175 = vector.broadcast %jit3A_174 : f32 to vector<16xf32>
        %select_n3A_176 = arith.select %eq3A_173, %broadcast_in_dim3A_175, %get3A_169 : vector<16xi1>, vector<16xf32>
        %slice3A_177 = vector.extract_strided_slice %min3A_120 {offsets = [2], sizes = [1], strides = [1]} : vector<16xi32> to vector<1xi32>
        %squeeze3A_178 = vector.extract %slice3A_177[0] : i32 from vector<1xi32>
        %swap3A_179 = arith.index_cast %squeeze3A_178 : i32 to index
        %swap3A_180 = arith.index_cast %multiple_of3A : i32 to index
        %swap3A_181 = tpu.vector_load %arg4[%swap3A_179, %swap3A_180] {strides = array<i32>} : memref<496x128xf32, #tpu.memory_space<vmem>>, vector<1x16xf32>,
        %swap3A_182 = vector.shape_cast %swap3A_181 : vector<1x16xf32> to vector<16xf32>
        %swap3A_183 = vector.shape_cast %select_n3A_176 : vector<16xf32> to vector<1x16xf32>
        tpu.vector_store %arg4[%swap3A_179, %swap3A_180], %swap3A_183 {strides = array<i32>} : memref<496x128xf32, #tpu.memory_space<vmem>>, vector<1x16xf32>,
        %slice3A_184 = vector.extract_strided_slice %min3A_120 {offsets = [3], sizes = [1], strides = [1]} : vector<16xi32> to vector<1xi32>
        %squeeze3A_185 = vector.extract %slice3A_184[0] : i32 from vector<1xi32>
        %get3A_186 = arith.index_cast %squeeze3A_185 : i32 to index
        %get3A_187 = arith.index_cast %multiple_of3A : i32 to index
        %get3A_188 = tpu.vector_load %arg4[%get3A_186, %get3A_187] {strides = array<i32>} : memref<496x128xf32, #tpu.memory_space<vmem>>, vector<1x16xf32>,
        %get3A_189 = vector.shape_cast %get3A_188 : vector<1x16xf32> to vector<16xf32>
        %slice3A_190 = vector.extract_strided_slice %select_n3A {offsets = [3], sizes = [1], strides = [1]} : vector<16xi32> to vector<1xi32>
        %squeeze3A_191 = vector.extract %slice3A_190[0] : i32 from vector<1xi32>
        %eq3A_192 = vector.broadcast %squeeze3A_191 : i32 to vector<16xi32>
        %eq3A_193 = arith.cmpi eq, %iota3A, %eq3A_192 : vector<16xi32>
        %jit3A_194 = arith.constant 0.000000e+00 : f32
        %broadcast_in_dim3A_195 = vector.broadcast %jit3A_194 : f32 to vector<16xf32>
        %select_n3A_196 = arith.select %eq3A_193, %broadcast_in_dim3A_195, %get3A_189 : vector<16xi1>, vector<16xf32>
        %slice3A_197 = vector.extract_strided_slice %min3A_120 {offsets = [3], sizes = [1], strides = [1]} : vector<16xi32> to vector<1xi32>
        %squeeze3A_198 = vector.extract %slice3A_197[0] : i32 from vector<1xi32>
        %swap3A_199 = arith.index_cast %squeeze3A_198 : i32 to index
        %swap3A_200 = arith.index_cast %multiple_of3A : i32 to index
        %swap3A_201 = tpu.vector_load %arg4[%swap3A_199, %swap3A_200] {strides = array<i32>} : memref<496x128xf32, #tpu.memory_space<vmem>>, vector<1x16xf32>,
        %swap3A_202 = vector.shape_cast %swap3A_201 : vector<1x16xf32> to vector<16xf32>
        %swap3A_203 = vector.shape_cast %select_n3A_196 : vector<16xf32> to vector<1x16xf32>
        tpu.vector_store %arg4[%swap3A_199, %swap3A_200], %swap3A_203 {strides = array<i32>} : memref<496x128xf32, #tpu.memory_space<vmem>>, vector<1x16xf32>,
        %slice3A_204 = vector.extract_strided_slice %min3A_120 {offsets = [4], sizes = [1], strides = [1]} : vector<16xi32> to vector<1xi32>
        %squeeze3A_205 = vector.extract %slice3A_204[0] : i32 from vector<1xi32>
        %get3A_206 = arith.index_cast %squeeze3A_205 : i32 to index
        %get3A_207 = arith.index_cast %multiple_of3A : i32 to index
        %get3A_208 = tpu.vector_load %arg4[%get3A_206, %get3A_207] {strides = array<i32>} : memref<496x128xf32, #tpu.memory_space<vmem>>, vector<1x16xf32>,
        %get3A_209 = vector.shape_cast %get3A_208 : vector<1x16xf32> to vector<16xf32>
        %slice3A_210 = vector.extract_strided_slice %select_n3A {offsets = [4], sizes = [1], strides = [1]} : vector<16xi32> to vector<1xi32>
        %squeeze3A_211 = vector.extract %slice3A_210[0] : i32 from vector<1xi32>
        %eq3A_212 = vector.broadcast %squeeze3A_211 : i32 to vector<16xi32>
        %eq3A_213 = arith.cmpi eq, %iota3A, %eq3A_212 : vector<16xi32>
        %jit3A_214 = arith.constant 0.000000e+00 : f32
        %broadcast_in_dim3A_215 = vector.broadcast %jit3A_214 : f32 to vector<16xf32>
        %select_n3A_216 = arith.select %eq3A_213, %broadcast_in_dim3A_215, %get3A_209 : vector<16xi1>, vector<16xf32>
        %slice3A_217 = vector.extract_strided_slice %min3A_120 {offsets = [4], sizes = [1], strides = [1]} : vector<16xi32> to vector<1xi32>
        %squeeze3A_218 = vector.extract %slice3A_217[0] : i32 from vector<1xi32>
        %swap3A_219 = arith.index_cast %squeeze3A_218 : i32 to index
        %swap3A_220 = arith.index_cast %multiple_of3A : i32 to index
        %swap3A_221 = tpu.vector_load %arg4[%swap3A_219, %swap3A_220] {strides = array<i32>} : memref<496x128xf32, #tpu.memory_space<vmem>>, vector<1x16xf32>,
        %swap3A_222 = vector.shape_cast %swap3A_221 : vector<1x16xf32> to vector<16xf32>
        %swap3A_223 = vector.shape_cast %select_n3A_216 : vector<16xf32> to vector<1x16xf32>
        tpu.vector_store %arg4[%swap3A_219, %swap3A_220], %swap3A_223 {strides = array<i32>} : memref<496x128xf32, #tpu.memory_space<vmem>>, vector<1x16xf32>,
        %slice3A_224 = vector.extract_strided_slice %min3A_120 {offsets = [5], sizes = [1], strides = [1]} : vector<16xi32> to vector<1xi32>
        %squeeze3A_225 = vector.extract %slice3A_224[0] : i32 from vector<1xi32>
        %get3A_226 = arith.index_cast %squeeze3A_225 : i32 to index
        %get3A_227 = arith.index_cast %multiple_of3A : i32 to index
        %get3A_228 = tpu.vector_load %arg4[%get3A_226, %get3A_227] {strides = array<i32>} : memref<496x128xf32, #tpu.memory_space<vmem>>, vector<1x16xf32>,
        %get3A_229 = vector.shape_cast %get3A_228 : vector<1x16xf32> to vector<16xf32>
        %slice3A_230 = vector.extract_strided_slice %select_n3A {offsets = [5], sizes = [1], strides = [1]} : vector<16xi32> to vector<1xi32>
        %squeeze3A_231 = vector.extract %slice3A_230[0] : i32 from vector<1xi32>
        %eq3A_232 = vector.broadcast %squeeze3A_231 : i32 to vector<16xi32>
        %eq3A_233 = arith.cmpi eq, %iota3A, %eq3A_232 : vector<16xi32>
        %jit3A_234 = arith.constant 0.000000e+00 : f32
        %broadcast_in_dim3A_235 = vector.broadcast %jit3A_234 : f32 to vector<16xf32>
        %select_n3A_236 = arith.select %eq3A_233, %broadcast_in_dim3A_235, %get3A_229 : vector<16xi1>, vector<16xf32>
        %slice3A_237 = vector.extract_strided_slice %min3A_120 {offsets = [5], sizes = [1], strides = [1]} : vector<16xi32> to vector<1xi32>
        %squeeze3A_238 = vector.extract %slice3A_237[0] : i32 from vector<1xi32>
        %swap3A_239 = arith.index_cast %squeeze3A_238 : i32 to index
        %swap3A_240 = arith.index_cast %multiple_of3A : i32 to index
        %swap3A_241 = tpu.vector_load %arg4[%swap3A_239, %swap3A_240] {strides = array<i32>} : memref<496x128xf32, #tpu.memory_space<vmem>>, vector<1x16xf32>,
        %swap3A_242 = vector.shape_cast %swap3A_241 : vector<1x16xf32> to vector<16xf32>
        %swap3A_243 = vector.shape_cast %select_n3A_236 : vector<16xf32> to vector<1x16xf32>
        tpu.vector_store %arg4[%swap3A_239, %swap3A_240], %swap3A_243 {strides = array<i32>} : memref<496x128xf32, #tpu.memory_space<vmem>>, vector<1x16xf32>,
        %slice3A_244 = vector.extract_strided_slice %min3A_120 {offsets = [6], sizes = [1], strides = [1]} : vector<16xi32> to vector<1xi32>
        %squeeze3A_245 = vector.extract %slice3A_244[0] : i32 from vector<1xi32>
        %get3A_246 = arith.index_cast %squeeze3A_245 : i32 to index
        %get3A_247 = arith.index_cast %multiple_of3A : i32 to index
        %get3A_248 = tpu.vector_load %arg4[%get3A_246, %get3A_247] {strides = array<i32>} : memref<496x128xf32, #tpu.memory_space<vmem>>, vector<1x16xf32>,
        %get3A_249 = vector.shape_cast %get3A_248 : vector<1x16xf32> to vector<16xf32>
        %slice3A_250 = vector.extract_strided_slice %select_n3A {offsets = [6], sizes = [1], strides = [1]} : vector<16xi32> to vector<1xi32>
        %squeeze3A_251 = vector.extract %slice3A_250[0] : i32 from vector<1xi32>
        %eq3A_252 = vector.broadcast %squeeze3A_251 : i32 to vector<16xi32>
        %eq3A_253 = arith.cmpi eq, %iota3A, %eq3A_252 : vector<16xi32>
        %jit3A_254 = arith.constant 0.000000e+00 : f32
        %broadcast_in_dim3A_255 = vector.broadcast %jit3A_254 : f32 to vector<16xf32>
        %select_n3A_256 = arith.select %eq3A_253, %broadcast_in_dim3A_255, %get3A_249 : vector<16xi1>, vector<16xf32>
        %slice3A_257 = vector.extract_strided_slice %min3A_120 {offsets = [6], sizes = [1], strides = [1]} : vector<16xi32> to vector<1xi32>
        %squeeze3A_258 = vector.extract %slice3A_257[0] : i32 from vector<1xi32>
        %swap3A_259 = arith.index_cast %squeeze3A_258 : i32 to index
        %swap3A_260 = arith.index_cast %multiple_of3A : i32 to index
        %swap3A_261 = tpu.vector_load %arg4[%swap3A_259, %swap3A_260] {strides = array<i32>} : memref<496x128xf32, #tpu.memory_space<vmem>>, vector<1x16xf32>,
        %swap3A_262 = vector.shape_cast %swap3A_261 : vector<1x16xf32> to vector<16xf32>
        %swap3A_263 = vector.shape_cast %select_n3A_256 : vector<16xf32> to vector<1x16xf32>
        tpu.vector_store %arg4[%swap3A_259, %swap3A_260], %swap3A_263 {strides = array<i32>} : memref<496x128xf32, #tpu.memory_space<vmem>>, vector<1x16xf32>,
        %slice3A_264 = vector.extract_strided_slice %min3A_120 {offsets = [7], sizes = [1], strides = [1]} : vector<16xi32> to vector<1xi32>
        %squeeze3A_265 = vector.extract %slice3A_264[0] : i32 from vector<1xi32>
        %get3A_266 = arith.index_cast %squeeze3A_265 : i32 to index
        %get3A_267 = arith.index_cast %multiple_of3A : i32 to index
        %get3A_268 = tpu.vector_load %arg4[%get3A_266, %get3A_267] {strides = array<i32>} : memref<496x128xf32, #tpu.memory_space<vmem>>, vector<1x16xf32>,
        %get3A_269 = vector.shape_cast %get3A_268 : vector<1x16xf32> to vector<16xf32>
        %slice3A_270 = vector.extract_strided_slice %select_n3A {offsets = [7], sizes = [1], strides = [1]} : vector<16xi32> to vector<1xi32>
        %squeeze3A_271 = vector.extract %slice3A_270[0] : i32 from vector<1xi32>
        %eq3A_272 = vector.broadcast %squeeze3A_271 : i32 to vector<16xi32>
        %eq3A_273 = arith.cmpi eq, %iota3A, %eq3A_272 : vector<16xi32>
        %jit3A_274 = arith.constant 0.000000e+00 : f32
        %broadcast_in_dim3A_275 = vector.broadcast %jit3A_274 : f32 to vector<16xf32>
        %select_n3A_276 = arith.select %eq3A_273, %broadcast_in_dim3A_275, %get3A_269 : vector<16xi1>, vector<16xf32>
        %slice3A_277 = vector.extract_strided_slice %min3A_120 {offsets = [7], sizes = [1], strides = [1]} : vector<16xi32> to vector<1xi32>
        %squeeze3A_278 = vector.extract %slice3A_277[0] : i32 from vector<1xi32>
        %swap3A_279 = arith.index_cast %squeeze3A_278 : i32 to index
        %swap3A_280 = arith.index_cast %multiple_of3A : i32 to index
        %swap3A_281 = tpu.vector_load %arg4[%swap3A_279, %swap3A_280] {strides = array<i32>} : memref<496x128xf32, #tpu.memory_space<vmem>>, vector<1x16xf32>,
        %swap3A_282 = vector.shape_cast %swap3A_281 : vector<1x16xf32> to vector<16xf32>
        %swap3A_283 = vector.shape_cast %select_n3A_276 : vector<16xf32> to vector<1x16xf32>
        tpu.vector_store %arg4[%swap3A_279, %swap3A_280], %swap3A_283 {strides = array<i32>} : memref<496x128xf32, #tpu.memory_space<vmem>>, vector<1x16xf32>,
        %slice3A_284 = vector.extract_strided_slice %min3A_120 {offsets = [8], sizes = [1], strides = [1]} : vector<16xi32> to vector<1xi32>
        %squeeze3A_285 = vector.extract %slice3A_284[0] : i32 from vector<1xi32>
        %get3A_286 = arith.index_cast %squeeze3A_285 : i32 to index
        %get3A_287 = arith.index_cast %multiple_of3A : i32 to index
        %get3A_288 = tpu.vector_load %arg4[%get3A_286, %get3A_287] {strides = array<i32>} : memref<496x128xf32, #tpu.memory_space<vmem>>, vector<1x16xf32>,
        %get3A_289 = vector.shape_cast %get3A_288 : vector<1x16xf32> to vector<16xf32>
        %slice3A_290 = vector.extract_strided_slice %select_n3A {offsets = [8], sizes = [1], strides = [1]} : vector<16xi32> to vector<1xi32>
        %squeeze3A_291 = vector.extract %slice3A_290[0] : i32 from vector<1xi32>
        %eq3A_292 = vector.broadcast %squeeze3A_291 : i32 to vector<16xi32>
        %eq3A_293 = arith.cmpi eq, %iota3A, %eq3A_292 : vector<16xi32>
        %jit3A_294 = arith.constant 0.000000e+00 : f32
        %broadcast_in_dim3A_295 = vector.broadcast %jit3A_294 : f32 to vector<16xf32>
        %select_n3A_296 = arith.select %eq3A_293, %broadcast_in_dim3A_295, %get3A_289 : vector<16xi1>, vector<16xf32>
        %slice3A_297 = vector.extract_strided_slice %min3A_120 {offsets = [8], sizes = [1], strides = [1]} : vector<16xi32> to vector<1xi32>
        %squeeze3A_298 = vector.extract %slice3A_297[0] : i32 from vector<1xi32>
        %swap3A_299 = arith.index_cast %squeeze3A_298 : i32 to index
        %swap3A_300 = arith.index_cast %multiple_of3A : i32 to index
        %swap3A_301 = tpu.vector_load %arg4[%swap3A_299, %swap3A_300] {strides = array<i32>} : memref<496x128xf32, #tpu.memory_space<vmem>>, vector<1x16xf32>,
        %swap3A_302 = vector.shape_cast %swap3A_301 : vector<1x16xf32> to vector<16xf32>
        %swap3A_303 = vector.shape_cast %select_n3A_296 : vector<16xf32> to vector<1x16xf32>
        tpu.vector_store %arg4[%swap3A_299, %swap3A_300], %swap3A_303 {strides = array<i32>} : memref<496x128xf32, #tpu.memory_space<vmem>>, vector<1x16xf32>,
        %slice3A_304 = vector.extract_strided_slice %min3A_120 {offsets = [9], sizes = [1], strides = [1]} : vector<16xi32> to vector<1xi32>
        %squeeze3A_305 = vector.extract %slice3A_304[0] : i32 from vector<1xi32>
        %get3A_306 = arith.index_cast %squeeze3A_305 : i32 to index
        %get3A_307 = arith.index_cast %multiple_of3A : i32 to index
        %get3A_308 = tpu.vector_load %arg4[%get3A_306, %get3A_307] {strides = array<i32>} : memref<496x128xf32, #tpu.memory_space<vmem>>, vector<1x16xf32>,
        %get3A_309 = vector.shape_cast %get3A_308 : vector<1x16xf32> to vector<16xf32>
        %slice3A_310 = vector.extract_strided_slice %select_n3A {offsets = [9], sizes = [1], strides = [1]} : vector<16xi32> to vector<1xi32>
        %squeeze3A_311 = vector.extract %slice3A_310[0] : i32 from vector<1xi32>
        %eq3A_312 = vector.broadcast %squeeze3A_311 : i32 to vector<16xi32>
        %eq3A_313 = arith.cmpi eq, %iota3A, %eq3A_312 : vector<16xi32>
        %jit3A_314 = arith.constant 0.000000e+00 : f32
        %broadcast_in_dim3A_315 = vector.broadcast %jit3A_314 : f32 to vector<16xf32>
        %select_n3A_316 = arith.select %eq3A_313, %broadcast_in_dim3A_315, %get3A_309 : vector<16xi1>, vector<16xf32>
        %slice3A_317 = vector.extract_strided_slice %min3A_120 {offsets = [9], sizes = [1], strides = [1]} : vector<16xi32> to vector<1xi32>
        %squeeze3A_318 = vector.extract %slice3A_317[0] : i32 from vector<1xi32>
        %swap3A_319 = arith.index_cast %squeeze3A_318 : i32 to index
        %swap3A_320 = arith.index_cast %multiple_of3A : i32 to index
        %swap3A_321 = tpu.vector_load %arg4[%swap3A_319, %swap3A_320] {strides = array<i32>} : memref<496x128xf32, #tpu.memory_space<vmem>>, vector<1x16xf32>,
        %swap3A_322 = vector.shape_cast %swap3A_321 : vector<1x16xf32> to vector<16xf32>
        %swap3A_323 = vector.shape_cast %select_n3A_316 : vector<16xf32> to vector<1x16xf32>
        tpu.vector_store %arg4[%swap3A_319, %swap3A_320], %swap3A_323 {strides = array<i32>} : memref<496x128xf32, #tpu.memory_space<vmem>>, vector<1x16xf32>,
        %slice3A_324 = vector.extract_strided_slice %min3A_120 {offsets = [10], sizes = [1], strides = [1]} : vector<16xi32> to vector<1xi32>
        %squeeze3A_325 = vector.extract %slice3A_324[0] : i32 from vector<1xi32>
        %get3A_326 = arith.index_cast %squeeze3A_325 : i32 to index
        %get3A_327 = arith.index_cast %multiple_of3A : i32 to index
        %get3A_328 = tpu.vector_load %arg4[%get3A_326, %get3A_327] {strides = array<i32>} : memref<496x128xf32, #tpu.memory_space<vmem>>, vector<1x16xf32>,
        %get3A_329 = vector.shape_cast %get3A_328 : vector<1x16xf32> to vector<16xf32>
        %slice3A_330 = vector.extract_strided_slice %select_n3A {offsets = [10], sizes = [1], strides = [1]} : vector<16xi32> to vector<1xi32>
        %squeeze3A_331 = vector.extract %slice3A_330[0] : i32 from vector<1xi32>
        %eq3A_332 = vector.broadcast %squeeze3A_331 : i32 to vector<16xi32>
        %eq3A_333 = arith.cmpi eq, %iota3A, %eq3A_332 : vector<16xi32>
        %jit3A_334 = arith.constant 0.000000e+00 : f32
        %broadcast_in_dim3A_335 = vector.broadcast %jit3A_334 : f32 to vector<16xf32>
        %select_n3A_336 = arith.select %eq3A_333, %broadcast_in_dim3A_335, %get3A_329 : vector<16xi1>, vector<16xf32>
        %slice3A_337 = vector.extract_strided_slice %min3A_120 {offsets = [10], sizes = [1], strides = [1]} : vector<16xi32> to vector<1xi32>
        %squeeze3A_338 = vector.extract %slice3A_337[0] : i32 from vector<1xi32>
        %swap3A_339 = arith.index_cast %squeeze3A_338 : i32 to index
        %swap3A_340 = arith.index_cast %multiple_of3A : i32 to index
        %swap3A_341 = tpu.vector_load %arg4[%swap3A_339, %swap3A_340] {strides = array<i32>} : memref<496x128xf32, #tpu.memory_space<vmem>>, vector<1x16xf32>,
        %swap3A_342 = vector.shape_cast %swap3A_341 : vector<1x16xf32> to vector<16xf32>
        %swap3A_343 = vector.shape_cast %select_n3A_336 : vector<16xf32> to vector<1x16xf32>
        tpu.vector_store %arg4[%swap3A_339, %swap3A_340], %swap3A_343 {strides = array<i32>} : memref<496x128xf32, #tpu.memory_space<vmem>>, vector<1x16xf32>,
        %slice3A_344 = vector.extract_strided_slice %min3A_120 {offsets = [11], sizes = [1], strides = [1]} : vector<16xi32> to vector<1xi32>
        %squeeze3A_345 = vector.extract %slice3A_344[0] : i32 from vector<1xi32>
        %get3A_346 = arith.index_cast %squeeze3A_345 : i32 to index
        %get3A_347 = arith.index_cast %multiple_of3A : i32 to index
        %get3A_348 = tpu.vector_load %arg4[%get3A_346, %get3A_347] {strides = array<i32>} : memref<496x128xf32, #tpu.memory_space<vmem>>, vector<1x16xf32>,
        %get3A_349 = vector.shape_cast %get3A_348 : vector<1x16xf32> to vector<16xf32>
        %slice3A_350 = vector.extract_strided_slice %select_n3A {offsets = [11], sizes = [1], strides = [1]} : vector<16xi32> to vector<1xi32>
        %squeeze3A_351 = vector.extract %slice3A_350[0] : i32 from vector<1xi32>
        %eq3A_352 = vector.broadcast %squeeze3A_351 : i32 to vector<16xi32>
        %eq3A_353 = arith.cmpi eq, %iota3A, %eq3A_352 : vector<16xi32>
        %jit3A_354 = arith.constant 0.000000e+00 : f32
        %broadcast_in_dim3A_355 = vector.broadcast %jit3A_354 : f32 to vector<16xf32>
        %select_n3A_356 = arith.select %eq3A_353, %broadcast_in_dim3A_355, %get3A_349 : vector<16xi1>, vector<16xf32>
        %slice3A_357 = vector.extract_strided_slice %min3A_120 {offsets = [11], sizes = [1], strides = [1]} : vector<16xi32> to vector<1xi32>
        %squeeze3A_358 = vector.extract %slice3A_357[0] : i32 from vector<1xi32>
        %swap3A_359 = arith.index_cast %squeeze3A_358 : i32 to index
        %swap3A_360 = arith.index_cast %multiple_of3A : i32 to index
        %swap3A_361 = tpu.vector_load %arg4[%swap3A_359, %swap3A_360] {strides = array<i32>} : memref<496x128xf32, #tpu.memory_space<vmem>>, vector<1x16xf32>,
        %swap3A_362 = vector.shape_cast %swap3A_361 : vector<1x16xf32> to vector<16xf32>
        %swap3A_363 = vector.shape_cast %select_n3A_356 : vector<16xf32> to vector<1x16xf32>
        tpu.vector_store %arg4[%swap3A_359, %swap3A_360], %swap3A_363 {strides = array<i32>} : memref<496x128xf32, #tpu.memory_space<vmem>>, vector<1x16xf32>,
        %slice3A_364 = vector.extract_strided_slice %min3A_120 {offsets = [12], sizes = [1], strides = [1]} : vector<16xi32> to vector<1xi32>
        %squeeze3A_365 = vector.extract %slice3A_364[0] : i32 from vector<1xi32>
        %get3A_366 = arith.index_cast %squeeze3A_365 : i32 to index
        %get3A_367 = arith.index_cast %multiple_of3A : i32 to index
        %get3A_368 = tpu.vector_load %arg4[%get3A_366, %get3A_367] {strides = array<i32>} : memref<496x128xf32, #tpu.memory_space<vmem>>, vector<1x16xf32>,
        %get3A_369 = vector.shape_cast %get3A_368 : vector<1x16xf32> to vector<16xf32>
        %slice3A_370 = vector.extract_strided_slice %select_n3A {offsets = [12], sizes = [1], strides = [1]} : vector<16xi32> to vector<1xi32>
        %squeeze3A_371 = vector.extract %slice3A_370[0] : i32 from vector<1xi32>
        %eq3A_372 = vector.broadcast %squeeze3A_371 : i32 to vector<16xi32>
        %eq3A_373 = arith.cmpi eq, %iota3A, %eq3A_372 : vector<16xi32>
        %jit3A_374 = arith.constant 0.000000e+00 : f32
        %broadcast_in_dim3A_375 = vector.broadcast %jit3A_374 : f32 to vector<16xf32>
        %select_n3A_376 = arith.select %eq3A_373, %broadcast_in_dim3A_375, %get3A_369 : vector<16xi1>, vector<16xf32>
        %slice3A_377 = vector.extract_strided_slice %min3A_120 {offsets = [12], sizes = [1], strides = [1]} : vector<16xi32> to vector<1xi32>
        %squeeze3A_378 = vector.extract %slice3A_377[0] : i32 from vector<1xi32>
        %swap3A_379 = arith.index_cast %squeeze3A_378 : i32 to index
        %swap3A_380 = arith.index_cast %multiple_of3A : i32 to index
        %swap3A_381 = tpu.vector_load %arg4[%swap3A_379, %swap3A_380] {strides = array<i32>} : memref<496x128xf32, #tpu.memory_space<vmem>>, vector<1x16xf32>,
        %swap3A_382 = vector.shape_cast %swap3A_381 : vector<1x16xf32> to vector<16xf32>
        %swap3A_383 = vector.shape_cast %select_n3A_376 : vector<16xf32> to vector<1x16xf32>
        tpu.vector_store %arg4[%swap3A_379, %swap3A_380], %swap3A_383 {strides = array<i32>} : memref<496x128xf32, #tpu.memory_space<vmem>>, vector<1x16xf32>,
        %slice3A_384 = vector.extract_strided_slice %min3A_120 {offsets = [13], sizes = [1], strides = [1]} : vector<16xi32> to vector<1xi32>
        %squeeze3A_385 = vector.extract %slice3A_384[0] : i32 from vector<1xi32>
        %get3A_386 = arith.index_cast %squeeze3A_385 : i32 to index
        %get3A_387 = arith.index_cast %multiple_of3A : i32 to index
        %get3A_388 = tpu.vector_load %arg4[%get3A_386, %get3A_387] {strides = array<i32>} : memref<496x128xf32, #tpu.memory_space<vmem>>, vector<1x16xf32>,
        %get3A_389 = vector.shape_cast %get3A_388 : vector<1x16xf32> to vector<16xf32>
        %slice3A_390 = vector.extract_strided_slice %select_n3A {offsets = [13], sizes = [1], strides = [1]} : vector<16xi32> to vector<1xi32>
        %squeeze3A_391 = vector.extract %slice3A_390[0] : i32 from vector<1xi32>
        %eq3A_392 = vector.broadcast %squeeze3A_391 : i32 to vector<16xi32>
        %eq3A_393 = arith.cmpi eq, %iota3A, %eq3A_392 : vector<16xi32>
        %jit3A_394 = arith.constant 0.000000e+00 : f32
        %broadcast_in_dim3A_395 = vector.broadcast %jit3A_394 : f32 to vector<16xf32>
        %select_n3A_396 = arith.select %eq3A_393, %broadcast_in_dim3A_395, %get3A_389 : vector<16xi1>, vector<16xf32>
        %slice3A_397 = vector.extract_strided_slice %min3A_120 {offsets = [13], sizes = [1], strides = [1]} : vector<16xi32> to vector<1xi32>
        %squeeze3A_398 = vector.extract %slice3A_397[0] : i32 from vector<1xi32>
        %swap3A_399 = arith.index_cast %squeeze3A_398 : i32 to index
        %swap3A_400 = arith.index_cast %multiple_of3A : i32 to index
        %swap3A_401 = tpu.vector_load %arg4[%swap3A_399, %swap3A_400] {strides = array<i32>} : memref<496x128xf32, #tpu.memory_space<vmem>>, vector<1x16xf32>,
        %swap3A_402 = vector.shape_cast %swap3A_401 : vector<1x16xf32> to vector<16xf32>
        %swap3A_403 = vector.shape_cast %select_n3A_396 : vector<16xf32> to vector<1x16xf32>
        tpu.vector_store %arg4[%swap3A_399, %swap3A_400], %swap3A_403 {strides = array<i32>} : memref<496x128xf32, #tpu.memory_space<vmem>>, vector<1x16xf32>,
        %slice3A_404 = vector.extract_strided_slice %min3A_120 {offsets = [14], sizes = [1], strides = [1]} : vector<16xi32> to vector<1xi32>
        %squeeze3A_405 = vector.extract %slice3A_404[0] : i32 from vector<1xi32>
        %get3A_406 = arith.index_cast %squeeze3A_405 : i32 to index
        %get3A_407 = arith.index_cast %multiple_of3A : i32 to index
        %get3A_408 = tpu.vector_load %arg4[%get3A_406, %get3A_407] {strides = array<i32>} : memref<496x128xf32, #tpu.memory_space<vmem>>, vector<1x16xf32>,
        %get3A_409 = vector.shape_cast %get3A_408 : vector<1x16xf32> to vector<16xf32>
        %slice3A_410 = vector.extract_strided_slice %select_n3A {offsets = [14], sizes = [1], strides = [1]} : vector<16xi32> to vector<1xi32>
        %squeeze3A_411 = vector.extract %slice3A_410[0] : i32 from vector<1xi32>
        %eq3A_412 = vector.broadcast %squeeze3A_411 : i32 to vector<16xi32>
        %eq3A_413 = arith.cmpi eq, %iota3A, %eq3A_412 : vector<16xi32>
        %jit3A_414 = arith.constant 0.000000e+00 : f32
        %broadcast_in_dim3A_415 = vector.broadcast %jit3A_414 : f32 to vector<16xf32>
        %select_n3A_416 = arith.select %eq3A_413, %broadcast_in_dim3A_415, %get3A_409 : vector<16xi1>, vector<16xf32>
        %slice3A_417 = vector.extract_strided_slice %min3A_120 {offsets = [14], sizes = [1], strides = [1]} : vector<16xi32> to vector<1xi32>
        %squeeze3A_418 = vector.extract %slice3A_417[0] : i32 from vector<1xi32>
        %swap3A_419 = arith.index_cast %squeeze3A_418 : i32 to index
        %swap3A_420 = arith.index_cast %multiple_of3A : i32 to index
        %swap3A_421 = tpu.vector_load %arg4[%swap3A_419, %swap3A_420] {strides = array<i32>} : memref<496x128xf32, #tpu.memory_space<vmem>>, vector<1x16xf32>,
        %swap3A_422 = vector.shape_cast %swap3A_421 : vector<1x16xf32> to vector<16xf32>
        %swap3A_423 = vector.shape_cast %select_n3A_416 : vector<16xf32> to vector<1x16xf32>
        tpu.vector_store %arg4[%swap3A_419, %swap3A_420], %swap3A_423 {strides = array<i32>} : memref<496x128xf32, #tpu.memory_space<vmem>>, vector<1x16xf32>,
        %slice3A_424 = vector.extract_strided_slice %min3A_120 {offsets = [15], sizes = [1], strides = [1]} : vector<16xi32> to vector<1xi32>
        %squeeze3A_425 = vector.extract %slice3A_424[0] : i32 from vector<1xi32>
        %get3A_426 = arith.index_cast %squeeze3A_425 : i32 to index
        %get3A_427 = arith.index_cast %multiple_of3A : i32 to index
        %get3A_428 = tpu.vector_load %arg4[%get3A_426, %get3A_427] {strides = array<i32>} : memref<496x128xf32, #tpu.memory_space<vmem>>, vector<1x16xf32>,
        %get3A_429 = vector.shape_cast %get3A_428 : vector<1x16xf32> to vector<16xf32>
        %slice3A_430 = vector.extract_strided_slice %select_n3A {offsets = [15], sizes = [1], strides = [1]} : vector<16xi32> to vector<1xi32>
        %squeeze3A_431 = vector.extract %slice3A_430[0] : i32 from vector<1xi32>
        %eq3A_432 = vector.broadcast %squeeze3A_431 : i32 to vector<16xi32>
        %eq3A_433 = arith.cmpi eq, %iota3A, %eq3A_432 : vector<16xi32>
        %jit3A_434 = arith.constant 0.000000e+00 : f32
        %broadcast_in_dim3A_435 = vector.broadcast %jit3A_434 : f32 to vector<16xf32>
        %select_n3A_436 = arith.select %eq3A_433, %broadcast_in_dim3A_435, %get3A_429 : vector<16xi1>, vector<16xf32>
        %slice3A_437 = vector.extract_strided_slice %min3A_120 {offsets = [15], sizes = [1], strides = [1]} : vector<16xi32> to vector<1xi32>
        %squeeze3A_438 = vector.extract %slice3A_437[0] : i32 from vector<1xi32>
        %swap3A_439 = arith.index_cast %squeeze3A_438 : i32 to index
        %swap3A_440 = arith.index_cast %multiple_of3A : i32 to index
        %swap3A_441 = tpu.vector_load %arg4[%swap3A_439, %swap3A_440] {strides = array<i32>} : memref<496x128xf32, #tpu.memory_space<vmem>>, vector<1x16xf32>,
        %swap3A_442 = vector.shape_cast %swap3A_441 : vector<1x16xf32> to vector<16xf32>
        %swap3A_443 = vector.shape_cast %select_n3A_436 : vector<16xf32> to vector<1x16xf32>
        tpu.vector_store %arg4[%swap3A_439, %swap3A_440], %swap3A_443 {strides = array<i32>} : memref<496x128xf32, #tpu.memory_space<vmem>>, vector<1x16xf32>,
      }
      %scan3A_72 = arith.constant 8 : i32
      %mul3A_73 = arith.constant 128 : i32
      %mul3A_74 = arith.muli %scan3A_55, %mul3A_73 : i32
      %add3A_75 = arith.addi %mul3A_2, %mul3A_74 : i32
      %dma_start3A_76 = arith.constant 0 : i32
      %dma_start3A_77 = tpu.memref_slice %arg3[%dma_start3A_76, %add3A_75] : memref<1000x16384xf32, #tpu.memory_space<hbm>> -> memref<496x128xf32, #tpu.memory_space<hbm>>
      %dma_start3A_78 = arith.constant 0 : i32
      %dma_start3A_79 = tpu.memref_slice %arg3[%dma_start3A_78, %add3A_75] : memref<1000x16384xf32, #tpu.memory_space<hbm>> -> memref<496x128xf32, #tpu.memory_space<hbm>>
      tpu.enqueue_dma source(%arg4 : memref<496x128xf32, #tpu.memory_space<vmem>>) target(%dma_start3A_79 : memref<496x128xf32, #tpu.memory_space<hbm>>) target_semaphore(%arg7 : memref<!tpu.dma_semaphore, #tpu.memory_space<semaphore_mem>>)
      %dma_wait3A_80 = arith.constant 496 : i32
      %dma_wait3A_81 = tpu.memref_slice %arg3[%dma_wait3A_80, %mul3A_2] : memref<1000x16384xf32, #tpu.memory_space<hbm>> -> memref<504x128xf32, #tpu.memory_space<hbm>>
      %dma_wait3A_82 = arith.constant 496 : i32
      %dma_wait3A_83 = tpu.memref_slice %arg3[%dma_wait3A_82, %mul3A_2] : memref<1000x16384xf32, #tpu.memory_space<hbm>> -> memref<504x128xf32, #tpu.memory_space<hbm>>
      tpu.wait_dma2 semaphore(%arg8 : memref<!tpu.dma_semaphore, #tpu.memory_space<semaphore_mem>>) src(%arg5 : memref<504x128xf32, #tpu.memory_space<vmem>>) dst(%dma_wait3A_83 : memref<504x128xf32, #tpu.memory_space<hbm>>)
      %sub3A_84 = arith.constant 1 : i32
      %sub3A_85 = arith.subi %scan3A_55, %sub3A_84 : i32
      %scan3A_86 = arith.constant 0 : i32
      %scan3A_87 = arith.constant 0 : i32
      %scan3A_88 = arith.constant 8 : i32
      %scan3A_89 = arith.addi %scan3A_87, %scan3A_88 : i32
      %scan3A_90 = arith.constant 1 : i32
      scf.for %scan3A_105 = %scan3A_87 to %scan3A_89 step %scan3A_90  : i32 {
        %mul3A_106 = arith.constant 128 : i32
        %mul3A_107 = arith.muli %sub3A_85, %mul3A_106 : i32
        %mul3A_108 = arith.constant 16 : i32
        %mul3A_109 = arith.muli %scan3A_105, %mul3A_108 : i32
        %add3A_110 = arith.addi %mul3A_107, %mul3A_109 : i32
        %get3A = arith.index_cast %add3A_110 : i32 to index
        %get3A_111 = tpu.vector_load %arg6[%get3A] {strides = array<i32>} : memref<512xi32, #tpu.memory_space<vmem>>, vector<16xi32>,
        %get3A_112 = vector.shape_cast %get3A_111 : vector<16xi32> to vector<16xi32>
        %mul3A_113 = arith.constant 16 : i32
        %mul3A_114 = arith.muli %scan3A_105, %mul3A_113 : i32
        %multiple_of3A = tpu.assume_multiple %mul3A_114, 16 : i32
        %sub3A_115 = arith.constant 496 : i32
        %sub3A_116 = vector.broadcast %sub3A_115 : i32 to vector<16xi32>
        %sub3A_117 = arith.subi %get3A_112, %sub3A_116 : vector<16xi32>
        %jit3A = arith.constant 0 : i32
        %jit3A_118 = arith.constant 503 : i32
        %max3A = vector.broadcast %jit3A : i32 to vector<16xi32>
        %max3A_119 = arith.maxsi %max3A, %sub3A_117 : vector<16xi32>
        %min3A = vector.broadcast %jit3A_118 : i32 to vector<16xi32>
        %min3A_120 = arith.minsi %min3A, %max3A_119 : vector<16xi32>
        %sub3A_121 = arith.constant 496 : i32
        %sub3A_122 = vector.broadcast %sub3A_121 : i32 to vector<16xi32>
        %sub3A_123 = arith.subi %get3A_112, %sub3A_122 : vector<16xi32>
        %lt3A = arith.constant 504 : i32
        %lt3A_124 = vector.broadcast %lt3A : i32 to vector<16xi32>
        %lt3A_125 = arith.cmpi ult, %sub3A_123, %lt3A_124 : vector<16xi32>
        %jit3A_126 = arith.constant -1 : i32
        %broadcast_in_dim3A_127 = vector.broadcast %jit3A_126 : i32 to vector<16xi32>
        %select_n3A = arith.select %lt3A_125, %iota3A, %broadcast_in_dim3A_127 : vector<16xi1>, vector<16xi32>
        %slice3A = vector.extract_strided_slice %min3A_120 {offsets = [0], sizes = [1], strides = [1]} : vector<16xi32> to vector<1xi32>
        %squeeze3A = vector.extract %slice3A[0] : i32 from vector<1xi32>
        %get3A_128 = arith.index_cast %squeeze3A : i32 to index
        %get3A_129 = arith.index_cast %multiple_of3A : i32 to index
        %get3A_130 = tpu.vector_load %arg5[%get3A_128, %get3A_129] {strides = array<i32>} : memref<504x128xf32, #tpu.memory_space<vmem>>, vector<1x16xf32>,
        %get3A_131 = vector.shape_cast %get3A_130 : vector<1x16xf32> to vector<16xf32>
        %slice3A_132 = vector.extract_strided_slice %select_n3A {offsets = [0], sizes = [1], strides = [1]} : vector<16xi32> to vector<1xi32>
        %squeeze3A_133 = vector.extract %slice3A_132[0] : i32 from vector<1xi32>
        %eq3A = vector.broadcast %squeeze3A_133 : i32 to vector<16xi32>
        %eq3A_134 = arith.cmpi eq, %iota3A, %eq3A : vector<16xi32>
        %jit3A_135 = arith.constant 0.00100100099 : f32
        %broadcast_in_dim3A_136 = vector.broadcast %jit3A_135 : f32 to vector<16xf32>
        %select_n3A_137 = arith.select %eq3A_134, %broadcast_in_dim3A_136, %get3A_131 : vector<16xi1>, vector<16xf32>
        %slice3A_138 = vector.extract_strided_slice %min3A_120 {offsets = [0], sizes = [1], strides = [1]} : vector<16xi32> to vector<1xi32>
        %squeeze3A_139 = vector.extract %slice3A_138[0] : i32 from vector<1xi32>
        %swap3A = arith.index_cast %squeeze3A_139 : i32 to index
        %swap3A_140 = arith.index_cast %multiple_of3A : i32 to index
        %swap3A_141 = tpu.vector_load %arg5[%swap3A, %swap3A_140] {strides = array<i32>} : memref<504x128xf32, #tpu.memory_space<vmem>>, vector<1x16xf32>,
        %swap3A_142 = vector.shape_cast %swap3A_141 : vector<1x16xf32> to vector<16xf32>
        %swap3A_143 = vector.shape_cast %select_n3A_137 : vector<16xf32> to vector<1x16xf32>
        tpu.vector_store %arg5[%swap3A, %swap3A_140], %swap3A_143 {strides = array<i32>} : memref<504x128xf32, #tpu.memory_space<vmem>>, vector<1x16xf32>,
        %slice3A_144 = vector.extract_strided_slice %min3A_120 {offsets = [1], sizes = [1], strides = [1]} : vector<16xi32> to vector<1xi32>
        %squeeze3A_145 = vector.extract %slice3A_144[0] : i32 from vector<1xi32>
        %get3A_146 = arith.index_cast %squeeze3A_145 : i32 to index
        %get3A_147 = arith.index_cast %multiple_of3A : i32 to index
        %get3A_148 = tpu.vector_load %arg5[%get3A_146, %get3A_147] {strides = array<i32>} : memref<504x128xf32, #tpu.memory_space<vmem>>, vector<1x16xf32>,
        %get3A_149 = vector.shape_cast %get3A_148 : vector<1x16xf32> to vector<16xf32>
        %slice3A_150 = vector.extract_strided_slice %select_n3A {offsets = [1], sizes = [1], strides = [1]} : vector<16xi32> to vector<1xi32>
        %squeeze3A_151 = vector.extract %slice3A_150[0] : i32 from vector<1xi32>
        %eq3A_152 = vector.broadcast %squeeze3A_151 : i32 to vector<16xi32>
        %eq3A_153 = arith.cmpi eq, %iota3A, %eq3A_152 : vector<16xi32>
        %jit3A_154 = arith.constant 0.00100100099 : f32
        %broadcast_in_dim3A_155 = vector.broadcast %jit3A_154 : f32 to vector<16xf32>
        %select_n3A_156 = arith.select %eq3A_153, %broadcast_in_dim3A_155, %get3A_149 : vector<16xi1>, vector<16xf32>
        %slice3A_157 = vector.extract_strided_slice %min3A_120 {offsets = [1], sizes = [1], strides = [1]} : vector<16xi32> to vector<1xi32>
        %squeeze3A_158 = vector.extract %slice3A_157[0] : i32 from vector<1xi32>
        %swap3A_159 = arith.index_cast %squeeze3A_158 : i32 to index
        %swap3A_160 = arith.index_cast %multiple_of3A : i32 to index
        %swap3A_161 = tpu.vector_load %arg5[%swap3A_159, %swap3A_160] {strides = array<i32>} : memref<504x128xf32, #tpu.memory_space<vmem>>, vector<1x16xf32>,
        %swap3A_162 = vector.shape_cast %swap3A_161 : vector<1x16xf32> to vector<16xf32>
        %swap3A_163 = vector.shape_cast %select_n3A_156 : vector<16xf32> to vector<1x16xf32>
        tpu.vector_store %arg5[%swap3A_159, %swap3A_160], %swap3A_163 {strides = array<i32>} : memref<504x128xf32, #tpu.memory_space<vmem>>, vector<1x16xf32>,
        %slice3A_164 = vector.extract_strided_slice %min3A_120 {offsets = [2], sizes = [1], strides = [1]} : vector<16xi32> to vector<1xi32>
        %squeeze3A_165 = vector.extract %slice3A_164[0] : i32 from vector<1xi32>
        %get3A_166 = arith.index_cast %squeeze3A_165 : i32 to index
        %get3A_167 = arith.index_cast %multiple_of3A : i32 to index
        %get3A_168 = tpu.vector_load %arg5[%get3A_166, %get3A_167] {strides = array<i32>} : memref<504x128xf32, #tpu.memory_space<vmem>>, vector<1x16xf32>,
        %get3A_169 = vector.shape_cast %get3A_168 : vector<1x16xf32> to vector<16xf32>
        %slice3A_170 = vector.extract_strided_slice %select_n3A {offsets = [2], sizes = [1], strides = [1]} : vector<16xi32> to vector<1xi32>
        %squeeze3A_171 = vector.extract %slice3A_170[0] : i32 from vector<1xi32>
        %eq3A_172 = vector.broadcast %squeeze3A_171 : i32 to vector<16xi32>
        %eq3A_173 = arith.cmpi eq, %iota3A, %eq3A_172 : vector<16xi32>
        %jit3A_174 = arith.constant 0.00100100099 : f32
        %broadcast_in_dim3A_175 = vector.broadcast %jit3A_174 : f32 to vector<16xf32>
        %select_n3A_176 = arith.select %eq3A_173, %broadcast_in_dim3A_175, %get3A_169 : vector<16xi1>, vector<16xf32>
        %slice3A_177 = vector.extract_strided_slice %min3A_120 {offsets = [2], sizes = [1], strides = [1]} : vector<16xi32> to vector<1xi32>
        %squeeze3A_178 = vector.extract %slice3A_177[0] : i32 from vector<1xi32>
        %swap3A_179 = arith.index_cast %squeeze3A_178 : i32 to index
        %swap3A_180 = arith.index_cast %multiple_of3A : i32 to index
        %swap3A_181 = tpu.vector_load %arg5[%swap3A_179, %swap3A_180] {strides = array<i32>} : memref<504x128xf32, #tpu.memory_space<vmem>>, vector<1x16xf32>,
        %swap3A_182 = vector.shape_cast %swap3A_181 : vector<1x16xf32> to vector<16xf32>
        %swap3A_183 = vector.shape_cast %select_n3A_176 : vector<16xf32> to vector<1x16xf32>
        tpu.vector_store %arg5[%swap3A_179, %swap3A_180], %swap3A_183 {strides = array<i32>} : memref<504x128xf32, #tpu.memory_space<vmem>>, vector<1x16xf32>,
        %slice3A_184 = vector.extract_strided_slice %min3A_120 {offsets = [3], sizes = [1], strides = [1]} : vector<16xi32> to vector<1xi32>
        %squeeze3A_185 = vector.extract %slice3A_184[0] : i32 from vector<1xi32>
        %get3A_186 = arith.index_cast %squeeze3A_185 : i32 to index
        %get3A_187 = arith.index_cast %multiple_of3A : i32 to index
        %get3A_188 = tpu.vector_load %arg5[%get3A_186, %get3A_187] {strides = array<i32>} : memref<504x128xf32, #tpu.memory_space<vmem>>, vector<1x16xf32>,
        %get3A_189 = vector.shape_cast %get3A_188 : vector<1x16xf32> to vector<16xf32>
        %slice3A_190 = vector.extract_strided_slice %select_n3A {offsets = [3], sizes = [1], strides = [1]} : vector<16xi32> to vector<1xi32>
        %squeeze3A_191 = vector.extract %slice3A_190[0] : i32 from vector<1xi32>
        %eq3A_192 = vector.broadcast %squeeze3A_191 : i32 to vector<16xi32>
        %eq3A_193 = arith.cmpi eq, %iota3A, %eq3A_192 : vector<16xi32>
        %jit3A_194 = arith.constant 0.00100100099 : f32
        %broadcast_in_dim3A_195 = vector.broadcast %jit3A_194 : f32 to vector<16xf32>
        %select_n3A_196 = arith.select %eq3A_193, %broadcast_in_dim3A_195, %get3A_189 : vector<16xi1>, vector<16xf32>
        %slice3A_197 = vector.extract_strided_slice %min3A_120 {offsets = [3], sizes = [1], strides = [1]} : vector<16xi32> to vector<1xi32>
        %squeeze3A_198 = vector.extract %slice3A_197[0] : i32 from vector<1xi32>
        %swap3A_199 = arith.index_cast %squeeze3A_198 : i32 to index
        %swap3A_200 = arith.index_cast %multiple_of3A : i32 to index
        %swap3A_201 = tpu.vector_load %arg5[%swap3A_199, %swap3A_200] {strides = array<i32>} : memref<504x128xf32, #tpu.memory_space<vmem>>, vector<1x16xf32>,
        %swap3A_202 = vector.shape_cast %swap3A_201 : vector<1x16xf32> to vector<16xf32>
        %swap3A_203 = vector.shape_cast %select_n3A_196 : vector<16xf32> to vector<1x16xf32>
        tpu.vector_store %arg5[%swap3A_199, %swap3A_200], %swap3A_203 {strides = array<i32>} : memref<504x128xf32, #tpu.memory_space<vmem>>, vector<1x16xf32>,
        %slice3A_204 = vector.extract_strided_slice %min3A_120 {offsets = [4], sizes = [1], strides = [1]} : vector<16xi32> to vector<1xi32>
        %squeeze3A_205 = vector.extract %slice3A_204[0] : i32 from vector<1xi32>
        %get3A_206 = arith.index_cast %squeeze3A_205 : i32 to index
        %get3A_207 = arith.index_cast %multiple_of3A : i32 to index
        %get3A_208 = tpu.vector_load %arg5[%get3A_206, %get3A_207] {strides = array<i32>} : memref<504x128xf32, #tpu.memory_space<vmem>>, vector<1x16xf32>,
        %get3A_209 = vector.shape_cast %get3A_208 : vector<1x16xf32> to vector<16xf32>
        %slice3A_210 = vector.extract_strided_slice %select_n3A {offsets = [4], sizes = [1], strides = [1]} : vector<16xi32> to vector<1xi32>
        %squeeze3A_211 = vector.extract %slice3A_210[0] : i32 from vector<1xi32>
        %eq3A_212 = vector.broadcast %squeeze3A_211 : i32 to vector<16xi32>
        %eq3A_213 = arith.cmpi eq, %iota3A, %eq3A_212 : vector<16xi32>
        %jit3A_214 = arith.constant 0.00100100099 : f32
        %broadcast_in_dim3A_215 = vector.broadcast %jit3A_214 : f32 to vector<16xf32>
        %select_n3A_216 = arith.select %eq3A_213, %broadcast_in_dim3A_215, %get3A_209 : vector<16xi1>, vector<16xf32>
        %slice3A_217 = vector.extract_strided_slice %min3A_120 {offsets = [4], sizes = [1], strides = [1]} : vector<16xi32> to vector<1xi32>
        %squeeze3A_218 = vector.extract %slice3A_217[0] : i32 from vector<1xi32>
        %swap3A_219 = arith.index_cast %squeeze3A_218 : i32 to index
        %swap3A_220 = arith.index_cast %multiple_of3A : i32 to index
        %swap3A_221 = tpu.vector_load %arg5[%swap3A_219, %swap3A_220] {strides = array<i32>} : memref<504x128xf32, #tpu.memory_space<vmem>>, vector<1x16xf32>,
        %swap3A_222 = vector.shape_cast %swap3A_221 : vector<1x16xf32> to vector<16xf32>
        %swap3A_223 = vector.shape_cast %select_n3A_216 : vector<16xf32> to vector<1x16xf32>
        tpu.vector_store %arg5[%swap3A_219, %swap3A_220], %swap3A_223 {strides = array<i32>} : memref<504x128xf32, #tpu.memory_space<vmem>>, vector<1x16xf32>,
        %slice3A_224 = vector.extract_strided_slice %min3A_120 {offsets = [5], sizes = [1], strides = [1]} : vector<16xi32> to vector<1xi32>
        %squeeze3A_225 = vector.extract %slice3A_224[0] : i32 from vector<1xi32>
        %get3A_226 = arith.index_cast %squeeze3A_225 : i32 to index
        %get3A_227 = arith.index_cast %multiple_of3A : i32 to index
        %get3A_228 = tpu.vector_load %arg5[%get3A_226, %get3A_227] {strides = array<i32>} : memref<504x128xf32, #tpu.memory_space<vmem>>, vector<1x16xf32>,
        %get3A_229 = vector.shape_cast %get3A_228 : vector<1x16xf32> to vector<16xf32>
        %slice3A_230 = vector.extract_strided_slice %select_n3A {offsets = [5], sizes = [1], strides = [1]} : vector<16xi32> to vector<1xi32>
        %squeeze3A_231 = vector.extract %slice3A_230[0] : i32 from vector<1xi32>
        %eq3A_232 = vector.broadcast %squeeze3A_231 : i32 to vector<16xi32>
        %eq3A_233 = arith.cmpi eq, %iota3A, %eq3A_232 : vector<16xi32>
        %jit3A_234 = arith.constant 0.00100100099 : f32
        %broadcast_in_dim3A_235 = vector.broadcast %jit3A_234 : f32 to vector<16xf32>
        %select_n3A_236 = arith.select %eq3A_233, %broadcast_in_dim3A_235, %get3A_229 : vector<16xi1>, vector<16xf32>
        %slice3A_237 = vector.extract_strided_slice %min3A_120 {offsets = [5], sizes = [1], strides = [1]} : vector<16xi32> to vector<1xi32>
        %squeeze3A_238 = vector.extract %slice3A_237[0] : i32 from vector<1xi32>
        %swap3A_239 = arith.index_cast %squeeze3A_238 : i32 to index
        %swap3A_240 = arith.index_cast %multiple_of3A : i32 to index
        %swap3A_241 = tpu.vector_load %arg5[%swap3A_239, %swap3A_240] {strides = array<i32>} : memref<504x128xf32, #tpu.memory_space<vmem>>, vector<1x16xf32>,
        %swap3A_242 = vector.shape_cast %swap3A_241 : vector<1x16xf32> to vector<16xf32>
        %swap3A_243 = vector.shape_cast %select_n3A_236 : vector<16xf32> to vector<1x16xf32>
        tpu.vector_store %arg5[%swap3A_239, %swap3A_240], %swap3A_243 {strides = array<i32>} : memref<504x128xf32, #tpu.memory_space<vmem>>, vector<1x16xf32>,
        %slice3A_244 = vector.extract_strided_slice %min3A_120 {offsets = [6], sizes = [1], strides = [1]} : vector<16xi32> to vector<1xi32>
        %squeeze3A_245 = vector.extract %slice3A_244[0] : i32 from vector<1xi32>
        %get3A_246 = arith.index_cast %squeeze3A_245 : i32 to index
        %get3A_247 = arith.index_cast %multiple_of3A : i32 to index
        %get3A_248 = tpu.vector_load %arg5[%get3A_246, %get3A_247] {strides = array<i32>} : memref<504x128xf32, #tpu.memory_space<vmem>>, vector<1x16xf32>,
        %get3A_249 = vector.shape_cast %get3A_248 : vector<1x16xf32> to vector<16xf32>
        %slice3A_250 = vector.extract_strided_slice %select_n3A {offsets = [6], sizes = [1], strides = [1]} : vector<16xi32> to vector<1xi32>
        %squeeze3A_251 = vector.extract %slice3A_250[0] : i32 from vector<1xi32>
        %eq3A_252 = vector.broadcast %squeeze3A_251 : i32 to vector<16xi32>
        %eq3A_253 = arith.cmpi eq, %iota3A, %eq3A_252 : vector<16xi32>
        %jit3A_254 = arith.constant 0.00100100099 : f32
        %broadcast_in_dim3A_255 = vector.broadcast %jit3A_254 : f32 to vector<16xf32>
        %select_n3A_256 = arith.select %eq3A_253, %broadcast_in_dim3A_255, %get3A_249 : vector<16xi1>, vector<16xf32>
        %slice3A_257 = vector.extract_strided_slice %min3A_120 {offsets = [6], sizes = [1], strides = [1]} : vector<16xi32> to vector<1xi32>
        %squeeze3A_258 = vector.extract %slice3A_257[0] : i32 from vector<1xi32>
        %swap3A_259 = arith.index_cast %squeeze3A_258 : i32 to index
        %swap3A_260 = arith.index_cast %multiple_of3A : i32 to index
        %swap3A_261 = tpu.vector_load %arg5[%swap3A_259, %swap3A_260] {strides = array<i32>} : memref<504x128xf32, #tpu.memory_space<vmem>>, vector<1x16xf32>,
        %swap3A_262 = vector.shape_cast %swap3A_261 : vector<1x16xf32> to vector<16xf32>
        %swap3A_263 = vector.shape_cast %select_n3A_256 : vector<16xf32> to vector<1x16xf32>
        tpu.vector_store %arg5[%swap3A_259, %swap3A_260], %swap3A_263 {strides = array<i32>} : memref<504x128xf32, #tpu.memory_space<vmem>>, vector<1x16xf32>,
        %slice3A_264 = vector.extract_strided_slice %min3A_120 {offsets = [7], sizes = [1], strides = [1]} : vector<16xi32> to vector<1xi32>
        %squeeze3A_265 = vector.extract %slice3A_264[0] : i32 from vector<1xi32>
        %get3A_266 = arith.index_cast %squeeze3A_265 : i32 to index
        %get3A_267 = arith.index_cast %multiple_of3A : i32 to index
        %get3A_268 = tpu.vector_load %arg5[%get3A_266, %get3A_267] {strides = array<i32>} : memref<504x128xf32, #tpu.memory_space<vmem>>, vector<1x16xf32>,
        %get3A_269 = vector.shape_cast %get3A_268 : vector<1x16xf32> to vector<16xf32>
        %slice3A_270 = vector.extract_strided_slice %select_n3A {offsets = [7], sizes = [1], strides = [1]} : vector<16xi32> to vector<1xi32>
        %squeeze3A_271 = vector.extract %slice3A_270[0] : i32 from vector<1xi32>
        %eq3A_272 = vector.broadcast %squeeze3A_271 : i32 to vector<16xi32>
        %eq3A_273 = arith.cmpi eq, %iota3A, %eq3A_272 : vector<16xi32>
        %jit3A_274 = arith.constant 0.00100100099 : f32
        %broadcast_in_dim3A_275 = vector.broadcast %jit3A_274 : f32 to vector<16xf32>
        %select_n3A_276 = arith.select %eq3A_273, %broadcast_in_dim3A_275, %get3A_269 : vector<16xi1>, vector<16xf32>
        %slice3A_277 = vector.extract_strided_slice %min3A_120 {offsets = [7], sizes = [1], strides = [1]} : vector<16xi32> to vector<1xi32>
        %squeeze3A_278 = vector.extract %slice3A_277[0] : i32 from vector<1xi32>
        %swap3A_279 = arith.index_cast %squeeze3A_278 : i32 to index
        %swap3A_280 = arith.index_cast %multiple_of3A : i32 to index
        %swap3A_281 = tpu.vector_load %arg5[%swap3A_279, %swap3A_280] {strides = array<i32>} : memref<504x128xf32, #tpu.memory_space<vmem>>, vector<1x16xf32>,
        %swap3A_282 = vector.shape_cast %swap3A_281 : vector<1x16xf32> to vector<16xf32>
        %swap3A_283 = vector.shape_cast %select_n3A_276 : vector<16xf32> to vector<1x16xf32>
        tpu.vector_store %arg5[%swap3A_279, %swap3A_280], %swap3A_283 {strides = array<i32>} : memref<504x128xf32, #tpu.memory_space<vmem>>, vector<1x16xf32>,
        %slice3A_284 = vector.extract_strided_slice %min3A_120 {offsets = [8], sizes = [1], strides = [1]} : vector<16xi32> to vector<1xi32>
        %squeeze3A_285 = vector.extract %slice3A_284[0] : i32 from vector<1xi32>
        %get3A_286 = arith.index_cast %squeeze3A_285 : i32 to index
        %get3A_287 = arith.index_cast %multiple_of3A : i32 to index
        %get3A_288 = tpu.vector_load %arg5[%get3A_286, %get3A_287] {strides = array<i32>} : memref<504x128xf32, #tpu.memory_space<vmem>>, vector<1x16xf32>,
        %get3A_289 = vector.shape_cast %get3A_288 : vector<1x16xf32> to vector<16xf32>
        %slice3A_290 = vector.extract_strided_slice %select_n3A {offsets = [8], sizes = [1], strides = [1]} : vector<16xi32> to vector<1xi32>
        %squeeze3A_291 = vector.extract %slice3A_290[0] : i32 from vector<1xi32>
        %eq3A_292 = vector.broadcast %squeeze3A_291 : i32 to vector<16xi32>
        %eq3A_293 = arith.cmpi eq, %iota3A, %eq3A_292 : vector<16xi32>
        %jit3A_294 = arith.constant 0.00100100099 : f32
        %broadcast_in_dim3A_295 = vector.broadcast %jit3A_294 : f32 to vector<16xf32>
        %select_n3A_296 = arith.select %eq3A_293, %broadcast_in_dim3A_295, %get3A_289 : vector<16xi1>, vector<16xf32>
        %slice3A_297 = vector.extract_strided_slice %min3A_120 {offsets = [8], sizes = [1], strides = [1]} : vector<16xi32> to vector<1xi32>
        %squeeze3A_298 = vector.extract %slice3A_297[0] : i32 from vector<1xi32>
        %swap3A_299 = arith.index_cast %squeeze3A_298 : i32 to index
        %swap3A_300 = arith.index_cast %multiple_of3A : i32 to index
        %swap3A_301 = tpu.vector_load %arg5[%swap3A_299, %swap3A_300] {strides = array<i32>} : memref<504x128xf32, #tpu.memory_space<vmem>>, vector<1x16xf32>,
        %swap3A_302 = vector.shape_cast %swap3A_301 : vector<1x16xf32> to vector<16xf32>
        %swap3A_303 = vector.shape_cast %select_n3A_296 : vector<16xf32> to vector<1x16xf32>
        tpu.vector_store %arg5[%swap3A_299, %swap3A_300], %swap3A_303 {strides = array<i32>} : memref<504x128xf32, #tpu.memory_space<vmem>>, vector<1x16xf32>,
        %slice3A_304 = vector.extract_strided_slice %min3A_120 {offsets = [9], sizes = [1], strides = [1]} : vector<16xi32> to vector<1xi32>
        %squeeze3A_305 = vector.extract %slice3A_304[0] : i32 from vector<1xi32>
        %get3A_306 = arith.index_cast %squeeze3A_305 : i32 to index
        %get3A_307 = arith.index_cast %multiple_of3A : i32 to index
        %get3A_308 = tpu.vector_load %arg5[%get3A_306, %get3A_307] {strides = array<i32>} : memref<504x128xf32, #tpu.memory_space<vmem>>, vector<1x16xf32>,
        %get3A_309 = vector.shape_cast %get3A_308 : vector<1x16xf32> to vector<16xf32>
        %slice3A_310 = vector.extract_strided_slice %select_n3A {offsets = [9], sizes = [1], strides = [1]} : vector<16xi32> to vector<1xi32>
        %squeeze3A_311 = vector.extract %slice3A_310[0] : i32 from vector<1xi32>
        %eq3A_312 = vector.broadcast %squeeze3A_311 : i32 to vector<16xi32>
        %eq3A_313 = arith.cmpi eq, %iota3A, %eq3A_312 : vector<16xi32>
        %jit3A_314 = arith.constant 0.00100100099 : f32
        %broadcast_in_dim3A_315 = vector.broadcast %jit3A_314 : f32 to vector<16xf32>
        %select_n3A_316 = arith.select %eq3A_313, %broadcast_in_dim3A_315, %get3A_309 : vector<16xi1>, vector<16xf32>
        %slice3A_317 = vector.extract_strided_slice %min3A_120 {offsets = [9], sizes = [1], strides = [1]} : vector<16xi32> to vector<1xi32>
        %squeeze3A_318 = vector.extract %slice3A_317[0] : i32 from vector<1xi32>
        %swap3A_319 = arith.index_cast %squeeze3A_318 : i32 to index
        %swap3A_320 = arith.index_cast %multiple_of3A : i32 to index
        %swap3A_321 = tpu.vector_load %arg5[%swap3A_319, %swap3A_320] {strides = array<i32>} : memref<504x128xf32, #tpu.memory_space<vmem>>, vector<1x16xf32>,
        %swap3A_322 = vector.shape_cast %swap3A_321 : vector<1x16xf32> to vector<16xf32>
        %swap3A_323 = vector.shape_cast %select_n3A_316 : vector<16xf32> to vector<1x16xf32>
        tpu.vector_store %arg5[%swap3A_319, %swap3A_320], %swap3A_323 {strides = array<i32>} : memref<504x128xf32, #tpu.memory_space<vmem>>, vector<1x16xf32>,
        %slice3A_324 = vector.extract_strided_slice %min3A_120 {offsets = [10], sizes = [1], strides = [1]} : vector<16xi32> to vector<1xi32>
        %squeeze3A_325 = vector.extract %slice3A_324[0] : i32 from vector<1xi32>
        %get3A_326 = arith.index_cast %squeeze3A_325 : i32 to index
        %get3A_327 = arith.index_cast %multiple_of3A : i32 to index
        %get3A_328 = tpu.vector_load %arg5[%get3A_326, %get3A_327] {strides = array<i32>} : memref<504x128xf32, #tpu.memory_space<vmem>>, vector<1x16xf32>,
        %get3A_329 = vector.shape_cast %get3A_328 : vector<1x16xf32> to vector<16xf32>
        %slice3A_330 = vector.extract_strided_slice %select_n3A {offsets = [10], sizes = [1], strides = [1]} : vector<16xi32> to vector<1xi32>
        %squeeze3A_331 = vector.extract %slice3A_330[0] : i32 from vector<1xi32>
        %eq3A_332 = vector.broadcast %squeeze3A_331 : i32 to vector<16xi32>
        %eq3A_333 = arith.cmpi eq, %iota3A, %eq3A_332 : vector<16xi32>
        %jit3A_334 = arith.constant 0.00100100099 : f32
        %broadcast_in_dim3A_335 = vector.broadcast %jit3A_334 : f32 to vector<16xf32>
        %select_n3A_336 = arith.select %eq3A_333, %broadcast_in_dim3A_335, %get3A_329 : vector<16xi1>, vector<16xf32>
        %slice3A_337 = vector.extract_strided_slice %min3A_120 {offsets = [10], sizes = [1], strides = [1]} : vector<16xi32> to vector<1xi32>
        %squeeze3A_338 = vector.extract %slice3A_337[0] : i32 from vector<1xi32>
        %swap3A_339 = arith.index_cast %squeeze3A_338 : i32 to index
        %swap3A_340 = arith.index_cast %multiple_of3A : i32 to index
        %swap3A_341 = tpu.vector_load %arg5[%swap3A_339, %swap3A_340] {strides = array<i32>} : memref<504x128xf32, #tpu.memory_space<vmem>>, vector<1x16xf32>,
        %swap3A_342 = vector.shape_cast %swap3A_341 : vector<1x16xf32> to vector<16xf32>
        %swap3A_343 = vector.shape_cast %select_n3A_336 : vector<16xf32> to vector<1x16xf32>
        tpu.vector_store %arg5[%swap3A_339, %swap3A_340], %swap3A_343 {strides = array<i32>} : memref<504x128xf32, #tpu.memory_space<vmem>>, vector<1x16xf32>,
        %slice3A_344 = vector.extract_strided_slice %min3A_120 {offsets = [11], sizes = [1], strides = [1]} : vector<16xi32> to vector<1xi32>
        %squeeze3A_345 = vector.extract %slice3A_344[0] : i32 from vector<1xi32>
        %get3A_346 = arith.index_cast %squeeze3A_345 : i32 to index
        %get3A_347 = arith.index_cast %multiple_of3A : i32 to index
        %get3A_348 = tpu.vector_load %arg5[%get3A_346, %get3A_347] {strides = array<i32>} : memref<504x128xf32, #tpu.memory_space<vmem>>, vector<1x16xf32>,
        %get3A_349 = vector.shape_cast %get3A_348 : vector<1x16xf32> to vector<16xf32>
        %slice3A_350 = vector.extract_strided_slice %select_n3A {offsets = [11], sizes = [1], strides = [1]} : vector<16xi32> to vector<1xi32>
        %squeeze3A_351 = vector.extract %slice3A_350[0] : i32 from vector<1xi32>
        %eq3A_352 = vector.broadcast %squeeze3A_351 : i32 to vector<16xi32>
        %eq3A_353 = arith.cmpi eq, %iota3A, %eq3A_352 : vector<16xi32>
        %jit3A_354 = arith.constant 0.00100100099 : f32
        %broadcast_in_dim3A_355 = vector.broadcast %jit3A_354 : f32 to vector<16xf32>
        %select_n3A_356 = arith.select %eq3A_353, %broadcast_in_dim3A_355, %get3A_349 : vector<16xi1>, vector<16xf32>
        %slice3A_357 = vector.extract_strided_slice %min3A_120 {offsets = [11], sizes = [1], strides = [1]} : vector<16xi32> to vector<1xi32>
        %squeeze3A_358 = vector.extract %slice3A_357[0] : i32 from vector<1xi32>
        %swap3A_359 = arith.index_cast %squeeze3A_358 : i32 to index
        %swap3A_360 = arith.index_cast %multiple_of3A : i32 to index
        %swap3A_361 = tpu.vector_load %arg5[%swap3A_359, %swap3A_360] {strides = array<i32>} : memref<504x128xf32, #tpu.memory_space<vmem>>, vector<1x16xf32>,
        %swap3A_362 = vector.shape_cast %swap3A_361 : vector<1x16xf32> to vector<16xf32>
        %swap3A_363 = vector.shape_cast %select_n3A_356 : vector<16xf32> to vector<1x16xf32>
        tpu.vector_store %arg5[%swap3A_359, %swap3A_360], %swap3A_363 {strides = array<i32>} : memref<504x128xf32, #tpu.memory_space<vmem>>, vector<1x16xf32>,
        %slice3A_364 = vector.extract_strided_slice %min3A_120 {offsets = [12], sizes = [1], strides = [1]} : vector<16xi32> to vector<1xi32>
        %squeeze3A_365 = vector.extract %slice3A_364[0] : i32 from vector<1xi32>
        %get3A_366 = arith.index_cast %squeeze3A_365 : i32 to index
        %get3A_367 = arith.index_cast %multiple_of3A : i32 to index
        %get3A_368 = tpu.vector_load %arg5[%get3A_366, %get3A_367] {strides = array<i32>} : memref<504x128xf32, #tpu.memory_space<vmem>>, vector<1x16xf32>,
        %get3A_369 = vector.shape_cast %get3A_368 : vector<1x16xf32> to vector<16xf32>
        %slice3A_370 = vector.extract_strided_slice %select_n3A {offsets = [12], sizes = [1], strides = [1]} : vector<16xi32> to vector<1xi32>
        %squeeze3A_371 = vector.extract %slice3A_370[0] : i32 from vector<1xi32>
        %eq3A_372 = vector.broadcast %squeeze3A_371 : i32 to vector<16xi32>
        %eq3A_373 = arith.cmpi eq, %iota3A, %eq3A_372 : vector<16xi32>
        %jit3A_374 = arith.constant 0.00100100099 : f32
        %broadcast_in_dim3A_375 = vector.broadcast %jit3A_374 : f32 to vector<16xf32>
        %select_n3A_376 = arith.select %eq3A_373, %broadcast_in_dim3A_375, %get3A_369 : vector<16xi1>, vector<16xf32>
        %slice3A_377 = vector.extract_strided_slice %min3A_120 {offsets = [12], sizes = [1], strides = [1]} : vector<16xi32> to vector<1xi32>
        %squeeze3A_378 = vector.extract %slice3A_377[0] : i32 from vector<1xi32>
        %swap3A_379 = arith.index_cast %squeeze3A_378 : i32 to index
        %swap3A_380 = arith.index_cast %multiple_of3A : i32 to index
        %swap3A_381 = tpu.vector_load %arg5[%swap3A_379, %swap3A_380] {strides = array<i32>} : memref<504x128xf32, #tpu.memory_space<vmem>>, vector<1x16xf32>,
        %swap3A_382 = vector.shape_cast %swap3A_381 : vector<1x16xf32> to vector<16xf32>
        %swap3A_383 = vector.shape_cast %select_n3A_376 : vector<16xf32> to vector<1x16xf32>
        tpu.vector_store %arg5[%swap3A_379, %swap3A_380], %swap3A_383 {strides = array<i32>} : memref<504x128xf32, #tpu.memory_space<vmem>>, vector<1x16xf32>,
        %slice3A_384 = vector.extract_strided_slice %min3A_120 {offsets = [13], sizes = [1], strides = [1]} : vector<16xi32> to vector<1xi32>
        %squeeze3A_385 = vector.extract %slice3A_384[0] : i32 from vector<1xi32>
        %get3A_386 = arith.index_cast %squeeze3A_385 : i32 to index
        %get3A_387 = arith.index_cast %multiple_of3A : i32 to index
        %get3A_388 = tpu.vector_load %arg5[%get3A_386, %get3A_387] {strides = array<i32>} : memref<504x128xf32, #tpu.memory_space<vmem>>, vector<1x16xf32>,
        %get3A_389 = vector.shape_cast %get3A_388 : vector<1x16xf32> to vector<16xf32>
        %slice3A_390 = vector.extract_strided_slice %select_n3A {offsets = [13], sizes = [1], strides = [1]} : vector<16xi32> to vector<1xi32>
        %squeeze3A_391 = vector.extract %slice3A_390[0] : i32 from vector<1xi32>
        %eq3A_392 = vector.broadcast %squeeze3A_391 : i32 to vector<16xi32>
        %eq3A_393 = arith.cmpi eq, %iota3A, %eq3A_392 : vector<16xi32>
        %jit3A_394 = arith.constant 0.00100100099 : f32
        %broadcast_in_dim3A_395 = vector.broadcast %jit3A_394 : f32 to vector<16xf32>
        %select_n3A_396 = arith.select %eq3A_393, %broadcast_in_dim3A_395, %get3A_389 : vector<16xi1>, vector<16xf32>
        %slice3A_397 = vector.extract_strided_slice %min3A_120 {offsets = [13], sizes = [1], strides = [1]} : vector<16xi32> to vector<1xi32>
        %squeeze3A_398 = vector.extract %slice3A_397[0] : i32 from vector<1xi32>
        %swap3A_399 = arith.index_cast %squeeze3A_398 : i32 to index
        %swap3A_400 = arith.index_cast %multiple_of3A : i32 to index
        %swap3A_401 = tpu.vector_load %arg5[%swap3A_399, %swap3A_400] {strides = array<i32>} : memref<504x128xf32, #tpu.memory_space<vmem>>, vector<1x16xf32>,
        %swap3A_402 = vector.shape_cast %swap3A_401 : vector<1x16xf32> to vector<16xf32>
        %swap3A_403 = vector.shape_cast %select_n3A_396 : vector<16xf32> to vector<1x16xf32>
        tpu.vector_store %arg5[%swap3A_399, %swap3A_400], %swap3A_403 {strides = array<i32>} : memref<504x128xf32, #tpu.memory_space<vmem>>, vector<1x16xf32>,
        %slice3A_404 = vector.extract_strided_slice %min3A_120 {offsets = [14], sizes = [1], strides = [1]} : vector<16xi32> to vector<1xi32>
        %squeeze3A_405 = vector.extract %slice3A_404[0] : i32 from vector<1xi32>
        %get3A_406 = arith.index_cast %squeeze3A_405 : i32 to index
        %get3A_407 = arith.index_cast %multiple_of3A : i32 to index
        %get3A_408 = tpu.vector_load %arg5[%get3A_406, %get3A_407] {strides = array<i32>} : memref<504x128xf32, #tpu.memory_space<vmem>>, vector<1x16xf32>,
        %get3A_409 = vector.shape_cast %get3A_408 : vector<1x16xf32> to vector<16xf32>
        %slice3A_410 = vector.extract_strided_slice %select_n3A {offsets = [14], sizes = [1], strides = [1]} : vector<16xi32> to vector<1xi32>
        %squeeze3A_411 = vector.extract %slice3A_410[0] : i32 from vector<1xi32>
        %eq3A_412 = vector.broadcast %squeeze3A_411 : i32 to vector<16xi32>
        %eq3A_413 = arith.cmpi eq, %iota3A, %eq3A_412 : vector<16xi32>
        %jit3A_414 = arith.constant 0.00100100099 : f32
        %broadcast_in_dim3A_415 = vector.broadcast %jit3A_414 : f32 to vector<16xf32>
        %select_n3A_416 = arith.select %eq3A_413, %broadcast_in_dim3A_415, %get3A_409 : vector<16xi1>, vector<16xf32>
        %slice3A_417 = vector.extract_strided_slice %min3A_120 {offsets = [14], sizes = [1], strides = [1]} : vector<16xi32> to vector<1xi32>
        %squeeze3A_418 = vector.extract %slice3A_417[0] : i32 from vector<1xi32>
        %swap3A_419 = arith.index_cast %squeeze3A_418 : i32 to index
        %swap3A_420 = arith.index_cast %multiple_of3A : i32 to index
        %swap3A_421 = tpu.vector_load %arg5[%swap3A_419, %swap3A_420] {strides = array<i32>} : memref<504x128xf32, #tpu.memory_space<vmem>>, vector<1x16xf32>,
        %swap3A_422 = vector.shape_cast %swap3A_421 : vector<1x16xf32> to vector<16xf32>
        %swap3A_423 = vector.shape_cast %select_n3A_416 : vector<16xf32> to vector<1x16xf32>
        tpu.vector_store %arg5[%swap3A_419, %swap3A_420], %swap3A_423 {strides = array<i32>} : memref<504x128xf32, #tpu.memory_space<vmem>>, vector<1x16xf32>,
        %slice3A_424 = vector.extract_strided_slice %min3A_120 {offsets = [15], sizes = [1], strides = [1]} : vector<16xi32> to vector<1xi32>
        %squeeze3A_425 = vector.extract %slice3A_424[0] : i32 from vector<1xi32>
        %get3A_426 = arith.index_cast %squeeze3A_425 : i32 to index
        %get3A_427 = arith.index_cast %multiple_of3A : i32 to index
        %get3A_428 = tpu.vector_load %arg5[%get3A_426, %get3A_427] {strides = array<i32>} : memref<504x128xf32, #tpu.memory_space<vmem>>, vector<1x16xf32>,
        %get3A_429 = vector.shape_cast %get3A_428 : vector<1x16xf32> to vector<16xf32>
        %slice3A_430 = vector.extract_strided_slice %select_n3A {offsets = [15], sizes = [1], strides = [1]} : vector<16xi32> to vector<1xi32>
        %squeeze3A_431 = vector.extract %slice3A_430[0] : i32 from vector<1xi32>
        %eq3A_432 = vector.broadcast %squeeze3A_431 : i32 to vector<16xi32>
        %eq3A_433 = arith.cmpi eq, %iota3A, %eq3A_432 : vector<16xi32>
        %jit3A_434 = arith.constant 0.00100100099 : f32
        %broadcast_in_dim3A_435 = vector.broadcast %jit3A_434 : f32 to vector<16xf32>
        %select_n3A_436 = arith.select %eq3A_433, %broadcast_in_dim3A_435, %get3A_429 : vector<16xi1>, vector<16xf32>
        %slice3A_437 = vector.extract_strided_slice %min3A_120 {offsets = [15], sizes = [1], strides = [1]} : vector<16xi32> to vector<1xi32>
        %squeeze3A_438 = vector.extract %slice3A_437[0] : i32 from vector<1xi32>
        %swap3A_439 = arith.index_cast %squeeze3A_438 : i32 to index
        %swap3A_440 = arith.index_cast %multiple_of3A : i32 to index
        %swap3A_441 = tpu.vector_load %arg5[%swap3A_439, %swap3A_440] {strides = array<i32>} : memref<504x128xf32, #tpu.memory_space<vmem>>, vector<1x16xf32>,
        %swap3A_442 = vector.shape_cast %swap3A_441 : vector<1x16xf32> to vector<16xf32>
        %swap3A_443 = vector.shape_cast %select_n3A_436 : vector<16xf32> to vector<1x16xf32>
        tpu.vector_store %arg5[%swap3A_439, %swap3A_440], %swap3A_443 {strides = array<i32>} : memref<504x128xf32, #tpu.memory_space<vmem>>, vector<1x16xf32>,
      }
      %scan3A_91 = arith.constant 8 : i32
      %scan3A_92 = arith.constant 0 : i32
      %scan3A_93 = arith.constant 0 : i32
      %scan3A_94 = arith.constant 8 : i32
      %scan3A_95 = arith.addi %scan3A_93, %scan3A_94 : i32
      %scan3A_96 = arith.constant 1 : i32
      scf.for %scan3A_105 = %scan3A_93 to %scan3A_95 step %scan3A_96  : i32 {
        %mul3A_106 = arith.constant 128 : i32
        %mul3A_107 = arith.muli %scan3A_55, %mul3A_106 : i32
        %mul3A_108 = arith.constant 16 : i32
        %mul3A_109 = arith.muli %scan3A_105, %mul3A_108 : i32
        %add3A_110 = arith.addi %mul3A_107, %mul3A_109 : i32
        %get3A = arith.index_cast %add3A_110 : i32 to index
        %get3A_111 = tpu.vector_load %arg6[%get3A] {strides = array<i32>} : memref<512xi32, #tpu.memory_space<vmem>>, vector<16xi32>,
        %get3A_112 = vector.shape_cast %get3A_111 : vector<16xi32> to vector<16xi32>
        %mul3A_113 = arith.constant 16 : i32
        %mul3A_114 = arith.muli %scan3A_105, %mul3A_113 : i32
        %multiple_of3A = tpu.assume_multiple %mul3A_114, 16 : i32
        %sub3A_115 = arith.constant 496 : i32
        %sub3A_116 = vector.broadcast %sub3A_115 : i32 to vector<16xi32>
        %sub3A_117 = arith.subi %get3A_112, %sub3A_116 : vector<16xi32>
        %jit3A = arith.constant 0 : i32
        %jit3A_118 = arith.constant 503 : i32
        %max3A = vector.broadcast %jit3A : i32 to vector<16xi32>
        %max3A_119 = arith.maxsi %max3A, %sub3A_117 : vector<16xi32>
        %min3A = vector.broadcast %jit3A_118 : i32 to vector<16xi32>
        %min3A_120 = arith.minsi %min3A, %max3A_119 : vector<16xi32>
        %sub3A_121 = arith.constant 496 : i32
        %sub3A_122 = vector.broadcast %sub3A_121 : i32 to vector<16xi32>
        %sub3A_123 = arith.subi %get3A_112, %sub3A_122 : vector<16xi32>
        %lt3A = arith.constant 504 : i32
        %lt3A_124 = vector.broadcast %lt3A : i32 to vector<16xi32>
        %lt3A_125 = arith.cmpi ult, %sub3A_123, %lt3A_124 : vector<16xi32>
        %jit3A_126 = arith.constant -1 : i32
        %broadcast_in_dim3A_127 = vector.broadcast %jit3A_126 : i32 to vector<16xi32>
        %select_n3A = arith.select %lt3A_125, %iota3A, %broadcast_in_dim3A_127 : vector<16xi1>, vector<16xi32>
        %slice3A = vector.extract_strided_slice %min3A_120 {offsets = [0], sizes = [1], strides = [1]} : vector<16xi32> to vector<1xi32>
        %squeeze3A = vector.extract %slice3A[0] : i32 from vector<1xi32>
        %get3A_128 = arith.index_cast %squeeze3A : i32 to index
        %get3A_129 = arith.index_cast %multiple_of3A : i32 to index
        %get3A_130 = tpu.vector_load %arg5[%get3A_128, %get3A_129] {strides = array<i32>} : memref<504x128xf32, #tpu.memory_space<vmem>>, vector<1x16xf32>,
        %get3A_131 = vector.shape_cast %get3A_130 : vector<1x16xf32> to vector<16xf32>
        %slice3A_132 = vector.extract_strided_slice %select_n3A {offsets = [0], sizes = [1], strides = [1]} : vector<16xi32> to vector<1xi32>
        %squeeze3A_133 = vector.extract %slice3A_132[0] : i32 from vector<1xi32>
        %eq3A = vector.broadcast %squeeze3A_133 : i32 to vector<16xi32>
        %eq3A_134 = arith.cmpi eq, %iota3A, %eq3A : vector<16xi32>
        %jit3A_135 = arith.constant 0.000000e+00 : f32
        %broadcast_in_dim3A_136 = vector.broadcast %jit3A_135 : f32 to vector<16xf32>
        %select_n3A_137 = arith.select %eq3A_134, %broadcast_in_dim3A_136, %get3A_131 : vector<16xi1>, vector<16xf32>
        %slice3A_138 = vector.extract_strided_slice %min3A_120 {offsets = [0], sizes = [1], strides = [1]} : vector<16xi32> to vector<1xi32>
        %squeeze3A_139 = vector.extract %slice3A_138[0] : i32 from vector<1xi32>
        %swap3A = arith.index_cast %squeeze3A_139 : i32 to index
        %swap3A_140 = arith.index_cast %multiple_of3A : i32 to index
        %swap3A_141 = tpu.vector_load %arg5[%swap3A, %swap3A_140] {strides = array<i32>} : memref<504x128xf32, #tpu.memory_space<vmem>>, vector<1x16xf32>,
        %swap3A_142 = vector.shape_cast %swap3A_141 : vector<1x16xf32> to vector<16xf32>
        %swap3A_143 = vector.shape_cast %select_n3A_137 : vector<16xf32> to vector<1x16xf32>
        tpu.vector_store %arg5[%swap3A, %swap3A_140], %swap3A_143 {strides = array<i32>} : memref<504x128xf32, #tpu.memory_space<vmem>>, vector<1x16xf32>,
        %slice3A_144 = vector.extract_strided_slice %min3A_120 {offsets = [1], sizes = [1], strides = [1]} : vector<16xi32> to vector<1xi32>
        %squeeze3A_145 = vector.extract %slice3A_144[0] : i32 from vector<1xi32>
        %get3A_146 = arith.index_cast %squeeze3A_145 : i32 to index
        %get3A_147 = arith.index_cast %multiple_of3A : i32 to index
        %get3A_148 = tpu.vector_load %arg5[%get3A_146, %get3A_147] {strides = array<i32>} : memref<504x128xf32, #tpu.memory_space<vmem>>, vector<1x16xf32>,
        %get3A_149 = vector.shape_cast %get3A_148 : vector<1x16xf32> to vector<16xf32>
        %slice3A_150 = vector.extract_strided_slice %select_n3A {offsets = [1], sizes = [1], strides = [1]} : vector<16xi32> to vector<1xi32>
        %squeeze3A_151 = vector.extract %slice3A_150[0] : i32 from vector<1xi32>
        %eq3A_152 = vector.broadcast %squeeze3A_151 : i32 to vector<16xi32>
        %eq3A_153 = arith.cmpi eq, %iota3A, %eq3A_152 : vector<16xi32>
        %jit3A_154 = arith.constant 0.000000e+00 : f32
        %broadcast_in_dim3A_155 = vector.broadcast %jit3A_154 : f32 to vector<16xf32>
        %select_n3A_156 = arith.select %eq3A_153, %broadcast_in_dim3A_155, %get3A_149 : vector<16xi1>, vector<16xf32>
        %slice3A_157 = vector.extract_strided_slice %min3A_120 {offsets = [1], sizes = [1], strides = [1]} : vector<16xi32> to vector<1xi32>
        %squeeze3A_158 = vector.extract %slice3A_157[0] : i32 from vector<1xi32>
        %swap3A_159 = arith.index_cast %squeeze3A_158 : i32 to index
        %swap3A_160 = arith.index_cast %multiple_of3A : i32 to index
        %swap3A_161 = tpu.vector_load %arg5[%swap3A_159, %swap3A_160] {strides = array<i32>} : memref<504x128xf32, #tpu.memory_space<vmem>>, vector<1x16xf32>,
        %swap3A_162 = vector.shape_cast %swap3A_161 : vector<1x16xf32> to vector<16xf32>
        %swap3A_163 = vector.shape_cast %select_n3A_156 : vector<16xf32> to vector<1x16xf32>
        tpu.vector_store %arg5[%swap3A_159, %swap3A_160], %swap3A_163 {strides = array<i32>} : memref<504x128xf32, #tpu.memory_space<vmem>>, vector<1x16xf32>,
        %slice3A_164 = vector.extract_strided_slice %min3A_120 {offsets = [2], sizes = [1], strides = [1]} : vector<16xi32> to vector<1xi32>
        %squeeze3A_165 = vector.extract %slice3A_164[0] : i32 from vector<1xi32>
        %get3A_166 = arith.index_cast %squeeze3A_165 : i32 to index
        %get3A_167 = arith.index_cast %multiple_of3A : i32 to index
        %get3A_168 = tpu.vector_load %arg5[%get3A_166, %get3A_167] {strides = array<i32>} : memref<504x128xf32, #tpu.memory_space<vmem>>, vector<1x16xf32>,
        %get3A_169 = vector.shape_cast %get3A_168 : vector<1x16xf32> to vector<16xf32>
        %slice3A_170 = vector.extract_strided_slice %select_n3A {offsets = [2], sizes = [1], strides = [1]} : vector<16xi32> to vector<1xi32>
        %squeeze3A_171 = vector.extract %slice3A_170[0] : i32 from vector<1xi32>
        %eq3A_172 = vector.broadcast %squeeze3A_171 : i32 to vector<16xi32>
        %eq3A_173 = arith.cmpi eq, %iota3A, %eq3A_172 : vector<16xi32>
        %jit3A_174 = arith.constant 0.000000e+00 : f32
        %broadcast_in_dim3A_175 = vector.broadcast %jit3A_174 : f32 to vector<16xf32>
        %select_n3A_176 = arith.select %eq3A_173, %broadcast_in_dim3A_175, %get3A_169 : vector<16xi1>, vector<16xf32>
        %slice3A_177 = vector.extract_strided_slice %min3A_120 {offsets = [2], sizes = [1], strides = [1]} : vector<16xi32> to vector<1xi32>
        %squeeze3A_178 = vector.extract %slice3A_177[0] : i32 from vector<1xi32>
        %swap3A_179 = arith.index_cast %squeeze3A_178 : i32 to index
        %swap3A_180 = arith.index_cast %multiple_of3A : i32 to index
        %swap3A_181 = tpu.vector_load %arg5[%swap3A_179, %swap3A_180] {strides = array<i32>} : memref<504x128xf32, #tpu.memory_space<vmem>>, vector<1x16xf32>,
        %swap3A_182 = vector.shape_cast %swap3A_181 : vector<1x16xf32> to vector<16xf32>
        %swap3A_183 = vector.shape_cast %select_n3A_176 : vector<16xf32> to vector<1x16xf32>
        tpu.vector_store %arg5[%swap3A_179, %swap3A_180], %swap3A_183 {strides = array<i32>} : memref<504x128xf32, #tpu.memory_space<vmem>>, vector<1x16xf32>,
        %slice3A_184 = vector.extract_strided_slice %min3A_120 {offsets = [3], sizes = [1], strides = [1]} : vector<16xi32> to vector<1xi32>
        %squeeze3A_185 = vector.extract %slice3A_184[0] : i32 from vector<1xi32>
        %get3A_186 = arith.index_cast %squeeze3A_185 : i32 to index
        %get3A_187 = arith.index_cast %multiple_of3A : i32 to index
        %get3A_188 = tpu.vector_load %arg5[%get3A_186, %get3A_187] {strides = array<i32>} : memref<504x128xf32, #tpu.memory_space<vmem>>, vector<1x16xf32>,
        %get3A_189 = vector.shape_cast %get3A_188 : vector<1x16xf32> to vector<16xf32>
        %slice3A_190 = vector.extract_strided_slice %select_n3A {offsets = [3], sizes = [1], strides = [1]} : vector<16xi32> to vector<1xi32>
        %squeeze3A_191 = vector.extract %slice3A_190[0] : i32 from vector<1xi32>
        %eq3A_192 = vector.broadcast %squeeze3A_191 : i32 to vector<16xi32>
        %eq3A_193 = arith.cmpi eq, %iota3A, %eq3A_192 : vector<16xi32>
        %jit3A_194 = arith.constant 0.000000e+00 : f32
        %broadcast_in_dim3A_195 = vector.broadcast %jit3A_194 : f32 to vector<16xf32>
        %select_n3A_196 = arith.select %eq3A_193, %broadcast_in_dim3A_195, %get3A_189 : vector<16xi1>, vector<16xf32>
        %slice3A_197 = vector.extract_strided_slice %min3A_120 {offsets = [3], sizes = [1], strides = [1]} : vector<16xi32> to vector<1xi32>
        %squeeze3A_198 = vector.extract %slice3A_197[0] : i32 from vector<1xi32>
        %swap3A_199 = arith.index_cast %squeeze3A_198 : i32 to index
        %swap3A_200 = arith.index_cast %multiple_of3A : i32 to index
        %swap3A_201 = tpu.vector_load %arg5[%swap3A_199, %swap3A_200] {strides = array<i32>} : memref<504x128xf32, #tpu.memory_space<vmem>>, vector<1x16xf32>,
        %swap3A_202 = vector.shape_cast %swap3A_201 : vector<1x16xf32> to vector<16xf32>
        %swap3A_203 = vector.shape_cast %select_n3A_196 : vector<16xf32> to vector<1x16xf32>
        tpu.vector_store %arg5[%swap3A_199, %swap3A_200], %swap3A_203 {strides = array<i32>} : memref<504x128xf32, #tpu.memory_space<vmem>>, vector<1x16xf32>,
        %slice3A_204 = vector.extract_strided_slice %min3A_120 {offsets = [4], sizes = [1], strides = [1]} : vector<16xi32> to vector<1xi32>
        %squeeze3A_205 = vector.extract %slice3A_204[0] : i32 from vector<1xi32>
        %get3A_206 = arith.index_cast %squeeze3A_205 : i32 to index
        %get3A_207 = arith.index_cast %multiple_of3A : i32 to index
        %get3A_208 = tpu.vector_load %arg5[%get3A_206, %get3A_207] {strides = array<i32>} : memref<504x128xf32, #tpu.memory_space<vmem>>, vector<1x16xf32>,
        %get3A_209 = vector.shape_cast %get3A_208 : vector<1x16xf32> to vector<16xf32>
        %slice3A_210 = vector.extract_strided_slice %select_n3A {offsets = [4], sizes = [1], strides = [1]} : vector<16xi32> to vector<1xi32>
        %squeeze3A_211 = vector.extract %slice3A_210[0] : i32 from vector<1xi32>
        %eq3A_212 = vector.broadcast %squeeze3A_211 : i32 to vector<16xi32>
        %eq3A_213 = arith.cmpi eq, %iota3A, %eq3A_212 : vector<16xi32>
        %jit3A_214 = arith.constant 0.000000e+00 : f32
        %broadcast_in_dim3A_215 = vector.broadcast %jit3A_214 : f32 to vector<16xf32>
        %select_n3A_216 = arith.select %eq3A_213, %broadcast_in_dim3A_215, %get3A_209 : vector<16xi1>, vector<16xf32>
        %slice3A_217 = vector.extract_strided_slice %min3A_120 {offsets = [4], sizes = [1], strides = [1]} : vector<16xi32> to vector<1xi32>
        %squeeze3A_218 = vector.extract %slice3A_217[0] : i32 from vector<1xi32>
        %swap3A_219 = arith.index_cast %squeeze3A_218 : i32 to index
        %swap3A_220 = arith.index_cast %multiple_of3A : i32 to index
        %swap3A_221 = tpu.vector_load %arg5[%swap3A_219, %swap3A_220] {strides = array<i32>} : memref<504x128xf32, #tpu.memory_space<vmem>>, vector<1x16xf32>,
        %swap3A_222 = vector.shape_cast %swap3A_221 : vector<1x16xf32> to vector<16xf32>
        %swap3A_223 = vector.shape_cast %select_n3A_216 : vector<16xf32> to vector<1x16xf32>
        tpu.vector_store %arg5[%swap3A_219, %swap3A_220], %swap3A_223 {strides = array<i32>} : memref<504x128xf32, #tpu.memory_space<vmem>>, vector<1x16xf32>,
        %slice3A_224 = vector.extract_strided_slice %min3A_120 {offsets = [5], sizes = [1], strides = [1]} : vector<16xi32> to vector<1xi32>
        %squeeze3A_225 = vector.extract %slice3A_224[0] : i32 from vector<1xi32>
        %get3A_226 = arith.index_cast %squeeze3A_225 : i32 to index
        %get3A_227 = arith.index_cast %multiple_of3A : i32 to index
        %get3A_228 = tpu.vector_load %arg5[%get3A_226, %get3A_227] {strides = array<i32>} : memref<504x128xf32, #tpu.memory_space<vmem>>, vector<1x16xf32>,
        %get3A_229 = vector.shape_cast %get3A_228 : vector<1x16xf32> to vector<16xf32>
        %slice3A_230 = vector.extract_strided_slice %select_n3A {offsets = [5], sizes = [1], strides = [1]} : vector<16xi32> to vector<1xi32>
        %squeeze3A_231 = vector.extract %slice3A_230[0] : i32 from vector<1xi32>
        %eq3A_232 = vector.broadcast %squeeze3A_231 : i32 to vector<16xi32>
        %eq3A_233 = arith.cmpi eq, %iota3A, %eq3A_232 : vector<16xi32>
        %jit3A_234 = arith.constant 0.000000e+00 : f32
        %broadcast_in_dim3A_235 = vector.broadcast %jit3A_234 : f32 to vector<16xf32>
        %select_n3A_236 = arith.select %eq3A_233, %broadcast_in_dim3A_235, %get3A_229 : vector<16xi1>, vector<16xf32>
        %slice3A_237 = vector.extract_strided_slice %min3A_120 {offsets = [5], sizes = [1], strides = [1]} : vector<16xi32> to vector<1xi32>
        %squeeze3A_238 = vector.extract %slice3A_237[0] : i32 from vector<1xi32>
        %swap3A_239 = arith.index_cast %squeeze3A_238 : i32 to index
        %swap3A_240 = arith.index_cast %multiple_of3A : i32 to index
        %swap3A_241 = tpu.vector_load %arg5[%swap3A_239, %swap3A_240] {strides = array<i32>} : memref<504x128xf32, #tpu.memory_space<vmem>>, vector<1x16xf32>,
        %swap3A_242 = vector.shape_cast %swap3A_241 : vector<1x16xf32> to vector<16xf32>
        %swap3A_243 = vector.shape_cast %select_n3A_236 : vector<16xf32> to vector<1x16xf32>
        tpu.vector_store %arg5[%swap3A_239, %swap3A_240], %swap3A_243 {strides = array<i32>} : memref<504x128xf32, #tpu.memory_space<vmem>>, vector<1x16xf32>,
        %slice3A_244 = vector.extract_strided_slice %min3A_120 {offsets = [6], sizes = [1], strides = [1]} : vector<16xi32> to vector<1xi32>
        %squeeze3A_245 = vector.extract %slice3A_244[0] : i32 from vector<1xi32>
        %get3A_246 = arith.index_cast %squeeze3A_245 : i32 to index
        %get3A_247 = arith.index_cast %multiple_of3A : i32 to index
        %get3A_248 = tpu.vector_load %arg5[%get3A_246, %get3A_247] {strides = array<i32>} : memref<504x128xf32, #tpu.memory_space<vmem>>, vector<1x16xf32>,
        %get3A_249 = vector.shape_cast %get3A_248 : vector<1x16xf32> to vector<16xf32>
        %slice3A_250 = vector.extract_strided_slice %select_n3A {offsets = [6], sizes = [1], strides = [1]} : vector<16xi32> to vector<1xi32>
        %squeeze3A_251 = vector.extract %slice3A_250[0] : i32 from vector<1xi32>
        %eq3A_252 = vector.broadcast %squeeze3A_251 : i32 to vector<16xi32>
        %eq3A_253 = arith.cmpi eq, %iota3A, %eq3A_252 : vector<16xi32>
        %jit3A_254 = arith.constant 0.000000e+00 : f32
        %broadcast_in_dim3A_255 = vector.broadcast %jit3A_254 : f32 to vector<16xf32>
        %select_n3A_256 = arith.select %eq3A_253, %broadcast_in_dim3A_255, %get3A_249 : vector<16xi1>, vector<16xf32>
        %slice3A_257 = vector.extract_strided_slice %min3A_120 {offsets = [6], sizes = [1], strides = [1]} : vector<16xi32> to vector<1xi32>
        %squeeze3A_258 = vector.extract %slice3A_257[0] : i32 from vector<1xi32>
        %swap3A_259 = arith.index_cast %squeeze3A_258 : i32 to index
        %swap3A_260 = arith.index_cast %multiple_of3A : i32 to index
        %swap3A_261 = tpu.vector_load %arg5[%swap3A_259, %swap3A_260] {strides = array<i32>} : memref<504x128xf32, #tpu.memory_space<vmem>>, vector<1x16xf32>,
        %swap3A_262 = vector.shape_cast %swap3A_261 : vector<1x16xf32> to vector<16xf32>
        %swap3A_263 = vector.shape_cast %select_n3A_256 : vector<16xf32> to vector<1x16xf32>
        tpu.vector_store %arg5[%swap3A_259, %swap3A_260], %swap3A_263 {strides = array<i32>} : memref<504x128xf32, #tpu.memory_space<vmem>>, vector<1x16xf32>,
        %slice3A_264 = vector.extract_strided_slice %min3A_120 {offsets = [7], sizes = [1], strides = [1]} : vector<16xi32> to vector<1xi32>
        %squeeze3A_265 = vector.extract %slice3A_264[0] : i32 from vector<1xi32>
        %get3A_266 = arith.index_cast %squeeze3A_265 : i32 to index
        %get3A_267 = arith.index_cast %multiple_of3A : i32 to index
        %get3A_268 = tpu.vector_load %arg5[%get3A_266, %get3A_267] {strides = array<i32>} : memref<504x128xf32, #tpu.memory_space<vmem>>, vector<1x16xf32>,
        %get3A_269 = vector.shape_cast %get3A_268 : vector<1x16xf32> to vector<16xf32>
        %slice3A_270 = vector.extract_strided_slice %select_n3A {offsets = [7], sizes = [1], strides = [1]} : vector<16xi32> to vector<1xi32>
        %squeeze3A_271 = vector.extract %slice3A_270[0] : i32 from vector<1xi32>
        %eq3A_272 = vector.broadcast %squeeze3A_271 : i32 to vector<16xi32>
        %eq3A_273 = arith.cmpi eq, %iota3A, %eq3A_272 : vector<16xi32>
        %jit3A_274 = arith.constant 0.000000e+00 : f32
        %broadcast_in_dim3A_275 = vector.broadcast %jit3A_274 : f32 to vector<16xf32>
        %select_n3A_276 = arith.select %eq3A_273, %broadcast_in_dim3A_275, %get3A_269 : vector<16xi1>, vector<16xf32>
        %slice3A_277 = vector.extract_strided_slice %min3A_120 {offsets = [7], sizes = [1], strides = [1]} : vector<16xi32> to vector<1xi32>
        %squeeze3A_278 = vector.extract %slice3A_277[0] : i32 from vector<1xi32>
        %swap3A_279 = arith.index_cast %squeeze3A_278 : i32 to index
        %swap3A_280 = arith.index_cast %multiple_of3A : i32 to index
        %swap3A_281 = tpu.vector_load %arg5[%swap3A_279, %swap3A_280] {strides = array<i32>} : memref<504x128xf32, #tpu.memory_space<vmem>>, vector<1x16xf32>,
        %swap3A_282 = vector.shape_cast %swap3A_281 : vector<1x16xf32> to vector<16xf32>
        %swap3A_283 = vector.shape_cast %select_n3A_276 : vector<16xf32> to vector<1x16xf32>
        tpu.vector_store %arg5[%swap3A_279, %swap3A_280], %swap3A_283 {strides = array<i32>} : memref<504x128xf32, #tpu.memory_space<vmem>>, vector<1x16xf32>,
        %slice3A_284 = vector.extract_strided_slice %min3A_120 {offsets = [8], sizes = [1], strides = [1]} : vector<16xi32> to vector<1xi32>
        %squeeze3A_285 = vector.extract %slice3A_284[0] : i32 from vector<1xi32>
        %get3A_286 = arith.index_cast %squeeze3A_285 : i32 to index
        %get3A_287 = arith.index_cast %multiple_of3A : i32 to index
        %get3A_288 = tpu.vector_load %arg5[%get3A_286, %get3A_287] {strides = array<i32>} : memref<504x128xf32, #tpu.memory_space<vmem>>, vector<1x16xf32>,
        %get3A_289 = vector.shape_cast %get3A_288 : vector<1x16xf32> to vector<16xf32>
        %slice3A_290 = vector.extract_strided_slice %select_n3A {offsets = [8], sizes = [1], strides = [1]} : vector<16xi32> to vector<1xi32>
        %squeeze3A_291 = vector.extract %slice3A_290[0] : i32 from vector<1xi32>
        %eq3A_292 = vector.broadcast %squeeze3A_291 : i32 to vector<16xi32>
        %eq3A_293 = arith.cmpi eq, %iota3A, %eq3A_292 : vector<16xi32>
        %jit3A_294 = arith.constant 0.000000e+00 : f32
        %broadcast_in_dim3A_295 = vector.broadcast %jit3A_294 : f32 to vector<16xf32>
        %select_n3A_296 = arith.select %eq3A_293, %broadcast_in_dim3A_295, %get3A_289 : vector<16xi1>, vector<16xf32>
        %slice3A_297 = vector.extract_strided_slice %min3A_120 {offsets = [8], sizes = [1], strides = [1]} : vector<16xi32> to vector<1xi32>
        %squeeze3A_298 = vector.extract %slice3A_297[0] : i32 from vector<1xi32>
        %swap3A_299 = arith.index_cast %squeeze3A_298 : i32 to index
        %swap3A_300 = arith.index_cast %multiple_of3A : i32 to index
        %swap3A_301 = tpu.vector_load %arg5[%swap3A_299, %swap3A_300] {strides = array<i32>} : memref<504x128xf32, #tpu.memory_space<vmem>>, vector<1x16xf32>,
        %swap3A_302 = vector.shape_cast %swap3A_301 : vector<1x16xf32> to vector<16xf32>
        %swap3A_303 = vector.shape_cast %select_n3A_296 : vector<16xf32> to vector<1x16xf32>
        tpu.vector_store %arg5[%swap3A_299, %swap3A_300], %swap3A_303 {strides = array<i32>} : memref<504x128xf32, #tpu.memory_space<vmem>>, vector<1x16xf32>,
        %slice3A_304 = vector.extract_strided_slice %min3A_120 {offsets = [9], sizes = [1], strides = [1]} : vector<16xi32> to vector<1xi32>
        %squeeze3A_305 = vector.extract %slice3A_304[0] : i32 from vector<1xi32>
        %get3A_306 = arith.index_cast %squeeze3A_305 : i32 to index
        %get3A_307 = arith.index_cast %multiple_of3A : i32 to index
        %get3A_308 = tpu.vector_load %arg5[%get3A_306, %get3A_307] {strides = array<i32>} : memref<504x128xf32, #tpu.memory_space<vmem>>, vector<1x16xf32>,
        %get3A_309 = vector.shape_cast %get3A_308 : vector<1x16xf32> to vector<16xf32>
        %slice3A_310 = vector.extract_strided_slice %select_n3A {offsets = [9], sizes = [1], strides = [1]} : vector<16xi32> to vector<1xi32>
        %squeeze3A_311 = vector.extract %slice3A_310[0] : i32 from vector<1xi32>
        %eq3A_312 = vector.broadcast %squeeze3A_311 : i32 to vector<16xi32>
        %eq3A_313 = arith.cmpi eq, %iota3A, %eq3A_312 : vector<16xi32>
        %jit3A_314 = arith.constant 0.000000e+00 : f32
        %broadcast_in_dim3A_315 = vector.broadcast %jit3A_314 : f32 to vector<16xf32>
        %select_n3A_316 = arith.select %eq3A_313, %broadcast_in_dim3A_315, %get3A_309 : vector<16xi1>, vector<16xf32>
        %slice3A_317 = vector.extract_strided_slice %min3A_120 {offsets = [9], sizes = [1], strides = [1]} : vector<16xi32> to vector<1xi32>
        %squeeze3A_318 = vector.extract %slice3A_317[0] : i32 from vector<1xi32>
        %swap3A_319 = arith.index_cast %squeeze3A_318 : i32 to index
        %swap3A_320 = arith.index_cast %multiple_of3A : i32 to index
        %swap3A_321 = tpu.vector_load %arg5[%swap3A_319, %swap3A_320] {strides = array<i32>} : memref<504x128xf32, #tpu.memory_space<vmem>>, vector<1x16xf32>,
        %swap3A_322 = vector.shape_cast %swap3A_321 : vector<1x16xf32> to vector<16xf32>
        %swap3A_323 = vector.shape_cast %select_n3A_316 : vector<16xf32> to vector<1x16xf32>
        tpu.vector_store %arg5[%swap3A_319, %swap3A_320], %swap3A_323 {strides = array<i32>} : memref<504x128xf32, #tpu.memory_space<vmem>>, vector<1x16xf32>,
        %slice3A_324 = vector.extract_strided_slice %min3A_120 {offsets = [10], sizes = [1], strides = [1]} : vector<16xi32> to vector<1xi32>
        %squeeze3A_325 = vector.extract %slice3A_324[0] : i32 from vector<1xi32>
        %get3A_326 = arith.index_cast %squeeze3A_325 : i32 to index
        %get3A_327 = arith.index_cast %multiple_of3A : i32 to index
        %get3A_328 = tpu.vector_load %arg5[%get3A_326, %get3A_327] {strides = array<i32>} : memref<504x128xf32, #tpu.memory_space<vmem>>, vector<1x16xf32>,
        %get3A_329 = vector.shape_cast %get3A_328 : vector<1x16xf32> to vector<16xf32>
        %slice3A_330 = vector.extract_strided_slice %select_n3A {offsets = [10], sizes = [1], strides = [1]} : vector<16xi32> to vector<1xi32>
        %squeeze3A_331 = vector.extract %slice3A_330[0] : i32 from vector<1xi32>
        %eq3A_332 = vector.broadcast %squeeze3A_331 : i32 to vector<16xi32>
        %eq3A_333 = arith.cmpi eq, %iota3A, %eq3A_332 : vector<16xi32>
        %jit3A_334 = arith.constant 0.000000e+00 : f32
        %broadcast_in_dim3A_335 = vector.broadcast %jit3A_334 : f32 to vector<16xf32>
        %select_n3A_336 = arith.select %eq3A_333, %broadcast_in_dim3A_335, %get3A_329 : vector<16xi1>, vector<16xf32>
        %slice3A_337 = vector.extract_strided_slice %min3A_120 {offsets = [10], sizes = [1], strides = [1]} : vector<16xi32> to vector<1xi32>
        %squeeze3A_338 = vector.extract %slice3A_337[0] : i32 from vector<1xi32>
        %swap3A_339 = arith.index_cast %squeeze3A_338 : i32 to index
        %swap3A_340 = arith.index_cast %multiple_of3A : i32 to index
        %swap3A_341 = tpu.vector_load %arg5[%swap3A_339, %swap3A_340] {strides = array<i32>} : memref<504x128xf32, #tpu.memory_space<vmem>>, vector<1x16xf32>,
        %swap3A_342 = vector.shape_cast %swap3A_341 : vector<1x16xf32> to vector<16xf32>
        %swap3A_343 = vector.shape_cast %select_n3A_336 : vector<16xf32> to vector<1x16xf32>
        tpu.vector_store %arg5[%swap3A_339, %swap3A_340], %swap3A_343 {strides = array<i32>} : memref<504x128xf32, #tpu.memory_space<vmem>>, vector<1x16xf32>,
        %slice3A_344 = vector.extract_strided_slice %min3A_120 {offsets = [11], sizes = [1], strides = [1]} : vector<16xi32> to vector<1xi32>
        %squeeze3A_345 = vector.extract %slice3A_344[0] : i32 from vector<1xi32>
        %get3A_346 = arith.index_cast %squeeze3A_345 : i32 to index
        %get3A_347 = arith.index_cast %multiple_of3A : i32 to index
        %get3A_348 = tpu.vector_load %arg5[%get3A_346, %get3A_347] {strides = array<i32>} : memref<504x128xf32, #tpu.memory_space<vmem>>, vector<1x16xf32>,
        %get3A_349 = vector.shape_cast %get3A_348 : vector<1x16xf32> to vector<16xf32>
        %slice3A_350 = vector.extract_strided_slice %select_n3A {offsets = [11], sizes = [1], strides = [1]} : vector<16xi32> to vector<1xi32>
        %squeeze3A_351 = vector.extract %slice3A_350[0] : i32 from vector<1xi32>
        %eq3A_352 = vector.broadcast %squeeze3A_351 : i32 to vector<16xi32>
        %eq3A_353 = arith.cmpi eq, %iota3A, %eq3A_352 : vector<16xi32>
        %jit3A_354 = arith.constant 0.000000e+00 : f32
        %broadcast_in_dim3A_355 = vector.broadcast %jit3A_354 : f32 to vector<16xf32>
        %select_n3A_356 = arith.select %eq3A_353, %broadcast_in_dim3A_355, %get3A_349 : vector<16xi1>, vector<16xf32>
        %slice3A_357 = vector.extract_strided_slice %min3A_120 {offsets = [11], sizes = [1], strides = [1]} : vector<16xi32> to vector<1xi32>
        %squeeze3A_358 = vector.extract %slice3A_357[0] : i32 from vector<1xi32>
        %swap3A_359 = arith.index_cast %squeeze3A_358 : i32 to index
        %swap3A_360 = arith.index_cast %multiple_of3A : i32 to index
        %swap3A_361 = tpu.vector_load %arg5[%swap3A_359, %swap3A_360] {strides = array<i32>} : memref<504x128xf32, #tpu.memory_space<vmem>>, vector<1x16xf32>,
        %swap3A_362 = vector.shape_cast %swap3A_361 : vector<1x16xf32> to vector<16xf32>
        %swap3A_363 = vector.shape_cast %select_n3A_356 : vector<16xf32> to vector<1x16xf32>
        tpu.vector_store %arg5[%swap3A_359, %swap3A_360], %swap3A_363 {strides = array<i32>} : memref<504x128xf32, #tpu.memory_space<vmem>>, vector<1x16xf32>,
        %slice3A_364 = vector.extract_strided_slice %min3A_120 {offsets = [12], sizes = [1], strides = [1]} : vector<16xi32> to vector<1xi32>
        %squeeze3A_365 = vector.extract %slice3A_364[0] : i32 from vector<1xi32>
        %get3A_366 = arith.index_cast %squeeze3A_365 : i32 to index
        %get3A_367 = arith.index_cast %multiple_of3A : i32 to index
        %get3A_368 = tpu.vector_load %arg5[%get3A_366, %get3A_367] {strides = array<i32>} : memref<504x128xf32, #tpu.memory_space<vmem>>, vector<1x16xf32>,
        %get3A_369 = vector.shape_cast %get3A_368 : vector<1x16xf32> to vector<16xf32>
        %slice3A_370 = vector.extract_strided_slice %select_n3A {offsets = [12], sizes = [1], strides = [1]} : vector<16xi32> to vector<1xi32>
        %squeeze3A_371 = vector.extract %slice3A_370[0] : i32 from vector<1xi32>
        %eq3A_372 = vector.broadcast %squeeze3A_371 : i32 to vector<16xi32>
        %eq3A_373 = arith.cmpi eq, %iota3A, %eq3A_372 : vector<16xi32>
        %jit3A_374 = arith.constant 0.000000e+00 : f32
        %broadcast_in_dim3A_375 = vector.broadcast %jit3A_374 : f32 to vector<16xf32>
        %select_n3A_376 = arith.select %eq3A_373, %broadcast_in_dim3A_375, %get3A_369 : vector<16xi1>, vector<16xf32>
        %slice3A_377 = vector.extract_strided_slice %min3A_120 {offsets = [12], sizes = [1], strides = [1]} : vector<16xi32> to vector<1xi32>
        %squeeze3A_378 = vector.extract %slice3A_377[0] : i32 from vector<1xi32>
        %swap3A_379 = arith.index_cast %squeeze3A_378 : i32 to index
        %swap3A_380 = arith.index_cast %multiple_of3A : i32 to index
        %swap3A_381 = tpu.vector_load %arg5[%swap3A_379, %swap3A_380] {strides = array<i32>} : memref<504x128xf32, #tpu.memory_space<vmem>>, vector<1x16xf32>,
        %swap3A_382 = vector.shape_cast %swap3A_381 : vector<1x16xf32> to vector<16xf32>
        %swap3A_383 = vector.shape_cast %select_n3A_376 : vector<16xf32> to vector<1x16xf32>
        tpu.vector_store %arg5[%swap3A_379, %swap3A_380], %swap3A_383 {strides = array<i32>} : memref<504x128xf32, #tpu.memory_space<vmem>>, vector<1x16xf32>,
        %slice3A_384 = vector.extract_strided_slice %min3A_120 {offsets = [13], sizes = [1], strides = [1]} : vector<16xi32> to vector<1xi32>
        %squeeze3A_385 = vector.extract %slice3A_384[0] : i32 from vector<1xi32>
        %get3A_386 = arith.index_cast %squeeze3A_385 : i32 to index
        %get3A_387 = arith.index_cast %multiple_of3A : i32 to index
        %get3A_388 = tpu.vector_load %arg5[%get3A_386, %get3A_387] {strides = array<i32>} : memref<504x128xf32, #tpu.memory_space<vmem>>, vector<1x16xf32>,
        %get3A_389 = vector.shape_cast %get3A_388 : vector<1x16xf32> to vector<16xf32>
        %slice3A_390 = vector.extract_strided_slice %select_n3A {offsets = [13], sizes = [1], strides = [1]} : vector<16xi32> to vector<1xi32>
        %squeeze3A_391 = vector.extract %slice3A_390[0] : i32 from vector<1xi32>
        %eq3A_392 = vector.broadcast %squeeze3A_391 : i32 to vector<16xi32>
        %eq3A_393 = arith.cmpi eq, %iota3A, %eq3A_392 : vector<16xi32>
        %jit3A_394 = arith.constant 0.000000e+00 : f32
        %broadcast_in_dim3A_395 = vector.broadcast %jit3A_394 : f32 to vector<16xf32>
        %select_n3A_396 = arith.select %eq3A_393, %broadcast_in_dim3A_395, %get3A_389 : vector<16xi1>, vector<16xf32>
        %slice3A_397 = vector.extract_strided_slice %min3A_120 {offsets = [13], sizes = [1], strides = [1]} : vector<16xi32> to vector<1xi32>
        %squeeze3A_398 = vector.extract %slice3A_397[0] : i32 from vector<1xi32>
        %swap3A_399 = arith.index_cast %squeeze3A_398 : i32 to index
        %swap3A_400 = arith.index_cast %multiple_of3A : i32 to index
        %swap3A_401 = tpu.vector_load %arg5[%swap3A_399, %swap3A_400] {strides = array<i32>} : memref<504x128xf32, #tpu.memory_space<vmem>>, vector<1x16xf32>,
        %swap3A_402 = vector.shape_cast %swap3A_401 : vector<1x16xf32> to vector<16xf32>
        %swap3A_403 = vector.shape_cast %select_n3A_396 : vector<16xf32> to vector<1x16xf32>
        tpu.vector_store %arg5[%swap3A_399, %swap3A_400], %swap3A_403 {strides = array<i32>} : memref<504x128xf32, #tpu.memory_space<vmem>>, vector<1x16xf32>,
        %slice3A_404 = vector.extract_strided_slice %min3A_120 {offsets = [14], sizes = [1], strides = [1]} : vector<16xi32> to vector<1xi32>
        %squeeze3A_405 = vector.extract %slice3A_404[0] : i32 from vector<1xi32>
        %get3A_406 = arith.index_cast %squeeze3A_405 : i32 to index
        %get3A_407 = arith.index_cast %multiple_of3A : i32 to index
        %get3A_408 = tpu.vector_load %arg5[%get3A_406, %get3A_407] {strides = array<i32>} : memref<504x128xf32, #tpu.memory_space<vmem>>, vector<1x16xf32>,
        %get3A_409 = vector.shape_cast %get3A_408 : vector<1x16xf32> to vector<16xf32>
        %slice3A_410 = vector.extract_strided_slice %select_n3A {offsets = [14], sizes = [1], strides = [1]} : vector<16xi32> to vector<1xi32>
        %squeeze3A_411 = vector.extract %slice3A_410[0] : i32 from vector<1xi32>
        %eq3A_412 = vector.broadcast %squeeze3A_411 : i32 to vector<16xi32>
        %eq3A_413 = arith.cmpi eq, %iota3A, %eq3A_412 : vector<16xi32>
        %jit3A_414 = arith.constant 0.000000e+00 : f32
        %broadcast_in_dim3A_415 = vector.broadcast %jit3A_414 : f32 to vector<16xf32>
        %select_n3A_416 = arith.select %eq3A_413, %broadcast_in_dim3A_415, %get3A_409 : vector<16xi1>, vector<16xf32>
        %slice3A_417 = vector.extract_strided_slice %min3A_120 {offsets = [14], sizes = [1], strides = [1]} : vector<16xi32> to vector<1xi32>
        %squeeze3A_418 = vector.extract %slice3A_417[0] : i32 from vector<1xi32>
        %swap3A_419 = arith.index_cast %squeeze3A_418 : i32 to index
        %swap3A_420 = arith.index_cast %multiple_of3A : i32 to index
        %swap3A_421 = tpu.vector_load %arg5[%swap3A_419, %swap3A_420] {strides = array<i32>} : memref<504x128xf32, #tpu.memory_space<vmem>>, vector<1x16xf32>,
        %swap3A_422 = vector.shape_cast %swap3A_421 : vector<1x16xf32> to vector<16xf32>
        %swap3A_423 = vector.shape_cast %select_n3A_416 : vector<16xf32> to vector<1x16xf32>
        tpu.vector_store %arg5[%swap3A_419, %swap3A_420], %swap3A_423 {strides = array<i32>} : memref<504x128xf32, #tpu.memory_space<vmem>>, vector<1x16xf32>,
        %slice3A_424 = vector.extract_strided_slice %min3A_120 {offsets = [15], sizes = [1], strides = [1]} : vector<16xi32> to vector<1xi32>
        %squeeze3A_425 = vector.extract %slice3A_424[0] : i32 from vector<1xi32>
        %get3A_426 = arith.index_cast %squeeze3A_425 : i32 to index
        %get3A_427 = arith.index_cast %multiple_of3A : i32 to index
        %get3A_428 = tpu.vector_load %arg5[%get3A_426, %get3A_427] {strides = array<i32>} : memref<504x128xf32, #tpu.memory_space<vmem>>, vector<1x16xf32>,
        %get3A_429 = vector.shape_cast %get3A_428 : vector<1x16xf32> to vector<16xf32>
        %slice3A_430 = vector.extract_strided_slice %select_n3A {offsets = [15], sizes = [1], strides = [1]} : vector<16xi32> to vector<1xi32>
        %squeeze3A_431 = vector.extract %slice3A_430[0] : i32 from vector<1xi32>
        %eq3A_432 = vector.broadcast %squeeze3A_431 : i32 to vector<16xi32>
        %eq3A_433 = arith.cmpi eq, %iota3A, %eq3A_432 : vector<16xi32>
        %jit3A_434 = arith.constant 0.000000e+00 : f32
        %broadcast_in_dim3A_435 = vector.broadcast %jit3A_434 : f32 to vector<16xf32>
        %select_n3A_436 = arith.select %eq3A_433, %broadcast_in_dim3A_435, %get3A_429 : vector<16xi1>, vector<16xf32>
        %slice3A_437 = vector.extract_strided_slice %min3A_120 {offsets = [15], sizes = [1], strides = [1]} : vector<16xi32> to vector<1xi32>
        %squeeze3A_438 = vector.extract %slice3A_437[0] : i32 from vector<1xi32>
        %swap3A_439 = arith.index_cast %squeeze3A_438 : i32 to index
        %swap3A_440 = arith.index_cast %multiple_of3A : i32 to index
        %swap3A_441 = tpu.vector_load %arg5[%swap3A_439, %swap3A_440] {strides = array<i32>} : memref<504x128xf32, #tpu.memory_space<vmem>>, vector<1x16xf32>,
        %swap3A_442 = vector.shape_cast %swap3A_441 : vector<1x16xf32> to vector<16xf32>
        %swap3A_443 = vector.shape_cast %select_n3A_436 : vector<16xf32> to vector<1x16xf32>
        tpu.vector_store %arg5[%swap3A_439, %swap3A_440], %swap3A_443 {strides = array<i32>} : memref<504x128xf32, #tpu.memory_space<vmem>>, vector<1x16xf32>,
      }
      %scan3A_97 = arith.constant 8 : i32
      %mul3A_98 = arith.constant 128 : i32
      %mul3A_99 = arith.muli %scan3A_55, %mul3A_98 : i32
      %add3A_100 = arith.addi %mul3A_2, %mul3A_99 : i32
      %dma_start3A_101 = arith.constant 496 : i32
      %dma_start3A_102 = tpu.memref_slice %arg3[%dma_start3A_101, %add3A_100] : memref<1000x16384xf32, #tpu.memory_space<hbm>> -> memref<504x128xf32, #tpu.memory_space<hbm>>
      %dma_start3A_103 = arith.constant 496 : i32
      %dma_start3A_104 = tpu.memref_slice %arg3[%dma_start3A_103, %add3A_100] : memref<1000x16384xf32, #tpu.memory_space<hbm>> -> memref<504x128xf32, #tpu.memory_space<hbm>>
      tpu.enqueue_dma source(%arg5 : memref<504x128xf32, #tpu.memory_space<vmem>>) target(%dma_start3A_104 : memref<504x128xf32, #tpu.memory_space<hbm>>) target_semaphore(%arg8 : memref<!tpu.dma_semaphore, #tpu.memory_space<semaphore_mem>>)
    }
    %scan3A_46 = arith.constant 3 : i32
    %dma_wait3A_47 = arith.constant 0 : i32
    %dma_wait3A_48 = tpu.memref_slice %arg3[%dma_wait3A_47, %mul3A_2] : memref<1000x16384xf32, #tpu.memory_space<hbm>> -> memref<496x128xf32, #tpu.memory_space<hbm>>
    %dma_wait3A_49 = arith.constant 0 : i32
    %dma_wait3A_50 = tpu.memref_slice %arg3[%dma_wait3A_49, %mul3A_2] : memref<1000x16384xf32, #tpu.memory_space<hbm>> -> memref<496x128xf32, #tpu.memory_space<hbm>>
    tpu.wait_dma2 semaphore(%arg7 : memref<!tpu.dma_semaphore, #tpu.memory_space<semaphore_mem>>) src(%arg4 : memref<496x128xf32, #tpu.memory_space<vmem>>) dst(%dma_wait3A_50 : memref<496x128xf32, #tpu.memory_space<hbm>>)
    %dma_wait3A_51 = arith.constant 496 : i32
    %dma_wait3A_52 = tpu.memref_slice %arg3[%dma_wait3A_51, %mul3A_2] : memref<1000x16384xf32, #tpu.memory_space<hbm>> -> memref<504x128xf32, #tpu.memory_space<hbm>>
    %dma_wait3A_53 = arith.constant 496 : i32
    %dma_wait3A_54 = tpu.memref_slice %arg3[%dma_wait3A_53, %mul3A_2] : memref<1000x16384xf32, #tpu.memory_space<hbm>> -> memref<504x128xf32, #tpu.memory_space<hbm>>
    tpu.wait_dma2 semaphore(%arg8 : memref<!tpu.dma_semaphore, #tpu.memory_space<semaphore_mem>>) src(%arg5 : memref<504x128xf32, #tpu.memory_space<vmem>>) dst(%dma_wait3A_54 : memref<504x128xf32, #tpu.memory_space<hbm>>)
    return
  }
}

</mosaic_0001>

<sc_bundles>
// kernel: kernel.3.cloned.1.call-start
scs
__scs_entry_jumppad:
0x0: {  	(pc) =	sbr.rel $0x88, $3  }
0x1: {  	(tag) =	ssettag $0x0;
	lr =	simm.s32 $0x1  }
0x2: {  	[smem:$0x3FA0] =	sst lr;
	_ =	strace $0xD0000000  }
0x3: {  	_ = 	snop  }
0x4: {  	_ = 	snop  }
0x5: {  	_ = 	snop  }
0x6: {  	_ = 	snop  }
0x7: {  	_ = 	snop  }
__scs_overlays_trampoline_lowered:
0x8: {  	[smem:$0x3FAF] =	sst s0  }
0x9: {  	[smem:$0x3FB0] =	sst s1  }
0xa: {  	[smem:$0x3FB1] =	sst s2  }
0xb: {  	[smem:$0x3FB2] =	sst s3  }
0xc: {  	[smem:$0x3FB3] =	sst s4  }
0xd: {  	[smem:$0x3FB4] =	sst s5  }
0xe: {  	[smem:$0x3FB5] =	sst s6  }
0xf: {  	[smem:$0x3FB6] =	sst s7  }
0x10: {  	[smem:$0x3FB7] =	sst s8  }
0x11: {  	[smem:$0x3FB8] =	sst s9;
	s0 =	simm.s32 @!p0 $0x0  }
0x12: {  	s1 =	sld [smem:$0x3F9E];
	s0 =	simm.s32 @p0 $0x1  }
0x13: {  	[smem:$0x3FB9] =	sst s0;
	s0 =	simm.s32 @!p1 $0x0  }
0x14: {  	s2 =	sld [smem:$0x3F9D];
	s0 =	simm.s32 @p1 $0x1  }
0x15: {  	[smem:$0x3FBA] =	sst s0;
	s0 =	simm.s32 @!p2 $0x0  }
0x16: {  	s3 =	sld [smem:$0x3FDB];
	s0 =	simm.s32 @p2 $0x1  }
0x17: {  	s4 =	simm.s32 $0x1BF5;
	[smem:$0x3FBC] =	sst s0  }
0x18: {  	s0 =	sld [smem:$0x3F9F];
	_ =	swait.ge [sflag:s4], $0x0  }
0x19: {  	s7 =	sld [smem:$0x3FA0]  }
0x1a: {  	s8 =	sadd.s32 $0xFFFFE003, lr  }
0x1b: {  	s9 =	sadd.s32 $0xFFFFFEF7, lr;
	s5 =	simm.s32 $0xFFFFFFFF;
	p2 =	slt.u32 s8, $0xFFFFF086  }
0x1c: {  	p1 =	slt.u32 s9, $0xF7A;
	s5 =	simm.s32 @!p2 $0x0  }
0x1d: {  	s5 =	simm.s32 @p1 $0x1;
	p0 =	seq.s32 s7, s2  }
0x1e: {  	s7 =	smul.u32 @!p0 $0xF7A, s2;
	p2 =	seq.s32 @!p0 s5, $0x0  }
0x1f: {  	s9 =	smul.u32 $0xF7A, s1;
	s8 =	simm.s32 @!p0 $0x1BF5;
	p2 =	por !p2, p0  }
0x20: {  	[sflag:s8] =	ssyncset.s32 @!p0 $0xFFFFF086;
	s6 =	sadd.s32 @!p0 s3, s7;
	s7 =	simm.s32 @!p0 $0x108  }
0x21: {  	s3 =	sadd.s32 s3, s9;
	s6 =	sadd.s32 @!p0 $0x88, s6;
	s7 =	simm.s32 @p2 $0x1082  }
0x22: {  	[simem:s7], [sflag:s8] =	dma.local @!p0 [hbm:s6], $0xF7A  }
0x23: {  	s9 =	sor.u32 $0xD0000000, s2;
	s6 =	simm.s32 $0x108;
	_ =	swait.ge @!p0 [sflag:s8], $0x0  }
0x24: {  	s3 =	sadd.s32 $0x88, s3;
	s6 =	simm.s32 @!p1 $0x1082;
	[sflag:s4] =	ssyncset.s32 $0xFFFFF086  }
0x25: {  	[simem:s6], [sflag:s4] =	dma.local [hbm:s3], $0xF7A  }
0x26: {  	[smem:$0x3FA0] =	sst s1;
	(tag) =	ssettag s2;
	_ =	strace s9  }
0x27: {  	s1 =	sld [smem:$0x3FB0]  }
0x28: {  	s2 =	sld [smem:$0x3FB1]  }
0x29: {  	s4 =	sld [smem:$0x3FB3]  }
0x2a: {  	p0 =	seq.s32 s5, $0x0;
	s5 =	sld [smem:$0x3FB4]  }
0x2b: {  	s6 =	sld [smem:$0x3FB5]  }
0x2c: {  	s7 =	sld [smem:$0x3FB6]  }
0x2d: {  	s3 =	simm.s32 $0x108;
	s8 =	sld [smem:$0x3FB7]  }
0x2e: {  	s3 =	simm.s32 @!p0 $0x1082;
	s9 =	sld [smem:$0x3FB8]  }
0x2f: {  	lr =	sadd.s32 s0, s3;
	s0 =	sld [smem:$0x3FAF]  }
0x30: {  	s3 =	sld [smem:$0x3FB2]  }
0x31: {  	[smem:$0x3FBB] =	sst s10  }
0x32: {  	s10 =	sld [smem:$0x3FB9];
	_ =	sdelay $0x3  }
0x33: {  	p0 =	seq.s32 s10, $0x1;
	s10 =	sld [smem:$0x3FBB];
	_ =	sdelay $0x3  }
0x34: {  	[smem:$0x3FBB] =	sst s10  }
0x35: {  	s10 =	sld [smem:$0x3FBA];
	_ =	sdelay $0x3  }
0x36: {  	p1 =	seq.s32 s10, $0x1;
	s10 =	sld [smem:$0x3FBB];
	_ =	sdelay $0x3  }
0x37: {  	[smem:$0x3FBB] =	sst s10  }
0x38: {  	s10 =	sld [smem:$0x3FBC]  }
0x39: {  	_ = 	snop;
	(pc) =	sbr.ind lr, $3  }
0x3a: {  	_ = 	snop  }
0x3b: {  	_ = 	snop  }
0x3c: {  	p2 =	seq.s32 s10, $0x1;
	s10 =	sld [smem:$0x3FBB]  }
0x3d: {  	_ =	shalt  }
0x3e: {  	_ =	shalt  }
0x3f: {  	_ =	shalt  }
0x40: {  	_ =	shalt  }
0x41: {  	_ =	shalt  }
0x42: {  	_ =	shalt  }
0x43: {  	_ =	shalt  }
0x44: {  	_ =	shalt  }
0x45: {  	_ =	shalt  }
0x46: {  	_ =	shalt  }
0x47: {  	_ =	shalt  }
0x48: {  	_ =	shalt  }
0x49: {  	_ =	shalt  }
0x4a: {  	_ =	shalt  }
0x4b: {  	_ =	shalt  }
0x4c: {  	_ =	shalt  }
0x4d: {  	_ =	shalt  }
0x4e: {  	_ =	shalt  }
0x4f: {  	_ =	shalt  }
0x50: {  	_ =	shalt  }
0x51: {  	_ =	shalt  }
0x52: {  	_ =	shalt  }
0x53: {  	_ =	shalt  }
0x54: {  	_ =	shalt  }
0x55: {  	_ =	shalt  }
0x56: {  	_ =	shalt  }
0x57: {  	_ =	shalt  }
0x58: {  	_ =	shalt  }
0x59: {  	_ =	shalt  }
0x5a: {  	_ =	shalt  }
0x5b: {  	_ =	shalt  }
0x5c: {  	_ =	shalt  }
0x5d: {  	_ =	shalt  }
0x5e: {  	_ =	shalt  }
0x5f: {  	_ =	shalt  }
0x60: {  	_ =	shalt  }
0x61: {  	_ =	shalt  }
0x62: {  	_ =	shalt  }
0x63: {  	_ =	shalt  }
0x64: {  	_ =	shalt  }
0x65: {  	_ =	shalt  }
0x66: {  	_ =	shalt  }
0x67: {  	_ =	shalt  }
0x68: {  	_ =	shalt  }
0x69: {  	_ =	shalt  }
0x6a: {  	_ =	shalt  }
0x6b: {  	_ =	shalt  }
0x6c: {  	_ =	shalt  }
0x6d: {  	_ =	shalt  }
0x6e: {  	_ =	shalt  }
0x6f: {  	_ =	shalt  }
0x70: {  	_ =	shalt  }
0x71: {  	_ =	shalt  }
0x72: {  	_ =	shalt  }
0x73: {  	_ =	shalt  }
0x74: {  	_ =	shalt  }
0x75: {  	_ =	shalt  }
0x76: {  	_ =	shalt  }
0x77: {  	_ =	shalt  }
0x78: {  	_ =	shalt  }
0x79: {  	_ =	shalt  }
0x7a: {  	_ =	shalt  }
0x7b: {  	_ =	shalt  }
0x7c: {  	_ =	shalt  }
0x7d: {  	_ =	shalt  }
0x7e: {  	_ =	shalt  }
0x7f: {  	_ =	shalt  }
0x80: {  	_ =	shalt  }
0x81: {  	_ =	shalt  }
0x82: {  	_ =	shalt  }
0x83: {  	_ =	shalt  }
0x84: {  	_ =	shalt  }
0x85: {  	_ =	shalt  }
0x86: {  	_ =	shalt  }
0x87: {  	_ =	shalt  }
.Lfunc_end0:
.L_simem_size_0:
called_computation_lowered:
.L_overlay_start_0:
0x88: {  	s2 =	sld [smem:$0x3FD9]  }
0x89: {  	s3 =	sld [smem:$0x3FFE];
	_ =	sdelay $0x1  }
0x8a: {  	s1 =	srdreg.scid  }
0x8b: {  	s0 =	sand.u32 $0x1, s1  }
0x8c: {  	s18 =	sshll.u32 s0, $0xA;
	s2 =	sadd.s32 s3, s2  }
0x8d: {  	s2 =	sadd.s32 s2, s18  }
0x8e: {  	[smem:$0x3FC7] =	sst s2  }
0x8f: {  	_ = 	snop  }
0x90: {  	s2 =	sld [smem:$0x3FC9]  }
0x91: {  	s19 =	sld [smem:$0x3FD0];
	(tm) =	ssettm $0x1  }
0x92: {  	s4 =	sld [smem:$0x3FFB];
	_ =	sdelay $0x3  }
0x93: {  	_ =	strace s4  }
0x94: {  	s4 =	sld [smem:$0x3FFC];
	_ =	sdelay $0x3  }
0x95: {  	_ =	strace s4  }
0x96: {  	s4 =	sld [smem:$0x3FFD];
	_ =	sdelay $0x3  }
0x97: {  	_ =	strace s4  }
0x98: {  	_ =	strace $0x8FFFFFFF  }
0x99: {  	s20 =	sld [smem:$0x3FDB];
	_ =	sdelay $0x1  }
0x9a: {  	s5 =	simm.s32 $_scs_section_size  }
0x9b: {  	s6 =	simm.s32 $_size__tile_overlayer_lowered;
	s7 =	simm.s32 $_tile_overlayer_lowered  }
0x9c: {  	s23 =	simm.s32 $0x1BFF;
	s22 =	sshll.u32 s7, $0x1;
	s4 =	sadd.s32 s5, s20  }
0x9d: {  	s8 =	simm.s32 $0x0;
	s21 =	sshll.u32 s6, $0x1;
	s6 =	sadd.s32 s22, s4  }
0x9e: {  	[timem:s8], [sflag:s23] =	dma.local [hbm:s6], s21  }
0x9f: {  	_ =	swait.ge [sflag:s23], s21  }
0xa0: {  	s5 =	ssub.s32 $0x0, s21;
	[sflag:s23] =	ssyncset.done $0x0  }
0xa1: {  	[sflag:s23] =	ssyncadd.s32 s5;
	_ =	sdelay $0x1  }
0xa2: {  	s24 =	simm.s32 $0x1B8B  }
0xa3: {  	_ =	swait.ge [sflag:s24], $0x1  }
0xa4: {  	[sflag:s24] =	ssyncset.done $0x0  }
0xa5: {  	s25 =	simm.s32 $0x1B8E;
	[sflag:s24] =	ssyncadd.s32 $0xFFFFFFFF  }
0xa6: {  	s26 =	simm.s32 $execute0_lowered;
	[smem:$0x3FD2] =	sst s25  }
0xa7: {  	s5 =	sshll.u32 s26, $0x1;
	_ =	strace $0x80000046;
	[dreg:$0x1] =	wrdreg $0xFFFFFFFF  }
0xa8: {  	s28 =	simm.s32 $_size_execute0_lowered;
	s4 =	sadd.s32 s4, s5;
	[dreg:$0x0] =	wrdreg $0x0  }
0xa9: {  	s5 =	sshll.u32 s28, $0x1;
	[dreg:$0x2] =	wrdreg s4  }
0xaa: {  	[dreg:$0x3] =	wrdreg s5  }
0xab: {  	[dreg:$0x4] =	wrdreg $0xC0  }
0xac: {  	_ =	task [dreg:s8], $0x5FFFF  }
0xad: {  	[dreg:$0x1] =	wrdreg $0xFFFFFFFF  }
0xae: {  	[dreg:$0x0] =	wrdreg $0x60  }
0xaf: {  	[dreg:$0x2] =	wrdreg s2  }
0xb0: {  	[dreg:$0x3] =	wrdreg s19  }
0xb1: {  	[dreg:$0x4] =	wrdreg $0x9  }
0xb2: {  	_ =	task.clear_ibuf [dreg:s8], $0x5FFFF;
	_ =	strace $0x90000046  }
0xb3: {  	s29 =	simm.s32 $0x9;
	_ =	strace $0x80000048  }
0xb4: {  	_ =	swait.ge [sflag:s29], $0x1  }
0xb5: {  	[sflag:s29] =	ssyncadd.s32 $0xFFFFFFFF  }
0xb6: {  	_ =	strace $0x90000048  }
0xb7: {  	_ =	sfence  }
0xb8: {  	s30 =	sld [smem:$0x0];
	_ =	sdelay $0x2  }
0xb9: {  	s31 =	sshll.u32 s1, $0xD;
	s1 =	sshrl.u32 s1, $0x2  }
0xba: {  	s3 =	sand.u32 $0x4000, s31;
	s1 =	sadd.s32 s1, s30  }
0xbb: {  	s0 =	sor.u32 s3, s0;
	s1 =	sshll.u32 s1, $0x11  }
0xbc: {  	s0 =	sor.u32 s1, s0  }
0xbd: {  	s0 =	sadd.s32 $0x8F2B, s0  }
0xbe: {  	[sflag:s0] =	ssyncadd.remote.s32 $0x1  }
0xbf: {  	_ =	sfence.sel $0xFFFF  }
0xc0: {  	[dreg:$0x0] =	wrdreg $0xFFFFFFFF;
	(pc) =	sbr.abs _section_cstart, $3  }
0xc1: {  	[dreg:$0x1] =	wrdreg $0xFFFFFFFF  }
0xc2: {  	_ =	task.clear_ibuf [dreg:s8], $0x2FFFF;
	_ =	strace $0x9FFFFFFF  }
0xc3: {  	(tm) =	ssettm $0x7FFFFFFF  }
tec
execute0_lowered:
.L_overlay_start_1:
0x0: {  	(tag) =	ssettag $0x1  }
0x1: {  	s5 =	rddreg [dreg:$0x0]  }
0x2: {  	s2 =	rddreg [dreg:$0x1]  }
0x3: {  	s0 =	rddreg [dreg:$0x2];
	s4 =	srdreg.scid  }
0x4: {  	s3 =	simm.s32 $0x0;
	s1 =	stileid.u32;
	s10 =	simm.s32 $0x1F400  }
0x5: {  	s11 =	simm.s32 $0x2;
	s12 =	simm.s32 $0x400;
	s13 =	simm.s32 $0x20000  }
0x6: {  	s14 =	simm.s32 $0xF800;
	s15 =	simm.s32 $0x1;
	s16 =	simm.s32 $0x0  }
0x7: {  	s4 =	sand.u32 $0x1, s4;
	s7 =	sshll.u32 s1, $0xA;
	[smem:$0x7FF] =	sst s3  }
0x8: {  	s6 =	ssub.s32 $0x2, s4;
	s4 =	sshll.u32 s4, $0x9;
	_ =	strace $0x80000047  }
0x9: {  	s8 =	sshrl.u32 s6, $0x1;
	s4 =	sor.u32 s4, s7;
	s7 =	sadd.s32 $0xF8000, s2  }
0xa: {  	s9 =	ssub.s32 s6, s8;
	s31 =	sshrl.u32 s4, $0x3;
	s6 =	sadd.s32 s2, s4  }
0xb: {  	v0 =	vimm.f32 $1.001000990e-03;
	v1 =	vlaneseq.u32;
	s8 =	sadd.s32 s4, s7;
	s5 =	sadd.s32 s5, s31;
	s9 =	smax.u32 s9, $0x1  }
.LBB2_1:
0xc: {  	[tilespmem:s10], [sflag:$0x2] =	stream.linear.gather [hbm4b:s5+s3], $0x200, $0x38;
	[tilespmem:$0x1F600] =	vst v63  }
0xd: {  	s17 =	simm.s32 $0x0;
	s18 =	simm.s32 $0x200  }
.LBB2_2:
0xe: {  	p0 =	sne.s32 s18, $0x3DE00;
	[tilespmem:s17+$0x70] =	vst v0  }
0xf: {  	[tilespmem:s17+$0x0] =	vst v0  }
0x10: {  	[tilespmem:s17+$0x10] =	vst v0  }
.Ltmp0:
0x11: {  	[tilespmem:s17+$0x20] =	vst v0;
	(pc) =	sbr.rel @p0 .LBB2_2-.Ltmp0, $4  }
0x12: {  	[tilespmem:s17+$0x30] =	vst v0  }
0x13: {  	[tilespmem:s17+$0x40] =	vst v0  }
0x14: {  	[tilespmem:s17+$0x50] =	vst v0  }
0x15: {  	[tilespmem:s17+$0x60] =	vst v0;
	s17 =	sshra.s32 s18, $0x2;
	s18 =	sadd.s32 $0x200, s18  }
0x16: {  	[tilespmem:s17+$0x70] =	vst v0  }
0x17: {  	[tilespmem:s17+$0x0] =	vst v0  }
0x18: {  	[tilespmem:s17+$0x10] =	vst v0  }
0x19: {  	[tilespmem:s17+$0x20] =	vst v0  }
0x1a: {  	[tilespmem:s17+$0x30] =	vst v0  }
0x1b: {  	[tilespmem:s17+$0x40] =	vst v0  }
0x1c: {  	[tilespmem:s17+$0x50] =	vst v0  }
0x1d: {  	[tilespmem:s17+$0x60] =	vst v0  }
0x1e: {  	_ =	swait.ge [sflag:s11], $0x200  }
0x1f: {  	[sflag:s11] =	ssyncset.done $0x0  }
0x20: {  	s29 =	simm.s32 $0x0;
	[sflag:s11] =	ssyncadd.s32 $0xFFFFFE00  }
0x21: {  	v2 =	vld [tilespmem:s29+$0x1F400];
	_ =	sdelay $0x4  }
0x22: {  	vm0 =	vgt.s32 v2, $0x0  }
0x23: {  	v3 =	vnsel vm0, $0x0, v2  }
0x24: {  	v3 =	vmin.u32 v3, $0x1EF  }
0x25: {  	v3 =	vshll.u32 v3, $0x7  }
0x26: {  	v3 =	vadd.s32 s29, v3  }
0x27: {  	(v2sf) =	vpush v3, $0x0;
	_ =	sdelay $0x6  }
0x28: {  	(v2sf) =	vpush v3, $0x1;
	_ =	sdelay $0x6  }
0x29: {  	(v2sf) =	vpush v3, $0x2  }
0x2a: {  	s30 =	spop (v2sf)  }
0x2b: {  	vm11 =	vlt.u32 v2, $0x1F0;
	v2 =	vld [tilespmem:s30+$0x0]  }
0x2c: {  	v4 =	vnsel vm11, $0xFFFFFFFF, v1  }
0x2d: {  	v5 =	vbroadcast v4, $0x0;
	_ =	sdelay $0x1  }
0x2e: {  	vm12 =	veq.s32 v5, v1  }
0x2f: {  	(v2sf) =	vpush v3, $0x3;
	v2 =	vsel vm12, $0x0, v2  }
0x30: {  	s31 =	spop (v2sf);
	[tilespmem:s30+$0x0] =	vst v2  }
0x31: {  	v2 =	vld [tilespmem:s31+$0x0];
	_ =	sdelay $0x1  }
0x32: {  	v52 =	vbroadcast v4, $0x1;
	_ =	sdelay $0x1  }
0x33: {  	vm13 =	veq.s32 v52, v1  }
0x34: {  	(v2sf) =	vpush v3, $0x4;
	v2 =	vsel vm13, $0x0, v2  }
0x35: {  	s18 =	spop (v2sf);
	[tilespmem:s31+$0x0] =	vst v2  }
0x36: {  	v2 =	vld [tilespmem:s18+$0x0];
	_ =	sdelay $0x1  }
0x37: {  	v53 =	vbroadcast v4, $0x2;
	_ =	sdelay $0x1  }
0x38: {  	vm14 =	veq.s32 v53, v1  }
0x39: {  	(v2sf) =	vpush v3, $0x5;
	v2 =	vsel vm14, $0x0, v2  }
0x3a: {  	s19 =	spop (v2sf);
	[tilespmem:s18+$0x0] =	vst v2  }
0x3b: {  	v2 =	vld [tilespmem:s19+$0x0];
	_ =	sdelay $0x1  }
0x3c: {  	v54 =	vbroadcast v4, $0x3;
	_ =	sdelay $0x1  }
0x3d: {  	vm15 =	veq.s32 v54, v1  }
0x3e: {  	(v2sf) =	vpush v3, $0x6;
	v2 =	vsel vm15, $0x0, v2  }
0x3f: {  	s20 =	spop (v2sf);
	[tilespmem:s19+$0x0] =	vst v2  }
0x40: {  	v2 =	vld [tilespmem:s20+$0x0];
	_ =	sdelay $0x1  }
0x41: {  	v55 =	vbroadcast v4, $0x4;
	_ =	sdelay $0x1  }
0x42: {  	vm4 =	veq.s32 v55, v1  }
0x43: {  	(v2sf) =	vpush v3, $0x7;
	v2 =	vsel vm4, $0x0, v2  }
0x44: {  	s21 =	spop (v2sf);
	[tilespmem:s20+$0x0] =	vst v2  }
0x45: {  	v2 =	vld [tilespmem:s21+$0x0];
	_ =	sdelay $0x1  }
0x46: {  	v56 =	vbroadcast v4, $0x5;
	_ =	sdelay $0x1  }
0x47: {  	vm5 =	veq.s32 v56, v1  }
0x48: {  	(v2sf) =	vpush v3, $0x8;
	v2 =	vsel vm5, $0x0, v2  }
0x49: {  	s22 =	spop (v2sf);
	[tilespmem:s21+$0x0] =	vst v2  }
0x4a: {  	v2 =	vld [tilespmem:s22+$0x0];
	_ =	sdelay $0x1  }
0x4b: {  	v57 =	vbroadcast v4, $0x6;
	_ =	sdelay $0x1  }
0x4c: {  	vm6 =	veq.s32 v57, v1  }
0x4d: {  	(v2sf) =	vpush v3, $0x9;
	v2 =	vsel vm6, $0x0, v2  }
0x4e: {  	s23 =	spop (v2sf);
	[tilespmem:s22+$0x0] =	vst v2  }
0x4f: {  	v2 =	vld [tilespmem:s23+$0x0];
	_ =	sdelay $0x1  }
0x50: {  	v58 =	vbroadcast v4, $0x7;
	_ =	sdelay $0x1  }
0x51: {  	vm7 =	veq.s32 v58, v1  }
0x52: {  	(v2sf) =	vpush v3, $0xA;
	v2 =	vsel vm7, $0x0, v2  }
0x53: {  	s24 =	spop (v2sf);
	[tilespmem:s23+$0x0] =	vst v2  }
0x54: {  	v2 =	vld [tilespmem:s24+$0x0];
	_ =	sdelay $0x1  }
0x55: {  	v59 =	vbroadcast v4, $0x8;
	_ =	sdelay $0x1  }
0x56: {  	vm8 =	veq.s32 v59, v1  }
0x57: {  	(v2sf) =	vpush v3, $0xB;
	v2 =	vsel vm8, $0x0, v2  }
0x58: {  	s25 =	spop (v2sf);
	[tilespmem:s24+$0x0] =	vst v2  }
0x59: {  	v2 =	vld [tilespmem:s25+$0x0];
	_ =	sdelay $0x1  }
0x5a: {  	v60 =	vbroadcast v4, $0x9;
	_ =	sdelay $0x1  }
0x5b: {  	vm9 =	veq.s32 v60, v1  }
0x5c: {  	(v2sf) =	vpush v3, $0xC;
	v2 =	vsel vm9, $0x0, v2  }
0x5d: {  	s26 =	spop (v2sf);
	[tilespmem:s25+$0x0] =	vst v2  }
0x5e: {  	v2 =	vld [tilespmem:s26+$0x0];
	_ =	sdelay $0x1  }
0x5f: {  	v61 =	vbroadcast v4, $0xA;
	_ =	sdelay $0x1  }
0x60: {  	vm10 =	veq.s32 v61, v1  }
0x61: {  	(v2sf) =	vpush v3, $0xD;
	v2 =	vsel vm10, $0x0, v2  }
0x62: {  	s28 =	spop (v2sf);
	[tilespmem:s26+$0x0] =	vst v2  }
0x63: {  	v2 =	vld [tilespmem:s28+$0x0];
	_ =	sdelay $0x1  }
0x64: {  	v62 =	vbroadcast v4, $0xB;
	_ =	sdelay $0x1  }
0x65: {  	vm11 =	veq.s32 v62, v1  }
0x66: {  	(v2sf) =	vpush v3, $0xE;
	v2 =	vsel vm11, $0x0, v2  }
0x67: {  	s29 =	spop (v2sf);
	[tilespmem:s28+$0x0] =	vst v2  }
0x68: {  	v2 =	vld [tilespmem:s29+$0x0];
	_ =	sdelay $0x1  }
0x69: {  	v63 =	vbroadcast v4, $0xC;
	_ =	sdelay $0x1  }
0x6a: {  	vm12 =	veq.s32 v63, v1  }
0x6b: {  	(v2sf) =	vpush v3, $0xF;
	v2 =	vsel vm12, $0x0, v2  }
0x6c: {  	s30 =	spop (v2sf);
	[tilespmem:s29+$0x0] =	vst v2  }
0x6d: {  	v2 =	vld [tilespmem:s30+$0x0];
	_ =	sdelay $0x1  }
0x6e: {  	v3 =	vbroadcast v4, $0xD;
	_ =	sdelay $0x1  }
0x6f: {  	vm13 =	veq.s32 v3, v1  }
0x70: {  	v2 =	vsel vm13, $0x0, v2  }
0x71: {  	s31 =	spop (v2sf);
	[tilespmem:s30+$0x0] =	vst v2  }
0x72: {  	v2 =	vld [tilespmem:s31+$0x0];
	_ =	sdelay $0x1  }
0x73: {  	v3 =	vbroadcast v4, $0xE;
	_ =	sdelay $0x1  }
0x74: {  	vm14 =	veq.s32 v3, v1  }
0x75: {  	v2 =	vsel vm14, $0x0, v2  }
0x76: {  	s19 =	spop (v2sf);
	[tilespmem:s31+$0x0] =	vst v2  }
0x77: {  	v2 =	vld [tilespmem:s19+$0x0];
	_ =	sdelay $0x1  }
0x78: {  	v3 =	vbroadcast v4, $0xF;
	_ =	sdelay $0x1  }
0x79: {  	vm15 =	veq.s32 v3, v1  }
0x7a: {  	s17 =	simm.s32 $0x40;
	s18 =	simm.s32 $0x80;
	v2 =	vsel vm15, $0x0, v2  }
.LBB2_4:
0x7b: {  	p0 =	sne.s32 s18, $0x1C0  }
0x7c: {  	s20 =	sshra.s32 s17, $0x2;
	[tilespmem:s19+$0x0] =	vst v2;
	s17 =	smov.u32 s18;
	s18 =	sadd.s32 $0x40, s18  }
0x7d: {  	v2 =	vld [tilespmem:s20+$0x1F400];
	_ =	sdelay $0x4  }
0x7e: {  	vm0 =	vgt.s32 v2, $0x0;
	vm1 =	vlt.u32 v2, $0x1F0  }
0x7f: {  	v2 =	vnsel vm0, $0x0, v2;
	v11 =	vnsel vm1, $0xFFFFFFFF, v1  }
0x80: {  	v2 =	vmin.u32 v2, $0x1EF;
	v12 =	vbroadcast v11, $0x0;
	v13 =	vbroadcast v11, $0x1  }
0x81: {  	v14 =	vbroadcast v11, $0x2;
	v15 =	vbroadcast v11, $0x3;
	v2 =	vshll.u32 v2, $0x7  }
0x82: {  	v16 =	vbroadcast v11, $0x4;
	v17 =	vbroadcast v11, $0x5;
	v4 =	vadd.s32 s20, v2  }
0x83: {  	v18 =	vbroadcast v11, $0x6;
	v19 =	vbroadcast v11, $0x7;
	(v2sf) =	vpush v4, $0x0  }
0x84: {  	v10 =	vbroadcast v11, $0x8;
	v9 =	vbroadcast v11, $0x9  }
0x85: {  	v8 =	vbroadcast v11, $0xA;
	v7 =	vbroadcast v11, $0xB  }
0x86: {  	v6 =	vbroadcast v11, $0xC;
	v5 =	vbroadcast v11, $0xD  }
0x87: {  	v3 =	vbroadcast v11, $0xE;
	v2 =	vbroadcast v11, $0xF;
	_ =	sdelay $0x2  }
0x88: {  	(v2sf) =	vpush v4, $0x1;
	_ =	sdelay $0x6  }
0x89: {  	(v2sf) =	vpush v4, $0x2  }
0x8a: {  	s19 =	spop (v2sf)  }
0x8b: {  	v11 =	vld [tilespmem:s19+$0x0];
	_ =	sdelay $0x3  }
0x8c: {  	vm0 =	veq.s32 v12, v1  }
0x8d: {  	v11 =	vsel vm0, $0x0, v11;
	(v2sf) =	vpush v4, $0x3  }
0x8e: {  	[tilespmem:s19+$0x0] =	vst v11;
	s19 =	spop (v2sf)  }
0x8f: {  	v11 =	vld [tilespmem:s19+$0x0];
	_ =	sdelay $0x3  }
0x90: {  	vm0 =	veq.s32 v13, v1  }
0x91: {  	v11 =	vsel vm0, $0x0, v11;
	(v2sf) =	vpush v4, $0x4  }
0x92: {  	[tilespmem:s19+$0x0] =	vst v11;
	s19 =	spop (v2sf)  }
0x93: {  	v11 =	vld [tilespmem:s19+$0x0];
	_ =	sdelay $0x3  }
0x94: {  	vm0 =	veq.s32 v14, v1  }
0x95: {  	v11 =	vsel vm0, $0x0, v11;
	(v2sf) =	vpush v4, $0x5  }
0x96: {  	[tilespmem:s19+$0x0] =	vst v11;
	s19 =	spop (v2sf)  }
0x97: {  	v11 =	vld [tilespmem:s19+$0x0];
	_ =	sdelay $0x3  }
0x98: {  	vm0 =	veq.s32 v15, v1  }
0x99: {  	v11 =	vsel vm0, $0x0, v11;
	(v2sf) =	vpush v4, $0x6  }
0x9a: {  	[tilespmem:s19+$0x0] =	vst v11;
	s19 =	spop (v2sf)  }
0x9b: {  	v11 =	vld [tilespmem:s19+$0x0];
	_ =	sdelay $0x3  }
0x9c: {  	vm0 =	veq.s32 v16, v1  }
0x9d: {  	v11 =	vsel vm0, $0x0, v11;
	(v2sf) =	vpush v4, $0x7  }
0x9e: {  	[tilespmem:s19+$0x0] =	vst v11;
	s19 =	spop (v2sf)  }
0x9f: {  	v11 =	vld [tilespmem:s19+$0x0];
	_ =	sdelay $0x3  }
0xa0: {  	vm0 =	veq.s32 v17, v1  }
0xa1: {  	v11 =	vsel vm0, $0x0, v11;
	(v2sf) =	vpush v4, $0x8  }
0xa2: {  	[tilespmem:s19+$0x0] =	vst v11;
	s19 =	spop (v2sf)  }
0xa3: {  	v11 =	vld [tilespmem:s19+$0x0];
	_ =	sdelay $0x3  }
0xa4: {  	vm0 =	veq.s32 v18, v1  }
0xa5: {  	v11 =	vsel vm0, $0x0, v11;
	(v2sf) =	vpush v4, $0x9  }
0xa6: {  	[tilespmem:s19+$0x0] =	vst v11;
	s19 =	spop (v2sf)  }
0xa7: {  	v11 =	vld [tilespmem:s19+$0x0];
	_ =	sdelay $0x3  }
0xa8: {  	vm0 =	veq.s32 v19, v1  }
0xa9: {  	v11 =	vsel vm0, $0x0, v11;
	(v2sf) =	vpush v4, $0xA  }
0xaa: {  	[tilespmem:s19+$0x0] =	vst v11;
	s19 =	spop (v2sf)  }
0xab: {  	v11 =	vld [tilespmem:s19+$0x0];
	_ =	sdelay $0x3  }
0xac: {  	vm0 =	veq.s32 v10, v1  }
0xad: {  	v10 =	vsel vm0, $0x0, v11;
	(v2sf) =	vpush v4, $0xB  }
0xae: {  	[tilespmem:s19+$0x0] =	vst v10;
	s19 =	spop (v2sf)  }
0xaf: {  	v10 =	vld [tilespmem:s19+$0x0];
	_ =	sdelay $0x3  }
0xb0: {  	vm0 =	veq.s32 v9, v1  }
0xb1: {  	v9 =	vsel vm0, $0x0, v10;
	(v2sf) =	vpush v4, $0xC  }
0xb2: {  	[tilespmem:s19+$0x0] =	vst v9;
	s19 =	spop (v2sf)  }
0xb3: {  	v9 =	vld [tilespmem:s19+$0x0];
	_ =	sdelay $0x3  }
0xb4: {  	vm0 =	veq.s32 v8, v1  }
0xb5: {  	v8 =	vsel vm0, $0x0, v9;
	(v2sf) =	vpush v4, $0xD  }
0xb6: {  	[tilespmem:s19+$0x0] =	vst v8;
	s19 =	spop (v2sf)  }
0xb7: {  	v8 =	vld [tilespmem:s19+$0x0];
	_ =	sdelay $0x3  }
0xb8: {  	vm0 =	veq.s32 v7, v1  }
0xb9: {  	v7 =	vsel vm0, $0x0, v8;
	(v2sf) =	vpush v4, $0xE  }
0xba: {  	[tilespmem:s19+$0x0] =	vst v7;
	s19 =	spop (v2sf)  }
0xbb: {  	v7 =	vld [tilespmem:s19+$0x0];
	_ =	sdelay $0x3  }
0xbc: {  	vm0 =	veq.s32 v6, v1  }
0xbd: {  	v6 =	vsel vm0, $0x0, v7;
	(v2sf) =	vpush v4, $0xF  }
0xbe: {  	[tilespmem:s19+$0x0] =	vst v6;
	s19 =	spop (v2sf)  }
0xbf: {  	v4 =	vld [tilespmem:s19+$0x0];
	_ =	sdelay $0x3  }
0xc0: {  	vm0 =	veq.s32 v5, v1  }
0xc1: {  	v4 =	vsel vm0, $0x0, v4  }
0xc2: {  	[tilespmem:s19+$0x0] =	vst v4;
	s19 =	spop (v2sf)  }
0xc3: {  	v4 =	vld [tilespmem:s19+$0x0];
	_ =	sdelay $0x3  }
0xc4: {  	vm0 =	veq.s32 v3, v1  }
0xc5: {  	v3 =	vsel vm0, $0x0, v4  }
0xc6: {  	[tilespmem:s19+$0x0] =	vst v3;
	s19 =	spop (v2sf)  }
0xc7: {  	v3 =	vld [tilespmem:s19+$0x0]  }
.Ltmp1:
0xc8: {  	(pc) =	sbr.rel @p0 .LBB2_4-.Ltmp1, $3  }
0xc9: {  	_ =	sdelay $0x1  }
0xca: {  	vm0 =	veq.s32 v2, v1  }
0xcb: {  	v2 =	vsel vm0, $0x0, v3  }
0xcc: {  	s17 =	sshra.s32 s17, $0x2;
	[tilespmem:s19+$0x0] =	vst v2  }
0xcd: {  	v2 =	vld [tilespmem:s17+$0x1F400];
	_ =	sdelay $0x4  }
0xce: {  	vm0 =	vgt.s32 v2, $0x0  }
0xcf: {  	v3 =	vnsel vm0, $0x0, v2  }
0xd0: {  	v3 =	vmin.u32 v3, $0x1EF  }
0xd1: {  	v3 =	vshll.u32 v3, $0x7  }
0xd2: {  	v3 =	vadd.s32 s17, v3  }
0xd3: {  	(v2sf) =	vpush v3, $0x0;
	_ =	sdelay $0x6  }
0xd4: {  	(v2sf) =	vpush v3, $0x1;
	_ =	sdelay $0x6  }
0xd5: {  	(v2sf) =	vpush v3, $0x2  }
0xd6: {  	s28 =	spop (v2sf)  }
0xd7: {  	vm11 =	vlt.u32 v2, $0x1F0;
	v2 =	vld [tilespmem:s28+$0x0]  }
0xd8: {  	v4 =	vnsel vm11, $0xFFFFFFFF, v1  }
0xd9: {  	v5 =	vbroadcast v4, $0x0;
	_ =	sdelay $0x1  }
0xda: {  	vm12 =	veq.s32 v5, v1  }
0xdb: {  	(v2sf) =	vpush v3, $0x3;
	v2 =	vsel vm12, $0x0, v2  }
0xdc: {  	s29 =	spop (v2sf);
	[tilespmem:s28+$0x0] =	vst v2  }
0xdd: {  	v2 =	vld [tilespmem:s29+$0x0];
	_ =	sdelay $0x1  }
0xde: {  	v52 =	vbroadcast v4, $0x1;
	_ =	sdelay $0x1  }
0xdf: {  	vm13 =	veq.s32 v52, v1  }
0xe0: {  	(v2sf) =	vpush v3, $0x4;
	v2 =	vsel vm13, $0x0, v2  }
0xe1: {  	s30 =	spop (v2sf);
	[tilespmem:s29+$0x0] =	vst v2  }
0xe2: {  	v2 =	vld [tilespmem:s30+$0x0];
	_ =	sdelay $0x1  }
0xe3: {  	v53 =	vbroadcast v4, $0x2;
	_ =	sdelay $0x1  }
0xe4: {  	vm14 =	veq.s32 v53, v1  }
0xe5: {  	(v2sf) =	vpush v3, $0x5;
	v2 =	vsel vm14, $0x0, v2  }
0xe6: {  	s31 =	spop (v2sf);
	[tilespmem:s30+$0x0] =	vst v2  }
0xe7: {  	v2 =	vld [tilespmem:s31+$0x0];
	_ =	sdelay $0x1  }
0xe8: {  	v54 =	vbroadcast v4, $0x3;
	_ =	sdelay $0x1  }
0xe9: {  	vm15 =	veq.s32 v54, v1  }
0xea: {  	(v2sf) =	vpush v3, $0x6;
	v2 =	vsel vm15, $0x0, v2  }
0xeb: {  	s18 =	spop (v2sf);
	[tilespmem:s31+$0x0] =	vst v2  }
0xec: {  	v2 =	vld [tilespmem:s18+$0x0];
	_ =	sdelay $0x1  }
0xed: {  	v55 =	vbroadcast v4, $0x4;
	_ =	sdelay $0x1  }
0xee: {  	vm4 =	veq.s32 v55, v1  }
0xef: {  	(v2sf) =	vpush v3, $0x7;
	v2 =	vsel vm4, $0x0, v2  }
0xf0: {  	s19 =	spop (v2sf);
	[tilespmem:s18+$0x0] =	vst v2  }
0xf1: {  	v2 =	vld [tilespmem:s19+$0x0];
	_ =	sdelay $0x1  }
0xf2: {  	v56 =	vbroadcast v4, $0x5;
	_ =	sdelay $0x1  }
0xf3: {  	vm5 =	veq.s32 v56, v1  }
0xf4: {  	(v2sf) =	vpush v3, $0x8;
	v2 =	vsel vm5, $0x0, v2  }
0xf5: {  	s20 =	spop (v2sf);
	[tilespmem:s19+$0x0] =	vst v2  }
0xf6: {  	v2 =	vld [tilespmem:s20+$0x0];
	_ =	sdelay $0x1  }
0xf7: {  	v57 =	vbroadcast v4, $0x6;
	_ =	sdelay $0x1  }
0xf8: {  	vm6 =	veq.s32 v57, v1  }
0xf9: {  	(v2sf) =	vpush v3, $0x9;
	v2 =	vsel vm6, $0x0, v2  }
0xfa: {  	s21 =	spop (v2sf);
	[tilespmem:s20+$0x0] =	vst v2  }
0xfb: {  	v2 =	vld [tilespmem:s21+$0x0];
	_ =	sdelay $0x1  }
0xfc: {  	v58 =	vbroadcast v4, $0x7;
	_ =	sdelay $0x1  }
0xfd: {  	vm7 =	veq.s32 v58, v1  }
0xfe: {  	(v2sf) =	vpush v3, $0xA;
	v2 =	vsel vm7, $0x0, v2  }
0xff: {  	s22 =	spop (v2sf);
	[tilespmem:s21+$0x0] =	vst v2  }
0x100: {  	v2 =	vld [tilespmem:s22+$0x0];
	_ =	sdelay $0x1  }
0x101: {  	v59 =	vbroadcast v4, $0x8;
	_ =	sdelay $0x1  }
0x102: {  	vm8 =	veq.s32 v59, v1  }
0x103: {  	(v2sf) =	vpush v3, $0xB;
	v2 =	vsel vm8, $0x0, v2  }
0x104: {  	s23 =	spop (v2sf);
	[tilespmem:s22+$0x0] =	vst v2  }
0x105: {  	v2 =	vld [tilespmem:s23+$0x0];
	_ =	sdelay $0x1  }
0x106: {  	v60 =	vbroadcast v4, $0x9;
	_ =	sdelay $0x1  }
0x107: {  	vm9 =	veq.s32 v60, v1  }
0x108: {  	(v2sf) =	vpush v3, $0xC;
	v2 =	vsel vm9, $0x0, v2  }
0x109: {  	s24 =	spop (v2sf);
	[tilespmem:s23+$0x0] =	vst v2  }
0x10a: {  	v2 =	vld [tilespmem:s24+$0x0];
	_ =	sdelay $0x1  }
0x10b: {  	v61 =	vbroadcast v4, $0xA;
	_ =	sdelay $0x1  }
0x10c: {  	vm10 =	veq.s32 v61, v1  }
0x10d: {  	(v2sf) =	vpush v3, $0xD;
	v2 =	vsel vm10, $0x0, v2  }
0x10e: {  	s25 =	spop (v2sf);
	[tilespmem:s24+$0x0] =	vst v2  }
0x10f: {  	v2 =	vld [tilespmem:s25+$0x0];
	_ =	sdelay $0x1  }
0x110: {  	v62 =	vbroadcast v4, $0xB;
	_ =	sdelay $0x1  }
0x111: {  	vm11 =	veq.s32 v62, v1  }
0x112: {  	(v2sf) =	vpush v3, $0xE;
	v2 =	vsel vm11, $0x0, v2  }
0x113: {  	s26 =	spop (v2sf);
	[tilespmem:s25+$0x0] =	vst v2  }
0x114: {  	v2 =	vld [tilespmem:s26+$0x0];
	_ =	sdelay $0x1  }
0x115: {  	v63 =	vbroadcast v4, $0xC;
	_ =	sdelay $0x1  }
0x116: {  	vm12 =	veq.s32 v63, v1  }
0x117: {  	(v2sf) =	vpush v3, $0xF;
	v2 =	vsel vm12, $0x0, v2  }
0x118: {  	s28 =	spop (v2sf);
	[tilespmem:s26+$0x0] =	vst v2  }
0x119: {  	v2 =	vld [tilespmem:s28+$0x0];
	_ =	sdelay $0x1  }
0x11a: {  	v3 =	vbroadcast v4, $0xD;
	_ =	sdelay $0x1  }
0x11b: {  	vm13 =	veq.s32 v3, v1  }
0x11c: {  	v2 =	vsel vm13, $0x0, v2  }
0x11d: {  	s29 =	spop (v2sf);
	[tilespmem:s28+$0x0] =	vst v2  }
0x11e: {  	v2 =	vld [tilespmem:s29+$0x0];
	_ =	sdelay $0x1  }
0x11f: {  	v3 =	vbroadcast v4, $0xE;
	_ =	sdelay $0x1  }
0x120: {  	vm14 =	veq.s32 v3, v1  }
0x121: {  	v2 =	vsel vm14, $0x0, v2  }
0x122: {  	s30 =	spop (v2sf);
	[tilespmem:s29+$0x0] =	vst v2  }
0x123: {  	v2 =	vld [tilespmem:s30+$0x0];
	_ =	sdelay $0x1  }
0x124: {  	v3 =	vbroadcast v4, $0xF;
	_ =	sdelay $0x1  }
0x125: {  	vm15 =	veq.s32 v3, v1  }
0x126: {  	v2 =	vsel vm15, $0x0, v2  }
0x127: {  	s17 =	simm.s32 $0x0;
	s31 =	simm.s32 $0x0;
	s18 =	simm.s32 $0x200;
	[tilespmem:s30+$0x0] =	vst v2  }
0x128: {  	[hbm4b:s6+s12] =	stream.strided.scatter [tilespmem:s31], [sflag:$0x1], $0xF800, s13, s12, $0x38;
	[tilespmem:$0x1F600] =	vst v63  }
.LBB2_6:
0x129: {  	p0 =	sne.s32 s18, $0x3EE00;
	[tilespmem:s17+$0xF870] =	vst v0  }
0x12a: {  	[tilespmem:s17+$0xF800] =	vst v0  }
0x12b: {  	[tilespmem:s17+$0xF810] =	vst v0  }
.Ltmp2:
0x12c: {  	[tilespmem:s17+$0xF820] =	vst v0;
	(pc) =	sbr.rel @p0 .LBB2_6-.Ltmp2, $4  }
0x12d: {  	[tilespmem:s17+$0xF830] =	vst v0  }
0x12e: {  	[tilespmem:s17+$0xF840] =	vst v0  }
0x12f: {  	[tilespmem:s17+$0xF850] =	vst v0  }
0x130: {  	[tilespmem:s17+$0xF860] =	vst v0;
	s17 =	sshra.s32 s18, $0x2;
	s18 =	sadd.s32 $0x200, s18  }
0x131: {  	[tilespmem:s17+$0xF870] =	vst v0  }
0x132: {  	[tilespmem:s17+$0xF800] =	vst v0  }
0x133: {  	[tilespmem:s17+$0xF810] =	vst v0  }
0x134: {  	[tilespmem:s17+$0xF820] =	vst v0  }
0x135: {  	[tilespmem:s17+$0xF830] =	vst v0  }
0x136: {  	[tilespmem:s17+$0xF840] =	vst v0  }
0x137: {  	[tilespmem:s17+$0xF850] =	vst v0  }
0x138: {  	[tilespmem:s17+$0xF860] =	vst v0;
	s29 =	simm.s32 $0x0  }
0x139: {  	v2 =	vld [tilespmem:s29+$0x1F400];
	_ =	sdelay $0x4  }
0x13a: {  	v2 =	vadd.s32 $0xFFFFFE10, v2  }
0x13b: {  	vm0 =	vgt.s32 v2, $0x0  }
0x13c: {  	v3 =	vnsel vm0, $0x0, v2  }
0x13d: {  	v3 =	vmin.u32 v3, $0x1F7  }
0x13e: {  	v3 =	vshll.u32 v3, $0x7  }
0x13f: {  	v3 =	vadd.s32 s29, v3  }
0x140: {  	v3 =	vadd.s32 $0xF800, v3  }
0x141: {  	(v2sf) =	vpush v3, $0x0;
	_ =	sdelay $0x6  }
0x142: {  	(v2sf) =	vpush v3, $0x1;
	_ =	sdelay $0x6  }
0x143: {  	(v2sf) =	vpush v3, $0x2  }
0x144: {  	s30 =	spop (v2sf)  }
0x145: {  	vm11 =	vlt.u32 v2, $0x1F8;
	v2 =	vld [tilespmem:s30+$0x0]  }
0x146: {  	v4 =	vnsel vm11, $0xFFFFFFFF, v1  }
0x147: {  	v5 =	vbroadcast v4, $0x0;
	_ =	sdelay $0x1  }
0x148: {  	vm12 =	veq.s32 v5, v1  }
0x149: {  	(v2sf) =	vpush v3, $0x3;
	v2 =	vsel vm12, $0x0, v2  }
0x14a: {  	s31 =	spop (v2sf);
	[tilespmem:s30+$0x0] =	vst v2  }
0x14b: {  	v2 =	vld [tilespmem:s31+$0x0];
	_ =	sdelay $0x1  }
0x14c: {  	v52 =	vbroadcast v4, $0x1;
	_ =	sdelay $0x1  }
0x14d: {  	vm13 =	veq.s32 v52, v1  }
0x14e: {  	(v2sf) =	vpush v3, $0x4;
	v2 =	vsel vm13, $0x0, v2  }
0x14f: {  	s18 =	spop (v2sf);
	[tilespmem:s31+$0x0] =	vst v2  }
0x150: {  	v2 =	vld [tilespmem:s18+$0x0];
	_ =	sdelay $0x1  }
0x151: {  	v53 =	vbroadcast v4, $0x2;
	_ =	sdelay $0x1  }
0x152: {  	vm14 =	veq.s32 v53, v1  }
0x153: {  	(v2sf) =	vpush v3, $0x5;
	v2 =	vsel vm14, $0x0, v2  }
0x154: {  	s19 =	spop (v2sf);
	[tilespmem:s18+$0x0] =	vst v2  }
0x155: {  	v2 =	vld [tilespmem:s19+$0x0];
	_ =	sdelay $0x1  }
0x156: {  	v54 =	vbroadcast v4, $0x3;
	_ =	sdelay $0x1  }
0x157: {  	vm15 =	veq.s32 v54, v1  }
0x158: {  	(v2sf) =	vpush v3, $0x6;
	v2 =	vsel vm15, $0x0, v2  }
0x159: {  	s20 =	spop (v2sf);
	[tilespmem:s19+$0x0] =	vst v2  }
0x15a: {  	v2 =	vld [tilespmem:s20+$0x0];
	_ =	sdelay $0x1  }
0x15b: {  	v55 =	vbroadcast v4, $0x4;
	_ =	sdelay $0x1  }
0x15c: {  	vm4 =	veq.s32 v55, v1  }
0x15d: {  	(v2sf) =	vpush v3, $0x7;
	v2 =	vsel vm4, $0x0, v2  }
0x15e: {  	s21 =	spop (v2sf);
	[tilespmem:s20+$0x0] =	vst v2  }
0x15f: {  	v2 =	vld [tilespmem:s21+$0x0];
	_ =	sdelay $0x1  }
0x160: {  	v56 =	vbroadcast v4, $0x5;
	_ =	sdelay $0x1  }
0x161: {  	vm5 =	veq.s32 v56, v1  }
0x162: {  	(v2sf) =	vpush v3, $0x8;
	v2 =	vsel vm5, $0x0, v2  }
0x163: {  	s22 =	spop (v2sf);
	[tilespmem:s21+$0x0] =	vst v2  }
0x164: {  	v2 =	vld [tilespmem:s22+$0x0];
	_ =	sdelay $0x1  }
0x165: {  	v57 =	vbroadcast v4, $0x6;
	_ =	sdelay $0x1  }
0x166: {  	vm6 =	veq.s32 v57, v1  }
0x167: {  	(v2sf) =	vpush v3, $0x9;
	v2 =	vsel vm6, $0x0, v2  }
0x168: {  	s23 =	spop (v2sf);
	[tilespmem:s22+$0x0] =	vst v2  }
0x169: {  	v2 =	vld [tilespmem:s23+$0x0];
	_ =	sdelay $0x1  }
0x16a: {  	v58 =	vbroadcast v4, $0x7;
	_ =	sdelay $0x1  }
0x16b: {  	vm7 =	veq.s32 v58, v1  }
0x16c: {  	(v2sf) =	vpush v3, $0xA;
	v2 =	vsel vm7, $0x0, v2  }
0x16d: {  	s24 =	spop (v2sf);
	[tilespmem:s23+$0x0] =	vst v2  }
0x16e: {  	v2 =	vld [tilespmem:s24+$0x0];
	_ =	sdelay $0x1  }
0x16f: {  	v59 =	vbroadcast v4, $0x8;
	_ =	sdelay $0x1  }
0x170: {  	vm8 =	veq.s32 v59, v1  }
0x171: {  	(v2sf) =	vpush v3, $0xB;
	v2 =	vsel vm8, $0x0, v2  }
0x172: {  	s25 =	spop (v2sf);
	[tilespmem:s24+$0x0] =	vst v2  }
0x173: {  	v2 =	vld [tilespmem:s25+$0x0];
	_ =	sdelay $0x1  }
0x174: {  	v60 =	vbroadcast v4, $0x9;
	_ =	sdelay $0x1  }
0x175: {  	vm9 =	veq.s32 v60, v1  }
0x176: {  	(v2sf) =	vpush v3, $0xC;
	v2 =	vsel vm9, $0x0, v2  }
0x177: {  	s26 =	spop (v2sf);
	[tilespmem:s25+$0x0] =	vst v2  }
0x178: {  	v2 =	vld [tilespmem:s26+$0x0];
	_ =	sdelay $0x1  }
0x179: {  	v61 =	vbroadcast v4, $0xA;
	_ =	sdelay $0x1  }
0x17a: {  	vm10 =	veq.s32 v61, v1  }
0x17b: {  	(v2sf) =	vpush v3, $0xD;
	v2 =	vsel vm10, $0x0, v2  }
0x17c: {  	s28 =	spop (v2sf);
	[tilespmem:s26+$0x0] =	vst v2  }
0x17d: {  	v2 =	vld [tilespmem:s28+$0x0];
	_ =	sdelay $0x1  }
0x17e: {  	v62 =	vbroadcast v4, $0xB;
	_ =	sdelay $0x1  }
0x17f: {  	vm11 =	veq.s32 v62, v1  }
0x180: {  	(v2sf) =	vpush v3, $0xE;
	v2 =	vsel vm11, $0x0, v2  }
0x181: {  	s29 =	spop (v2sf);
	[tilespmem:s28+$0x0] =	vst v2  }
0x182: {  	v2 =	vld [tilespmem:s29+$0x0];
	_ =	sdelay $0x1  }
0x183: {  	v63 =	vbroadcast v4, $0xC;
	_ =	sdelay $0x1  }
0x184: {  	vm12 =	veq.s32 v63, v1  }
0x185: {  	(v2sf) =	vpush v3, $0xF;
	v2 =	vsel vm12, $0x0, v2  }
0x186: {  	s30 =	spop (v2sf);
	[tilespmem:s29+$0x0] =	vst v2  }
0x187: {  	v2 =	vld [tilespmem:s30+$0x0];
	_ =	sdelay $0x1  }
0x188: {  	v3 =	vbroadcast v4, $0xD;
	_ =	sdelay $0x1  }
0x189: {  	vm13 =	veq.s32 v3, v1  }
0x18a: {  	v2 =	vsel vm13, $0x0, v2  }
0x18b: {  	s31 =	spop (v2sf);
	[tilespmem:s30+$0x0] =	vst v2  }
0x18c: {  	v2 =	vld [tilespmem:s31+$0x0];
	_ =	sdelay $0x1  }
0x18d: {  	v3 =	vbroadcast v4, $0xE;
	_ =	sdelay $0x1  }
0x18e: {  	vm14 =	veq.s32 v3, v1  }
0x18f: {  	v2 =	vsel vm14, $0x0, v2  }
0x190: {  	s19 =	spop (v2sf);
	[tilespmem:s31+$0x0] =	vst v2  }
0x191: {  	v2 =	vld [tilespmem:s19+$0x0];
	_ =	sdelay $0x1  }
0x192: {  	v3 =	vbroadcast v4, $0xF;
	_ =	sdelay $0x1  }
0x193: {  	vm15 =	veq.s32 v3, v1  }
0x194: {  	s17 =	simm.s32 $0x40;
	s18 =	simm.s32 $0x80;
	v2 =	vsel vm15, $0x0, v2  }
.LBB2_8:
0x195: {  	p0 =	sne.s32 s18, $0x1C0  }
0x196: {  	s20 =	sshra.s32 s17, $0x2;
	[tilespmem:s19+$0x0] =	vst v2;
	s17 =	smov.u32 s18;
	s18 =	sadd.s32 $0x40, s18  }
0x197: {  	v2 =	vld [tilespmem:s20+$0x1F400];
	_ =	sdelay $0x4  }
0x198: {  	v2 =	vadd.s32 $0xFFFFFE10, v2  }
0x199: {  	vm0 =	vgt.s32 v2, $0x0;
	vm1 =	vlt.u32 v2, $0x1F8  }
0x19a: {  	v2 =	vnsel vm0, $0x0, v2;
	v11 =	vnsel vm1, $0xFFFFFFFF, v1  }
0x19b: {  	v2 =	vmin.u32 v2, $0x1F7;
	v12 =	vbroadcast v11, $0x0;
	v13 =	vbroadcast v11, $0x1  }
0x19c: {  	v14 =	vbroadcast v11, $0x2;
	v15 =	vbroadcast v11, $0x3;
	v2 =	vshll.u32 v2, $0x7  }
0x19d: {  	v16 =	vbroadcast v11, $0x4;
	v17 =	vbroadcast v11, $0x5;
	v2 =	vadd.s32 s20, v2  }
0x19e: {  	v18 =	vbroadcast v11, $0x6;
	v19 =	vbroadcast v11, $0x7;
	v4 =	vadd.s32 $0xF800, v2  }
0x19f: {  	v10 =	vbroadcast v11, $0x8;
	v9 =	vbroadcast v11, $0x9;
	(v2sf) =	vpush v4, $0x0  }
0x1a0: {  	v8 =	vbroadcast v11, $0xA;
	v7 =	vbroadcast v11, $0xB  }
0x1a1: {  	v6 =	vbroadcast v11, $0xC;
	v5 =	vbroadcast v11, $0xD  }
0x1a2: {  	v3 =	vbroadcast v11, $0xE;
	v2 =	vbroadcast v11, $0xF;
	_ =	sdelay $0x3  }
0x1a3: {  	(v2sf) =	vpush v4, $0x1;
	_ =	sdelay $0x6  }
0x1a4: {  	(v2sf) =	vpush v4, $0x2  }
0x1a5: {  	s19 =	spop (v2sf)  }
0x1a6: {  	v11 =	vld [tilespmem:s19+$0x0];
	_ =	sdelay $0x3  }
0x1a7: {  	vm0 =	veq.s32 v12, v1  }
0x1a8: {  	v11 =	vsel vm0, $0x0, v11;
	(v2sf) =	vpush v4, $0x3  }
0x1a9: {  	[tilespmem:s19+$0x0] =	vst v11;
	s19 =	spop (v2sf)  }
0x1aa: {  	v11 =	vld [tilespmem:s19+$0x0];
	_ =	sdelay $0x3  }
0x1ab: {  	vm0 =	veq.s32 v13, v1  }
0x1ac: {  	v11 =	vsel vm0, $0x0, v11;
	(v2sf) =	vpush v4, $0x4  }
0x1ad: {  	[tilespmem:s19+$0x0] =	vst v11;
	s19 =	spop (v2sf)  }
0x1ae: {  	v11 =	vld [tilespmem:s19+$0x0];
	_ =	sdelay $0x3  }
0x1af: {  	vm0 =	veq.s32 v14, v1  }
0x1b0: {  	v11 =	vsel vm0, $0x0, v11;
	(v2sf) =	vpush v4, $0x5  }
0x1b1: {  	[tilespmem:s19+$0x0] =	vst v11;
	s19 =	spop (v2sf)  }
0x1b2: {  	v11 =	vld [tilespmem:s19+$0x0];
	_ =	sdelay $0x3  }
0x1b3: {  	vm0 =	veq.s32 v15, v1  }
0x1b4: {  	v11 =	vsel vm0, $0x0, v11;
	(v2sf) =	vpush v4, $0x6  }
0x1b5: {  	[tilespmem:s19+$0x0] =	vst v11;
	s19 =	spop (v2sf)  }
0x1b6: {  	v11 =	vld [tilespmem:s19+$0x0];
	_ =	sdelay $0x3  }
0x1b7: {  	vm0 =	veq.s32 v16, v1  }
0x1b8: {  	v11 =	vsel vm0, $0x0, v11;
	(v2sf) =	vpush v4, $0x7  }
0x1b9: {  	[tilespmem:s19+$0x0] =	vst v11;
	s19 =	spop (v2sf)  }
0x1ba: {  	v11 =	vld [tilespmem:s19+$0x0];
	_ =	sdelay $0x3  }
0x1bb: {  	vm0 =	veq.s32 v17, v1  }
0x1bc: {  	v11 =	vsel vm0, $0x0, v11;
	(v2sf) =	vpush v4, $0x8  }
0x1bd: {  	[tilespmem:s19+$0x0] =	vst v11;
	s19 =	spop (v2sf)  }
0x1be: {  	v11 =	vld [tilespmem:s19+$0x0];
	_ =	sdelay $0x3  }
0x1bf: {  	vm0 =	veq.s32 v18, v1  }
0x1c0: {  	v11 =	vsel vm0, $0x0, v11;
	(v2sf) =	vpush v4, $0x9  }
0x1c1: {  	[tilespmem:s19+$0x0] =	vst v11;
	s19 =	spop (v2sf)  }
0x1c2: {  	v11 =	vld [tilespmem:s19+$0x0];
	_ =	sdelay $0x3  }
0x1c3: {  	vm0 =	veq.s32 v19, v1  }
0x1c4: {  	v11 =	vsel vm0, $0x0, v11;
	(v2sf) =	vpush v4, $0xA  }
0x1c5: {  	[tilespmem:s19+$0x0] =	vst v11;
	s19 =	spop (v2sf)  }
0x1c6: {  	v11 =	vld [tilespmem:s19+$0x0];
	_ =	sdelay $0x3  }
0x1c7: {  	vm0 =	veq.s32 v10, v1  }
0x1c8: {  	v10 =	vsel vm0, $0x0, v11;
	(v2sf) =	vpush v4, $0xB  }
0x1c9: {  	[tilespmem:s19+$0x0] =	vst v10;
	s19 =	spop (v2sf)  }
0x1ca: {  	v10 =	vld [tilespmem:s19+$0x0];
	_ =	sdelay $0x3  }
0x1cb: {  	vm0 =	veq.s32 v9, v1  }
0x1cc: {  	v9 =	vsel vm0, $0x0, v10;
	(v2sf) =	vpush v4, $0xC  }
0x1cd: {  	[tilespmem:s19+$0x0] =	vst v9;
	s19 =	spop (v2sf)  }
0x1ce: {  	v9 =	vld [tilespmem:s19+$0x0];
	_ =	sdelay $0x3  }
0x1cf: {  	vm0 =	veq.s32 v8, v1  }
0x1d0: {  	v8 =	vsel vm0, $0x0, v9;
	(v2sf) =	vpush v4, $0xD  }
0x1d1: {  	[tilespmem:s19+$0x0] =	vst v8;
	s19 =	spop (v2sf)  }
0x1d2: {  	v8 =	vld [tilespmem:s19+$0x0];
	_ =	sdelay $0x3  }
0x1d3: {  	vm0 =	veq.s32 v7, v1  }
0x1d4: {  	v7 =	vsel vm0, $0x0, v8;
	(v2sf) =	vpush v4, $0xE  }
0x1d5: {  	[tilespmem:s19+$0x0] =	vst v7;
	s19 =	spop (v2sf)  }
0x1d6: {  	v7 =	vld [tilespmem:s19+$0x0];
	_ =	sdelay $0x3  }
0x1d7: {  	vm0 =	veq.s32 v6, v1  }
0x1d8: {  	v6 =	vsel vm0, $0x0, v7;
	(v2sf) =	vpush v4, $0xF  }
0x1d9: {  	[tilespmem:s19+$0x0] =	vst v6;
	s19 =	spop (v2sf)  }
0x1da: {  	v4 =	vld [tilespmem:s19+$0x0];
	_ =	sdelay $0x3  }
0x1db: {  	vm0 =	veq.s32 v5, v1  }
0x1dc: {  	v4 =	vsel vm0, $0x0, v4  }
0x1dd: {  	[tilespmem:s19+$0x0] =	vst v4;
	s19 =	spop (v2sf)  }
0x1de: {  	v4 =	vld [tilespmem:s19+$0x0];
	_ =	sdelay $0x3  }
0x1df: {  	vm0 =	veq.s32 v3, v1  }
0x1e0: {  	v3 =	vsel vm0, $0x0, v4  }
0x1e1: {  	[tilespmem:s19+$0x0] =	vst v3;
	s19 =	spop (v2sf)  }
0x1e2: {  	v3 =	vld [tilespmem:s19+$0x0]  }
.Ltmp3:
0x1e3: {  	(pc) =	sbr.rel @p0 .LBB2_8-.Ltmp3, $3  }
0x1e4: {  	_ =	sdelay $0x1  }
0x1e5: {  	vm0 =	veq.s32 v2, v1  }
0x1e6: {  	v2 =	vsel vm0, $0x0, v3  }
0x1e7: {  	s17 =	sshra.s32 s17, $0x2;
	[tilespmem:s19+$0x0] =	vst v2  }
0x1e8: {  	v2 =	vld [tilespmem:s17+$0x1F400];
	_ =	sdelay $0x4  }
0x1e9: {  	v2 =	vadd.s32 $0xFFFFFE10, v2  }
0x1ea: {  	vm0 =	vgt.s32 v2, $0x0  }
0x1eb: {  	v3 =	vnsel vm0, $0x0, v2  }
0x1ec: {  	v3 =	vmin.u32 v3, $0x1F7  }
0x1ed: {  	v3 =	vshll.u32 v3, $0x7  }
0x1ee: {  	v3 =	vadd.s32 s17, v3  }
0x1ef: {  	v3 =	vadd.s32 $0xF800, v3  }
0x1f0: {  	(v2sf) =	vpush v3, $0x0;
	_ =	sdelay $0x6  }
0x1f1: {  	(v2sf) =	vpush v3, $0x1;
	_ =	sdelay $0x6  }
0x1f2: {  	(v2sf) =	vpush v3, $0x2  }
0x1f3: {  	s29 =	spop (v2sf)  }
0x1f4: {  	vm11 =	vlt.u32 v2, $0x1F8;
	v2 =	vld [tilespmem:s29+$0x0]  }
0x1f5: {  	v4 =	vnsel vm11, $0xFFFFFFFF, v1  }
0x1f6: {  	v5 =	vbroadcast v4, $0x0;
	_ =	sdelay $0x1  }
0x1f7: {  	vm12 =	veq.s32 v5, v1  }
0x1f8: {  	(v2sf) =	vpush v3, $0x3;
	v2 =	vsel vm12, $0x0, v2  }
0x1f9: {  	s30 =	spop (v2sf);
	[tilespmem:s29+$0x0] =	vst v2  }
0x1fa: {  	v2 =	vld [tilespmem:s30+$0x0];
	_ =	sdelay $0x1  }
0x1fb: {  	v52 =	vbroadcast v4, $0x1;
	_ =	sdelay $0x1  }
0x1fc: {  	vm13 =	veq.s32 v52, v1  }
0x1fd: {  	(v2sf) =	vpush v3, $0x4;
	v2 =	vsel vm13, $0x0, v2  }
0x1fe: {  	s31 =	spop (v2sf);
	[tilespmem:s30+$0x0] =	vst v2  }
0x1ff: {  	v2 =	vld [tilespmem:s31+$0x0];
	_ =	sdelay $0x1  }
0x200: {  	v53 =	vbroadcast v4, $0x2;
	_ =	sdelay $0x1  }
0x201: {  	vm14 =	veq.s32 v53, v1  }
0x202: {  	(v2sf) =	vpush v3, $0x5;
	v2 =	vsel vm14, $0x0, v2  }
0x203: {  	s18 =	spop (v2sf);
	[tilespmem:s31+$0x0] =	vst v2  }
0x204: {  	v2 =	vld [tilespmem:s18+$0x0];
	_ =	sdelay $0x1  }
0x205: {  	v54 =	vbroadcast v4, $0x3;
	_ =	sdelay $0x1  }
0x206: {  	vm15 =	veq.s32 v54, v1  }
0x207: {  	(v2sf) =	vpush v3, $0x6;
	v2 =	vsel vm15, $0x0, v2  }
0x208: {  	s19 =	spop (v2sf);
	[tilespmem:s18+$0x0] =	vst v2  }
0x209: {  	v2 =	vld [tilespmem:s19+$0x0];
	_ =	sdelay $0x1  }
0x20a: {  	v55 =	vbroadcast v4, $0x4;
	_ =	sdelay $0x1  }
0x20b: {  	vm4 =	veq.s32 v55, v1  }
0x20c: {  	(v2sf) =	vpush v3, $0x7;
	v2 =	vsel vm4, $0x0, v2  }
0x20d: {  	s20 =	spop (v2sf);
	[tilespmem:s19+$0x0] =	vst v2  }
0x20e: {  	v2 =	vld [tilespmem:s20+$0x0];
	_ =	sdelay $0x1  }
0x20f: {  	v56 =	vbroadcast v4, $0x5;
	_ =	sdelay $0x1  }
0x210: {  	vm5 =	veq.s32 v56, v1  }
0x211: {  	(v2sf) =	vpush v3, $0x8;
	v2 =	vsel vm5, $0x0, v2  }
0x212: {  	s21 =	spop (v2sf);
	[tilespmem:s20+$0x0] =	vst v2  }
0x213: {  	v2 =	vld [tilespmem:s21+$0x0];
	_ =	sdelay $0x1  }
0x214: {  	v57 =	vbroadcast v4, $0x6;
	_ =	sdelay $0x1  }
0x215: {  	vm6 =	veq.s32 v57, v1  }
0x216: {  	(v2sf) =	vpush v3, $0x9;
	v2 =	vsel vm6, $0x0, v2  }
0x217: {  	s22 =	spop (v2sf);
	[tilespmem:s21+$0x0] =	vst v2  }
0x218: {  	v2 =	vld [tilespmem:s22+$0x0];
	_ =	sdelay $0x1  }
0x219: {  	v58 =	vbroadcast v4, $0x7;
	_ =	sdelay $0x1  }
0x21a: {  	vm7 =	veq.s32 v58, v1  }
0x21b: {  	(v2sf) =	vpush v3, $0xA;
	v2 =	vsel vm7, $0x0, v2  }
0x21c: {  	s23 =	spop (v2sf);
	[tilespmem:s22+$0x0] =	vst v2  }
0x21d: {  	v2 =	vld [tilespmem:s23+$0x0];
	_ =	sdelay $0x1  }
0x21e: {  	v59 =	vbroadcast v4, $0x8;
	_ =	sdelay $0x1  }
0x21f: {  	vm8 =	veq.s32 v59, v1  }
0x220: {  	(v2sf) =	vpush v3, $0xB;
	v2 =	vsel vm8, $0x0, v2  }
0x221: {  	s24 =	spop (v2sf);
	[tilespmem:s23+$0x0] =	vst v2  }
0x222: {  	v2 =	vld [tilespmem:s24+$0x0];
	_ =	sdelay $0x1  }
0x223: {  	v60 =	vbroadcast v4, $0x9;
	_ =	sdelay $0x1  }
0x224: {  	vm9 =	veq.s32 v60, v1  }
0x225: {  	(v2sf) =	vpush v3, $0xC;
	v2 =	vsel vm9, $0x0, v2  }
0x226: {  	s25 =	spop (v2sf);
	[tilespmem:s24+$0x0] =	vst v2  }
0x227: {  	v2 =	vld [tilespmem:s25+$0x0];
	_ =	sdelay $0x1  }
0x228: {  	v61 =	vbroadcast v4, $0xA;
	_ =	sdelay $0x1  }
0x229: {  	vm10 =	veq.s32 v61, v1  }
0x22a: {  	(v2sf) =	vpush v3, $0xD;
	v2 =	vsel vm10, $0x0, v2  }
0x22b: {  	s26 =	spop (v2sf);
	[tilespmem:s25+$0x0] =	vst v2  }
0x22c: {  	v2 =	vld [tilespmem:s26+$0x0];
	_ =	sdelay $0x1  }
0x22d: {  	v62 =	vbroadcast v4, $0xB;
	_ =	sdelay $0x1  }
0x22e: {  	vm11 =	veq.s32 v62, v1  }
0x22f: {  	(v2sf) =	vpush v3, $0xE;
	v2 =	vsel vm11, $0x0, v2  }
0x230: {  	s28 =	spop (v2sf);
	[tilespmem:s26+$0x0] =	vst v2  }
0x231: {  	v2 =	vld [tilespmem:s28+$0x0];
	_ =	sdelay $0x1  }
0x232: {  	v63 =	vbroadcast v4, $0xC;
	_ =	sdelay $0x1  }
0x233: {  	vm12 =	veq.s32 v63, v1  }
0x234: {  	(v2sf) =	vpush v3, $0xF;
	v2 =	vsel vm12, $0x0, v2  }
0x235: {  	s29 =	spop (v2sf);
	[tilespmem:s28+$0x0] =	vst v2  }
0x236: {  	v2 =	vld [tilespmem:s29+$0x0];
	_ =	sdelay $0x1  }
0x237: {  	v3 =	vbroadcast v4, $0xD;
	_ =	sdelay $0x1  }
0x238: {  	vm13 =	veq.s32 v3, v1  }
0x239: {  	v2 =	vsel vm13, $0x0, v2  }
0x23a: {  	s30 =	spop (v2sf);
	[tilespmem:s29+$0x0] =	vst v2  }
0x23b: {  	v2 =	vld [tilespmem:s30+$0x0];
	_ =	sdelay $0x1  }
0x23c: {  	v3 =	vbroadcast v4, $0xE;
	_ =	sdelay $0x1  }
0x23d: {  	vm14 =	veq.s32 v3, v1  }
0x23e: {  	v2 =	vsel vm14, $0x0, v2  }
0x23f: {  	s31 =	spop (v2sf);
	[tilespmem:s30+$0x0] =	vst v2  }
0x240: {  	v2 =	vld [tilespmem:s31+$0x0];
	_ =	sdelay $0x1  }
0x241: {  	v3 =	vbroadcast v4, $0xF;
	_ =	sdelay $0x1  }
0x242: {  	vm15 =	veq.s32 v3, v1  }
0x243: {  	v2 =	vsel vm15, $0x0, v2  }
0x244: {  	s17 =	simm.s32 $0x1;
	s18 =	simm.s32 $0x1F400;
	s19 =	simm.s32 $0x1F480;
	[tilespmem:s31+$0x0] =	vst v2  }
0x245: {  	[hbm4b:s8+s12] =	stream.strided.scatter [tilespmem:s14], [sflag:$0x2], $0xFC00, s13, s12, $0x38;
	[tilespmem:$0x1F600] =	vst v63  }
.LBB2_10:
0x246: {  	v2 =	vmov s18;
	_ =	sdelay $0x1  }
0x247: {  	_ =	swait.ge [sflag:s15], $0xF800  }
0x248: {  	[sflag:s15] =	ssyncset.done $0x0  }
0x249: {  	s20 =	simm.s32 $0x0;
	[sflag:s15] =	ssyncadd.s32 $0xFFFF0800  }
0x24a: {  	v3 =	vld.idx.msk [tilespmem:v2+s20+$0x0 ss:$0x1], $0xffff;
	_ =	sdelay $0x4  }
0x24b: {  	vm0 =	vgt.s32 v3, $0x0  }
0x24c: {  	v4 =	vnsel vm0, $0x0, v3  }
0x24d: {  	v4 =	vmin.u32 v4, $0x1EF  }
0x24e: {  	v4 =	vshll.u32 v4, $0x7  }
0x24f: {  	v4 =	vadd.s32 s20, v4  }
0x250: {  	(v2sf) =	vpush v4, $0x0;
	_ =	sdelay $0x6  }
0x251: {  	(v2sf) =	vpush v4, $0x1;
	_ =	sdelay $0x6  }
0x252: {  	(v2sf) =	vpush v4, $0x2  }
0x253: {  	s21 =	spop (v2sf)  }
0x254: {  	vm11 =	vlt.u32 v3, $0x1F0;
	v3 =	vld [tilespmem:s21+$0x0]  }
0x255: {  	v5 =	vnsel vm11, $0xFFFFFFFF, v1  }
0x256: {  	v6 =	vbroadcast v5, $0x0;
	_ =	sdelay $0x1  }
0x257: {  	vm12 =	veq.s32 v6, v1  }
0x258: {  	(v2sf) =	vpush v4, $0x3;
	v3 =	vsel vm12, $0x3A833405, v3  }
0x259: {  	s26 =	spop (v2sf);
	[tilespmem:s21+$0x0] =	vst v3  }
0x25a: {  	v3 =	vld [tilespmem:s26+$0x0];
	_ =	sdelay $0x1  }
0x25b: {  	v52 =	vbroadcast v5, $0x1;
	_ =	sdelay $0x1  }
0x25c: {  	vm13 =	veq.s32 v52, v1  }
0x25d: {  	(v2sf) =	vpush v4, $0x4;
	v3 =	vsel vm13, $0x3A833405, v3  }
0x25e: {  	s28 =	spop (v2sf);
	[tilespmem:s26+$0x0] =	vst v3  }
0x25f: {  	v3 =	vld [tilespmem:s28+$0x0];
	_ =	sdelay $0x1  }
0x260: {  	v53 =	vbroadcast v5, $0x2;
	_ =	sdelay $0x1  }
0x261: {  	vm14 =	veq.s32 v53, v1  }
0x262: {  	(v2sf) =	vpush v4, $0x5;
	v3 =	vsel vm14, $0x3A833405, v3  }
0x263: {  	s29 =	spop (v2sf);
	[tilespmem:s28+$0x0] =	vst v3  }
0x264: {  	v3 =	vld [tilespmem:s29+$0x0];
	_ =	sdelay $0x1  }
0x265: {  	v54 =	vbroadcast v5, $0x3;
	_ =	sdelay $0x1  }
0x266: {  	vm15 =	veq.s32 v54, v1  }
0x267: {  	(v2sf) =	vpush v4, $0x6;
	v3 =	vsel vm15, $0x3A833405, v3  }
0x268: {  	s30 =	spop (v2sf);
	[tilespmem:s29+$0x0] =	vst v3  }
0x269: {  	v3 =	vld [tilespmem:s30+$0x0];
	_ =	sdelay $0x1  }
0x26a: {  	v55 =	vbroadcast v5, $0x4;
	_ =	sdelay $0x1  }
0x26b: {  	vm4 =	veq.s32 v55, v1  }
0x26c: {  	(v2sf) =	vpush v4, $0x7;
	v3 =	vsel vm4, $0x3A833405, v3  }
0x26d: {  	s31 =	spop (v2sf);
	[tilespmem:s30+$0x0] =	vst v3  }
0x26e: {  	v3 =	vld [tilespmem:s31+$0x0];
	_ =	sdelay $0x1  }
0x26f: {  	v56 =	vbroadcast v5, $0x5;
	_ =	sdelay $0x1  }
0x270: {  	vm5 =	veq.s32 v56, v1  }
0x271: {  	(v2sf) =	vpush v4, $0x8;
	v3 =	vsel vm5, $0x3A833405, v3  }
0x272: {  	s22 =	spop (v2sf);
	[tilespmem:s31+$0x0] =	vst v3  }
0x273: {  	v3 =	vld [tilespmem:s22+$0x0];
	_ =	sdelay $0x1  }
0x274: {  	v57 =	vbroadcast v5, $0x6;
	_ =	sdelay $0x1  }
0x275: {  	vm6 =	veq.s32 v57, v1  }
0x276: {  	(v2sf) =	vpush v4, $0x9;
	v3 =	vsel vm6, $0x3A833405, v3  }
0x277: {  	s23 =	spop (v2sf);
	[tilespmem:s22+$0x0] =	vst v3  }
0x278: {  	v3 =	vld [tilespmem:s23+$0x0];
	_ =	sdelay $0x1  }
0x279: {  	v58 =	vbroadcast v5, $0x7;
	_ =	sdelay $0x1  }
0x27a: {  	vm7 =	veq.s32 v58, v1  }
0x27b: {  	(v2sf) =	vpush v4, $0xA;
	v3 =	vsel vm7, $0x3A833405, v3  }
0x27c: {  	s24 =	spop (v2sf);
	[tilespmem:s23+$0x0] =	vst v3  }
0x27d: {  	v3 =	vld [tilespmem:s24+$0x0];
	_ =	sdelay $0x1  }
0x27e: {  	v59 =	vbroadcast v5, $0x8;
	_ =	sdelay $0x1  }
0x27f: {  	vm8 =	veq.s32 v59, v1  }
0x280: {  	(v2sf) =	vpush v4, $0xB;
	v3 =	vsel vm8, $0x3A833405, v3  }
0x281: {  	s25 =	spop (v2sf);
	[tilespmem:s24+$0x0] =	vst v3  }
0x282: {  	v3 =	vld [tilespmem:s25+$0x0];
	_ =	sdelay $0x1  }
0x283: {  	v60 =	vbroadcast v5, $0x9;
	_ =	sdelay $0x1  }
0x284: {  	vm9 =	veq.s32 v60, v1  }
0x285: {  	(v2sf) =	vpush v4, $0xC;
	v3 =	vsel vm9, $0x3A833405, v3  }
0x286: {  	s26 =	spop (v2sf);
	[tilespmem:s25+$0x0] =	vst v3  }
0x287: {  	v3 =	vld [tilespmem:s26+$0x0];
	_ =	sdelay $0x1  }
0x288: {  	v61 =	vbroadcast v5, $0xA;
	_ =	sdelay $0x1  }
0x289: {  	vm10 =	veq.s32 v61, v1  }
0x28a: {  	(v2sf) =	vpush v4, $0xD;
	v3 =	vsel vm10, $0x3A833405, v3  }
0x28b: {  	s28 =	spop (v2sf);
	[tilespmem:s26+$0x0] =	vst v3  }
0x28c: {  	v3 =	vld [tilespmem:s28+$0x0];
	_ =	sdelay $0x1  }
0x28d: {  	v62 =	vbroadcast v5, $0xB;
	_ =	sdelay $0x1  }
0x28e: {  	vm11 =	veq.s32 v62, v1  }
0x28f: {  	(v2sf) =	vpush v4, $0xE;
	v3 =	vsel vm11, $0x3A833405, v3  }
0x290: {  	s29 =	spop (v2sf);
	[tilespmem:s28+$0x0] =	vst v3  }
0x291: {  	v3 =	vld [tilespmem:s29+$0x0];
	_ =	sdelay $0x1  }
0x292: {  	v63 =	vbroadcast v5, $0xC;
	_ =	sdelay $0x1  }
0x293: {  	vm12 =	veq.s32 v63, v1  }
0x294: {  	(v2sf) =	vpush v4, $0xF;
	v3 =	vsel vm12, $0x3A833405, v3  }
0x295: {  	s30 =	spop (v2sf);
	[tilespmem:s29+$0x0] =	vst v3  }
0x296: {  	v3 =	vld [tilespmem:s30+$0x0];
	_ =	sdelay $0x1  }
0x297: {  	v4 =	vbroadcast v5, $0xD;
	_ =	sdelay $0x1  }
0x298: {  	vm13 =	veq.s32 v4, v1  }
0x299: {  	v3 =	vsel vm13, $0x3A833405, v3  }
0x29a: {  	s31 =	spop (v2sf);
	[tilespmem:s30+$0x0] =	vst v3  }
0x29b: {  	v3 =	vld [tilespmem:s31+$0x0];
	_ =	sdelay $0x1  }
0x29c: {  	v4 =	vbroadcast v5, $0xE;
	_ =	sdelay $0x1  }
0x29d: {  	vm14 =	veq.s32 v4, v1  }
0x29e: {  	v3 =	vsel vm14, $0x3A833405, v3  }
0x29f: {  	s23 =	spop (v2sf);
	[tilespmem:s31+$0x0] =	vst v3  }
0x2a0: {  	v3 =	vld [tilespmem:s23+$0x0];
	_ =	sdelay $0x1  }
0x2a1: {  	v4 =	vbroadcast v5, $0xF;
	_ =	sdelay $0x1  }
0x2a2: {  	vm15 =	veq.s32 v4, v1  }
0x2a3: {  	s21 =	simm.s32 $0x40;
	s22 =	simm.s32 $0x80;
	v3 =	vsel vm15, $0x3A833405, v3  }
.LBB2_11:
0x2a4: {  	p0 =	sne.s32 s22, $0x1C0  }
0x2a5: {  	s24 =	sshra.s32 s21, $0x2;
	[tilespmem:s23+$0x0] =	vst v3;
	s21 =	smov.u32 s22;
	s22 =	sadd.s32 $0x40, s22  }
0x2a6: {  	v3 =	vld.idx.msk [tilespmem:v2+s24+$0x0 ss:$0x1], $0xffff;
	_ =	sdelay $0x5  }
0x2a7: {  	vm0 =	vgt.s32 v3, $0x0;
	vm1 =	vlt.u32 v3, $0x1F0  }
0x2a8: {  	v3 =	vnsel vm0, $0x0, v3;
	v12 =	vnsel vm1, $0xFFFFFFFF, v1  }
0x2a9: {  	v3 =	vmin.u32 v3, $0x1EF;
	v13 =	vbroadcast v12, $0x0;
	v14 =	vbroadcast v12, $0x1  }
0x2aa: {  	v15 =	vbroadcast v12, $0x2;
	v16 =	vbroadcast v12, $0x3;
	v3 =	vshll.u32 v3, $0x7  }
0x2ab: {  	v17 =	vbroadcast v12, $0x4;
	v18 =	vbroadcast v12, $0x5;
	v5 =	vadd.s32 s24, v3  }
0x2ac: {  	v19 =	vbroadcast v12, $0x6;
	v20 =	vbroadcast v12, $0x7;
	(v2sf) =	vpush v5, $0x0  }
0x2ad: {  	v11 =	vbroadcast v12, $0x8;
	v10 =	vbroadcast v12, $0x9  }
0x2ae: {  	v9 =	vbroadcast v12, $0xA;
	v8 =	vbroadcast v12, $0xB  }
0x2af: {  	v7 =	vbroadcast v12, $0xC;
	v6 =	vbroadcast v12, $0xD  }
0x2b0: {  	v4 =	vbroadcast v12, $0xE;
	v3 =	vbroadcast v12, $0xF;
	_ =	sdelay $0x2  }
0x2b1: {  	(v2sf) =	vpush v5, $0x1;
	_ =	sdelay $0x6  }
0x2b2: {  	(v2sf) =	vpush v5, $0x2  }
0x2b3: {  	s23 =	spop (v2sf)  }
0x2b4: {  	v12 =	vld [tilespmem:s23+$0x0];
	_ =	sdelay $0x3  }
0x2b5: {  	vm0 =	veq.s32 v13, v1  }
0x2b6: {  	v12 =	vsel vm0, $0x3A833405, v12;
	(v2sf) =	vpush v5, $0x3  }
0x2b7: {  	[tilespmem:s23+$0x0] =	vst v12;
	s23 =	spop (v2sf)  }
0x2b8: {  	v12 =	vld [tilespmem:s23+$0x0];
	_ =	sdelay $0x3  }
0x2b9: {  	vm0 =	veq.s32 v14, v1  }
0x2ba: {  	v12 =	vsel vm0, $0x3A833405, v12;
	(v2sf) =	vpush v5, $0x4  }
0x2bb: {  	[tilespmem:s23+$0x0] =	vst v12;
	s23 =	spop (v2sf)  }
0x2bc: {  	v12 =	vld [tilespmem:s23+$0x0];
	_ =	sdelay $0x3  }
0x2bd: {  	vm0 =	veq.s32 v15, v1  }
0x2be: {  	v12 =	vsel vm0, $0x3A833405, v12;
	(v2sf) =	vpush v5, $0x5  }
0x2bf: {  	[tilespmem:s23+$0x0] =	vst v12;
	s23 =	spop (v2sf)  }
0x2c0: {  	v12 =	vld [tilespmem:s23+$0x0];
	_ =	sdelay $0x3  }
0x2c1: {  	vm0 =	veq.s32 v16, v1  }
0x2c2: {  	v12 =	vsel vm0, $0x3A833405, v12;
	(v2sf) =	vpush v5, $0x6  }
0x2c3: {  	[tilespmem:s23+$0x0] =	vst v12;
	s23 =	spop (v2sf)  }
0x2c4: {  	v12 =	vld [tilespmem:s23+$0x0];
	_ =	sdelay $0x3  }
0x2c5: {  	vm0 =	veq.s32 v17, v1  }
0x2c6: {  	v12 =	vsel vm0, $0x3A833405, v12;
	(v2sf) =	vpush v5, $0x7  }
0x2c7: {  	[tilespmem:s23+$0x0] =	vst v12;
	s23 =	spop (v2sf)  }
0x2c8: {  	v12 =	vld [tilespmem:s23+$0x0];
	_ =	sdelay $0x3  }
0x2c9: {  	vm0 =	veq.s32 v18, v1  }
0x2ca: {  	v12 =	vsel vm0, $0x3A833405, v12;
	(v2sf) =	vpush v5, $0x8  }
0x2cb: {  	[tilespmem:s23+$0x0] =	vst v12;
	s23 =	spop (v2sf)  }
0x2cc: {  	v12 =	vld [tilespmem:s23+$0x0];
	_ =	sdelay $0x3  }
0x2cd: {  	vm0 =	veq.s32 v19, v1  }
0x2ce: {  	v12 =	vsel vm0, $0x3A833405, v12;
	(v2sf) =	vpush v5, $0x9  }
0x2cf: {  	[tilespmem:s23+$0x0] =	vst v12;
	s23 =	spop (v2sf)  }
0x2d0: {  	v12 =	vld [tilespmem:s23+$0x0];
	_ =	sdelay $0x3  }
0x2d1: {  	vm0 =	veq.s32 v20, v1  }
0x2d2: {  	v12 =	vsel vm0, $0x3A833405, v12;
	(v2sf) =	vpush v5, $0xA  }
0x2d3: {  	[tilespmem:s23+$0x0] =	vst v12;
	s23 =	spop (v2sf)  }
0x2d4: {  	v12 =	vld [tilespmem:s23+$0x0];
	_ =	sdelay $0x3  }
0x2d5: {  	vm0 =	veq.s32 v11, v1  }
0x2d6: {  	v11 =	vsel vm0, $0x3A833405, v12;
	(v2sf) =	vpush v5, $0xB  }
0x2d7: {  	[tilespmem:s23+$0x0] =	vst v11;
	s23 =	spop (v2sf)  }
0x2d8: {  	v11 =	vld [tilespmem:s23+$0x0];
	_ =	sdelay $0x3  }
0x2d9: {  	vm0 =	veq.s32 v10, v1  }
0x2da: {  	v10 =	vsel vm0, $0x3A833405, v11;
	(v2sf) =	vpush v5, $0xC  }
0x2db: {  	[tilespmem:s23+$0x0] =	vst v10;
	s23 =	spop (v2sf)  }
0x2dc: {  	v10 =	vld [tilespmem:s23+$0x0];
	_ =	sdelay $0x3  }
0x2dd: {  	vm0 =	veq.s32 v9, v1  }
0x2de: {  	v9 =	vsel vm0, $0x3A833405, v10;
	(v2sf) =	vpush v5, $0xD  }
0x2df: {  	[tilespmem:s23+$0x0] =	vst v9;
	s23 =	spop (v2sf)  }
0x2e0: {  	v9 =	vld [tilespmem:s23+$0x0];
	_ =	sdelay $0x3  }
0x2e1: {  	vm0 =	veq.s32 v8, v1  }
0x2e2: {  	v8 =	vsel vm0, $0x3A833405, v9;
	(v2sf) =	vpush v5, $0xE  }
0x2e3: {  	[tilespmem:s23+$0x0] =	vst v8;
	s23 =	spop (v2sf)  }
0x2e4: {  	v8 =	vld [tilespmem:s23+$0x0];
	_ =	sdelay $0x3  }
0x2e5: {  	vm0 =	veq.s32 v7, v1  }
0x2e6: {  	v7 =	vsel vm0, $0x3A833405, v8;
	(v2sf) =	vpush v5, $0xF  }
0x2e7: {  	[tilespmem:s23+$0x0] =	vst v7;
	s23 =	spop (v2sf)  }
0x2e8: {  	v5 =	vld [tilespmem:s23+$0x0];
	_ =	sdelay $0x3  }
0x2e9: {  	vm0 =	veq.s32 v6, v1  }
0x2ea: {  	v5 =	vsel vm0, $0x3A833405, v5  }
0x2eb: {  	[tilespmem:s23+$0x0] =	vst v5;
	s23 =	spop (v2sf)  }
0x2ec: {  	v5 =	vld [tilespmem:s23+$0x0];
	_ =	sdelay $0x3  }
0x2ed: {  	vm0 =	veq.s32 v4, v1  }
0x2ee: {  	v4 =	vsel vm0, $0x3A833405, v5  }
0x2ef: {  	[tilespmem:s23+$0x0] =	vst v4;
	s23 =	spop (v2sf)  }
0x2f0: {  	v4 =	vld [tilespmem:s23+$0x0]  }
.Ltmp4:
0x2f1: {  	(pc) =	sbr.rel @p0 .LBB2_11-.Ltmp4, $3  }
0x2f2: {  	_ =	sdelay $0x1  }
0x2f3: {  	vm0 =	veq.s32 v3, v1  }
0x2f4: {  	v3 =	vsel vm0, $0x3A833405, v4  }
0x2f5: {  	_ =	sdelay $0x2  }
0x2f6: {  	s21 =	sshra.s32 s21, $0x2;
	[tilespmem:s23+$0x0] =	vst v3  }
0x2f7: {  	v3 =	vld.idx.msk [tilespmem:v2+s21+$0x0 ss:$0x1], $0xffff;
	_ =	sdelay $0x4  }
0x2f8: {  	vm0 =	vgt.s32 v3, $0x0  }
0x2f9: {  	v4 =	vnsel vm0, $0x0, v3  }
0x2fa: {  	v4 =	vmin.u32 v4, $0x1EF  }
0x2fb: {  	v4 =	vshll.u32 v4, $0x7  }
0x2fc: {  	v4 =	vadd.s32 s21, v4  }
0x2fd: {  	(v2sf) =	vpush v4, $0x0;
	_ =	sdelay $0x6  }
0x2fe: {  	(v2sf) =	vpush v4, $0x1;
	_ =	sdelay $0x6  }
0x2ff: {  	(v2sf) =	vpush v4, $0x2  }
0x300: {  	s28 =	spop (v2sf)  }
0x301: {  	vm5 =	vlt.u32 v3, $0x1F0;
	v3 =	vld [tilespmem:s28+$0x0]  }
0x302: {  	v5 =	vnsel vm5, $0xFFFFFFFF, v1  }
0x303: {  	v6 =	vbroadcast v5, $0x0;
	_ =	sdelay $0x1  }
0x304: {  	vm6 =	veq.s32 v6, v1  }
0x305: {  	(v2sf) =	vpush v4, $0x3;
	v3 =	vsel vm6, $0x3A833405, v3  }
0x306: {  	s29 =	spop (v2sf);
	[tilespmem:s28+$0x0] =	vst v3  }
0x307: {  	v3 =	vld [tilespmem:s29+$0x0];
	_ =	sdelay $0x1  }
0x308: {  	v39 =	vbroadcast v5, $0x1;
	_ =	sdelay $0x1  }
0x309: {  	vm7 =	veq.s32 v39, v1  }
0x30a: {  	(v2sf) =	vpush v4, $0x4;
	v3 =	vsel vm7, $0x3A833405, v3  }
0x30b: {  	s30 =	spop (v2sf);
	[tilespmem:s29+$0x0] =	vst v3  }
0x30c: {  	v3 =	vld [tilespmem:s30+$0x0];
	_ =	sdelay $0x1  }
0x30d: {  	v40 =	vbroadcast v5, $0x2;
	_ =	sdelay $0x1  }
0x30e: {  	vm8 =	veq.s32 v40, v1  }
0x30f: {  	(v2sf) =	vpush v4, $0x5;
	v3 =	vsel vm8, $0x3A833405, v3  }
0x310: {  	s31 =	spop (v2sf);
	[tilespmem:s30+$0x0] =	vst v3  }
0x311: {  	v3 =	vld [tilespmem:s31+$0x0];
	_ =	sdelay $0x1  }
0x312: {  	v41 =	vbroadcast v5, $0x3;
	_ =	sdelay $0x1  }
0x313: {  	vm9 =	veq.s32 v41, v1  }
0x314: {  	(v2sf) =	vpush v4, $0x6;
	v3 =	vsel vm9, $0x3A833405, v3  }
0x315: {  	s22 =	spop (v2sf);
	[tilespmem:s31+$0x0] =	vst v3  }
0x316: {  	v3 =	vld [tilespmem:s22+$0x0];
	_ =	sdelay $0x1  }
0x317: {  	v42 =	vbroadcast v5, $0x4;
	_ =	sdelay $0x1  }
0x318: {  	vm10 =	veq.s32 v42, v1  }
0x319: {  	(v2sf) =	vpush v4, $0x7;
	v3 =	vsel vm10, $0x3A833405, v3  }
0x31a: {  	s23 =	spop (v2sf);
	[tilespmem:s22+$0x0] =	vst v3  }
0x31b: {  	v3 =	vld [tilespmem:s23+$0x0];
	_ =	sdelay $0x1  }
0x31c: {  	v43 =	vbroadcast v5, $0x5;
	_ =	sdelay $0x1  }
0x31d: {  	vm11 =	veq.s32 v43, v1  }
0x31e: {  	(v2sf) =	vpush v4, $0x8;
	v3 =	vsel vm11, $0x3A833405, v3  }
0x31f: {  	s24 =	spop (v2sf);
	[tilespmem:s23+$0x0] =	vst v3  }
0x320: {  	v3 =	vld [tilespmem:s24+$0x0];
	_ =	sdelay $0x1  }
0x321: {  	v44 =	vbroadcast v5, $0x6;
	_ =	sdelay $0x1  }
0x322: {  	vm12 =	veq.s32 v44, v1  }
0x323: {  	(v2sf) =	vpush v4, $0x9;
	v3 =	vsel vm12, $0x3A833405, v3  }
0x324: {  	s25 =	spop (v2sf);
	[tilespmem:s24+$0x0] =	vst v3  }
0x325: {  	v3 =	vld [tilespmem:s25+$0x0];
	_ =	sdelay $0x1  }
0x326: {  	v45 =	vbroadcast v5, $0x7;
	_ =	sdelay $0x1  }
0x327: {  	vm13 =	veq.s32 v45, v1  }
0x328: {  	(v2sf) =	vpush v4, $0xA;
	v3 =	vsel vm13, $0x3A833405, v3  }
0x329: {  	s26 =	spop (v2sf);
	[tilespmem:s25+$0x0] =	vst v3  }
0x32a: {  	v3 =	vld [tilespmem:s26+$0x0];
	_ =	sdelay $0x1  }
0x32b: {  	v46 =	vbroadcast v5, $0x8;
	_ =	sdelay $0x1  }
0x32c: {  	vm14 =	veq.s32 v46, v1  }
0x32d: {  	(v2sf) =	vpush v4, $0xB;
	v3 =	vsel vm14, $0x3A833405, v3  }
0x32e: {  	s28 =	spop (v2sf);
	[tilespmem:s26+$0x0] =	vst v3  }
0x32f: {  	v3 =	vld [tilespmem:s28+$0x0];
	_ =	sdelay $0x1  }
0x330: {  	v47 =	vbroadcast v5, $0x9;
	_ =	sdelay $0x1  }
0x331: {  	vm15 =	veq.s32 v47, v1  }
0x332: {  	(v2sf) =	vpush v4, $0xC;
	v3 =	vsel vm15, $0x3A833405, v3  }
0x333: {  	s29 =	spop (v2sf);
	[tilespmem:s28+$0x0] =	vst v3  }
0x334: {  	v3 =	vld [tilespmem:s29+$0x0];
	_ =	sdelay $0x1  }
0x335: {  	v48 =	vbroadcast v5, $0xA;
	_ =	sdelay $0x1  }
0x336: {  	vm4 =	veq.s32 v48, v1  }
0x337: {  	(v2sf) =	vpush v4, $0xD;
	v3 =	vsel vm4, $0x3A833405, v3  }
0x338: {  	s30 =	spop (v2sf);
	[tilespmem:s29+$0x0] =	vst v3  }
0x339: {  	v3 =	vld [tilespmem:s30+$0x0];
	_ =	sdelay $0x1  }
0x33a: {  	v49 =	vbroadcast v5, $0xB;
	_ =	sdelay $0x1  }
0x33b: {  	vm5 =	veq.s32 v49, v1  }
0x33c: {  	(v2sf) =	vpush v4, $0xE;
	v3 =	vsel vm5, $0x3A833405, v3  }
0x33d: {  	s31 =	spop (v2sf);
	[tilespmem:s30+$0x0] =	vst v3  }
0x33e: {  	v3 =	vld [tilespmem:s31+$0x0];
	_ =	sdelay $0x1  }
0x33f: {  	v50 =	vbroadcast v5, $0xC;
	_ =	sdelay $0x1  }
0x340: {  	vm6 =	veq.s32 v50, v1  }
0x341: {  	(v2sf) =	vpush v4, $0xF;
	v3 =	vsel vm6, $0x3A833405, v3  }
0x342: {  	s22 =	spop (v2sf);
	[tilespmem:s31+$0x0] =	vst v3  }
0x343: {  	v3 =	vld [tilespmem:s22+$0x0];
	_ =	sdelay $0x1  }
0x344: {  	v4 =	vbroadcast v5, $0xD;
	_ =	sdelay $0x1  }
0x345: {  	vm7 =	veq.s32 v4, v1  }
0x346: {  	v3 =	vsel vm7, $0x3A833405, v3  }
0x347: {  	s23 =	spop (v2sf);
	[tilespmem:s22+$0x0] =	vst v3  }
0x348: {  	v3 =	vld [tilespmem:s23+$0x0];
	_ =	sdelay $0x1  }
0x349: {  	v4 =	vbroadcast v5, $0xE;
	_ =	sdelay $0x1  }
0x34a: {  	vm8 =	veq.s32 v4, v1  }
0x34b: {  	v3 =	vsel vm8, $0x3A833405, v3  }
0x34c: {  	s24 =	spop (v2sf);
	[tilespmem:s23+$0x0] =	vst v3  }
0x34d: {  	v3 =	vld [tilespmem:s24+$0x0];
	_ =	sdelay $0x1  }
0x34e: {  	v4 =	vbroadcast v5, $0xF;
	_ =	sdelay $0x1  }
0x34f: {  	vm9 =	veq.s32 v4, v1  }
0x350: {  	v3 =	vsel vm9, $0x3A833405, v3  }
0x351: {  	s25 =	sadd.s32 $0x0, s19;
	[tilespmem:s24+$0x0] =	vst v3  }
0x352: {  	v3 =	vld [tilespmem:s25+$0x0];
	_ =	sdelay $0x4  }
0x353: {  	vm10 =	vgt.s32 v3, $0x0  }
0x354: {  	v4 =	vnsel vm10, $0x0, v3  }
0x355: {  	v4 =	vmin.u32 v4, $0x1EF  }
0x356: {  	v4 =	vshll.u32 v4, $0x7  }
0x357: {  	v4 =	vadd.s32 s20, v4  }
0x358: {  	(v2sf) =	vpush v4, $0x0;
	_ =	sdelay $0x6  }
0x359: {  	(v2sf) =	vpush v4, $0x1;
	_ =	sdelay $0x6  }
0x35a: {  	(v2sf) =	vpush v4, $0x2  }
0x35b: {  	s26 =	spop (v2sf)  }
0x35c: {  	vm11 =	vlt.u32 v3, $0x1F0;
	v3 =	vld [tilespmem:s26+$0x0]  }
0x35d: {  	v5 =	vnsel vm11, $0xFFFFFFFF, v1  }
0x35e: {  	v51 =	vbroadcast v5, $0x0;
	_ =	sdelay $0x1  }
0x35f: {  	vm12 =	veq.s32 v51, v1  }
0x360: {  	(v2sf) =	vpush v4, $0x3;
	v3 =	vsel vm12, $0x0, v3  }
0x361: {  	s28 =	spop (v2sf);
	[tilespmem:s26+$0x0] =	vst v3  }
0x362: {  	v3 =	vld [tilespmem:s28+$0x0];
	_ =	sdelay $0x1  }
0x363: {  	v52 =	vbroadcast v5, $0x1;
	_ =	sdelay $0x1  }
0x364: {  	vm13 =	veq.s32 v52, v1  }
0x365: {  	(v2sf) =	vpush v4, $0x4;
	v3 =	vsel vm13, $0x0, v3  }
0x366: {  	s29 =	spop (v2sf);
	[tilespmem:s28+$0x0] =	vst v3  }
0x367: {  	v3 =	vld [tilespmem:s29+$0x0];
	_ =	sdelay $0x1  }
0x368: {  	v53 =	vbroadcast v5, $0x2;
	_ =	sdelay $0x1  }
0x369: {  	vm14 =	veq.s32 v53, v1  }
0x36a: {  	(v2sf) =	vpush v4, $0x5;
	v3 =	vsel vm14, $0x0, v3  }
0x36b: {  	s30 =	spop (v2sf);
	[tilespmem:s29+$0x0] =	vst v3  }
0x36c: {  	v3 =	vld [tilespmem:s30+$0x0];
	_ =	sdelay $0x1  }
0x36d: {  	v54 =	vbroadcast v5, $0x3;
	_ =	sdelay $0x1  }
0x36e: {  	vm15 =	veq.s32 v54, v1  }
0x36f: {  	(v2sf) =	vpush v4, $0x6;
	v3 =	vsel vm15, $0x0, v3  }
0x370: {  	s31 =	spop (v2sf);
	[tilespmem:s30+$0x0] =	vst v3  }
0x371: {  	v3 =	vld [tilespmem:s31+$0x0];
	_ =	sdelay $0x1  }
0x372: {  	v55 =	vbroadcast v5, $0x4;
	_ =	sdelay $0x1  }
0x373: {  	vm4 =	veq.s32 v55, v1  }
0x374: {  	(v2sf) =	vpush v4, $0x7;
	v3 =	vsel vm4, $0x0, v3  }
0x375: {  	s21 =	spop (v2sf);
	[tilespmem:s31+$0x0] =	vst v3  }
0x376: {  	v3 =	vld [tilespmem:s21+$0x0];
	_ =	sdelay $0x1  }
0x377: {  	v56 =	vbroadcast v5, $0x5;
	_ =	sdelay $0x1  }
0x378: {  	vm5 =	veq.s32 v56, v1  }
0x379: {  	(v2sf) =	vpush v4, $0x8;
	v3 =	vsel vm5, $0x0, v3  }
0x37a: {  	s22 =	spop (v2sf);
	[tilespmem:s21+$0x0] =	vst v3  }
0x37b: {  	v3 =	vld [tilespmem:s22+$0x0];
	_ =	sdelay $0x1  }
0x37c: {  	v57 =	vbroadcast v5, $0x6;
	_ =	sdelay $0x1  }
0x37d: {  	vm6 =	veq.s32 v57, v1  }
0x37e: {  	(v2sf) =	vpush v4, $0x9;
	v3 =	vsel vm6, $0x0, v3  }
0x37f: {  	s23 =	spop (v2sf);
	[tilespmem:s22+$0x0] =	vst v3  }
0x380: {  	v3 =	vld [tilespmem:s23+$0x0];
	_ =	sdelay $0x1  }
0x381: {  	v58 =	vbroadcast v5, $0x7;
	_ =	sdelay $0x1  }
0x382: {  	vm7 =	veq.s32 v58, v1  }
0x383: {  	(v2sf) =	vpush v4, $0xA;
	v3 =	vsel vm7, $0x0, v3  }
0x384: {  	s24 =	spop (v2sf);
	[tilespmem:s23+$0x0] =	vst v3  }
0x385: {  	v3 =	vld [tilespmem:s24+$0x0];
	_ =	sdelay $0x1  }
0x386: {  	v59 =	vbroadcast v5, $0x8;
	_ =	sdelay $0x1  }
0x387: {  	vm8 =	veq.s32 v59, v1  }
0x388: {  	(v2sf) =	vpush v4, $0xB;
	v3 =	vsel vm8, $0x0, v3  }
0x389: {  	s25 =	spop (v2sf);
	[tilespmem:s24+$0x0] =	vst v3  }
0x38a: {  	v3 =	vld [tilespmem:s25+$0x0];
	_ =	sdelay $0x1  }
0x38b: {  	v60 =	vbroadcast v5, $0x9;
	_ =	sdelay $0x1  }
0x38c: {  	vm9 =	veq.s32 v60, v1  }
0x38d: {  	(v2sf) =	vpush v4, $0xC;
	v3 =	vsel vm9, $0x0, v3  }
0x38e: {  	s26 =	spop (v2sf);
	[tilespmem:s25+$0x0] =	vst v3  }
0x38f: {  	v3 =	vld [tilespmem:s26+$0x0];
	_ =	sdelay $0x1  }
0x390: {  	v61 =	vbroadcast v5, $0xA;
	_ =	sdelay $0x1  }
0x391: {  	vm10 =	veq.s32 v61, v1  }
0x392: {  	(v2sf) =	vpush v4, $0xD;
	v3 =	vsel vm10, $0x0, v3  }
0x393: {  	s28 =	spop (v2sf);
	[tilespmem:s26+$0x0] =	vst v3  }
0x394: {  	v3 =	vld [tilespmem:s28+$0x0];
	_ =	sdelay $0x1  }
0x395: {  	v62 =	vbroadcast v5, $0xB;
	_ =	sdelay $0x1  }
0x396: {  	vm11 =	veq.s32 v62, v1  }
0x397: {  	(v2sf) =	vpush v4, $0xE;
	v3 =	vsel vm11, $0x0, v3  }
0x398: {  	s29 =	spop (v2sf);
	[tilespmem:s28+$0x0] =	vst v3  }
0x399: {  	v3 =	vld [tilespmem:s29+$0x0];
	_ =	sdelay $0x1  }
0x39a: {  	v63 =	vbroadcast v5, $0xC;
	_ =	sdelay $0x1  }
0x39b: {  	vm12 =	veq.s32 v63, v1  }
0x39c: {  	(v2sf) =	vpush v4, $0xF;
	v3 =	vsel vm12, $0x0, v3  }
0x39d: {  	s30 =	spop (v2sf);
	[tilespmem:s29+$0x0] =	vst v3  }
0x39e: {  	v3 =	vld [tilespmem:s30+$0x0];
	_ =	sdelay $0x1  }
0x39f: {  	v4 =	vbroadcast v5, $0xD;
	_ =	sdelay $0x1  }
0x3a0: {  	vm13 =	veq.s32 v4, v1  }
0x3a1: {  	v3 =	vsel vm13, $0x0, v3  }
0x3a2: {  	s31 =	spop (v2sf);
	[tilespmem:s30+$0x0] =	vst v3  }
0x3a3: {  	v3 =	vld [tilespmem:s31+$0x0];
	_ =	sdelay $0x1  }
0x3a4: {  	v4 =	vbroadcast v5, $0xE;
	_ =	sdelay $0x1  }
0x3a5: {  	vm14 =	veq.s32 v4, v1  }
0x3a6: {  	v3 =	vsel vm14, $0x0, v3  }
0x3a7: {  	s23 =	spop (v2sf);
	[tilespmem:s31+$0x0] =	vst v3  }
0x3a8: {  	v3 =	vld [tilespmem:s23+$0x0];
	_ =	sdelay $0x1  }
0x3a9: {  	v4 =	vbroadcast v5, $0xF;
	_ =	sdelay $0x1  }
0x3aa: {  	vm15 =	veq.s32 v4, v1  }
0x3ab: {  	s20 =	simm.s32 $0x80;
	s22 =	simm.s32 $0x10;
	v3 =	vsel vm15, $0x0, v3  }
.LBB2_13:
0x3ac: {  	p0 =	sne.s32 s20, $0x1C0  }
0x3ad: {  	s24 =	sadd.s32 s22, s19;
	[tilespmem:s23+$0x0] =	vst v3;
	s21 =	smov.u32 s20;
	s20 =	sadd.s32 $0x40, s20  }
0x3ae: {  	v3 =	vld [tilespmem:s24+$0x0];
	_ =	sdelay $0x4  }
0x3af: {  	vm0 =	vgt.s32 v3, $0x0;
	vm1 =	vlt.u32 v3, $0x1F0  }
0x3b0: {  	v3 =	vnsel vm0, $0x0, v3;
	v12 =	vnsel vm1, $0xFFFFFFFF, v1  }
0x3b1: {  	v3 =	vmin.u32 v3, $0x1EF;
	v13 =	vbroadcast v12, $0x0;
	v14 =	vbroadcast v12, $0x1  }
0x3b2: {  	v15 =	vbroadcast v12, $0x2;
	v16 =	vbroadcast v12, $0x3;
	v3 =	vshll.u32 v3, $0x7  }
0x3b3: {  	v17 =	vbroadcast v12, $0x4;
	v18 =	vbroadcast v12, $0x5;
	v5 =	vadd.s32 s22, v3  }
0x3b4: {  	v19 =	vbroadcast v12, $0x6;
	v20 =	vbroadcast v12, $0x7;
	(v2sf) =	vpush v5, $0x0  }
0x3b5: {  	v11 =	vbroadcast v12, $0x8;
	v10 =	vbroadcast v12, $0x9  }
0x3b6: {  	v9 =	vbroadcast v12, $0xA;
	v8 =	vbroadcast v12, $0xB  }
0x3b7: {  	v7 =	vbroadcast v12, $0xC;
	v6 =	vbroadcast v12, $0xD  }
0x3b8: {  	v4 =	vbroadcast v12, $0xE;
	v3 =	vbroadcast v12, $0xF;
	_ =	sdelay $0x2  }
0x3b9: {  	(v2sf) =	vpush v5, $0x1;
	_ =	sdelay $0x6  }
0x3ba: {  	(v2sf) =	vpush v5, $0x2  }
0x3bb: {  	s22 =	spop (v2sf)  }
0x3bc: {  	v12 =	vld [tilespmem:s22+$0x0];
	_ =	sdelay $0x3  }
0x3bd: {  	vm0 =	veq.s32 v13, v1  }
0x3be: {  	v12 =	vsel vm0, $0x0, v12;
	(v2sf) =	vpush v5, $0x3  }
0x3bf: {  	[tilespmem:s22+$0x0] =	vst v12;
	s22 =	spop (v2sf)  }
0x3c0: {  	v12 =	vld [tilespmem:s22+$0x0];
	_ =	sdelay $0x3  }
0x3c1: {  	vm0 =	veq.s32 v14, v1  }
0x3c2: {  	v12 =	vsel vm0, $0x0, v12;
	(v2sf) =	vpush v5, $0x4  }
0x3c3: {  	[tilespmem:s22+$0x0] =	vst v12;
	s22 =	spop (v2sf)  }
0x3c4: {  	v12 =	vld [tilespmem:s22+$0x0];
	_ =	sdelay $0x3  }
0x3c5: {  	vm0 =	veq.s32 v15, v1  }
0x3c6: {  	v12 =	vsel vm0, $0x0, v12;
	(v2sf) =	vpush v5, $0x5  }
0x3c7: {  	[tilespmem:s22+$0x0] =	vst v12;
	s22 =	spop (v2sf)  }
0x3c8: {  	v12 =	vld [tilespmem:s22+$0x0];
	_ =	sdelay $0x3  }
0x3c9: {  	vm0 =	veq.s32 v16, v1  }
0x3ca: {  	v12 =	vsel vm0, $0x0, v12;
	(v2sf) =	vpush v5, $0x6  }
0x3cb: {  	[tilespmem:s22+$0x0] =	vst v12;
	s22 =	spop (v2sf)  }
0x3cc: {  	v12 =	vld [tilespmem:s22+$0x0];
	_ =	sdelay $0x3  }
0x3cd: {  	vm0 =	veq.s32 v17, v1  }
0x3ce: {  	v12 =	vsel vm0, $0x0, v12;
	(v2sf) =	vpush v5, $0x7  }
0x3cf: {  	[tilespmem:s22+$0x0] =	vst v12;
	s22 =	spop (v2sf)  }
0x3d0: {  	v12 =	vld [tilespmem:s22+$0x0];
	_ =	sdelay $0x3  }
0x3d1: {  	vm0 =	veq.s32 v18, v1  }
0x3d2: {  	v12 =	vsel vm0, $0x0, v12;
	(v2sf) =	vpush v5, $0x8  }
0x3d3: {  	[tilespmem:s22+$0x0] =	vst v12;
	s22 =	spop (v2sf)  }
0x3d4: {  	v12 =	vld [tilespmem:s22+$0x0];
	_ =	sdelay $0x3  }
0x3d5: {  	vm0 =	veq.s32 v19, v1  }
0x3d6: {  	v12 =	vsel vm0, $0x0, v12;
	(v2sf) =	vpush v5, $0x9  }
0x3d7: {  	[tilespmem:s22+$0x0] =	vst v12;
	s22 =	spop (v2sf)  }
0x3d8: {  	v12 =	vld [tilespmem:s22+$0x0];
	_ =	sdelay $0x3  }
0x3d9: {  	vm0 =	veq.s32 v20, v1  }
0x3da: {  	v12 =	vsel vm0, $0x0, v12;
	(v2sf) =	vpush v5, $0xA  }
0x3db: {  	[tilespmem:s22+$0x0] =	vst v12;
	s22 =	spop (v2sf)  }
0x3dc: {  	v12 =	vld [tilespmem:s22+$0x0];
	_ =	sdelay $0x3  }
0x3dd: {  	vm0 =	veq.s32 v11, v1  }
0x3de: {  	v11 =	vsel vm0, $0x0, v12;
	(v2sf) =	vpush v5, $0xB  }
0x3df: {  	[tilespmem:s22+$0x0] =	vst v11;
	s22 =	spop (v2sf)  }
0x3e0: {  	v11 =	vld [tilespmem:s22+$0x0];
	_ =	sdelay $0x3  }
0x3e1: {  	vm0 =	veq.s32 v10, v1  }
0x3e2: {  	v10 =	vsel vm0, $0x0, v11;
	(v2sf) =	vpush v5, $0xC  }
0x3e3: {  	[tilespmem:s22+$0x0] =	vst v10;
	s22 =	spop (v2sf)  }
0x3e4: {  	v10 =	vld [tilespmem:s22+$0x0];
	_ =	sdelay $0x3  }
0x3e5: {  	vm0 =	veq.s32 v9, v1  }
0x3e6: {  	v9 =	vsel vm0, $0x0, v10;
	(v2sf) =	vpush v5, $0xD  }
0x3e7: {  	[tilespmem:s22+$0x0] =	vst v9;
	s22 =	spop (v2sf)  }
0x3e8: {  	v9 =	vld [tilespmem:s22+$0x0];
	_ =	sdelay $0x3  }
0x3e9: {  	vm0 =	veq.s32 v8, v1  }
0x3ea: {  	v8 =	vsel vm0, $0x0, v9;
	(v2sf) =	vpush v5, $0xE  }
0x3eb: {  	[tilespmem:s22+$0x0] =	vst v8;
	s22 =	spop (v2sf)  }
0x3ec: {  	v8 =	vld [tilespmem:s22+$0x0];
	_ =	sdelay $0x3  }
0x3ed: {  	vm0 =	veq.s32 v7, v1  }
0x3ee: {  	v7 =	vsel vm0, $0x0, v8;
	(v2sf) =	vpush v5, $0xF  }
0x3ef: {  	[tilespmem:s22+$0x0] =	vst v7;
	s22 =	spop (v2sf)  }
0x3f0: {  	v5 =	vld [tilespmem:s22+$0x0];
	_ =	sdelay $0x3  }
0x3f1: {  	vm0 =	veq.s32 v6, v1  }
0x3f2: {  	v5 =	vsel vm0, $0x0, v5  }
0x3f3: {  	[tilespmem:s22+$0x0] =	vst v5;
	s22 =	spop (v2sf)  }
0x3f4: {  	v5 =	vld [tilespmem:s22+$0x0];
	_ =	sdelay $0x3  }
0x3f5: {  	vm0 =	veq.s32 v4, v1  }
0x3f6: {  	v4 =	vsel vm0, $0x0, v5  }
0x3f7: {  	[tilespmem:s22+$0x0] =	vst v4;
	s23 =	spop (v2sf)  }
0x3f8: {  	v4 =	vld [tilespmem:s23+$0x0]  }
.Ltmp5:
0x3f9: {  	(pc) =	sbr.rel @p0 .LBB2_13-.Ltmp5, $3  }
0x3fa: {  	_ =	sdelay $0x1  }
0x3fb: {  	vm0 =	veq.s32 v3, v1  }
0x3fc: {  	s22 =	sshra.s32 s21, $0x2;
	v3 =	vsel vm0, $0x0, v4  }
0x3fd: {  	s20 =	sadd.s32 s22, s19;
	[tilespmem:s23+$0x0] =	vst v3  }
0x3fe: {  	v3 =	vld [tilespmem:s20+$0x0];
	_ =	sdelay $0x4  }
0x3ff: {  	vm0 =	vgt.s32 v3, $0x0  }
0x400: {  	v4 =	vnsel vm0, $0x0, v3  }
0x401: {  	v4 =	vmin.u32 v4, $0x1EF  }
0x402: {  	v4 =	vshll.u32 v4, $0x7  }
0x403: {  	v4 =	vadd.s32 s22, v4  }
0x404: {  	(v2sf) =	vpush v4, $0x0;
	_ =	sdelay $0x6  }
0x405: {  	(v2sf) =	vpush v4, $0x1;
	_ =	sdelay $0x6  }
0x406: {  	(v2sf) =	vpush v4, $0x2  }
0x407: {  	s25 =	spop (v2sf)  }
0x408: {  	vm5 =	vlt.u32 v3, $0x1F0;
	v3 =	vld [tilespmem:s25+$0x0]  }
0x409: {  	v5 =	vnsel vm5, $0xFFFFFFFF, v1  }
0x40a: {  	v6 =	vbroadcast v5, $0x0;
	_ =	sdelay $0x1  }
0x40b: {  	vm6 =	veq.s32 v6, v1  }
0x40c: {  	(v2sf) =	vpush v4, $0x3;
	v3 =	vsel vm6, $0x0, v3  }
0x40d: {  	s26 =	spop (v2sf);
	[tilespmem:s25+$0x0] =	vst v3  }
0x40e: {  	v3 =	vld [tilespmem:s26+$0x0];
	_ =	sdelay $0x1  }
0x40f: {  	v39 =	vbroadcast v5, $0x1;
	_ =	sdelay $0x1  }
0x410: {  	vm7 =	veq.s32 v39, v1  }
0x411: {  	(v2sf) =	vpush v4, $0x4;
	v3 =	vsel vm7, $0x0, v3  }
0x412: {  	s28 =	spop (v2sf);
	[tilespmem:s26+$0x0] =	vst v3  }
0x413: {  	v3 =	vld [tilespmem:s28+$0x0];
	_ =	sdelay $0x1  }
0x414: {  	v40 =	vbroadcast v5, $0x2;
	_ =	sdelay $0x1  }
0x415: {  	vm8 =	veq.s32 v40, v1  }
0x416: {  	(v2sf) =	vpush v4, $0x5;
	v3 =	vsel vm8, $0x0, v3  }
0x417: {  	s29 =	spop (v2sf);
	[tilespmem:s28+$0x0] =	vst v3  }
0x418: {  	v3 =	vld [tilespmem:s29+$0x0];
	_ =	sdelay $0x1  }
0x419: {  	v41 =	vbroadcast v5, $0x3;
	_ =	sdelay $0x1  }
0x41a: {  	vm9 =	veq.s32 v41, v1  }
0x41b: {  	(v2sf) =	vpush v4, $0x6;
	v3 =	vsel vm9, $0x0, v3  }
0x41c: {  	s30 =	spop (v2sf);
	[tilespmem:s29+$0x0] =	vst v3  }
0x41d: {  	v3 =	vld [tilespmem:s30+$0x0];
	_ =	sdelay $0x1  }
0x41e: {  	v42 =	vbroadcast v5, $0x4;
	_ =	sdelay $0x1  }
0x41f: {  	vm10 =	veq.s32 v42, v1  }
0x420: {  	(v2sf) =	vpush v4, $0x7;
	v3 =	vsel vm10, $0x0, v3  }
0x421: {  	s31 =	spop (v2sf);
	[tilespmem:s30+$0x0] =	vst v3  }
0x422: {  	v3 =	vld [tilespmem:s31+$0x0];
	_ =	sdelay $0x1  }
0x423: {  	v43 =	vbroadcast v5, $0x5;
	_ =	sdelay $0x1  }
0x424: {  	vm11 =	veq.s32 v43, v1  }
0x425: {  	(v2sf) =	vpush v4, $0x8;
	v3 =	vsel vm11, $0x0, v3  }
0x426: {  	s21 =	spop (v2sf);
	[tilespmem:s31+$0x0] =	vst v3  }
0x427: {  	v3 =	vld [tilespmem:s21+$0x0];
	_ =	sdelay $0x1  }
0x428: {  	v44 =	vbroadcast v5, $0x6;
	_ =	sdelay $0x1  }
0x429: {  	vm12 =	veq.s32 v44, v1  }
0x42a: {  	(v2sf) =	vpush v4, $0x9;
	v3 =	vsel vm12, $0x0, v3  }
0x42b: {  	s22 =	spop (v2sf);
	[tilespmem:s21+$0x0] =	vst v3  }
0x42c: {  	v3 =	vld [tilespmem:s22+$0x0];
	_ =	sdelay $0x1  }
0x42d: {  	v45 =	vbroadcast v5, $0x7;
	_ =	sdelay $0x1  }
0x42e: {  	vm13 =	veq.s32 v45, v1  }
0x42f: {  	(v2sf) =	vpush v4, $0xA;
	v3 =	vsel vm13, $0x0, v3  }
0x430: {  	s23 =	spop (v2sf);
	[tilespmem:s22+$0x0] =	vst v3  }
0x431: {  	v3 =	vld [tilespmem:s23+$0x0];
	_ =	sdelay $0x1  }
0x432: {  	v46 =	vbroadcast v5, $0x8;
	_ =	sdelay $0x1  }
0x433: {  	vm14 =	veq.s32 v46, v1  }
0x434: {  	(v2sf) =	vpush v4, $0xB;
	v3 =	vsel vm14, $0x0, v3  }
0x435: {  	s24 =	spop (v2sf);
	[tilespmem:s23+$0x0] =	vst v3  }
0x436: {  	v3 =	vld [tilespmem:s24+$0x0];
	_ =	sdelay $0x1  }
0x437: {  	v47 =	vbroadcast v5, $0x9;
	_ =	sdelay $0x1  }
0x438: {  	vm15 =	veq.s32 v47, v1  }
0x439: {  	(v2sf) =	vpush v4, $0xC;
	v3 =	vsel vm15, $0x0, v3  }
0x43a: {  	s25 =	spop (v2sf);
	[tilespmem:s24+$0x0] =	vst v3  }
0x43b: {  	v3 =	vld [tilespmem:s25+$0x0];
	_ =	sdelay $0x1  }
0x43c: {  	v48 =	vbroadcast v5, $0xA;
	_ =	sdelay $0x1  }
0x43d: {  	vm4 =	veq.s32 v48, v1  }
0x43e: {  	(v2sf) =	vpush v4, $0xD;
	v3 =	vsel vm4, $0x0, v3  }
0x43f: {  	s26 =	spop (v2sf);
	[tilespmem:s25+$0x0] =	vst v3  }
0x440: {  	v3 =	vld [tilespmem:s26+$0x0];
	_ =	sdelay $0x1  }
0x441: {  	v49 =	vbroadcast v5, $0xB;
	_ =	sdelay $0x1  }
0x442: {  	vm5 =	veq.s32 v49, v1  }
0x443: {  	(v2sf) =	vpush v4, $0xE;
	v3 =	vsel vm5, $0x0, v3  }
0x444: {  	s28 =	spop (v2sf);
	[tilespmem:s26+$0x0] =	vst v3  }
0x445: {  	v3 =	vld [tilespmem:s28+$0x0];
	_ =	sdelay $0x1  }
0x446: {  	v50 =	vbroadcast v5, $0xC;
	_ =	sdelay $0x1  }
0x447: {  	vm6 =	veq.s32 v50, v1  }
0x448: {  	(v2sf) =	vpush v4, $0xF;
	v3 =	vsel vm6, $0x0, v3  }
0x449: {  	s29 =	spop (v2sf);
	[tilespmem:s28+$0x0] =	vst v3  }
0x44a: {  	v3 =	vld [tilespmem:s29+$0x0];
	_ =	sdelay $0x1  }
0x44b: {  	v4 =	vbroadcast v5, $0xD;
	_ =	sdelay $0x1  }
0x44c: {  	vm7 =	veq.s32 v4, v1  }
0x44d: {  	v3 =	vsel vm7, $0x0, v3  }
0x44e: {  	s30 =	spop (v2sf);
	[tilespmem:s29+$0x0] =	vst v3  }
0x44f: {  	v3 =	vld [tilespmem:s30+$0x0];
	_ =	sdelay $0x1  }
0x450: {  	v4 =	vbroadcast v5, $0xE;
	_ =	sdelay $0x1  }
0x451: {  	vm8 =	veq.s32 v4, v1  }
0x452: {  	v3 =	vsel vm8, $0x0, v3  }
0x453: {  	s21 =	spop (v2sf);
	[tilespmem:s30+$0x0] =	vst v3  }
0x454: {  	v3 =	vld [tilespmem:s21+$0x0];
	_ =	sdelay $0x1  }
0x455: {  	v4 =	vbroadcast v5, $0xF;
	_ =	sdelay $0x1  }
0x456: {  	s31 =	sshll.u32 s17, $0x7;
	vm9 =	veq.s32 v4, v1  }
0x457: {  	s20 =	sor.u32 s4, s31;
	v3 =	vsel vm9, $0x0, v3  }
0x458: {  	s22 =	sadd.s32 s2, s20;
	s23 =	simm.s32 $0x0;
	[tilespmem:s21+$0x0] =	vst v3  }
0x459: {  	[hbm4b:s22+s12] =	stream.strided.scatter [tilespmem:s23], [sflag:$0x1], $0xF800, s13, s12, $0x38;
	[tilespmem:$0x1F600] =	vst v63  }
0x45a: {  	_ =	swait.ge [sflag:s11], $0xFC00  }
0x45b: {  	[sflag:s11] =	ssyncset.done $0x0  }
0x45c: {  	s21 =	simm.s32 $0x0;
	[sflag:s11] =	ssyncadd.s32 $0xFFFF0400  }
0x45d: {  	v3 =	vld.idx.msk [tilespmem:v2+s21+$0x0 ss:$0x1], $0xffff;
	_ =	sdelay $0x4  }
0x45e: {  	v3 =	vadd.s32 $0xFFFFFE10, v3  }
0x45f: {  	vm10 =	vgt.s32 v3, $0x0  }
0x460: {  	v4 =	vnsel vm10, $0x0, v3  }
0x461: {  	v4 =	vmin.u32 v4, $0x1F7  }
0x462: {  	v4 =	vshll.u32 v4, $0x7  }
0x463: {  	v4 =	vadd.s32 s21, v4  }
0x464: {  	v4 =	vadd.s32 $0xF800, v4  }
0x465: {  	(v2sf) =	vpush v4, $0x0;
	_ =	sdelay $0x6  }
0x466: {  	(v2sf) =	vpush v4, $0x1;
	_ =	sdelay $0x6  }
0x467: {  	(v2sf) =	vpush v4, $0x2  }
0x468: {  	s24 =	spop (v2sf)  }
0x469: {  	vm11 =	vlt.u32 v3, $0x1F8;
	v3 =	vld [tilespmem:s24+$0x0]  }
0x46a: {  	v5 =	vnsel vm11, $0xFFFFFFFF, v1  }
0x46b: {  	v51 =	vbroadcast v5, $0x0;
	_ =	sdelay $0x1  }
0x46c: {  	vm12 =	veq.s32 v51, v1  }
0x46d: {  	(v2sf) =	vpush v4, $0x3;
	v3 =	vsel vm12, $0x3A833405, v3  }
0x46e: {  	s25 =	spop (v2sf);
	[tilespmem:s24+$0x0] =	vst v3  }
0x46f: {  	v3 =	vld [tilespmem:s25+$0x0];
	_ =	sdelay $0x1  }
0x470: {  	v52 =	vbroadcast v5, $0x1;
	_ =	sdelay $0x1  }
0x471: {  	vm13 =	veq.s32 v52, v1  }
0x472: {  	(v2sf) =	vpush v4, $0x4;
	v3 =	vsel vm13, $0x3A833405, v3  }
0x473: {  	s26 =	spop (v2sf);
	[tilespmem:s25+$0x0] =	vst v3  }
0x474: {  	v3 =	vld [tilespmem:s26+$0x0];
	_ =	sdelay $0x1  }
0x475: {  	v53 =	vbroadcast v5, $0x2;
	_ =	sdelay $0x1  }
0x476: {  	vm14 =	veq.s32 v53, v1  }
0x477: {  	(v2sf) =	vpush v4, $0x5;
	v3 =	vsel vm14, $0x3A833405, v3  }
0x478: {  	s28 =	spop (v2sf);
	[tilespmem:s26+$0x0] =	vst v3  }
0x479: {  	v3 =	vld [tilespmem:s28+$0x0];
	_ =	sdelay $0x1  }
0x47a: {  	v54 =	vbroadcast v5, $0x3;
	_ =	sdelay $0x1  }
0x47b: {  	vm15 =	veq.s32 v54, v1  }
0x47c: {  	(v2sf) =	vpush v4, $0x6;
	v3 =	vsel vm15, $0x3A833405, v3  }
0x47d: {  	s29 =	spop (v2sf);
	[tilespmem:s28+$0x0] =	vst v3  }
0x47e: {  	v3 =	vld [tilespmem:s29+$0x0];
	_ =	sdelay $0x1  }
0x47f: {  	v55 =	vbroadcast v5, $0x4;
	_ =	sdelay $0x1  }
0x480: {  	vm4 =	veq.s32 v55, v1  }
0x481: {  	(v2sf) =	vpush v4, $0x7;
	v3 =	vsel vm4, $0x3A833405, v3  }
0x482: {  	s30 =	spop (v2sf);
	[tilespmem:s29+$0x0] =	vst v3  }
0x483: {  	v3 =	vld [tilespmem:s30+$0x0];
	_ =	sdelay $0x1  }
0x484: {  	v56 =	vbroadcast v5, $0x5;
	_ =	sdelay $0x1  }
0x485: {  	vm5 =	veq.s32 v56, v1  }
0x486: {  	(v2sf) =	vpush v4, $0x8;
	v3 =	vsel vm5, $0x3A833405, v3  }
0x487: {  	s31 =	spop (v2sf);
	[tilespmem:s30+$0x0] =	vst v3  }
0x488: {  	v3 =	vld [tilespmem:s31+$0x0];
	_ =	sdelay $0x1  }
0x489: {  	v57 =	vbroadcast v5, $0x6;
	_ =	sdelay $0x1  }
0x48a: {  	vm6 =	veq.s32 v57, v1  }
0x48b: {  	(v2sf) =	vpush v4, $0x9;
	v3 =	vsel vm6, $0x3A833405, v3  }
0x48c: {  	s23 =	spop (v2sf);
	[tilespmem:s31+$0x0] =	vst v3  }
0x48d: {  	v3 =	vld [tilespmem:s23+$0x0];
	_ =	sdelay $0x1  }
0x48e: {  	v58 =	vbroadcast v5, $0x7;
	_ =	sdelay $0x1  }
0x48f: {  	vm7 =	veq.s32 v58, v1  }
0x490: {  	(v2sf) =	vpush v4, $0xA;
	v3 =	vsel vm7, $0x3A833405, v3  }
0x491: {  	s24 =	spop (v2sf);
	[tilespmem:s23+$0x0] =	vst v3  }
0x492: {  	v3 =	vld [tilespmem:s24+$0x0];
	_ =	sdelay $0x1  }
0x493: {  	v59 =	vbroadcast v5, $0x8;
	_ =	sdelay $0x1  }
0x494: {  	vm8 =	veq.s32 v59, v1  }
0x495: {  	(v2sf) =	vpush v4, $0xB;
	v3 =	vsel vm8, $0x3A833405, v3  }
0x496: {  	s25 =	spop (v2sf);
	[tilespmem:s24+$0x0] =	vst v3  }
0x497: {  	v3 =	vld [tilespmem:s25+$0x0];
	_ =	sdelay $0x1  }
0x498: {  	v60 =	vbroadcast v5, $0x9;
	_ =	sdelay $0x1  }
0x499: {  	vm9 =	veq.s32 v60, v1  }
0x49a: {  	(v2sf) =	vpush v4, $0xC;
	v3 =	vsel vm9, $0x3A833405, v3  }
0x49b: {  	s26 =	spop (v2sf);
	[tilespmem:s25+$0x0] =	vst v3  }
0x49c: {  	v3 =	vld [tilespmem:s26+$0x0];
	_ =	sdelay $0x1  }
0x49d: {  	v61 =	vbroadcast v5, $0xA;
	_ =	sdelay $0x1  }
0x49e: {  	vm10 =	veq.s32 v61, v1  }
0x49f: {  	(v2sf) =	vpush v4, $0xD;
	v3 =	vsel vm10, $0x3A833405, v3  }
0x4a0: {  	s28 =	spop (v2sf);
	[tilespmem:s26+$0x0] =	vst v3  }
0x4a1: {  	v3 =	vld [tilespmem:s28+$0x0];
	_ =	sdelay $0x1  }
0x4a2: {  	v62 =	vbroadcast v5, $0xB;
	_ =	sdelay $0x1  }
0x4a3: {  	vm11 =	veq.s32 v62, v1  }
0x4a4: {  	(v2sf) =	vpush v4, $0xE;
	v3 =	vsel vm11, $0x3A833405, v3  }
0x4a5: {  	s29 =	spop (v2sf);
	[tilespmem:s28+$0x0] =	vst v3  }
0x4a6: {  	v3 =	vld [tilespmem:s29+$0x0];
	_ =	sdelay $0x1  }
0x4a7: {  	v63 =	vbroadcast v5, $0xC;
	_ =	sdelay $0x1  }
0x4a8: {  	vm12 =	veq.s32 v63, v1  }
0x4a9: {  	(v2sf) =	vpush v4, $0xF;
	v3 =	vsel vm12, $0x3A833405, v3  }
0x4aa: {  	s30 =	spop (v2sf);
	[tilespmem:s29+$0x0] =	vst v3  }
0x4ab: {  	v3 =	vld [tilespmem:s30+$0x0];
	_ =	sdelay $0x1  }
0x4ac: {  	v4 =	vbroadcast v5, $0xD;
	_ =	sdelay $0x1  }
0x4ad: {  	vm13 =	veq.s32 v4, v1  }
0x4ae: {  	v3 =	vsel vm13, $0x3A833405, v3  }
0x4af: {  	s31 =	spop (v2sf);
	[tilespmem:s30+$0x0] =	vst v3  }
0x4b0: {  	v3 =	vld [tilespmem:s31+$0x0];
	_ =	sdelay $0x1  }
0x4b1: {  	v4 =	vbroadcast v5, $0xE;
	_ =	sdelay $0x1  }
0x4b2: {  	vm14 =	veq.s32 v4, v1  }
0x4b3: {  	v3 =	vsel vm14, $0x3A833405, v3  }
0x4b4: {  	s24 =	spop (v2sf);
	[tilespmem:s31+$0x0] =	vst v3  }
0x4b5: {  	v3 =	vld [tilespmem:s24+$0x0];
	_ =	sdelay $0x1  }
0x4b6: {  	v4 =	vbroadcast v5, $0xF;
	_ =	sdelay $0x1  }
0x4b7: {  	vm15 =	veq.s32 v4, v1  }
0x4b8: {  	s22 =	simm.s32 $0x40;
	s23 =	simm.s32 $0x80;
	v3 =	vsel vm15, $0x3A833405, v3  }
.LBB2_15:
0x4b9: {  	p0 =	sne.s32 s23, $0x1C0  }
0x4ba: {  	s25 =	sshra.s32 s22, $0x2;
	[tilespmem:s24+$0x0] =	vst v3;
	s22 =	smov.u32 s23;
	s23 =	sadd.s32 $0x40, s23  }
0x4bb: {  	v3 =	vld.idx.msk [tilespmem:v2+s25+$0x0 ss:$0x1], $0xffff;
	_ =	sdelay $0x5  }
0x4bc: {  	v3 =	vadd.s32 $0xFFFFFE10, v3  }
0x4bd: {  	vm0 =	vgt.s32 v3, $0x0;
	vm1 =	vlt.u32 v3, $0x1F8  }
0x4be: {  	v3 =	vnsel vm0, $0x0, v3;
	v12 =	vnsel vm1, $0xFFFFFFFF, v1  }
0x4bf: {  	v3 =	vmin.u32 v3, $0x1F7;
	v13 =	vbroadcast v12, $0x0;
	v14 =	vbroadcast v12, $0x1  }
0x4c0: {  	v15 =	vbroadcast v12, $0x2;
	v16 =	vbroadcast v12, $0x3;
	v3 =	vshll.u32 v3, $0x7  }
0x4c1: {  	v17 =	vbroadcast v12, $0x4;
	v18 =	vbroadcast v12, $0x5;
	v3 =	vadd.s32 s25, v3  }
0x4c2: {  	v19 =	vbroadcast v12, $0x6;
	v20 =	vbroadcast v12, $0x7;
	v5 =	vadd.s32 $0xF800, v3  }
0x4c3: {  	v11 =	vbroadcast v12, $0x8;
	v10 =	vbroadcast v12, $0x9;
	(v2sf) =	vpush v5, $0x0  }
0x4c4: {  	v9 =	vbroadcast v12, $0xA;
	v8 =	vbroadcast v12, $0xB  }
0x4c5: {  	v7 =	vbroadcast v12, $0xC;
	v6 =	vbroadcast v12, $0xD  }
0x4c6: {  	v4 =	vbroadcast v12, $0xE;
	v3 =	vbroadcast v12, $0xF;
	_ =	sdelay $0x3  }
0x4c7: {  	(v2sf) =	vpush v5, $0x1;
	_ =	sdelay $0x6  }
0x4c8: {  	(v2sf) =	vpush v5, $0x2  }
0x4c9: {  	s24 =	spop (v2sf)  }
0x4ca: {  	v12 =	vld [tilespmem:s24+$0x0];
	_ =	sdelay $0x3  }
0x4cb: {  	vm0 =	veq.s32 v13, v1  }
0x4cc: {  	v12 =	vsel vm0, $0x3A833405, v12;
	(v2sf) =	vpush v5, $0x3  }
0x4cd: {  	[tilespmem:s24+$0x0] =	vst v12;
	s24 =	spop (v2sf)  }
0x4ce: {  	v12 =	vld [tilespmem:s24+$0x0];
	_ =	sdelay $0x3  }
0x4cf: {  	vm0 =	veq.s32 v14, v1  }
0x4d0: {  	v12 =	vsel vm0, $0x3A833405, v12;
	(v2sf) =	vpush v5, $0x4  }
0x4d1: {  	[tilespmem:s24+$0x0] =	vst v12;
	s24 =	spop (v2sf)  }
0x4d2: {  	v12 =	vld [tilespmem:s24+$0x0];
	_ =	sdelay $0x3  }
0x4d3: {  	vm0 =	veq.s32 v15, v1  }
0x4d4: {  	v12 =	vsel vm0, $0x3A833405, v12;
	(v2sf) =	vpush v5, $0x5  }
0x4d5: {  	[tilespmem:s24+$0x0] =	vst v12;
	s24 =	spop (v2sf)  }
0x4d6: {  	v12 =	vld [tilespmem:s24+$0x0];
	_ =	sdelay $0x3  }
0x4d7: {  	vm0 =	veq.s32 v16, v1  }
0x4d8: {  	v12 =	vsel vm0, $0x3A833405, v12;
	(v2sf) =	vpush v5, $0x6  }
0x4d9: {  	[tilespmem:s24+$0x0] =	vst v12;
	s24 =	spop (v2sf)  }
0x4da: {  	v12 =	vld [tilespmem:s24+$0x0];
	_ =	sdelay $0x3  }
0x4db: {  	vm0 =	veq.s32 v17, v1  }
0x4dc: {  	v12 =	vsel vm0, $0x3A833405, v12;
	(v2sf) =	vpush v5, $0x7  }
0x4dd: {  	[tilespmem:s24+$0x0] =	vst v12;
	s24 =	spop (v2sf)  }
0x4de: {  	v12 =	vld [tilespmem:s24+$0x0];
	_ =	sdelay $0x3  }
0x4df: {  	vm0 =	veq.s32 v18, v1  }
0x4e0: {  	v12 =	vsel vm0, $0x3A833405, v12;
	(v2sf) =	vpush v5, $0x8  }
0x4e1: {  	[tilespmem:s24+$0x0] =	vst v12;
	s24 =	spop (v2sf)  }
0x4e2: {  	v12 =	vld [tilespmem:s24+$0x0];
	_ =	sdelay $0x3  }
0x4e3: {  	vm0 =	veq.s32 v19, v1  }
0x4e4: {  	v12 =	vsel vm0, $0x3A833405, v12;
	(v2sf) =	vpush v5, $0x9  }
0x4e5: {  	[tilespmem:s24+$0x0] =	vst v12;
	s24 =	spop (v2sf)  }
0x4e6: {  	v12 =	vld [tilespmem:s24+$0x0];
	_ =	sdelay $0x3  }
0x4e7: {  	vm0 =	veq.s32 v20, v1  }
0x4e8: {  	v12 =	vsel vm0, $0x3A833405, v12;
	(v2sf) =	vpush v5, $0xA  }
0x4e9: {  	[tilespmem:s24+$0x0] =	vst v12;
	s24 =	spop (v2sf)  }
0x4ea: {  	v12 =	vld [tilespmem:s24+$0x0];
	_ =	sdelay $0x3  }
0x4eb: {  	vm0 =	veq.s32 v11, v1  }
0x4ec: {  	v11 =	vsel vm0, $0x3A833405, v12;
	(v2sf) =	vpush v5, $0xB  }
0x4ed: {  	[tilespmem:s24+$0x0] =	vst v11;
	s24 =	spop (v2sf)  }
0x4ee: {  	v11 =	vld [tilespmem:s24+$0x0];
	_ =	sdelay $0x3  }
0x4ef: {  	vm0 =	veq.s32 v10, v1  }
0x4f0: {  	v10 =	vsel vm0, $0x3A833405, v11;
	(v2sf) =	vpush v5, $0xC  }
0x4f1: {  	[tilespmem:s24+$0x0] =	vst v10;
	s24 =	spop (v2sf)  }
0x4f2: {  	v10 =	vld [tilespmem:s24+$0x0];
	_ =	sdelay $0x3  }
0x4f3: {  	vm0 =	veq.s32 v9, v1  }
0x4f4: {  	v9 =	vsel vm0, $0x3A833405, v10;
	(v2sf) =	vpush v5, $0xD  }
0x4f5: {  	[tilespmem:s24+$0x0] =	vst v9;
	s24 =	spop (v2sf)  }
0x4f6: {  	v9 =	vld [tilespmem:s24+$0x0];
	_ =	sdelay $0x3  }
0x4f7: {  	vm0 =	veq.s32 v8, v1  }
0x4f8: {  	v8 =	vsel vm0, $0x3A833405, v9;
	(v2sf) =	vpush v5, $0xE  }
0x4f9: {  	[tilespmem:s24+$0x0] =	vst v8;
	s24 =	spop (v2sf)  }
0x4fa: {  	v8 =	vld [tilespmem:s24+$0x0];
	_ =	sdelay $0x3  }
0x4fb: {  	vm0 =	veq.s32 v7, v1  }
0x4fc: {  	v7 =	vsel vm0, $0x3A833405, v8;
	(v2sf) =	vpush v5, $0xF  }
0x4fd: {  	[tilespmem:s24+$0x0] =	vst v7;
	s24 =	spop (v2sf)  }
0x4fe: {  	v5 =	vld [tilespmem:s24+$0x0];
	_ =	sdelay $0x3  }
0x4ff: {  	vm0 =	veq.s32 v6, v1  }
0x500: {  	v5 =	vsel vm0, $0x3A833405, v5  }
0x501: {  	[tilespmem:s24+$0x0] =	vst v5;
	s24 =	spop (v2sf)  }
0x502: {  	v5 =	vld [tilespmem:s24+$0x0];
	_ =	sdelay $0x3  }
0x503: {  	vm0 =	veq.s32 v4, v1  }
0x504: {  	v4 =	vsel vm0, $0x3A833405, v5  }
0x505: {  	[tilespmem:s24+$0x0] =	vst v4;
	s24 =	spop (v2sf)  }
0x506: {  	v4 =	vld [tilespmem:s24+$0x0]  }
.Ltmp6:
0x507: {  	(pc) =	sbr.rel @p0 .LBB2_15-.Ltmp6, $3  }
0x508: {  	_ =	sdelay $0x1  }
0x509: {  	vm0 =	veq.s32 v3, v1  }
0x50a: {  	v3 =	vsel vm0, $0x3A833405, v4  }
0x50b: {  	_ =	sdelay $0x2  }
0x50c: {  	s22 =	sshra.s32 s22, $0x2;
	[tilespmem:s24+$0x0] =	vst v3  }
0x50d: {  	v2 =	vld.idx.msk [tilespmem:v2+s22+$0x0 ss:$0x1], $0xffff;
	_ =	sdelay $0x4  }
0x50e: {  	v2 =	vadd.s32 $0xFFFFFE10, v2  }
0x50f: {  	vm0 =	vgt.s32 v2, $0x0  }
0x510: {  	v3 =	vnsel vm0, $0x0, v2  }
0x511: {  	v3 =	vmin.u32 v3, $0x1F7  }
0x512: {  	v3 =	vshll.u32 v3, $0x7  }
0x513: {  	v3 =	vadd.s32 s22, v3  }
0x514: {  	v3 =	vadd.s32 $0xF800, v3  }
0x515: {  	(v2sf) =	vpush v3, $0x0;
	_ =	sdelay $0x6  }
0x516: {  	(v2sf) =	vpush v3, $0x1;
	_ =	sdelay $0x6  }
0x517: {  	(v2sf) =	vpush v3, $0x2  }
0x518: {  	s24 =	spop (v2sf)  }
0x519: {  	vm5 =	vlt.u32 v2, $0x1F8;
	v2 =	vld [tilespmem:s24+$0x0]  }
0x51a: {  	v4 =	vnsel vm5, $0xFFFFFFFF, v1  }
0x51b: {  	v5 =	vbroadcast v4, $0x0;
	_ =	sdelay $0x1  }
0x51c: {  	vm6 =	veq.s32 v5, v1  }
0x51d: {  	(v2sf) =	vpush v3, $0x3;
	v2 =	vsel vm6, $0x3A833405, v2  }
0x51e: {  	s25 =	spop (v2sf);
	[tilespmem:s24+$0x0] =	vst v2  }
0x51f: {  	v2 =	vld [tilespmem:s25+$0x0];
	_ =	sdelay $0x1  }
0x520: {  	v38 =	vbroadcast v4, $0x1;
	_ =	sdelay $0x1  }
0x521: {  	vm7 =	veq.s32 v38, v1  }
0x522: {  	(v2sf) =	vpush v3, $0x4;
	v2 =	vsel vm7, $0x3A833405, v2  }
0x523: {  	s26 =	spop (v2sf);
	[tilespmem:s25+$0x0] =	vst v2  }
0x524: {  	v2 =	vld [tilespmem:s26+$0x0];
	_ =	sdelay $0x1  }
0x525: {  	v39 =	vbroadcast v4, $0x2;
	_ =	sdelay $0x1  }
0x526: {  	vm8 =	veq.s32 v39, v1  }
0x527: {  	(v2sf) =	vpush v3, $0x5;
	v2 =	vsel vm8, $0x3A833405, v2  }
0x528: {  	s28 =	spop (v2sf);
	[tilespmem:s26+$0x0] =	vst v2  }
0x529: {  	v2 =	vld [tilespmem:s28+$0x0];
	_ =	sdelay $0x1  }
0x52a: {  	v40 =	vbroadcast v4, $0x3;
	_ =	sdelay $0x1  }
0x52b: {  	vm9 =	veq.s32 v40, v1  }
0x52c: {  	(v2sf) =	vpush v3, $0x6;
	v2 =	vsel vm9, $0x3A833405, v2  }
0x52d: {  	s29 =	spop (v2sf);
	[tilespmem:s28+$0x0] =	vst v2  }
0x52e: {  	v2 =	vld [tilespmem:s29+$0x0];
	_ =	sdelay $0x1  }
0x52f: {  	v41 =	vbroadcast v4, $0x4;
	_ =	sdelay $0x1  }
0x530: {  	vm10 =	veq.s32 v41, v1  }
0x531: {  	(v2sf) =	vpush v3, $0x7;
	v2 =	vsel vm10, $0x3A833405, v2  }
0x532: {  	s30 =	spop (v2sf);
	[tilespmem:s29+$0x0] =	vst v2  }
0x533: {  	v2 =	vld [tilespmem:s30+$0x0];
	_ =	sdelay $0x1  }
0x534: {  	v42 =	vbroadcast v4, $0x5;
	_ =	sdelay $0x1  }
0x535: {  	vm11 =	veq.s32 v42, v1  }
0x536: {  	(v2sf) =	vpush v3, $0x8;
	v2 =	vsel vm11, $0x3A833405, v2  }
0x537: {  	s31 =	spop (v2sf);
	[tilespmem:s30+$0x0] =	vst v2  }
0x538: {  	v2 =	vld [tilespmem:s31+$0x0];
	_ =	sdelay $0x1  }
0x539: {  	v43 =	vbroadcast v4, $0x6;
	_ =	sdelay $0x1  }
0x53a: {  	vm12 =	veq.s32 v43, v1  }
0x53b: {  	(v2sf) =	vpush v3, $0x9;
	v2 =	vsel vm12, $0x3A833405, v2  }
0x53c: {  	s23 =	spop (v2sf);
	[tilespmem:s31+$0x0] =	vst v2  }
0x53d: {  	v2 =	vld [tilespmem:s23+$0x0];
	_ =	sdelay $0x1  }
0x53e: {  	v44 =	vbroadcast v4, $0x7;
	_ =	sdelay $0x1  }
0x53f: {  	vm13 =	veq.s32 v44, v1  }
0x540: {  	(v2sf) =	vpush v3, $0xA;
	v2 =	vsel vm13, $0x3A833405, v2  }
0x541: {  	s24 =	spop (v2sf);
	[tilespmem:s23+$0x0] =	vst v2  }
0x542: {  	v2 =	vld [tilespmem:s24+$0x0];
	_ =	sdelay $0x1  }
0x543: {  	v45 =	vbroadcast v4, $0x8;
	_ =	sdelay $0x1  }
0x544: {  	vm14 =	veq.s32 v45, v1  }
0x545: {  	(v2sf) =	vpush v3, $0xB;
	v2 =	vsel vm14, $0x3A833405, v2  }
0x546: {  	s25 =	spop (v2sf);
	[tilespmem:s24+$0x0] =	vst v2  }
0x547: {  	v2 =	vld [tilespmem:s25+$0x0];
	_ =	sdelay $0x1  }
0x548: {  	v46 =	vbroadcast v4, $0x9;
	_ =	sdelay $0x1  }
0x549: {  	vm15 =	veq.s32 v46, v1  }
0x54a: {  	(v2sf) =	vpush v3, $0xC;
	v2 =	vsel vm15, $0x3A833405, v2  }
0x54b: {  	s26 =	spop (v2sf);
	[tilespmem:s25+$0x0] =	vst v2  }
0x54c: {  	v2 =	vld [tilespmem:s26+$0x0];
	_ =	sdelay $0x1  }
0x54d: {  	v47 =	vbroadcast v4, $0xA;
	_ =	sdelay $0x1  }
0x54e: {  	vm4 =	veq.s32 v47, v1  }
0x54f: {  	(v2sf) =	vpush v3, $0xD;
	v2 =	vsel vm4, $0x3A833405, v2  }
0x550: {  	s28 =	spop (v2sf);
	[tilespmem:s26+$0x0] =	vst v2  }
0x551: {  	v2 =	vld [tilespmem:s28+$0x0];
	_ =	sdelay $0x1  }
0x552: {  	v48 =	vbroadcast v4, $0xB;
	_ =	sdelay $0x1  }
0x553: {  	vm5 =	veq.s32 v48, v1  }
0x554: {  	(v2sf) =	vpush v3, $0xE;
	v2 =	vsel vm5, $0x3A833405, v2  }
0x555: {  	s29 =	spop (v2sf);
	[tilespmem:s28+$0x0] =	vst v2  }
0x556: {  	v2 =	vld [tilespmem:s29+$0x0];
	_ =	sdelay $0x1  }
0x557: {  	v49 =	vbroadcast v4, $0xC;
	_ =	sdelay $0x1  }
0x558: {  	vm6 =	veq.s32 v49, v1  }
0x559: {  	(v2sf) =	vpush v3, $0xF;
	v2 =	vsel vm6, $0x3A833405, v2  }
0x55a: {  	s30 =	spop (v2sf);
	[tilespmem:s29+$0x0] =	vst v2  }
0x55b: {  	v2 =	vld [tilespmem:s30+$0x0];
	_ =	sdelay $0x1  }
0x55c: {  	v3 =	vbroadcast v4, $0xD;
	_ =	sdelay $0x1  }
0x55d: {  	vm7 =	veq.s32 v3, v1  }
0x55e: {  	v2 =	vsel vm7, $0x3A833405, v2  }
0x55f: {  	s31 =	spop (v2sf);
	[tilespmem:s30+$0x0] =	vst v2  }
0x560: {  	v2 =	vld [tilespmem:s31+$0x0];
	_ =	sdelay $0x1  }
0x561: {  	v3 =	vbroadcast v4, $0xE;
	_ =	sdelay $0x1  }
0x562: {  	vm8 =	veq.s32 v3, v1  }
0x563: {  	v2 =	vsel vm8, $0x3A833405, v2  }
0x564: {  	s23 =	spop (v2sf);
	[tilespmem:s31+$0x0] =	vst v2  }
0x565: {  	v2 =	vld [tilespmem:s23+$0x0];
	_ =	sdelay $0x1  }
0x566: {  	v3 =	vbroadcast v4, $0xF;
	_ =	sdelay $0x1  }
0x567: {  	vm9 =	veq.s32 v3, v1  }
0x568: {  	v2 =	vsel vm9, $0x3A833405, v2  }
0x569: {  	s24 =	sadd.s32 $0x0, s19;
	[tilespmem:s23+$0x0] =	vst v2  }
0x56a: {  	v2 =	vld [tilespmem:s24+$0x0];
	_ =	sdelay $0x4  }
0x56b: {  	v2 =	vadd.s32 $0xFFFFFE10, v2  }
0x56c: {  	vm10 =	vgt.s32 v2, $0x0  }
0x56d: {  	v3 =	vnsel vm10, $0x0, v2  }
0x56e: {  	v3 =	vmin.u32 v3, $0x1F7  }
0x56f: {  	v3 =	vshll.u32 v3, $0x7  }
0x570: {  	v3 =	vadd.s32 s21, v3  }
0x571: {  	v3 =	vadd.s32 $0xF800, v3  }
0x572: {  	(v2sf) =	vpush v3, $0x0;
	_ =	sdelay $0x6  }
0x573: {  	(v2sf) =	vpush v3, $0x1;
	_ =	sdelay $0x6  }
0x574: {  	(v2sf) =	vpush v3, $0x2  }
0x575: {  	s25 =	spop (v2sf)  }
0x576: {  	vm11 =	vlt.u32 v2, $0x1F8;
	v2 =	vld [tilespmem:s25+$0x0]  }
0x577: {  	v50 =	vnsel vm11, $0xFFFFFFFF, v1  }
0x578: {  	v51 =	vbroadcast v50, $0x0;
	_ =	sdelay $0x1  }
0x579: {  	vm12 =	veq.s32 v51, v1  }
0x57a: {  	(v2sf) =	vpush v3, $0x3;
	v2 =	vsel vm12, $0x0, v2  }
0x57b: {  	s26 =	spop (v2sf);
	[tilespmem:s25+$0x0] =	vst v2  }
0x57c: {  	v2 =	vld [tilespmem:s26+$0x0];
	_ =	sdelay $0x1  }
0x57d: {  	v52 =	vbroadcast v50, $0x1;
	_ =	sdelay $0x1  }
0x57e: {  	vm13 =	veq.s32 v52, v1  }
0x57f: {  	(v2sf) =	vpush v3, $0x4;
	v2 =	vsel vm13, $0x0, v2  }
0x580: {  	s28 =	spop (v2sf);
	[tilespmem:s26+$0x0] =	vst v2  }
0x581: {  	v2 =	vld [tilespmem:s28+$0x0];
	_ =	sdelay $0x1  }
0x582: {  	v53 =	vbroadcast v50, $0x2;
	_ =	sdelay $0x1  }
0x583: {  	vm14 =	veq.s32 v53, v1  }
0x584: {  	(v2sf) =	vpush v3, $0x5;
	v2 =	vsel vm14, $0x0, v2  }
0x585: {  	s29 =	spop (v2sf);
	[tilespmem:s28+$0x0] =	vst v2  }
0x586: {  	v2 =	vld [tilespmem:s29+$0x0];
	_ =	sdelay $0x1  }
0x587: {  	v54 =	vbroadcast v50, $0x3;
	_ =	sdelay $0x1  }
0x588: {  	vm15 =	veq.s32 v54, v1  }
0x589: {  	(v2sf) =	vpush v3, $0x6;
	v2 =	vsel vm15, $0x0, v2  }
0x58a: {  	s30 =	spop (v2sf);
	[tilespmem:s29+$0x0] =	vst v2  }
0x58b: {  	v2 =	vld [tilespmem:s30+$0x0];
	_ =	sdelay $0x1  }
0x58c: {  	v55 =	vbroadcast v50, $0x4;
	_ =	sdelay $0x1  }
0x58d: {  	vm4 =	veq.s32 v55, v1  }
0x58e: {  	(v2sf) =	vpush v3, $0x7;
	v2 =	vsel vm4, $0x0, v2  }
0x58f: {  	s31 =	spop (v2sf);
	[tilespmem:s30+$0x0] =	vst v2  }
0x590: {  	v2 =	vld [tilespmem:s31+$0x0];
	_ =	sdelay $0x1  }
0x591: {  	v56 =	vbroadcast v50, $0x5;
	_ =	sdelay $0x1  }
0x592: {  	vm5 =	veq.s32 v56, v1  }
0x593: {  	(v2sf) =	vpush v3, $0x8;
	v2 =	vsel vm5, $0x0, v2  }
0x594: {  	s22 =	spop (v2sf);
	[tilespmem:s31+$0x0] =	vst v2  }
0x595: {  	v2 =	vld [tilespmem:s22+$0x0];
	_ =	sdelay $0x1  }
0x596: {  	v57 =	vbroadcast v50, $0x6;
	_ =	sdelay $0x1  }
0x597: {  	vm6 =	veq.s32 v57, v1  }
0x598: {  	(v2sf) =	vpush v3, $0x9;
	v2 =	vsel vm6, $0x0, v2  }
0x599: {  	s23 =	spop (v2sf);
	[tilespmem:s22+$0x0] =	vst v2  }
0x59a: {  	v2 =	vld [tilespmem:s23+$0x0];
	_ =	sdelay $0x1  }
0x59b: {  	v58 =	vbroadcast v50, $0x7;
	_ =	sdelay $0x1  }
0x59c: {  	vm7 =	veq.s32 v58, v1  }
0x59d: {  	(v2sf) =	vpush v3, $0xA;
	v2 =	vsel vm7, $0x0, v2  }
0x59e: {  	s24 =	spop (v2sf);
	[tilespmem:s23+$0x0] =	vst v2  }
0x59f: {  	v2 =	vld [tilespmem:s24+$0x0];
	_ =	sdelay $0x1  }
0x5a0: {  	v59 =	vbroadcast v50, $0x8;
	_ =	sdelay $0x1  }
0x5a1: {  	vm8 =	veq.s32 v59, v1  }
0x5a2: {  	(v2sf) =	vpush v3, $0xB;
	v2 =	vsel vm8, $0x0, v2  }
0x5a3: {  	s25 =	spop (v2sf);
	[tilespmem:s24+$0x0] =	vst v2  }
0x5a4: {  	v2 =	vld [tilespmem:s25+$0x0];
	_ =	sdelay $0x1  }
0x5a5: {  	v60 =	vbroadcast v50, $0x9;
	_ =	sdelay $0x1  }
0x5a6: {  	vm9 =	veq.s32 v60, v1  }
0x5a7: {  	(v2sf) =	vpush v3, $0xC;
	v2 =	vsel vm9, $0x0, v2  }
0x5a8: {  	s26 =	spop (v2sf);
	[tilespmem:s25+$0x0] =	vst v2  }
0x5a9: {  	v2 =	vld [tilespmem:s26+$0x0];
	_ =	sdelay $0x1  }
0x5aa: {  	v61 =	vbroadcast v50, $0xA;
	_ =	sdelay $0x1  }
0x5ab: {  	vm10 =	veq.s32 v61, v1  }
0x5ac: {  	(v2sf) =	vpush v3, $0xD;
	v2 =	vsel vm10, $0x0, v2  }
0x5ad: {  	s28 =	spop (v2sf);
	[tilespmem:s26+$0x0] =	vst v2  }
0x5ae: {  	v2 =	vld [tilespmem:s28+$0x0];
	_ =	sdelay $0x1  }
0x5af: {  	v62 =	vbroadcast v50, $0xB;
	_ =	sdelay $0x1  }
0x5b0: {  	vm11 =	veq.s32 v62, v1  }
0x5b1: {  	(v2sf) =	vpush v3, $0xE;
	v2 =	vsel vm11, $0x0, v2  }
0x5b2: {  	s29 =	spop (v2sf);
	[tilespmem:s28+$0x0] =	vst v2  }
0x5b3: {  	v2 =	vld [tilespmem:s29+$0x0];
	_ =	sdelay $0x1  }
0x5b4: {  	v63 =	vbroadcast v50, $0xC;
	_ =	sdelay $0x1  }
0x5b5: {  	vm12 =	veq.s32 v63, v1  }
0x5b6: {  	(v2sf) =	vpush v3, $0xF;
	v2 =	vsel vm12, $0x0, v2  }
0x5b7: {  	s30 =	spop (v2sf);
	[tilespmem:s29+$0x0] =	vst v2  }
0x5b8: {  	v2 =	vld [tilespmem:s30+$0x0];
	_ =	sdelay $0x1  }
0x5b9: {  	v3 =	vbroadcast v50, $0xD;
	_ =	sdelay $0x1  }
0x5ba: {  	vm13 =	veq.s32 v3, v1  }
0x5bb: {  	v2 =	vsel vm13, $0x0, v2  }
0x5bc: {  	s31 =	spop (v2sf);
	[tilespmem:s30+$0x0] =	vst v2  }
0x5bd: {  	v2 =	vld [tilespmem:s31+$0x0];
	_ =	sdelay $0x1  }
0x5be: {  	v3 =	vbroadcast v50, $0xE;
	_ =	sdelay $0x1  }
0x5bf: {  	vm14 =	veq.s32 v3, v1  }
0x5c0: {  	v2 =	vsel vm14, $0x0, v2  }
0x5c1: {  	s24 =	spop (v2sf);
	[tilespmem:s31+$0x0] =	vst v2  }
0x5c2: {  	v2 =	vld [tilespmem:s24+$0x0];
	_ =	sdelay $0x1  }
0x5c3: {  	v3 =	vbroadcast v50, $0xF;
	_ =	sdelay $0x1  }
0x5c4: {  	vm15 =	veq.s32 v3, v1  }
0x5c5: {  	s21 =	simm.s32 $0x80;
	s23 =	simm.s32 $0x10;
	v2 =	vsel vm15, $0x0, v2  }
.LBB2_17:
0x5c6: {  	p0 =	sne.s32 s21, $0x1C0  }
0x5c7: {  	s25 =	sadd.s32 s23, s19;
	[tilespmem:s24+$0x0] =	vst v2;
	s22 =	smov.u32 s21;
	s21 =	sadd.s32 $0x40, s21  }
0x5c8: {  	v2 =	vld [tilespmem:s25+$0x0];
	_ =	sdelay $0x4  }
0x5c9: {  	v2 =	vadd.s32 $0xFFFFFE10, v2  }
0x5ca: {  	vm0 =	vgt.s32 v2, $0x0;
	vm1 =	vlt.u32 v2, $0x1F8  }
0x5cb: {  	v2 =	vnsel vm0, $0x0, v2;
	v11 =	vnsel vm1, $0xFFFFFFFF, v1  }
0x5cc: {  	v2 =	vmin.u32 v2, $0x1F7;
	v12 =	vbroadcast v11, $0x0;
	v13 =	vbroadcast v11, $0x1  }
0x5cd: {  	v14 =	vbroadcast v11, $0x2;
	v15 =	vbroadcast v11, $0x3;
	v2 =	vshll.u32 v2, $0x7  }
0x5ce: {  	v16 =	vbroadcast v11, $0x4;
	v17 =	vbroadcast v11, $0x5;
	v2 =	vadd.s32 s23, v2  }
0x5cf: {  	v18 =	vbroadcast v11, $0x6;
	v19 =	vbroadcast v11, $0x7;
	v4 =	vadd.s32 $0xF800, v2  }
0x5d0: {  	v10 =	vbroadcast v11, $0x8;
	v9 =	vbroadcast v11, $0x9;
	(v2sf) =	vpush v4, $0x0  }
0x5d1: {  	v8 =	vbroadcast v11, $0xA;
	v7 =	vbroadcast v11, $0xB  }
0x5d2: {  	v6 =	vbroadcast v11, $0xC;
	v5 =	vbroadcast v11, $0xD  }
0x5d3: {  	v3 =	vbroadcast v11, $0xE;
	v2 =	vbroadcast v11, $0xF;
	_ =	sdelay $0x3  }
0x5d4: {  	(v2sf) =	vpush v4, $0x1;
	_ =	sdelay $0x6  }
0x5d5: {  	(v2sf) =	vpush v4, $0x2  }
0x5d6: {  	s23 =	spop (v2sf)  }
0x5d7: {  	v11 =	vld [tilespmem:s23+$0x0];
	_ =	sdelay $0x3  }
0x5d8: {  	vm0 =	veq.s32 v12, v1  }
0x5d9: {  	v11 =	vsel vm0, $0x0, v11;
	(v2sf) =	vpush v4, $0x3  }
0x5da: {  	[tilespmem:s23+$0x0] =	vst v11;
	s23 =	spop (v2sf)  }
0x5db: {  	v11 =	vld [tilespmem:s23+$0x0];
	_ =	sdelay $0x3  }
0x5dc: {  	vm0 =	veq.s32 v13, v1  }
0x5dd: {  	v11 =	vsel vm0, $0x0, v11;
	(v2sf) =	vpush v4, $0x4  }
0x5de: {  	[tilespmem:s23+$0x0] =	vst v11;
	s23 =	spop (v2sf)  }
0x5df: {  	v11 =	vld [tilespmem:s23+$0x0];
	_ =	sdelay $0x3  }
0x5e0: {  	vm0 =	veq.s32 v14, v1  }
0x5e1: {  	v11 =	vsel vm0, $0x0, v11;
	(v2sf) =	vpush v4, $0x5  }
0x5e2: {  	[tilespmem:s23+$0x0] =	vst v11;
	s23 =	spop (v2sf)  }
0x5e3: {  	v11 =	vld [tilespmem:s23+$0x0];
	_ =	sdelay $0x3  }
0x5e4: {  	vm0 =	veq.s32 v15, v1  }
0x5e5: {  	v11 =	vsel vm0, $0x0, v11;
	(v2sf) =	vpush v4, $0x6  }
0x5e6: {  	[tilespmem:s23+$0x0] =	vst v11;
	s23 =	spop (v2sf)  }
0x5e7: {  	v11 =	vld [tilespmem:s23+$0x0];
	_ =	sdelay $0x3  }
0x5e8: {  	vm0 =	veq.s32 v16, v1  }
0x5e9: {  	v11 =	vsel vm0, $0x0, v11;
	(v2sf) =	vpush v4, $0x7  }
0x5ea: {  	[tilespmem:s23+$0x0] =	vst v11;
	s23 =	spop (v2sf)  }
0x5eb: {  	v11 =	vld [tilespmem:s23+$0x0];
	_ =	sdelay $0x3  }
0x5ec: {  	vm0 =	veq.s32 v17, v1  }
0x5ed: {  	v11 =	vsel vm0, $0x0, v11;
	(v2sf) =	vpush v4, $0x8  }
0x5ee: {  	[tilespmem:s23+$0x0] =	vst v11;
	s23 =	spop (v2sf)  }
0x5ef: {  	v11 =	vld [tilespmem:s23+$0x0];
	_ =	sdelay $0x3  }
0x5f0: {  	vm0 =	veq.s32 v18, v1  }
0x5f1: {  	v11 =	vsel vm0, $0x0, v11;
	(v2sf) =	vpush v4, $0x9  }
0x5f2: {  	[tilespmem:s23+$0x0] =	vst v11;
	s23 =	spop (v2sf)  }
0x5f3: {  	v11 =	vld [tilespmem:s23+$0x0];
	_ =	sdelay $0x3  }
0x5f4: {  	vm0 =	veq.s32 v19, v1  }
0x5f5: {  	v11 =	vsel vm0, $0x0, v11;
	(v2sf) =	vpush v4, $0xA  }
0x5f6: {  	[tilespmem:s23+$0x0] =	vst v11;
	s23 =	spop (v2sf)  }
0x5f7: {  	v11 =	vld [tilespmem:s23+$0x0];
	_ =	sdelay $0x3  }
0x5f8: {  	vm0 =	veq.s32 v10, v1  }
0x5f9: {  	v10 =	vsel vm0, $0x0, v11;
	(v2sf) =	vpush v4, $0xB  }
0x5fa: {  	[tilespmem:s23+$0x0] =	vst v10;
	s23 =	spop (v2sf)  }
0x5fb: {  	v10 =	vld [tilespmem:s23+$0x0];
	_ =	sdelay $0x3  }
0x5fc: {  	vm0 =	veq.s32 v9, v1  }
0x5fd: {  	v9 =	vsel vm0, $0x0, v10;
	(v2sf) =	vpush v4, $0xC  }
0x5fe: {  	[tilespmem:s23+$0x0] =	vst v9;
	s23 =	spop (v2sf)  }
0x5ff: {  	v9 =	vld [tilespmem:s23+$0x0];
	_ =	sdelay $0x3  }
0x600: {  	vm0 =	veq.s32 v8, v1  }
0x601: {  	v8 =	vsel vm0, $0x0, v9;
	(v2sf) =	vpush v4, $0xD  }
0x602: {  	[tilespmem:s23+$0x0] =	vst v8;
	s23 =	spop (v2sf)  }
0x603: {  	v8 =	vld [tilespmem:s23+$0x0];
	_ =	sdelay $0x3  }
0x604: {  	vm0 =	veq.s32 v7, v1  }
0x605: {  	v7 =	vsel vm0, $0x0, v8;
	(v2sf) =	vpush v4, $0xE  }
0x606: {  	[tilespmem:s23+$0x0] =	vst v7;
	s23 =	spop (v2sf)  }
0x607: {  	v7 =	vld [tilespmem:s23+$0x0];
	_ =	sdelay $0x3  }
0x608: {  	vm0 =	veq.s32 v6, v1  }
0x609: {  	v6 =	vsel vm0, $0x0, v7;
	(v2sf) =	vpush v4, $0xF  }
0x60a: {  	[tilespmem:s23+$0x0] =	vst v6;
	s23 =	spop (v2sf)  }
0x60b: {  	v4 =	vld [tilespmem:s23+$0x0];
	_ =	sdelay $0x3  }
0x60c: {  	vm0 =	veq.s32 v5, v1  }
0x60d: {  	v4 =	vsel vm0, $0x0, v4  }
0x60e: {  	[tilespmem:s23+$0x0] =	vst v4;
	s23 =	spop (v2sf)  }
0x60f: {  	v4 =	vld [tilespmem:s23+$0x0];
	_ =	sdelay $0x3  }
0x610: {  	vm0 =	veq.s32 v3, v1  }
0x611: {  	v3 =	vsel vm0, $0x0, v4  }
0x612: {  	[tilespmem:s23+$0x0] =	vst v3;
	s24 =	spop (v2sf)  }
0x613: {  	v3 =	vld [tilespmem:s24+$0x0]  }
.Ltmp7:
0x614: {  	(pc) =	sbr.rel @p0 .LBB2_17-.Ltmp7, $3  }
0x615: {  	_ =	sdelay $0x1  }
0x616: {  	vm0 =	veq.s32 v2, v1  }
0x617: {  	s23 =	sshra.s32 s22, $0x2;
	v2 =	vsel vm0, $0x0, v3  }
0x618: {  	s21 =	sadd.s32 s23, s19;
	[tilespmem:s24+$0x0] =	vst v2  }
0x619: {  	v2 =	vld [tilespmem:s21+$0x0];
	_ =	sdelay $0x4  }
0x61a: {  	v2 =	vadd.s32 $0xFFFFFE10, v2  }
0x61b: {  	vm0 =	vgt.s32 v2, $0x0  }
0x61c: {  	v3 =	vnsel vm0, $0x0, v2  }
0x61d: {  	v3 =	vmin.u32 v3, $0x1F7  }
0x61e: {  	v3 =	vshll.u32 v3, $0x7  }
0x61f: {  	v3 =	vadd.s32 s23, v3  }
0x620: {  	v3 =	vadd.s32 $0xF800, v3  }
0x621: {  	(v2sf) =	vpush v3, $0x0;
	_ =	sdelay $0x6  }
0x622: {  	(v2sf) =	vpush v3, $0x1;
	_ =	sdelay $0x6  }
0x623: {  	(v2sf) =	vpush v3, $0x2  }
0x624: {  	s24 =	spop (v2sf)  }
0x625: {  	vm11 =	vlt.u32 v2, $0x1F8;
	v2 =	vld [tilespmem:s24+$0x0]  }
0x626: {  	v4 =	vnsel vm11, $0xFFFFFFFF, v1  }
0x627: {  	v5 =	vbroadcast v4, $0x0;
	_ =	sdelay $0x1  }
0x628: {  	vm12 =	veq.s32 v5, v1  }
0x629: {  	(v2sf) =	vpush v3, $0x3;
	v2 =	vsel vm12, $0x0, v2  }
0x62a: {  	s25 =	spop (v2sf);
	[tilespmem:s24+$0x0] =	vst v2  }
0x62b: {  	v2 =	vld [tilespmem:s25+$0x0];
	_ =	sdelay $0x1  }
0x62c: {  	v52 =	vbroadcast v4, $0x1;
	_ =	sdelay $0x1  }
0x62d: {  	vm13 =	veq.s32 v52, v1  }
0x62e: {  	(v2sf) =	vpush v3, $0x4;
	v2 =	vsel vm13, $0x0, v2  }
0x62f: {  	s26 =	spop (v2sf);
	[tilespmem:s25+$0x0] =	vst v2  }
0x630: {  	v2 =	vld [tilespmem:s26+$0x0];
	_ =	sdelay $0x1  }
0x631: {  	v53 =	vbroadcast v4, $0x2;
	_ =	sdelay $0x1  }
0x632: {  	vm14 =	veq.s32 v53, v1  }
0x633: {  	(v2sf) =	vpush v3, $0x5;
	v2 =	vsel vm14, $0x0, v2  }
0x634: {  	s28 =	spop (v2sf);
	[tilespmem:s26+$0x0] =	vst v2  }
0x635: {  	v2 =	vld [tilespmem:s28+$0x0];
	_ =	sdelay $0x1  }
0x636: {  	v54 =	vbroadcast v4, $0x3;
	_ =	sdelay $0x1  }
0x637: {  	vm15 =	veq.s32 v54, v1  }
0x638: {  	(v2sf) =	vpush v3, $0x6;
	v2 =	vsel vm15, $0x0, v2  }
0x639: {  	s29 =	spop (v2sf);
	[tilespmem:s28+$0x0] =	vst v2  }
0x63a: {  	v2 =	vld [tilespmem:s29+$0x0];
	_ =	sdelay $0x1  }
0x63b: {  	v55 =	vbroadcast v4, $0x4;
	_ =	sdelay $0x1  }
0x63c: {  	vm4 =	veq.s32 v55, v1  }
0x63d: {  	(v2sf) =	vpush v3, $0x7;
	v2 =	vsel vm4, $0x0, v2  }
0x63e: {  	s30 =	spop (v2sf);
	[tilespmem:s29+$0x0] =	vst v2  }
0x63f: {  	v2 =	vld [tilespmem:s30+$0x0];
	_ =	sdelay $0x1  }
0x640: {  	v56 =	vbroadcast v4, $0x5;
	_ =	sdelay $0x1  }
0x641: {  	vm5 =	veq.s32 v56, v1  }
0x642: {  	(v2sf) =	vpush v3, $0x8;
	v2 =	vsel vm5, $0x0, v2  }
0x643: {  	s31 =	spop (v2sf);
	[tilespmem:s30+$0x0] =	vst v2  }
0x644: {  	v2 =	vld [tilespmem:s31+$0x0];
	_ =	sdelay $0x1  }
0x645: {  	v57 =	vbroadcast v4, $0x6;
	_ =	sdelay $0x1  }
0x646: {  	vm6 =	veq.s32 v57, v1  }
0x647: {  	(v2sf) =	vpush v3, $0x9;
	v2 =	vsel vm6, $0x0, v2  }
0x648: {  	s22 =	spop (v2sf);
	[tilespmem:s31+$0x0] =	vst v2  }
0x649: {  	v2 =	vld [tilespmem:s22+$0x0];
	_ =	sdelay $0x1  }
0x64a: {  	v58 =	vbroadcast v4, $0x7;
	_ =	sdelay $0x1  }
0x64b: {  	vm7 =	veq.s32 v58, v1  }
0x64c: {  	(v2sf) =	vpush v3, $0xA;
	v2 =	vsel vm7, $0x0, v2  }
0x64d: {  	s23 =	spop (v2sf);
	[tilespmem:s22+$0x0] =	vst v2  }
0x64e: {  	v2 =	vld [tilespmem:s23+$0x0];
	_ =	sdelay $0x1  }
0x64f: {  	v59 =	vbroadcast v4, $0x8;
	_ =	sdelay $0x1  }
0x650: {  	vm8 =	veq.s32 v59, v1  }
0x651: {  	(v2sf) =	vpush v3, $0xB;
	v2 =	vsel vm8, $0x0, v2  }
0x652: {  	s24 =	spop (v2sf);
	[tilespmem:s23+$0x0] =	vst v2  }
0x653: {  	v2 =	vld [tilespmem:s24+$0x0];
	_ =	sdelay $0x1  }
0x654: {  	v60 =	vbroadcast v4, $0x9;
	_ =	sdelay $0x1  }
0x655: {  	vm9 =	veq.s32 v60, v1  }
0x656: {  	(v2sf) =	vpush v3, $0xC;
	v2 =	vsel vm9, $0x0, v2  }
0x657: {  	s25 =	spop (v2sf);
	[tilespmem:s24+$0x0] =	vst v2  }
0x658: {  	v2 =	vld [tilespmem:s25+$0x0];
	_ =	sdelay $0x1  }
0x659: {  	v61 =	vbroadcast v4, $0xA;
	_ =	sdelay $0x1  }
0x65a: {  	vm10 =	veq.s32 v61, v1  }
0x65b: {  	(v2sf) =	vpush v3, $0xD;
	v2 =	vsel vm10, $0x0, v2  }
0x65c: {  	s26 =	spop (v2sf);
	[tilespmem:s25+$0x0] =	vst v2  }
0x65d: {  	v2 =	vld [tilespmem:s26+$0x0];
	_ =	sdelay $0x1  }
0x65e: {  	v62 =	vbroadcast v4, $0xB;
	_ =	sdelay $0x1  }
0x65f: {  	vm11 =	veq.s32 v62, v1  }
0x660: {  	(v2sf) =	vpush v3, $0xE;
	v2 =	vsel vm11, $0x0, v2  }
0x661: {  	s28 =	spop (v2sf);
	[tilespmem:s26+$0x0] =	vst v2  }
0x662: {  	v2 =	vld [tilespmem:s28+$0x0];
	_ =	sdelay $0x1  }
0x663: {  	v63 =	vbroadcast v4, $0xC;
	_ =	sdelay $0x1  }
0x664: {  	vm12 =	veq.s32 v63, v1  }
0x665: {  	(v2sf) =	vpush v3, $0xF;
	v2 =	vsel vm12, $0x0, v2  }
0x666: {  	s29 =	spop (v2sf);
	[tilespmem:s28+$0x0] =	vst v2  }
0x667: {  	v2 =	vld [tilespmem:s29+$0x0];
	_ =	sdelay $0x1  }
0x668: {  	v3 =	vbroadcast v4, $0xD;
	_ =	sdelay $0x1  }
0x669: {  	vm13 =	veq.s32 v3, v1  }
0x66a: {  	v2 =	vsel vm13, $0x0, v2  }
0x66b: {  	s30 =	spop (v2sf);
	[tilespmem:s29+$0x0] =	vst v2  }
0x66c: {  	v2 =	vld [tilespmem:s30+$0x0];
	_ =	sdelay $0x1  }
0x66d: {  	v3 =	vbroadcast v4, $0xE;
	_ =	sdelay $0x1  }
0x66e: {  	vm14 =	veq.s32 v3, v1  }
0x66f: {  	v2 =	vsel vm14, $0x0, v2  }
0x670: {  	s31 =	spop (v2sf);
	[tilespmem:s30+$0x0] =	vst v2  }
0x671: {  	v2 =	vld [tilespmem:s31+$0x0]  }
0x672: {  	s17 =	sadd.s32 $0x1, s17  }
0x673: {  	p0 =	sne.s32 s17, $0x4;
	v3 =	vbroadcast v4, $0xF  }
.Ltmp8:
0x674: {  	_ = 	snop;
	(pc) =	sbr.rel @p0 .LBB2_10-.Ltmp8, $4  }
0x675: {  	vm15 =	veq.s32 v3, v1  }
0x676: {  	v2 =	vsel vm15, $0x0, v2  }
0x677: {  	s20 =	sadd.s32 s20, s7;
	s18 =	sadd.s32 $0x80, s18;
	s19 =	sadd.s32 $0x80, s19;
	[tilespmem:s31+$0x0] =	vst v2  }
0x678: {  	[hbm4b:s20+s12] =	stream.strided.scatter [tilespmem:s14], [sflag:$0x2], $0xFC00, s13, s12, $0x38;
	[tilespmem:$0x1F600] =	vst v63  }
0x679: {  	s16 =	sadd.s32 $0x1, s16  }
0x67a: {  	_ =	swait.ge [sflag:s15], $0xF800;
	p0 =	sne.s32 s16, s9  }
.Ltmp9:
0x67b: {  	[sflag:s15] =	ssyncset.done $0x0;
	(pc) =	sbr.rel @p0 .LBB2_1-.Ltmp9, $4  }
0x67c: {  	[sflag:s15] =	ssyncadd.s32 $0xFFFF0800  }
0x67d: {  	_ =	swait.ge [sflag:s11], $0xFC00  }
0x67e: {  	[sflag:s11] =	ssyncset.done $0x0  }
0x67f: {  	[sflag:s11] =	ssyncadd.s32 $0xFFFF0400  }
0x680: {  	_ =	sfence.sel $0x180000  }
0x681: {  	[bflag:$0x0] =	sbarrier.arrive $0xFFFF  }
0x682: {  	p0 =	sne.s32 s1, $0x0;
	_ =	strace $0x90000047  }
0x683: {  	s0 =	sadd.s32 @!p0 $0x100000, s0;
	[bflag:$0x2] =	sbarrier.arrive $0xFFFF  }
0x684: {  	[sflag:s0] =	ssyncadd.tile.s32 @!p0 $0x1;
	_ =	shalt  }
.Lfunc_end2:
_tile_overlayer_lowered:
.L_overlay_start_2:
0x685: {  	(tag) =	ssettag $0x2  }
0x686: {  	s0 =	rddreg [dreg:$0x0];
	s2 =	stileid.u32  }
0x687: {  	s1 =	rddreg [dreg:$0x1];
	p0 =	sne.s32 s2, $0x0  }
0x688: {  	s3 =	rddreg [dreg:$0x2];
	[bflag:$0x3] =	sbarrier.arrive $0xFFFF;
	s2 =	simm.s32 @!p0 $0x1C03  }
0x689: {  	[timem:s3], [sflag:s2] =	dma.local @!p0 [hbm:s0], s1  }
0x68a: {  	s0 =	simm.s32 @!p0 $0x3  }
0x68b: {  	_ =	swait.ge @!p0 [sflag:s0], s1  }
0x68c: {  	s1 =	ssub.s32 @!p0 $0x0, s1;
	[sflag:s0] =	ssyncset.done @!p0 $0x0  }
0x68d: {  	[sflag:s0] =	ssyncadd.s32 @!p0 s1  }
0x68e: {  	[bflag:$0x3] =	sbarrier.arrive $0xFFFF  }
0x68f: {  	_ =	shalt  }

</sc_bundles>
